<compile_context>
chip_gen: v7x
topology: tpu7x:2x2x1
jax: 0.10.2.dev20260603
libtpu: 0.0.44.dev20260713+nightly
codegen_flags: <defaults>
</compile_context>

<pallas_src>
import functools

import jax
import jax.numpy as jnp
from jax import lax
from jax.experimental import pallas as pl
from jax.experimental.pallas import tpu as pltpu
from jax.experimental.pallas import tpu_sc as plsc

N = 10000
E = 320000
D_IN = 205
D = 200
DP = 208
DH = 104
G = 64
LAYERS = 2

N_PAD = 10240
NC = 2
NS = 16
W_EDGE = 128
N_PHASE = 4
WPH = 40
N_WIN = N_PHASE * WPH
EPS = N_WIN * W_EDGE
E_PAD = NS * EPS
ROWS_PER_SUB = N_PAD // NS
BLK = 1024



@functools.lru_cache(maxsize=1)
def _make_segment_sum_sc():
    mesh = plsc.VectorSubcoreMesh(
        core_axis_name="c", subcore_axis_name="s", num_cores=NC, num_subcores=NS
    )

    @functools.partial(
        pl.kernel,
        out_type=jax.ShapeDtypeStruct((N_PAD, DP), jnp.float32),
        mesh=mesh,
        scratch_types=[
            pltpu.VMEM_SHARED((N_PAD + 1, DH), jnp.float32),
            pltpu.VMEM((WPH, W_EDGE), jnp.int32),
            pltpu.VMEM((WPH, W_EDGE), jnp.int32),
            [pltpu.VMEM((W_EDGE, DH), jnp.float32)] * 4,
            [pltpu.SemaphoreType.DMA] * 4,
        ],
        compiler_params=pltpu.CompilerParams(use_tc_tiling_on_sc=False),
    )
    def _segment_sum_sc(m_hbm, src_hbm, dst_hbm, zeros_hbm, out_hbm,
                        acc, dst_q, src_q, rows, sems):
        c = lax.axis_index("c")
        s = lax.axis_index("s")
        pltpu.sync_copy(zeros_hbm, acc.at[pl.ds(s * ROWS_PER_SUB, ROWS_PER_SUB), :])
        plsc.subcore_barrier()

        for ph in range(N_PHASE):
            pltpu.sync_copy(src_hbm.at[c, s, ph], src_q)
            pltpu.sync_copy(dst_hbm.at[s, ph], dst_q)
            for b in range(3):
                pltpu.async_copy(m_hbm.at[src_q.at[b]], rows[b], sems[b])

            def body(g, carry):
                w0 = 4 * g
                for b in range(4):
                    nxt = w0 + b + 3

                    @pl.when(nxt < WPH)
                    def _(b=b, nxt=nxt):
                        pltpu.async_copy(
                            m_hbm.at[src_q.at[nxt]], rows[(b + 3) % 4],
                            sems[(b + 3) % 4])

                    pltpu.make_async_copy(
                        m_hbm.at[src_q.at[0]], rows[b], sems[b]).wait()
                    pltpu.sync_copy(rows[b], acc.at[dst_q.at[w0 + b]], add=True)
                return carry

            lax.fori_loop(0, WPH // 4, body, 0)

        plsc.subcore_barrier()
        pltpu.sync_copy(
            acc.at[pl.ds(s * ROWS_PER_SUB, ROWS_PER_SUB), :],
            out_hbm.at[pl.ds(s * ROWS_PER_SUB, ROWS_PER_SUB), pl.ds(c * DH, DH)],
        )

    return _segment_sum_sc



def _proj_body(x_ref, w_ref, b_ref, o_ref):
    o_ref[...] = jnp.maximum(x_ref[...] @ w_ref[...] + b_ref[...], 0.0)


def _mm2_body(h_ref, w1_ref, w2_ref, o_ref):
    h = h_ref[...]
    o_ref[0, :, :] = h @ w1_ref[...]
    o_ref[1, :, :] = h @ w2_ref[...]


def _gru_body(a_ref, h_ref, wir, wiz, win, whr, whz, whn,
              bir, biz, bin_, bhr, bhz, bhn, o_ref):
    a = a_ref[...]
    h = h_ref[...]
    r = jax.nn.sigmoid(a @ wir[...] + bir[...] + h @ whr[...] + bhr[...])
    z = jax.nn.sigmoid(a @ wiz[...] + biz[...] + h @ whz[...] + bhz[...])
    n = jnp.tanh(a @ win[...] + bin_[...] + r * (h @ whn[...] + bhn[...]))
    o_ref[...] = (1.0 - z) * n + z * h


def _pool_fc_body(starts_ref, h_ref, wfc_ref, bfc_ref, o_ref):
    g = pl.program_id(0)
    start = starts_ref[g]
    end = starts_ref[g + 1]
    chunk0 = start // 8
    nchunk = (end + 7) // 8 - chunk0

    def chunk(i, acc):
        base = (chunk0 + i) * 8
        rows = h_ref[pl.ds(base, 8), :]
        rid = base + lax.broadcasted_iota(jnp.int32, (8, 1), 0)
        keep = (rid >= start) & (rid < end)
        rows = jnp.where(keep, jnp.maximum(rows, 0.0), -jnp.inf)
        return jnp.maximum(acc, jnp.max(rows, axis=0, keepdims=True))

    acc0 = jnp.full((1, D), -jnp.inf, dtype=jnp.float32)
    mx = lax.fori_loop(0, nchunk, chunk, acc0)
    o_ref[pl.ds(g, 1), :] = mx @ wfc_ref[...] + bfc_ref[...]


def _full(shape):
    return pl.BlockSpec(shape, lambda i: (0,) * len(shape))


_proj = pl.pallas_call(
    _proj_body,
    grid=(N_PAD // BLK,),
    in_specs=[
        pl.BlockSpec((BLK, D_IN), lambda i: (i, 0)),
        _full((D_IN, D)),
        _full((1, D)),
    ],
    out_specs=pl.BlockSpec((BLK, D), lambda i: (i, 0)),
    out_shape=jax.ShapeDtypeStruct((N_PAD, D), jnp.float32),
)

_mm2 = pl.pallas_call(
    _mm2_body,
    grid=(N_PAD // BLK,),
    in_specs=[
        pl.BlockSpec((BLK, D), lambda i: (i, 0)),
        _full((D, DH)),
        _full((D, DH)),
    ],
    out_specs=pl.BlockSpec((2, BLK, DH), lambda i: (0, i, 0)),
    out_shape=jax.ShapeDtypeStruct((2, N_PAD, DH), jnp.float32),
)

_gru = pl.pallas_call(
    _gru_body,
    grid=(N_PAD // BLK,),
    in_specs=[
        pl.BlockSpec((BLK, DP), lambda i: (i, 0)),
        pl.BlockSpec((BLK, D), lambda i: (i, 0)),
    ]
    + [_full((DP, D))] * 3
    + [_full((D, D))] * 3
    + [_full((1, D))] * 6,
    out_specs=pl.BlockSpec((BLK, D), lambda i: (i, 0)),
    out_shape=jax.ShapeDtypeStruct((N_PAD, D), jnp.float32),
)

_pool_fc = pl.pallas_call(
    _pool_fc_body,
    grid=(G,),
    in_specs=[
        pl.BlockSpec(memory_space=pltpu.SMEM),
        _full((N_PAD, D)),
        _full((D, 2)),
        _full((1, 2)),
    ],
    out_specs=_full((G, 2)),
    out_shape=jax.ShapeDtypeStruct((G, 2), jnp.float32),
)


def kernel(x, edge_index, batch, W_proj, b_proj, ggc_w, W_ih, W_hh, b_ih, b_hh,
           W_fc, b_fc):
    f32 = jnp.float32
    i32 = jnp.int32
    x_pad = jnp.zeros((N_PAD, D_IN), f32).at[:N].set(x)
    src = edge_index[0]
    dst = edge_index[1]
    pad = E_PAD - E
    src_p = jnp.concatenate([src, jnp.zeros((pad,), i32)])
    dst_p = jnp.concatenate([dst, jnp.full((pad,), N_PAD, i32)])
    src2 = jnp.stack([src_p, src_p + N_PAD]).reshape(NC, NS, N_PHASE, WPH, W_EDGE)
    dst3 = dst_p.reshape(NS, N_PHASE, WPH, W_EDGE)
    zeros_blk = jnp.zeros((ROWS_PER_SUB, DH), f32)

    W_projT = W_proj.T
    W_ihT = W_ih.T
    W_hhT = W_hh.T
    zpad = jnp.zeros((DP - D, D), f32)
    wir, wiz, win = (jnp.concatenate([W_ihT[:, i * D:(i + 1) * D], zpad])
                     for i in range(3))
    whr, whz, whn = W_hhT[:, 0:D], W_hhT[:, D:2 * D], W_hhT[:, 2 * D:3 * D]
    bir, biz, bin_ = b_ih[0:D][None], b_ih[D:2 * D][None], b_ih[2 * D:][None]
    bhr, bhz, bhn = b_hh[0:D][None], b_hh[D:2 * D][None], b_hh[2 * D:][None]

    starts = jnp.searchsorted(batch, jnp.arange(G + 1, dtype=i32)).astype(i32)

    segsum = _make_segment_sum_sc()

    h = _proj(x_pad, W_projT, b_proj[None])
    for l in range(LAYERS):
        wl = jnp.concatenate([ggc_w[l], jnp.zeros((D, DP - D), f32)], axis=1)
        m2 = _mm2(h, wl[:, :DH], wl[:, DH:])
        agg = segsum(m2.reshape(NC * N_PAD, DH), src2, dst3, zeros_blk)
        h = _gru(agg, h, wir, wiz, win, whr, whz, whn,
                 bir, biz, bin_, bhr, bhz, bhn)
    out = _pool_fc(starts, h, W_fc.T, b_fc[None])
    return out

# --- scband reference (transcript-rebuilt; emitter-appended) ---
"""Pipeline reference for scband-test-model-45483703665345 (READ-ONLY COPY).

The authoritative reference and input builder live on the scoring server;
editing this copy changes nothing except your own understanding.
"""

import jax, jax.numpy as jnp
import numpy as np

N = 10000
E = 320000
D_IN = 205
D = 200
NUM_GRAPHS = 64
NUM_LAYERS = 2


def setup_inputs(seed: int = 0) -> dict:
    key = jax.random.key(seed)
    ks = jax.random.split(key, 10)
    x = jax.random.normal(ks[0], (N, D_IN), dtype=jnp.float32)
    edge_index = jax.random.randint(ks[1], (2, E), 0, N, dtype=jnp.int32)
    batch = jnp.sort(jax.random.randint(ks[2], (N,), 0, NUM_GRAPHS, dtype=jnp.int32))
    W_proj = jax.random.normal(ks[3], (D, D_IN), dtype=jnp.float32) * 0.05
    b_proj = jnp.zeros((D,), dtype=jnp.float32)
    ggc_w = jax.random.normal(ks[4], (NUM_LAYERS, D, D), dtype=jnp.float32) * 0.05
    W_ih = jax.random.normal(ks[5], (3 * D, D), dtype=jnp.float32) * 0.05
    W_hh = jax.random.normal(ks[6], (3 * D, D), dtype=jnp.float32) * 0.05
    b_ih = jnp.zeros((3 * D,), dtype=jnp.float32)
    b_hh = jnp.zeros((3 * D,), dtype=jnp.float32)
    W_fc = jax.random.normal(ks[7], (2, D), dtype=jnp.float32) * 0.05
    b_fc = jnp.zeros((2,), dtype=jnp.float32)
    return {"x": x, "edge_index": edge_index, "batch": batch, "W_proj": W_proj,
            "b_proj": b_proj, "ggc_w": ggc_w, "W_ih": W_ih, "W_hh": W_hh,
            "b_ih": b_ih, "b_hh": b_hh, "W_fc": W_fc, "b_fc": b_fc}


def _gru_cell(m, h, W_ih, W_hh, b_ih, b_hh):
    # PyTorch GRUCell: gates ordered (r, z, n)
    gi = m @ W_ih.T + b_ih
    gh = h @ W_hh.T + b_hh
    i_r, i_z, i_n = jnp.split(gi, 3, axis=1)
    h_r, h_z, h_n = jnp.split(gh, 3, axis=1)
    r = jax.nn.sigmoid(i_r + h_r)
    z = jax.nn.sigmoid(i_z + h_z)
    n = jnp.tanh(i_n + r * h_n)
    return (1.0 - z) * n + z * h


def reference(x, edge_index, batch, W_proj, b_proj, ggc_w, W_ih, W_hh, b_ih, b_hh, W_fc, b_fc):
    # proj + relu
    h = jax.nn.relu(x @ W_proj.T + b_proj)
    src = edge_index[0]
    dst = edge_index[1]
    # GatedGraphConv(200, num_layers=2), aggr='add'
    for l in range(NUM_LAYERS):
        m = h @ ggc_w[l]
        agg = jax.ops.segment_sum(m[src], dst, num_segments=N)
        h = _gru_cell(agg, h, W_ih, W_hh, b_ih, b_hh)
    h = jax.nn.relu(h)
    # global_max_pool over batch segment ids
    pooled = jax.ops.segment_max(h, batch, num_segments=NUM_GRAPHS)
    return pooled @ W_fc.T + b_fc

if __name__ == "__main__":
    import jax
    _d = setup_inputs()
    print(jax.jit(kernel)(*tuple(_d.values())))

</pallas_src>

<mosaic_0001>
#map = affine_map<(d0, d1) -> (0, 0)>
#map1 = affine_map<(d0, d1) -> (0, 0, 0, 0, 0)>
#map2 = affine_map<(d0, d1) -> (0, 0, 0, 0)>
module attributes {stable_mosaic.version = 14 : i64} {
  func.func @_segment_sum_sc(%arg0: i32, %arg1: i32, %arg2: memref<20480x104xf32, #tpu.memory_space<hbm>>, %arg3: memref<2x16x4x40x128xi32, #tpu.memory_space<hbm>>, %arg4: memref<16x4x40x128xi32, #tpu.memory_space<hbm>>, %arg5: memref<640x104xf32, #tpu.memory_space<hbm>>, %arg6: memref<10240x208xf32, #tpu.memory_space<hbm>>, %arg7: memref<10241x104xf32, #tpu.memory_space<vmem_shared>>, %arg8: memref<40x128xi32, #tpu.memory_space<vmem>>, %arg9: memref<40x128xi32, #tpu.memory_space<vmem>>, %arg10: memref<128x104xf32, #tpu.memory_space<vmem>>, %arg11: memref<128x104xf32, #tpu.memory_space<vmem>>, %arg12: memref<128x104xf32, #tpu.memory_space<vmem>>, %arg13: memref<128x104xf32, #tpu.memory_space<vmem>>, %arg14: memref<!tpu.dma_semaphore, #tpu.memory_space<semaphore_mem>>, %arg15: memref<!tpu.dma_semaphore, #tpu.memory_space<semaphore_mem>>, %arg16: memref<!tpu.dma_semaphore, #tpu.memory_space<semaphore_mem>>, %arg17: memref<!tpu.dma_semaphore, #tpu.memory_space<semaphore_mem>>) attributes {dimension_semantics = [#tpu.dimension_semantics<core_parallel>, #tpu.dimension_semantics<subcore_parallel>], iteration_bounds = array<i64: 2, 16>, scalar_prefetch = 0 : i64, scratch_operands = 11 : i64, tpu.core_type = #tpu.core_type<sc_vector_subcore>, window_params = [{transform_indices = #map}, {transform_indices = #map1}, {transform_indices = #map2}, {transform_indices = #map}, {transform_indices = #map}]} {
    %mul3A = arith.constant 640 : i32
    %mul3A_0 = arith.muli %arg1, %mul3A : i32
    "tpu.region"() ({
      %run_scoped3A_121 = tpu.sem_alloc : memref<!tpu.dma_semaphore, #tpu.memory_space<semaphore_mem>>
      %dma_start3A_122 = arith.constant 0 : i32
      %dma_start3A_123 = tpu.memref_slice %arg7[%mul3A_0, %dma_start3A_122] : memref<10241x104xf32, #tpu.memory_space<vmem_shared>> -> memref<640x104xf32, #tpu.memory_space<vmem_shared>>
      tpu.enqueue_dma source(%arg5 : memref<640x104xf32, #tpu.memory_space<hbm>>) target(%dma_start3A_123 : memref<640x104xf32, #tpu.memory_space<vmem_shared>>) target_semaphore(%run_scoped3A_121 : memref<!tpu.dma_semaphore, #tpu.memory_space<semaphore_mem>>)
      %dma_wait3A = arith.constant 0 : i32
      %dma_wait3A_124 = tpu.memref_slice %arg7[%mul3A_0, %dma_wait3A] : memref<10241x104xf32, #tpu.memory_space<vmem_shared>> -> memref<640x104xf32, #tpu.memory_space<vmem_shared>>
      tpu.wait_dma2 semaphore(%run_scoped3A_121 : memref<!tpu.dma_semaphore, #tpu.memory_space<semaphore_mem>>) src(%arg5 : memref<640x104xf32, #tpu.memory_space<hbm>>) dst(%dma_wait3A_124 : memref<640x104xf32, #tpu.memory_space<vmem_shared>>)
      tpu.yield
    }) : () -> ()
    %barrier3A = arith.constant 0 : index
    tpu.barrier barrier_id(%barrier3A)
    %run_scoped3A = arith.constant 0 : i32
    "tpu.region"() ({
      %run_scoped3A_121 = tpu.sem_alloc : memref<!tpu.dma_semaphore, #tpu.memory_space<semaphore_mem>>
      %dma_start3A_122 = arith.constant 0 : i32
      %dma_start3A_123 = arith.constant 0 : i32
      %dma_start3A_124 = tpu.memref_slice %arg3[%arg0, %arg1, %run_scoped3A, %dma_start3A_122, %dma_start3A_123] : memref<2x16x4x40x128xi32, #tpu.memory_space<hbm>> -> memref<1x1x1x40x128xi32, #tpu.memory_space<hbm>>
      %dma_start3A_125 = tpu.memref_squeeze %dma_start3A_124 : memref<1x1x1x40x128xi32, #tpu.memory_space<hbm>> -> memref<40x128xi32, #tpu.memory_space<hbm>>
      %dma_start3A_126 = arith.constant 0 : i32
      %dma_start3A_127 = arith.constant 0 : i32
      %dma_start3A_128 = tpu.memref_slice %arg3[%arg0, %arg1, %run_scoped3A, %dma_start3A_126, %dma_start3A_127] : memref<2x16x4x40x128xi32, #tpu.memory_space<hbm>> -> memref<1x1x1x40x128xi32, #tpu.memory_space<hbm>>
      %dma_start3A_129 = tpu.memref_squeeze %dma_start3A_128 : memref<1x1x1x40x128xi32, #tpu.memory_space<hbm>> -> memref<40x128xi32, #tpu.memory_space<hbm>>
      tpu.enqueue_dma source(%dma_start3A_129 : memref<40x128xi32, #tpu.memory_space<hbm>>) target(%arg9 : memref<40x128xi32, #tpu.memory_space<vmem>>) target_semaphore(%run_scoped3A_121 : memref<!tpu.dma_semaphore, #tpu.memory_space<semaphore_mem>>)
      %dma_wait3A = arith.constant 0 : i32
      %dma_wait3A_130 = arith.constant 0 : i32
      %dma_wait3A_131 = tpu.memref_slice %arg3[%arg0, %arg1, %run_scoped3A, %dma_wait3A, %dma_wait3A_130] : memref<2x16x4x40x128xi32, #tpu.memory_space<hbm>> -> memref<1x1x1x40x128xi32, #tpu.memory_space<hbm>>
      %dma_wait3A_132 = tpu.memref_squeeze %dma_wait3A_131 : memref<1x1x1x40x128xi32, #tpu.memory_space<hbm>> -> memref<40x128xi32, #tpu.memory_space<hbm>>
      %dma_wait3A_133 = arith.constant 0 : i32
      %dma_wait3A_134 = arith.constant 0 : i32
      %dma_wait3A_135 = tpu.memref_slice %arg3[%arg0, %arg1, %run_scoped3A, %dma_wait3A_133, %dma_wait3A_134] : memref<2x16x4x40x128xi32, #tpu.memory_space<hbm>> -> memref<1x1x1x40x128xi32, #tpu.memory_space<hbm>>
      %dma_wait3A_136 = tpu.memref_squeeze %dma_wait3A_135 : memref<1x1x1x40x128xi32, #tpu.memory_space<hbm>> -> memref<40x128xi32, #tpu.memory_space<hbm>>
      tpu.wait_dma2 semaphore(%run_scoped3A_121 : memref<!tpu.dma_semaphore, #tpu.memory_space<semaphore_mem>>) src(%dma_wait3A_136 : memref<40x128xi32, #tpu.memory_space<hbm>>) dst(%arg9 : memref<40x128xi32, #tpu.memory_space<vmem>>)
      tpu.yield
    }) : () -> ()
    %run_scoped3A_1 = arith.constant 0 : i32
    "tpu.region"() ({
      %run_scoped3A_121 = tpu.sem_alloc : memref<!tpu.dma_semaphore, #tpu.memory_space<semaphore_mem>>
      %dma_start3A_122 = arith.constant 0 : i32
      %dma_start3A_123 = arith.constant 0 : i32
      %dma_start3A_124 = tpu.memref_slice %arg4[%arg1, %run_scoped3A_1, %dma_start3A_122, %dma_start3A_123] : memref<16x4x40x128xi32, #tpu.memory_space<hbm>> -> memref<1x1x40x128xi32, #tpu.memory_space<hbm>>
      %dma_start3A_125 = tpu.memref_squeeze %dma_start3A_124 : memref<1x1x40x128xi32, #tpu.memory_space<hbm>> -> memref<40x128xi32, #tpu.memory_space<hbm>>
      %dma_start3A_126 = arith.constant 0 : i32
      %dma_start3A_127 = arith.constant 0 : i32
      %dma_start3A_128 = tpu.memref_slice %arg4[%arg1, %run_scoped3A_1, %dma_start3A_126, %dma_start3A_127] : memref<16x4x40x128xi32, #tpu.memory_space<hbm>> -> memref<1x1x40x128xi32, #tpu.memory_space<hbm>>
      %dma_start3A_129 = tpu.memref_squeeze %dma_start3A_128 : memref<1x1x40x128xi32, #tpu.memory_space<hbm>> -> memref<40x128xi32, #tpu.memory_space<hbm>>
      tpu.enqueue_dma source(%dma_start3A_129 : memref<40x128xi32, #tpu.memory_space<hbm>>) target(%arg8 : memref<40x128xi32, #tpu.memory_space<vmem>>) target_semaphore(%run_scoped3A_121 : memref<!tpu.dma_semaphore, #tpu.memory_space<semaphore_mem>>)
      %dma_wait3A = arith.constant 0 : i32
      %dma_wait3A_130 = arith.constant 0 : i32
      %dma_wait3A_131 = tpu.memref_slice %arg4[%arg1, %run_scoped3A_1, %dma_wait3A, %dma_wait3A_130] : memref<16x4x40x128xi32, #tpu.memory_space<hbm>> -> memref<1x1x40x128xi32, #tpu.memory_space<hbm>>
      %dma_wait3A_132 = tpu.memref_squeeze %dma_wait3A_131 : memref<1x1x40x128xi32, #tpu.memory_space<hbm>> -> memref<40x128xi32, #tpu.memory_space<hbm>>
      %dma_wait3A_133 = arith.constant 0 : i32
      %dma_wait3A_134 = arith.constant 0 : i32
      %dma_wait3A_135 = tpu.memref_slice %arg4[%arg1, %run_scoped3A_1, %dma_wait3A_133, %dma_wait3A_134] : memref<16x4x40x128xi32, #tpu.memory_space<hbm>> -> memref<1x1x40x128xi32, #tpu.memory_space<hbm>>
      %dma_wait3A_136 = tpu.memref_squeeze %dma_wait3A_135 : memref<1x1x40x128xi32, #tpu.memory_space<hbm>> -> memref<40x128xi32, #tpu.memory_space<hbm>>
      tpu.wait_dma2 semaphore(%run_scoped3A_121 : memref<!tpu.dma_semaphore, #tpu.memory_space<semaphore_mem>>) src(%dma_wait3A_136 : memref<40x128xi32, #tpu.memory_space<hbm>>) dst(%arg8 : memref<40x128xi32, #tpu.memory_space<vmem>>)
      tpu.yield
    }) : () -> ()
    %dma_start3A = arith.constant 0 : i32
    %dma_start3A_2 = arith.constant 0 : i32
    %dma_start3A_3 = tpu.memref_slice %arg9[%dma_start3A, %dma_start3A_2] : memref<40x128xi32, #tpu.memory_space<vmem>> -> memref<1x128xi32, #tpu.memory_space<vmem>>
    %dma_start3A_4 = tpu.memref_squeeze %dma_start3A_3 : memref<1x128xi32, #tpu.memory_space<vmem>> -> memref<128xi32, #tpu.memory_space<vmem>>
    %dma_start3A_5 = arith.constant 0 : i32
    %dma_start3A_6 = arith.constant 0 : i32
    %dma_start3A_7 = tpu.memref_slice %arg2[%dma_start3A_5, %dma_start3A_6] : memref<20480x104xf32, #tpu.memory_space<hbm>> -> memref<20480x104xf32, #tpu.memory_space<hbm>>
    tpu.enqueue_indirect_dma source(%dma_start3A_7 : memref<20480x104xf32, #tpu.memory_space<hbm>>) target(%arg10 : memref<128x104xf32, #tpu.memory_space<vmem>>) offsets(%dma_start3A_4 : memref<128xi32, #tpu.memory_space<vmem>>) semaphore(%arg14 : memref<!tpu.dma_semaphore, #tpu.memory_space<semaphore_mem>>)
    %dma_start3A_8 = arith.constant 1 : i32
    %dma_start3A_9 = arith.constant 0 : i32
    %dma_start3A_10 = tpu.memref_slice %arg9[%dma_start3A_8, %dma_start3A_9] : memref<40x128xi32, #tpu.memory_space<vmem>> -> memref<1x128xi32, #tpu.memory_space<vmem>>
    %dma_start3A_11 = tpu.memref_squeeze %dma_start3A_10 : memref<1x128xi32, #tpu.memory_space<vmem>> -> memref<128xi32, #tpu.memory_space<vmem>>
    %dma_start3A_12 = arith.constant 0 : i32
    %dma_start3A_13 = arith.constant 0 : i32
    %dma_start3A_14 = tpu.memref_slice %arg2[%dma_start3A_12, %dma_start3A_13] : memref<20480x104xf32, #tpu.memory_space<hbm>> -> memref<20480x104xf32, #tpu.memory_space<hbm>>
    tpu.enqueue_indirect_dma source(%dma_start3A_14 : memref<20480x104xf32, #tpu.memory_space<hbm>>) target(%arg11 : memref<128x104xf32, #tpu.memory_space<vmem>>) offsets(%dma_start3A_11 : memref<128xi32, #tpu.memory_space<vmem>>) semaphore(%arg15 : memref<!tpu.dma_semaphore, #tpu.memory_space<semaphore_mem>>)
    %dma_start3A_15 = arith.constant 2 : i32
    %dma_start3A_16 = arith.constant 0 : i32
    %dma_start3A_17 = tpu.memref_slice %arg9[%dma_start3A_15, %dma_start3A_16] : memref<40x128xi32, #tpu.memory_space<vmem>> -> memref<1x128xi32, #tpu.memory_space<vmem>>
    %dma_start3A_18 = tpu.memref_squeeze %dma_start3A_17 : memref<1x128xi32, #tpu.memory_space<vmem>> -> memref<128xi32, #tpu.memory_space<vmem>>
    %dma_start3A_19 = arith.constant 0 : i32
    %dma_start3A_20 = arith.constant 0 : i32
    %dma_start3A_21 = tpu.memref_slice %arg2[%dma_start3A_19, %dma_start3A_20] : memref<20480x104xf32, #tpu.memory_space<hbm>> -> memref<20480x104xf32, #tpu.memory_space<hbm>>
    tpu.enqueue_indirect_dma source(%dma_start3A_21 : memref<20480x104xf32, #tpu.memory_space<hbm>>) target(%arg12 : memref<128x104xf32, #tpu.memory_space<vmem>>) offsets(%dma_start3A_18 : memref<128xi32, #tpu.memory_space<vmem>>) semaphore(%arg16 : memref<!tpu.dma_semaphore, #tpu.memory_space<semaphore_mem>>)
    %scan3A = arith.constant 0 : i32
    %scan3A_22 = arith.constant 0 : i32
    %scan3A_23 = arith.constant 10 : i32
    %scan3A_24 = arith.addi %scan3A_22, %scan3A_23 : i32
    %scan3A_25 = arith.constant 1 : i32
    scf.for %scan3A_121 = %scan3A_22 to %scan3A_24 step %scan3A_25  : i32 {
      %mul3A_122 = arith.constant 4 : i32
      %mul3A_123 = arith.muli %mul3A_122, %scan3A_121 : i32
      %add3A = arith.constant 0 : i32
      %add3A_124 = arith.addi %mul3A_123, %add3A : i32
      %add3A_125 = arith.constant 3 : i32
      %add3A_126 = arith.addi %add3A_124, %add3A_125 : i32
      %lt3A = arith.constant 40 : i32
      %lt3A_127 = arith.cmpi slt, %add3A_126, %lt3A : i32
      %convert_element_type3A = arith.extui %lt3A_127 : i1 to i32
      %cond3A = arith.constant 0 : i32
      %cond3A_128 = arith.cmpi ne, %convert_element_type3A, %cond3A : i32
      scf.if %cond3A_128 {
        %dma_start3A_191 = arith.constant 0 : i32
        %dma_start3A_192 = tpu.memref_slice %arg9[%add3A_126, %dma_start3A_191] : memref<40x128xi32, #tpu.memory_space<vmem>> -> memref<1x128xi32, #tpu.memory_space<vmem>>
        %dma_start3A_193 = tpu.memref_squeeze %dma_start3A_192 : memref<1x128xi32, #tpu.memory_space<vmem>> -> memref<128xi32, #tpu.memory_space<vmem>>
        %dma_start3A_194 = arith.constant 0 : i32
        %dma_start3A_195 = arith.constant 0 : i32
        %dma_start3A_196 = tpu.memref_slice %arg2[%dma_start3A_194, %dma_start3A_195] : memref<20480x104xf32, #tpu.memory_space<hbm>> -> memref<20480x104xf32, #tpu.memory_space<hbm>>
        tpu.enqueue_indirect_dma source(%dma_start3A_196 : memref<20480x104xf32, #tpu.memory_space<hbm>>) target(%arg13 : memref<128x104xf32, #tpu.memory_space<vmem>>) offsets(%dma_start3A_193 : memref<128xi32, #tpu.memory_space<vmem>>) semaphore(%arg17 : memref<!tpu.dma_semaphore, #tpu.memory_space<semaphore_mem>>)
      } else {
      }
      %dma_wait3A = arith.constant 0 : i32
      %dma_wait3A_129 = arith.constant 0 : i32
      %dma_wait3A_130 = tpu.memref_slice %arg9[%dma_wait3A, %dma_wait3A_129] : memref<40x128xi32, #tpu.memory_space<vmem>> -> memref<1x128xi32, #tpu.memory_space<vmem>>
      %dma_wait3A_131 = tpu.memref_squeeze %dma_wait3A_130 : memref<1x128xi32, #tpu.memory_space<vmem>> -> memref<128xi32, #tpu.memory_space<vmem>>
      %dma_wait3A_132 = arith.constant 0 : i32
      %dma_wait3A_133 = arith.constant 0 : i32
      %dma_wait3A_134 = tpu.memref_slice %arg2[%dma_wait3A_132, %dma_wait3A_133] : memref<20480x104xf32, #tpu.memory_space<hbm>> -> memref<20480x104xf32, #tpu.memory_space<hbm>>
      tpu.wait_indirect_dma semaphore(%arg14 : memref<!tpu.dma_semaphore, #tpu.memory_space<semaphore_mem>>) src(%dma_wait3A_134 : memref<20480x104xf32, #tpu.memory_space<hbm>>) dst(%arg10 : memref<128x104xf32, #tpu.memory_space<vmem>>)
      %add3A_135 = arith.constant 0 : i32
      %add3A_136 = arith.addi %mul3A_123, %add3A_135 : i32
      "tpu.region"() ({
        %run_scoped3A_191 = tpu.sem_alloc : memref<!tpu.dma_semaphore, #tpu.memory_space<semaphore_mem>>
        %dma_start3A_192 = arith.constant 0 : i32
        %dma_start3A_193 = tpu.memref_slice %arg8[%add3A_136, %dma_start3A_192] : memref<40x128xi32, #tpu.memory_space<vmem>> -> memref<1x128xi32, #tpu.memory_space<vmem>>
        %dma_start3A_194 = tpu.memref_squeeze %dma_start3A_193 : memref<1x128xi32, #tpu.memory_space<vmem>> -> memref<128xi32, #tpu.memory_space<vmem>>
        %dma_start3A_195 = arith.constant 0 : i32
        %dma_start3A_196 = arith.constant 0 : i32
        %dma_start3A_197 = tpu.memref_slice %arg7[%dma_start3A_195, %dma_start3A_196] : memref<10241x104xf32, #tpu.memory_space<vmem_shared>> -> memref<10241x104xf32, #tpu.memory_space<vmem_shared>>
        tpu.enqueue_indirect_dma source(%arg10 : memref<128x104xf32, #tpu.memory_space<vmem>>) target(%dma_start3A_197 : memref<10241x104xf32, #tpu.memory_space<vmem_shared>>) offsets(%dma_start3A_194 : memref<128xi32, #tpu.memory_space<vmem>>) semaphore(%run_scoped3A_191 : memref<!tpu.dma_semaphore, #tpu.memory_space<semaphore_mem>>) {add = true}
        %dma_wait3A_198 = arith.constant 0 : i32
        %dma_wait3A_199 = tpu.memref_slice %arg8[%add3A_136, %dma_wait3A_198] : memref<40x128xi32, #tpu.memory_space<vmem>> -> memref<1x128xi32, #tpu.memory_space<vmem>>
        %dma_wait3A_200 = tpu.memref_squeeze %dma_wait3A_199 : memref<1x128xi32, #tpu.memory_space<vmem>> -> memref<128xi32, #tpu.memory_space<vmem>>
        %dma_wait3A_201 = arith.constant 0 : i32
        %dma_wait3A_202 = arith.constant 0 : i32
        %dma_wait3A_203 = tpu.memref_slice %arg7[%dma_wait3A_201, %dma_wait3A_202] : memref<10241x104xf32, #tpu.memory_space<vmem_shared>> -> memref<10241x104xf32, #tpu.memory_space<vmem_shared>>
        tpu.wait_indirect_dma semaphore(%run_scoped3A_191 : memref<!tpu.dma_semaphore, #tpu.memory_space<semaphore_mem>>) src(%arg10 : memref<128x104xf32, #tpu.memory_space<vmem>>) dst(%dma_wait3A_203 : memref<10241x104xf32, #tpu.memory_space<vmem_shared>>)
        tpu.yield
      }) : () -> ()
      %add3A_137 = arith.constant 1 : i32
      %add3A_138 = arith.addi %mul3A_123, %add3A_137 : i32
      %add3A_139 = arith.constant 3 : i32
      %add3A_140 = arith.addi %add3A_138, %add3A_139 : i32
      %lt3A_141 = arith.constant 40 : i32
      %lt3A_142 = arith.cmpi slt, %add3A_140, %lt3A_141 : i32
      %convert_element_type3A_143 = arith.extui %lt3A_142 : i1 to i32
      %cond3A_144 = arith.constant 0 : i32
      %cond3A_145 = arith.cmpi ne, %convert_element_type3A_143, %cond3A_144 : i32
      scf.if %cond3A_145 {
        %dma_start3A_191 = arith.constant 0 : i32
        %dma_start3A_192 = tpu.memref_slice %arg9[%add3A_140, %dma_start3A_191] : memref<40x128xi32, #tpu.memory_space<vmem>> -> memref<1x128xi32, #tpu.memory_space<vmem>>
        %dma_start3A_193 = tpu.memref_squeeze %dma_start3A_192 : memref<1x128xi32, #tpu.memory_space<vmem>> -> memref<128xi32, #tpu.memory_space<vmem>>
        %dma_start3A_194 = arith.constant 0 : i32
        %dma_start3A_195 = arith.constant 0 : i32
        %dma_start3A_196 = tpu.memref_slice %arg2[%dma_start3A_194, %dma_start3A_195] : memref<20480x104xf32, #tpu.memory_space<hbm>> -> memref<20480x104xf32, #tpu.memory_space<hbm>>
        tpu.enqueue_indirect_dma source(%dma_start3A_196 : memref<20480x104xf32, #tpu.memory_space<hbm>>) target(%arg10 : memref<128x104xf32, #tpu.memory_space<vmem>>) offsets(%dma_start3A_193 : memref<128xi32, #tpu.memory_space<vmem>>) semaphore(%arg14 : memref<!tpu.dma_semaphore, #tpu.memory_space<semaphore_mem>>)
      } else {
      }
      %dma_wait3A_146 = arith.constant 0 : i32
      %dma_wait3A_147 = arith.constant 0 : i32
      %dma_wait3A_148 = tpu.memref_slice %arg9[%dma_wait3A_146, %dma_wait3A_147] : memref<40x128xi32, #tpu.memory_space<vmem>> -> memref<1x128xi32, #tpu.memory_space<vmem>>
      %dma_wait3A_149 = tpu.memref_squeeze %dma_wait3A_148 : memref<1x128xi32, #tpu.memory_space<vmem>> -> memref<128xi32, #tpu.memory_space<vmem>>
      %dma_wait3A_150 = arith.constant 0 : i32
      %dma_wait3A_151 = arith.constant 0 : i32
      %dma_wait3A_152 = tpu.memref_slice %arg2[%dma_wait3A_150, %dma_wait3A_151] : memref<20480x104xf32, #tpu.memory_space<hbm>> -> memref<20480x104xf32, #tpu.memory_space<hbm>>
      tpu.wait_indirect_dma semaphore(%arg15 : memref<!tpu.dma_semaphore, #tpu.memory_space<semaphore_mem>>) src(%dma_wait3A_152 : memref<20480x104xf32, #tpu.memory_space<hbm>>) dst(%arg11 : memref<128x104xf32, #tpu.memory_space<vmem>>)
      %add3A_153 = arith.constant 1 : i32
      %add3A_154 = arith.addi %mul3A_123, %add3A_153 : i32
      "tpu.region"() ({
        %run_scoped3A_191 = tpu.sem_alloc : memref<!tpu.dma_semaphore, #tpu.memory_space<semaphore_mem>>
        %dma_start3A_192 = arith.constant 0 : i32
        %dma_start3A_193 = tpu.memref_slice %arg8[%add3A_154, %dma_start3A_192] : memref<40x128xi32, #tpu.memory_space<vmem>> -> memref<1x128xi32, #tpu.memory_space<vmem>>
        %dma_start3A_194 = tpu.memref_squeeze %dma_start3A_193 : memref<1x128xi32, #tpu.memory_space<vmem>> -> memref<128xi32, #tpu.memory_space<vmem>>
        %dma_start3A_195 = arith.constant 0 : i32
        %dma_start3A_196 = arith.constant 0 : i32
        %dma_start3A_197 = tpu.memref_slice %arg7[%dma_start3A_195, %dma_start3A_196] : memref<10241x104xf32, #tpu.memory_space<vmem_shared>> -> memref<10241x104xf32, #tpu.memory_space<vmem_shared>>
        tpu.enqueue_indirect_dma source(%arg11 : memref<128x104xf32, #tpu.memory_space<vmem>>) target(%dma_start3A_197 : memref<10241x104xf32, #tpu.memory_space<vmem_shared>>) offsets(%dma_start3A_194 : memref<128xi32, #tpu.memory_space<vmem>>) semaphore(%run_scoped3A_191 : memref<!tpu.dma_semaphore, #tpu.memory_space<semaphore_mem>>) {add = true}
        %dma_wait3A_198 = arith.constant 0 : i32
        %dma_wait3A_199 = tpu.memref_slice %arg8[%add3A_154, %dma_wait3A_198] : memref<40x128xi32, #tpu.memory_space<vmem>> -> memref<1x128xi32, #tpu.memory_space<vmem>>
        %dma_wait3A_200 = tpu.memref_squeeze %dma_wait3A_199 : memref<1x128xi32, #tpu.memory_space<vmem>> -> memref<128xi32, #tpu.memory_space<vmem>>
        %dma_wait3A_201 = arith.constant 0 : i32
        %dma_wait3A_202 = arith.constant 0 : i32
        %dma_wait3A_203 = tpu.memref_slice %arg7[%dma_wait3A_201, %dma_wait3A_202] : memref<10241x104xf32, #tpu.memory_space<vmem_shared>> -> memref<10241x104xf32, #tpu.memory_space<vmem_shared>>
        tpu.wait_indirect_dma semaphore(%run_scoped3A_191 : memref<!tpu.dma_semaphore, #tpu.memory_space<semaphore_mem>>) src(%arg11 : memref<128x104xf32, #tpu.memory_space<vmem>>) dst(%dma_wait3A_203 : memref<10241x104xf32, #tpu.memory_space<vmem_shared>>)
        tpu.yield
      }) : () -> ()
      %add3A_155 = arith.constant 2 : i32
      %add3A_156 = arith.addi %mul3A_123, %add3A_155 : i32
      %add3A_157 = arith.constant 3 : i32
      %add3A_158 = arith.addi %add3A_156, %add3A_157 : i32
      %lt3A_159 = arith.constant 40 : i32
      %lt3A_160 = arith.cmpi slt, %add3A_158, %lt3A_159 : i32
      %convert_element_type3A_161 = arith.extui %lt3A_160 : i1 to i32
      %cond3A_162 = arith.constant 0 : i32
      %cond3A_163 = arith.cmpi ne, %convert_element_type3A_161, %cond3A_162 : i32
      scf.if %cond3A_163 {
        %dma_start3A_191 = arith.constant 0 : i32
        %dma_start3A_192 = tpu.memref_slice %arg9[%add3A_158, %dma_start3A_191] : memref<40x128xi32, #tpu.memory_space<vmem>> -> memref<1x128xi32, #tpu.memory_space<vmem>>
        %dma_start3A_193 = tpu.memref_squeeze %dma_start3A_192 : memref<1x128xi32, #tpu.memory_space<vmem>> -> memref<128xi32, #tpu.memory_space<vmem>>
        %dma_start3A_194 = arith.constant 0 : i32
        %dma_start3A_195 = arith.constant 0 : i32
        %dma_start3A_196 = tpu.memref_slice %arg2[%dma_start3A_194, %dma_start3A_195] : memref<20480x104xf32, #tpu.memory_space<hbm>> -> memref<20480x104xf32, #tpu.memory_space<hbm>>
        tpu.enqueue_indirect_dma source(%dma_start3A_196 : memref<20480x104xf32, #tpu.memory_space<hbm>>) target(%arg11 : memref<128x104xf32, #tpu.memory_space<vmem>>) offsets(%dma_start3A_193 : memref<128xi32, #tpu.memory_space<vmem>>) semaphore(%arg15 : memref<!tpu.dma_semaphore, #tpu.memory_space<semaphore_mem>>)
      } else {
      }
      %dma_wait3A_164 = arith.constant 0 : i32
      %dma_wait3A_165 = arith.constant 0 : i32
      %dma_wait3A_166 = tpu.memref_slice %arg9[%dma_wait3A_164, %dma_wait3A_165] : memref<40x128xi32, #tpu.memory_space<vmem>> -> memref<1x128xi32, #tpu.memory_space<vmem>>
      %dma_wait3A_167 = tpu.memref_squeeze %dma_wait3A_166 : memref<1x128xi32, #tpu.memory_space<vmem>> -> memref<128xi32, #tpu.memory_space<vmem>>
      %dma_wait3A_168 = arith.constant 0 : i32
      %dma_wait3A_169 = arith.constant 0 : i32
      %dma_wait3A_170 = tpu.memref_slice %arg2[%dma_wait3A_168, %dma_wait3A_169] : memref<20480x104xf32, #tpu.memory_space<hbm>> -> memref<20480x104xf32, #tpu.memory_space<hbm>>
      tpu.wait_indirect_dma semaphore(%arg16 : memref<!tpu.dma_semaphore, #tpu.memory_space<semaphore_mem>>) src(%dma_wait3A_170 : memref<20480x104xf32, #tpu.memory_space<hbm>>) dst(%arg12 : memref<128x104xf32, #tpu.memory_space<vmem>>)
      %add3A_171 = arith.constant 2 : i32
      %add3A_172 = arith.addi %mul3A_123, %add3A_171 : i32
      "tpu.region"() ({
        %run_scoped3A_191 = tpu.sem_alloc : memref<!tpu.dma_semaphore, #tpu.memory_space<semaphore_mem>>
        %dma_start3A_192 = arith.constant 0 : i32
        %dma_start3A_193 = tpu.memref_slice %arg8[%add3A_172, %dma_start3A_192] : memref<40x128xi32, #tpu.memory_space<vmem>> -> memref<1x128xi32, #tpu.memory_space<vmem>>
        %dma_start3A_194 = tpu.memref_squeeze %dma_start3A_193 : memref<1x128xi32, #tpu.memory_space<vmem>> -> memref<128xi32, #tpu.memory_space<vmem>>
        %dma_start3A_195 = arith.constant 0 : i32
        %dma_start3A_196 = arith.constant 0 : i32
        %dma_start3A_197 = tpu.memref_slice %arg7[%dma_start3A_195, %dma_start3A_196] : memref<10241x104xf32, #tpu.memory_space<vmem_shared>> -> memref<10241x104xf32, #tpu.memory_space<vmem_shared>>
        tpu.enqueue_indirect_dma source(%arg12 : memref<128x104xf32, #tpu.memory_space<vmem>>) target(%dma_start3A_197 : memref<10241x104xf32, #tpu.memory_space<vmem_shared>>) offsets(%dma_start3A_194 : memref<128xi32, #tpu.memory_space<vmem>>) semaphore(%run_scoped3A_191 : memref<!tpu.dma_semaphore, #tpu.memory_space<semaphore_mem>>) {add = true}
        %dma_wait3A_198 = arith.constant 0 : i32
        %dma_wait3A_199 = tpu.memref_slice %arg8[%add3A_172, %dma_wait3A_198] : memref<40x128xi32, #tpu.memory_space<vmem>> -> memref<1x128xi32, #tpu.memory_space<vmem>>
        %dma_wait3A_200 = tpu.memref_squeeze %dma_wait3A_199 : memref<1x128xi32, #tpu.memory_space<vmem>> -> memref<128xi32, #tpu.memory_space<vmem>>
        %dma_wait3A_201 = arith.constant 0 : i32
        %dma_wait3A_202 = arith.constant 0 : i32
        %dma_wait3A_203 = tpu.memref_slice %arg7[%dma_wait3A_201, %dma_wait3A_202] : memref<10241x104xf32, #tpu.memory_space<vmem_shared>> -> memref<10241x104xf32, #tpu.memory_space<vmem_shared>>
        tpu.wait_indirect_dma semaphore(%run_scoped3A_191 : memref<!tpu.dma_semaphore, #tpu.memory_space<semaphore_mem>>) src(%arg12 : memref<128x104xf32, #tpu.memory_space<vmem>>) dst(%dma_wait3A_203 : memref<10241x104xf32, #tpu.memory_space<vmem_shared>>)
        tpu.yield
      }) : () -> ()
      %add3A_173 = arith.constant 3 : i32
      %add3A_174 = arith.addi %mul3A_123, %add3A_173 : i32
      %add3A_175 = arith.constant 3 : i32
      %add3A_176 = arith.addi %add3A_174, %add3A_175 : i32
      %lt3A_177 = arith.constant 40 : i32
      %lt3A_178 = arith.cmpi slt, %add3A_176, %lt3A_177 : i32
      %convert_element_type3A_179 = arith.extui %lt3A_178 : i1 to i32
      %cond3A_180 = arith.constant 0 : i32
      %cond3A_181 = arith.cmpi ne, %convert_element_type3A_179, %cond3A_180 : i32
      scf.if %cond3A_181 {
        %dma_start3A_191 = arith.constant 0 : i32
        %dma_start3A_192 = tpu.memref_slice %arg9[%add3A_176, %dma_start3A_191] : memref<40x128xi32, #tpu.memory_space<vmem>> -> memref<1x128xi32, #tpu.memory_space<vmem>>
        %dma_start3A_193 = tpu.memref_squeeze %dma_start3A_192 : memref<1x128xi32, #tpu.memory_space<vmem>> -> memref<128xi32, #tpu.memory_space<vmem>>
        %dma_start3A_194 = arith.constant 0 : i32
        %dma_start3A_195 = arith.constant 0 : i32
        %dma_start3A_196 = tpu.memref_slice %arg2[%dma_start3A_194, %dma_start3A_195] : memref<20480x104xf32, #tpu.memory_space<hbm>> -> memref<20480x104xf32, #tpu.memory_space<hbm>>
        tpu.enqueue_indirect_dma source(%dma_start3A_196 : memref<20480x104xf32, #tpu.memory_space<hbm>>) target(%arg12 : memref<128x104xf32, #tpu.memory_space<vmem>>) offsets(%dma_start3A_193 : memref<128xi32, #tpu.memory_space<vmem>>) semaphore(%arg16 : memref<!tpu.dma_semaphore, #tpu.memory_space<semaphore_mem>>)
      } else {
      }
      %dma_wait3A_182 = arith.constant 0 : i32
      %dma_wait3A_183 = arith.constant 0 : i32
      %dma_wait3A_184 = tpu.memref_slice %arg9[%dma_wait3A_182, %dma_wait3A_183] : memref<40x128xi32, #tpu.memory_space<vmem>> -> memref<1x128xi32, #tpu.memory_space<vmem>>
      %dma_wait3A_185 = tpu.memref_squeeze %dma_wait3A_184 : memref<1x128xi32, #tpu.memory_space<vmem>> -> memref<128xi32, #tpu.memory_space<vmem>>
      %dma_wait3A_186 = arith.constant 0 : i32
      %dma_wait3A_187 = arith.constant 0 : i32
      %dma_wait3A_188 = tpu.memref_slice %arg2[%dma_wait3A_186, %dma_wait3A_187] : memref<20480x104xf32, #tpu.memory_space<hbm>> -> memref<20480x104xf32, #tpu.memory_space<hbm>>
      tpu.wait_indirect_dma semaphore(%arg17 : memref<!tpu.dma_semaphore, #tpu.memory_space<semaphore_mem>>) src(%dma_wait3A_188 : memref<20480x104xf32, #tpu.memory_space<hbm>>) dst(%arg13 : memref<128x104xf32, #tpu.memory_space<vmem>>)
      %add3A_189 = arith.constant 3 : i32
      %add3A_190 = arith.addi %mul3A_123, %add3A_189 : i32
      "tpu.region"() ({
        %run_scoped3A_191 = tpu.sem_alloc : memref<!tpu.dma_semaphore, #tpu.memory_space<semaphore_mem>>
        %dma_start3A_192 = arith.constant 0 : i32
        %dma_start3A_193 = tpu.memref_slice %arg8[%add3A_190, %dma_start3A_192] : memref<40x128xi32, #tpu.memory_space<vmem>> -> memref<1x128xi32, #tpu.memory_space<vmem>>
        %dma_start3A_194 = tpu.memref_squeeze %dma_start3A_193 : memref<1x128xi32, #tpu.memory_space<vmem>> -> memref<128xi32, #tpu.memory_space<vmem>>
        %dma_start3A_195 = arith.constant 0 : i32
        %dma_start3A_196 = arith.constant 0 : i32
        %dma_start3A_197 = tpu.memref_slice %arg7[%dma_start3A_195, %dma_start3A_196] : memref<10241x104xf32, #tpu.memory_space<vmem_shared>> -> memref<10241x104xf32, #tpu.memory_space<vmem_shared>>
        tpu.enqueue_indirect_dma source(%arg13 : memref<128x104xf32, #tpu.memory_space<vmem>>) target(%dma_start3A_197 : memref<10241x104xf32, #tpu.memory_space<vmem_shared>>) offsets(%dma_start3A_194 : memref<128xi32, #tpu.memory_space<vmem>>) semaphore(%run_scoped3A_191 : memref<!tpu.dma_semaphore, #tpu.memory_space<semaphore_mem>>) {add = true}
        %dma_wait3A_198 = arith.constant 0 : i32
        %dma_wait3A_199 = tpu.memref_slice %arg8[%add3A_190, %dma_wait3A_198] : memref<40x128xi32, #tpu.memory_space<vmem>> -> memref<1x128xi32, #tpu.memory_space<vmem>>
        %dma_wait3A_200 = tpu.memref_squeeze %dma_wait3A_199 : memref<1x128xi32, #tpu.memory_space<vmem>> -> memref<128xi32, #tpu.memory_space<vmem>>
        %dma_wait3A_201 = arith.constant 0 : i32
        %dma_wait3A_202 = arith.constant 0 : i32
        %dma_wait3A_203 = tpu.memref_slice %arg7[%dma_wait3A_201, %dma_wait3A_202] : memref<10241x104xf32, #tpu.memory_space<vmem_shared>> -> memref<10241x104xf32, #tpu.memory_space<vmem_shared>>
        tpu.wait_indirect_dma semaphore(%run_scoped3A_191 : memref<!tpu.dma_semaphore, #tpu.memory_space<semaphore_mem>>) src(%arg13 : memref<128x104xf32, #tpu.memory_space<vmem>>) dst(%dma_wait3A_203 : memref<10241x104xf32, #tpu.memory_space<vmem_shared>>)
        tpu.yield
      }) : () -> ()
    }
    %scan3A_26 = arith.constant 10 : i32
    %run_scoped3A_27 = arith.constant 1 : i32
    "tpu.region"() ({
      %run_scoped3A_121 = tpu.sem_alloc : memref<!tpu.dma_semaphore, #tpu.memory_space<semaphore_mem>>
      %dma_start3A_122 = arith.constant 0 : i32
      %dma_start3A_123 = arith.constant 0 : i32
      %dma_start3A_124 = tpu.memref_slice %arg3[%arg0, %arg1, %run_scoped3A_27, %dma_start3A_122, %dma_start3A_123] : memref<2x16x4x40x128xi32, #tpu.memory_space<hbm>> -> memref<1x1x1x40x128xi32, #tpu.memory_space<hbm>>
      %dma_start3A_125 = tpu.memref_squeeze %dma_start3A_124 : memref<1x1x1x40x128xi32, #tpu.memory_space<hbm>> -> memref<40x128xi32, #tpu.memory_space<hbm>>
      %dma_start3A_126 = arith.constant 0 : i32
      %dma_start3A_127 = arith.constant 0 : i32
      %dma_start3A_128 = tpu.memref_slice %arg3[%arg0, %arg1, %run_scoped3A_27, %dma_start3A_126, %dma_start3A_127] : memref<2x16x4x40x128xi32, #tpu.memory_space<hbm>> -> memref<1x1x1x40x128xi32, #tpu.memory_space<hbm>>
      %dma_start3A_129 = tpu.memref_squeeze %dma_start3A_128 : memref<1x1x1x40x128xi32, #tpu.memory_space<hbm>> -> memref<40x128xi32, #tpu.memory_space<hbm>>
      tpu.enqueue_dma source(%dma_start3A_129 : memref<40x128xi32, #tpu.memory_space<hbm>>) target(%arg9 : memref<40x128xi32, #tpu.memory_space<vmem>>) target_semaphore(%run_scoped3A_121 : memref<!tpu.dma_semaphore, #tpu.memory_space<semaphore_mem>>)
      %dma_wait3A = arith.constant 0 : i32
      %dma_wait3A_130 = arith.constant 0 : i32
      %dma_wait3A_131 = tpu.memref_slice %arg3[%arg0, %arg1, %run_scoped3A_27, %dma_wait3A, %dma_wait3A_130] : memref<2x16x4x40x128xi32, #tpu.memory_space<hbm>> -> memref<1x1x1x40x128xi32, #tpu.memory_space<hbm>>
      %dma_wait3A_132 = tpu.memref_squeeze %dma_wait3A_131 : memref<1x1x1x40x128xi32, #tpu.memory_space<hbm>> -> memref<40x128xi32, #tpu.memory_space<hbm>>
      %dma_wait3A_133 = arith.constant 0 : i32
      %dma_wait3A_134 = arith.constant 0 : i32
      %dma_wait3A_135 = tpu.memref_slice %arg3[%arg0, %arg1, %run_scoped3A_27, %dma_wait3A_133, %dma_wait3A_134] : memref<2x16x4x40x128xi32, #tpu.memory_space<hbm>> -> memref<1x1x1x40x128xi32, #tpu.memory_space<hbm>>
      %dma_wait3A_136 = tpu.memref_squeeze %dma_wait3A_135 : memref<1x1x1x40x128xi32, #tpu.memory_space<hbm>> -> memref<40x128xi32, #tpu.memory_space<hbm>>
      tpu.wait_dma2 semaphore(%run_scoped3A_121 : memref<!tpu.dma_semaphore, #tpu.memory_space<semaphore_mem>>) src(%dma_wait3A_136 : memref<40x128xi32, #tpu.memory_space<hbm>>) dst(%arg9 : memref<40x128xi32, #tpu.memory_space<vmem>>)
      tpu.yield
    }) : () -> ()
    %run_scoped3A_28 = arith.constant 1 : i32
    "tpu.region"() ({
      %run_scoped3A_121 = tpu.sem_alloc : memref<!tpu.dma_semaphore, #tpu.memory_space<semaphore_mem>>
      %dma_start3A_122 = arith.constant 0 : i32
      %dma_start3A_123 = arith.constant 0 : i32
      %dma_start3A_124 = tpu.memref_slice %arg4[%arg1, %run_scoped3A_28, %dma_start3A_122, %dma_start3A_123] : memref<16x4x40x128xi32, #tpu.memory_space<hbm>> -> memref<1x1x40x128xi32, #tpu.memory_space<hbm>>
      %dma_start3A_125 = tpu.memref_squeeze %dma_start3A_124 : memref<1x1x40x128xi32, #tpu.memory_space<hbm>> -> memref<40x128xi32, #tpu.memory_space<hbm>>
      %dma_start3A_126 = arith.constant 0 : i32
      %dma_start3A_127 = arith.constant 0 : i32
      %dma_start3A_128 = tpu.memref_slice %arg4[%arg1, %run_scoped3A_28, %dma_start3A_126, %dma_start3A_127] : memref<16x4x40x128xi32, #tpu.memory_space<hbm>> -> memref<1x1x40x128xi32, #tpu.memory_space<hbm>>
      %dma_start3A_129 = tpu.memref_squeeze %dma_start3A_128 : memref<1x1x40x128xi32, #tpu.memory_space<hbm>> -> memref<40x128xi32, #tpu.memory_space<hbm>>
      tpu.enqueue_dma source(%dma_start3A_129 : memref<40x128xi32, #tpu.memory_space<hbm>>) target(%arg8 : memref<40x128xi32, #tpu.memory_space<vmem>>) target_semaphore(%run_scoped3A_121 : memref<!tpu.dma_semaphore, #tpu.memory_space<semaphore_mem>>)
      %dma_wait3A = arith.constant 0 : i32
      %dma_wait3A_130 = arith.constant 0 : i32
      %dma_wait3A_131 = tpu.memref_slice %arg4[%arg1, %run_scoped3A_28, %dma_wait3A, %dma_wait3A_130] : memref<16x4x40x128xi32, #tpu.memory_space<hbm>> -> memref<1x1x40x128xi32, #tpu.memory_space<hbm>>
      %dma_wait3A_132 = tpu.memref_squeeze %dma_wait3A_131 : memref<1x1x40x128xi32, #tpu.memory_space<hbm>> -> memref<40x128xi32, #tpu.memory_space<hbm>>
      %dma_wait3A_133 = arith.constant 0 : i32
      %dma_wait3A_134 = arith.constant 0 : i32
      %dma_wait3A_135 = tpu.memref_slice %arg4[%arg1, %run_scoped3A_28, %dma_wait3A_133, %dma_wait3A_134] : memref<16x4x40x128xi32, #tpu.memory_space<hbm>> -> memref<1x1x40x128xi32, #tpu.memory_space<hbm>>
      %dma_wait3A_136 = tpu.memref_squeeze %dma_wait3A_135 : memref<1x1x40x128xi32, #tpu.memory_space<hbm>> -> memref<40x128xi32, #tpu.memory_space<hbm>>
      tpu.wait_dma2 semaphore(%run_scoped3A_121 : memref<!tpu.dma_semaphore, #tpu.memory_space<semaphore_mem>>) src(%dma_wait3A_136 : memref<40x128xi32, #tpu.memory_space<hbm>>) dst(%arg8 : memref<40x128xi32, #tpu.memory_space<vmem>>)
      tpu.yield
    }) : () -> ()
    %dma_start3A_29 = arith.constant 0 : i32
    %dma_start3A_30 = arith.constant 0 : i32
    %dma_start3A_31 = tpu.memref_slice %arg9[%dma_start3A_29, %dma_start3A_30] : memref<40x128xi32, #tpu.memory_space<vmem>> -> memref<1x128xi32, #tpu.memory_space<vmem>>
    %dma_start3A_32 = tpu.memref_squeeze %dma_start3A_31 : memref<1x128xi32, #tpu.memory_space<vmem>> -> memref<128xi32, #tpu.memory_space<vmem>>
    %dma_start3A_33 = arith.constant 0 : i32
    %dma_start3A_34 = arith.constant 0 : i32
    %dma_start3A_35 = tpu.memref_slice %arg2[%dma_start3A_33, %dma_start3A_34] : memref<20480x104xf32, #tpu.memory_space<hbm>> -> memref<20480x104xf32, #tpu.memory_space<hbm>>
    tpu.enqueue_indirect_dma source(%dma_start3A_35 : memref<20480x104xf32, #tpu.memory_space<hbm>>) target(%arg10 : memref<128x104xf32, #tpu.memory_space<vmem>>) offsets(%dma_start3A_32 : memref<128xi32, #tpu.memory_space<vmem>>) semaphore(%arg14 : memref<!tpu.dma_semaphore, #tpu.memory_space<semaphore_mem>>)
    %dma_start3A_36 = arith.constant 1 : i32
    %dma_start3A_37 = arith.constant 0 : i32
    %dma_start3A_38 = tpu.memref_slice %arg9[%dma_start3A_36, %dma_start3A_37] : memref<40x128xi32, #tpu.memory_space<vmem>> -> memref<1x128xi32, #tpu.memory_space<vmem>>
    %dma_start3A_39 = tpu.memref_squeeze %dma_start3A_38 : memref<1x128xi32, #tpu.memory_space<vmem>> -> memref<128xi32, #tpu.memory_space<vmem>>
    %dma_start3A_40 = arith.constant 0 : i32
    %dma_start3A_41 = arith.constant 0 : i32
    %dma_start3A_42 = tpu.memref_slice %arg2[%dma_start3A_40, %dma_start3A_41] : memref<20480x104xf32, #tpu.memory_space<hbm>> -> memref<20480x104xf32, #tpu.memory_space<hbm>>
    tpu.enqueue_indirect_dma source(%dma_start3A_42 : memref<20480x104xf32, #tpu.memory_space<hbm>>) target(%arg11 : memref<128x104xf32, #tpu.memory_space<vmem>>) offsets(%dma_start3A_39 : memref<128xi32, #tpu.memory_space<vmem>>) semaphore(%arg15 : memref<!tpu.dma_semaphore, #tpu.memory_space<semaphore_mem>>)
    %dma_start3A_43 = arith.constant 2 : i32
    %dma_start3A_44 = arith.constant 0 : i32
    %dma_start3A_45 = tpu.memref_slice %arg9[%dma_start3A_43, %dma_start3A_44] : memref<40x128xi32, #tpu.memory_space<vmem>> -> memref<1x128xi32, #tpu.memory_space<vmem>>
    %dma_start3A_46 = tpu.memref_squeeze %dma_start3A_45 : memref<1x128xi32, #tpu.memory_space<vmem>> -> memref<128xi32, #tpu.memory_space<vmem>>
    %dma_start3A_47 = arith.constant 0 : i32
    %dma_start3A_48 = arith.constant 0 : i32
    %dma_start3A_49 = tpu.memref_slice %arg2[%dma_start3A_47, %dma_start3A_48] : memref<20480x104xf32, #tpu.memory_space<hbm>> -> memref<20480x104xf32, #tpu.memory_space<hbm>>
    tpu.enqueue_indirect_dma source(%dma_start3A_49 : memref<20480x104xf32, #tpu.memory_space<hbm>>) target(%arg12 : memref<128x104xf32, #tpu.memory_space<vmem>>) offsets(%dma_start3A_46 : memref<128xi32, #tpu.memory_space<vmem>>) semaphore(%arg16 : memref<!tpu.dma_semaphore, #tpu.memory_space<semaphore_mem>>)
    %scan3A_50 = arith.constant 0 : i32
    %scan3A_51 = arith.constant 0 : i32
    %scan3A_52 = arith.constant 10 : i32
    %scan3A_53 = arith.addi %scan3A_51, %scan3A_52 : i32
    %scan3A_54 = arith.constant 1 : i32
    scf.for %scan3A_121 = %scan3A_51 to %scan3A_53 step %scan3A_54  : i32 {
      %mul3A_122 = arith.constant 4 : i32
      %mul3A_123 = arith.muli %mul3A_122, %scan3A_121 : i32
      %add3A = arith.constant 0 : i32
      %add3A_124 = arith.addi %mul3A_123, %add3A : i32
      %add3A_125 = arith.constant 3 : i32
      %add3A_126 = arith.addi %add3A_124, %add3A_125 : i32
      %lt3A = arith.constant 40 : i32
      %lt3A_127 = arith.cmpi slt, %add3A_126, %lt3A : i32
      %convert_element_type3A = arith.extui %lt3A_127 : i1 to i32
      %cond3A = arith.constant 0 : i32
      %cond3A_128 = arith.cmpi ne, %convert_element_type3A, %cond3A : i32
      scf.if %cond3A_128 {
        %dma_start3A_191 = arith.constant 0 : i32
        %dma_start3A_192 = tpu.memref_slice %arg9[%add3A_126, %dma_start3A_191] : memref<40x128xi32, #tpu.memory_space<vmem>> -> memref<1x128xi32, #tpu.memory_space<vmem>>
        %dma_start3A_193 = tpu.memref_squeeze %dma_start3A_192 : memref<1x128xi32, #tpu.memory_space<vmem>> -> memref<128xi32, #tpu.memory_space<vmem>>
        %dma_start3A_194 = arith.constant 0 : i32
        %dma_start3A_195 = arith.constant 0 : i32
        %dma_start3A_196 = tpu.memref_slice %arg2[%dma_start3A_194, %dma_start3A_195] : memref<20480x104xf32, #tpu.memory_space<hbm>> -> memref<20480x104xf32, #tpu.memory_space<hbm>>
        tpu.enqueue_indirect_dma source(%dma_start3A_196 : memref<20480x104xf32, #tpu.memory_space<hbm>>) target(%arg13 : memref<128x104xf32, #tpu.memory_space<vmem>>) offsets(%dma_start3A_193 : memref<128xi32, #tpu.memory_space<vmem>>) semaphore(%arg17 : memref<!tpu.dma_semaphore, #tpu.memory_space<semaphore_mem>>)
      } else {
      }
      %dma_wait3A = arith.constant 0 : i32
      %dma_wait3A_129 = arith.constant 0 : i32
      %dma_wait3A_130 = tpu.memref_slice %arg9[%dma_wait3A, %dma_wait3A_129] : memref<40x128xi32, #tpu.memory_space<vmem>> -> memref<1x128xi32, #tpu.memory_space<vmem>>
      %dma_wait3A_131 = tpu.memref_squeeze %dma_wait3A_130 : memref<1x128xi32, #tpu.memory_space<vmem>> -> memref<128xi32, #tpu.memory_space<vmem>>
      %dma_wait3A_132 = arith.constant 0 : i32
      %dma_wait3A_133 = arith.constant 0 : i32
      %dma_wait3A_134 = tpu.memref_slice %arg2[%dma_wait3A_132, %dma_wait3A_133] : memref<20480x104xf32, #tpu.memory_space<hbm>> -> memref<20480x104xf32, #tpu.memory_space<hbm>>
      tpu.wait_indirect_dma semaphore(%arg14 : memref<!tpu.dma_semaphore, #tpu.memory_space<semaphore_mem>>) src(%dma_wait3A_134 : memref<20480x104xf32, #tpu.memory_space<hbm>>) dst(%arg10 : memref<128x104xf32, #tpu.memory_space<vmem>>)
      %add3A_135 = arith.constant 0 : i32
      %add3A_136 = arith.addi %mul3A_123, %add3A_135 : i32
      "tpu.region"() ({
        %run_scoped3A_191 = tpu.sem_alloc : memref<!tpu.dma_semaphore, #tpu.memory_space<semaphore_mem>>
        %dma_start3A_192 = arith.constant 0 : i32
        %dma_start3A_193 = tpu.memref_slice %arg8[%add3A_136, %dma_start3A_192] : memref<40x128xi32, #tpu.memory_space<vmem>> -> memref<1x128xi32, #tpu.memory_space<vmem>>
        %dma_start3A_194 = tpu.memref_squeeze %dma_start3A_193 : memref<1x128xi32, #tpu.memory_space<vmem>> -> memref<128xi32, #tpu.memory_space<vmem>>
        %dma_start3A_195 = arith.constant 0 : i32
        %dma_start3A_196 = arith.constant 0 : i32
        %dma_start3A_197 = tpu.memref_slice %arg7[%dma_start3A_195, %dma_start3A_196] : memref<10241x104xf32, #tpu.memory_space<vmem_shared>> -> memref<10241x104xf32, #tpu.memory_space<vmem_shared>>
        tpu.enqueue_indirect_dma source(%arg10 : memref<128x104xf32, #tpu.memory_space<vmem>>) target(%dma_start3A_197 : memref<10241x104xf32, #tpu.memory_space<vmem_shared>>) offsets(%dma_start3A_194 : memref<128xi32, #tpu.memory_space<vmem>>) semaphore(%run_scoped3A_191 : memref<!tpu.dma_semaphore, #tpu.memory_space<semaphore_mem>>) {add = true}
        %dma_wait3A_198 = arith.constant 0 : i32
        %dma_wait3A_199 = tpu.memref_slice %arg8[%add3A_136, %dma_wait3A_198] : memref<40x128xi32, #tpu.memory_space<vmem>> -> memref<1x128xi32, #tpu.memory_space<vmem>>
        %dma_wait3A_200 = tpu.memref_squeeze %dma_wait3A_199 : memref<1x128xi32, #tpu.memory_space<vmem>> -> memref<128xi32, #tpu.memory_space<vmem>>
        %dma_wait3A_201 = arith.constant 0 : i32
        %dma_wait3A_202 = arith.constant 0 : i32
        %dma_wait3A_203 = tpu.memref_slice %arg7[%dma_wait3A_201, %dma_wait3A_202] : memref<10241x104xf32, #tpu.memory_space<vmem_shared>> -> memref<10241x104xf32, #tpu.memory_space<vmem_shared>>
        tpu.wait_indirect_dma semaphore(%run_scoped3A_191 : memref<!tpu.dma_semaphore, #tpu.memory_space<semaphore_mem>>) src(%arg10 : memref<128x104xf32, #tpu.memory_space<vmem>>) dst(%dma_wait3A_203 : memref<10241x104xf32, #tpu.memory_space<vmem_shared>>)
        tpu.yield
      }) : () -> ()
      %add3A_137 = arith.constant 1 : i32
      %add3A_138 = arith.addi %mul3A_123, %add3A_137 : i32
      %add3A_139 = arith.constant 3 : i32
      %add3A_140 = arith.addi %add3A_138, %add3A_139 : i32
      %lt3A_141 = arith.constant 40 : i32
      %lt3A_142 = arith.cmpi slt, %add3A_140, %lt3A_141 : i32
      %convert_element_type3A_143 = arith.extui %lt3A_142 : i1 to i32
      %cond3A_144 = arith.constant 0 : i32
      %cond3A_145 = arith.cmpi ne, %convert_element_type3A_143, %cond3A_144 : i32
      scf.if %cond3A_145 {
        %dma_start3A_191 = arith.constant 0 : i32
        %dma_start3A_192 = tpu.memref_slice %arg9[%add3A_140, %dma_start3A_191] : memref<40x128xi32, #tpu.memory_space<vmem>> -> memref<1x128xi32, #tpu.memory_space<vmem>>
        %dma_start3A_193 = tpu.memref_squeeze %dma_start3A_192 : memref<1x128xi32, #tpu.memory_space<vmem>> -> memref<128xi32, #tpu.memory_space<vmem>>
        %dma_start3A_194 = arith.constant 0 : i32
        %dma_start3A_195 = arith.constant 0 : i32
        %dma_start3A_196 = tpu.memref_slice %arg2[%dma_start3A_194, %dma_start3A_195] : memref<20480x104xf32, #tpu.memory_space<hbm>> -> memref<20480x104xf32, #tpu.memory_space<hbm>>
        tpu.enqueue_indirect_dma source(%dma_start3A_196 : memref<20480x104xf32, #tpu.memory_space<hbm>>) target(%arg10 : memref<128x104xf32, #tpu.memory_space<vmem>>) offsets(%dma_start3A_193 : memref<128xi32, #tpu.memory_space<vmem>>) semaphore(%arg14 : memref<!tpu.dma_semaphore, #tpu.memory_space<semaphore_mem>>)
      } else {
      }
      %dma_wait3A_146 = arith.constant 0 : i32
      %dma_wait3A_147 = arith.constant 0 : i32
      %dma_wait3A_148 = tpu.memref_slice %arg9[%dma_wait3A_146, %dma_wait3A_147] : memref<40x128xi32, #tpu.memory_space<vmem>> -> memref<1x128xi32, #tpu.memory_space<vmem>>
      %dma_wait3A_149 = tpu.memref_squeeze %dma_wait3A_148 : memref<1x128xi32, #tpu.memory_space<vmem>> -> memref<128xi32, #tpu.memory_space<vmem>>
      %dma_wait3A_150 = arith.constant 0 : i32
      %dma_wait3A_151 = arith.constant 0 : i32
      %dma_wait3A_152 = tpu.memref_slice %arg2[%dma_wait3A_150, %dma_wait3A_151] : memref<20480x104xf32, #tpu.memory_space<hbm>> -> memref<20480x104xf32, #tpu.memory_space<hbm>>
      tpu.wait_indirect_dma semaphore(%arg15 : memref<!tpu.dma_semaphore, #tpu.memory_space<semaphore_mem>>) src(%dma_wait3A_152 : memref<20480x104xf32, #tpu.memory_space<hbm>>) dst(%arg11 : memref<128x104xf32, #tpu.memory_space<vmem>>)
      %add3A_153 = arith.constant 1 : i32
      %add3A_154 = arith.addi %mul3A_123, %add3A_153 : i32
      "tpu.region"() ({
        %run_scoped3A_191 = tpu.sem_alloc : memref<!tpu.dma_semaphore, #tpu.memory_space<semaphore_mem>>
        %dma_start3A_192 = arith.constant 0 : i32
        %dma_start3A_193 = tpu.memref_slice %arg8[%add3A_154, %dma_start3A_192] : memref<40x128xi32, #tpu.memory_space<vmem>> -> memref<1x128xi32, #tpu.memory_space<vmem>>
        %dma_start3A_194 = tpu.memref_squeeze %dma_start3A_193 : memref<1x128xi32, #tpu.memory_space<vmem>> -> memref<128xi32, #tpu.memory_space<vmem>>
        %dma_start3A_195 = arith.constant 0 : i32
        %dma_start3A_196 = arith.constant 0 : i32
        %dma_start3A_197 = tpu.memref_slice %arg7[%dma_start3A_195, %dma_start3A_196] : memref<10241x104xf32, #tpu.memory_space<vmem_shared>> -> memref<10241x104xf32, #tpu.memory_space<vmem_shared>>
        tpu.enqueue_indirect_dma source(%arg11 : memref<128x104xf32, #tpu.memory_space<vmem>>) target(%dma_start3A_197 : memref<10241x104xf32, #tpu.memory_space<vmem_shared>>) offsets(%dma_start3A_194 : memref<128xi32, #tpu.memory_space<vmem>>) semaphore(%run_scoped3A_191 : memref<!tpu.dma_semaphore, #tpu.memory_space<semaphore_mem>>) {add = true}
        %dma_wait3A_198 = arith.constant 0 : i32
        %dma_wait3A_199 = tpu.memref_slice %arg8[%add3A_154, %dma_wait3A_198] : memref<40x128xi32, #tpu.memory_space<vmem>> -> memref<1x128xi32, #tpu.memory_space<vmem>>
        %dma_wait3A_200 = tpu.memref_squeeze %dma_wait3A_199 : memref<1x128xi32, #tpu.memory_space<vmem>> -> memref<128xi32, #tpu.memory_space<vmem>>
        %dma_wait3A_201 = arith.constant 0 : i32
        %dma_wait3A_202 = arith.constant 0 : i32
        %dma_wait3A_203 = tpu.memref_slice %arg7[%dma_wait3A_201, %dma_wait3A_202] : memref<10241x104xf32, #tpu.memory_space<vmem_shared>> -> memref<10241x104xf32, #tpu.memory_space<vmem_shared>>
        tpu.wait_indirect_dma semaphore(%run_scoped3A_191 : memref<!tpu.dma_semaphore, #tpu.memory_space<semaphore_mem>>) src(%arg11 : memref<128x104xf32, #tpu.memory_space<vmem>>) dst(%dma_wait3A_203 : memref<10241x104xf32, #tpu.memory_space<vmem_shared>>)
        tpu.yield
      }) : () -> ()
      %add3A_155 = arith.constant 2 : i32
      %add3A_156 = arith.addi %mul3A_123, %add3A_155 : i32
      %add3A_157 = arith.constant 3 : i32
      %add3A_158 = arith.addi %add3A_156, %add3A_157 : i32
      %lt3A_159 = arith.constant 40 : i32
      %lt3A_160 = arith.cmpi slt, %add3A_158, %lt3A_159 : i32
      %convert_element_type3A_161 = arith.extui %lt3A_160 : i1 to i32
      %cond3A_162 = arith.constant 0 : i32
      %cond3A_163 = arith.cmpi ne, %convert_element_type3A_161, %cond3A_162 : i32
      scf.if %cond3A_163 {
        %dma_start3A_191 = arith.constant 0 : i32
        %dma_start3A_192 = tpu.memref_slice %arg9[%add3A_158, %dma_start3A_191] : memref<40x128xi32, #tpu.memory_space<vmem>> -> memref<1x128xi32, #tpu.memory_space<vmem>>
        %dma_start3A_193 = tpu.memref_squeeze %dma_start3A_192 : memref<1x128xi32, #tpu.memory_space<vmem>> -> memref<128xi32, #tpu.memory_space<vmem>>
        %dma_start3A_194 = arith.constant 0 : i32
        %dma_start3A_195 = arith.constant 0 : i32
        %dma_start3A_196 = tpu.memref_slice %arg2[%dma_start3A_194, %dma_start3A_195] : memref<20480x104xf32, #tpu.memory_space<hbm>> -> memref<20480x104xf32, #tpu.memory_space<hbm>>
        tpu.enqueue_indirect_dma source(%dma_start3A_196 : memref<20480x104xf32, #tpu.memory_space<hbm>>) target(%arg11 : memref<128x104xf32, #tpu.memory_space<vmem>>) offsets(%dma_start3A_193 : memref<128xi32, #tpu.memory_space<vmem>>) semaphore(%arg15 : memref<!tpu.dma_semaphore, #tpu.memory_space<semaphore_mem>>)
      } else {
      }
      %dma_wait3A_164 = arith.constant 0 : i32
      %dma_wait3A_165 = arith.constant 0 : i32
      %dma_wait3A_166 = tpu.memref_slice %arg9[%dma_wait3A_164, %dma_wait3A_165] : memref<40x128xi32, #tpu.memory_space<vmem>> -> memref<1x128xi32, #tpu.memory_space<vmem>>
      %dma_wait3A_167 = tpu.memref_squeeze %dma_wait3A_166 : memref<1x128xi32, #tpu.memory_space<vmem>> -> memref<128xi32, #tpu.memory_space<vmem>>
      %dma_wait3A_168 = arith.constant 0 : i32
      %dma_wait3A_169 = arith.constant 0 : i32
      %dma_wait3A_170 = tpu.memref_slice %arg2[%dma_wait3A_168, %dma_wait3A_169] : memref<20480x104xf32, #tpu.memory_space<hbm>> -> memref<20480x104xf32, #tpu.memory_space<hbm>>
      tpu.wait_indirect_dma semaphore(%arg16 : memref<!tpu.dma_semaphore, #tpu.memory_space<semaphore_mem>>) src(%dma_wait3A_170 : memref<20480x104xf32, #tpu.memory_space<hbm>>) dst(%arg12 : memref<128x104xf32, #tpu.memory_space<vmem>>)
      %add3A_171 = arith.constant 2 : i32
      %add3A_172 = arith.addi %mul3A_123, %add3A_171 : i32
      "tpu.region"() ({
        %run_scoped3A_191 = tpu.sem_alloc : memref<!tpu.dma_semaphore, #tpu.memory_space<semaphore_mem>>
        %dma_start3A_192 = arith.constant 0 : i32
        %dma_start3A_193 = tpu.memref_slice %arg8[%add3A_172, %dma_start3A_192] : memref<40x128xi32, #tpu.memory_space<vmem>> -> memref<1x128xi32, #tpu.memory_space<vmem>>
        %dma_start3A_194 = tpu.memref_squeeze %dma_start3A_193 : memref<1x128xi32, #tpu.memory_space<vmem>> -> memref<128xi32, #tpu.memory_space<vmem>>
        %dma_start3A_195 = arith.constant 0 : i32
        %dma_start3A_196 = arith.constant 0 : i32
        %dma_start3A_197 = tpu.memref_slice %arg7[%dma_start3A_195, %dma_start3A_196] : memref<10241x104xf32, #tpu.memory_space<vmem_shared>> -> memref<10241x104xf32, #tpu.memory_space<vmem_shared>>
        tpu.enqueue_indirect_dma source(%arg12 : memref<128x104xf32, #tpu.memory_space<vmem>>) target(%dma_start3A_197 : memref<10241x104xf32, #tpu.memory_space<vmem_shared>>) offsets(%dma_start3A_194 : memref<128xi32, #tpu.memory_space<vmem>>) semaphore(%run_scoped3A_191 : memref<!tpu.dma_semaphore, #tpu.memory_space<semaphore_mem>>) {add = true}
        %dma_wait3A_198 = arith.constant 0 : i32
        %dma_wait3A_199 = tpu.memref_slice %arg8[%add3A_172, %dma_wait3A_198] : memref<40x128xi32, #tpu.memory_space<vmem>> -> memref<1x128xi32, #tpu.memory_space<vmem>>
        %dma_wait3A_200 = tpu.memref_squeeze %dma_wait3A_199 : memref<1x128xi32, #tpu.memory_space<vmem>> -> memref<128xi32, #tpu.memory_space<vmem>>
        %dma_wait3A_201 = arith.constant 0 : i32
        %dma_wait3A_202 = arith.constant 0 : i32
        %dma_wait3A_203 = tpu.memref_slice %arg7[%dma_wait3A_201, %dma_wait3A_202] : memref<10241x104xf32, #tpu.memory_space<vmem_shared>> -> memref<10241x104xf32, #tpu.memory_space<vmem_shared>>
        tpu.wait_indirect_dma semaphore(%run_scoped3A_191 : memref<!tpu.dma_semaphore, #tpu.memory_space<semaphore_mem>>) src(%arg12 : memref<128x104xf32, #tpu.memory_space<vmem>>) dst(%dma_wait3A_203 : memref<10241x104xf32, #tpu.memory_space<vmem_shared>>)
        tpu.yield
      }) : () -> ()
      %add3A_173 = arith.constant 3 : i32
      %add3A_174 = arith.addi %mul3A_123, %add3A_173 : i32
      %add3A_175 = arith.constant 3 : i32
      %add3A_176 = arith.addi %add3A_174, %add3A_175 : i32
      %lt3A_177 = arith.constant 40 : i32
      %lt3A_178 = arith.cmpi slt, %add3A_176, %lt3A_177 : i32
      %convert_element_type3A_179 = arith.extui %lt3A_178 : i1 to i32
      %cond3A_180 = arith.constant 0 : i32
      %cond3A_181 = arith.cmpi ne, %convert_element_type3A_179, %cond3A_180 : i32
      scf.if %cond3A_181 {
        %dma_start3A_191 = arith.constant 0 : i32
        %dma_start3A_192 = tpu.memref_slice %arg9[%add3A_176, %dma_start3A_191] : memref<40x128xi32, #tpu.memory_space<vmem>> -> memref<1x128xi32, #tpu.memory_space<vmem>>
        %dma_start3A_193 = tpu.memref_squeeze %dma_start3A_192 : memref<1x128xi32, #tpu.memory_space<vmem>> -> memref<128xi32, #tpu.memory_space<vmem>>
        %dma_start3A_194 = arith.constant 0 : i32
        %dma_start3A_195 = arith.constant 0 : i32
        %dma_start3A_196 = tpu.memref_slice %arg2[%dma_start3A_194, %dma_start3A_195] : memref<20480x104xf32, #tpu.memory_space<hbm>> -> memref<20480x104xf32, #tpu.memory_space<hbm>>
        tpu.enqueue_indirect_dma source(%dma_start3A_196 : memref<20480x104xf32, #tpu.memory_space<hbm>>) target(%arg12 : memref<128x104xf32, #tpu.memory_space<vmem>>) offsets(%dma_start3A_193 : memref<128xi32, #tpu.memory_space<vmem>>) semaphore(%arg16 : memref<!tpu.dma_semaphore, #tpu.memory_space<semaphore_mem>>)
      } else {
      }
      %dma_wait3A_182 = arith.constant 0 : i32
      %dma_wait3A_183 = arith.constant 0 : i32
      %dma_wait3A_184 = tpu.memref_slice %arg9[%dma_wait3A_182, %dma_wait3A_183] : memref<40x128xi32, #tpu.memory_space<vmem>> -> memref<1x128xi32, #tpu.memory_space<vmem>>
      %dma_wait3A_185 = tpu.memref_squeeze %dma_wait3A_184 : memref<1x128xi32, #tpu.memory_space<vmem>> -> memref<128xi32, #tpu.memory_space<vmem>>
      %dma_wait3A_186 = arith.constant 0 : i32
      %dma_wait3A_187 = arith.constant 0 : i32
      %dma_wait3A_188 = tpu.memref_slice %arg2[%dma_wait3A_186, %dma_wait3A_187] : memref<20480x104xf32, #tpu.memory_space<hbm>> -> memref<20480x104xf32, #tpu.memory_space<hbm>>
      tpu.wait_indirect_dma semaphore(%arg17 : memref<!tpu.dma_semaphore, #tpu.memory_space<semaphore_mem>>) src(%dma_wait3A_188 : memref<20480x104xf32, #tpu.memory_space<hbm>>) dst(%arg13 : memref<128x104xf32, #tpu.memory_space<vmem>>)
      %add3A_189 = arith.constant 3 : i32
      %add3A_190 = arith.addi %mul3A_123, %add3A_189 : i32
      "tpu.region"() ({
        %run_scoped3A_191 = tpu.sem_alloc : memref<!tpu.dma_semaphore, #tpu.memory_space<semaphore_mem>>
        %dma_start3A_192 = arith.constant 0 : i32
        %dma_start3A_193 = tpu.memref_slice %arg8[%add3A_190, %dma_start3A_192] : memref<40x128xi32, #tpu.memory_space<vmem>> -> memref<1x128xi32, #tpu.memory_space<vmem>>
        %dma_start3A_194 = tpu.memref_squeeze %dma_start3A_193 : memref<1x128xi32, #tpu.memory_space<vmem>> -> memref<128xi32, #tpu.memory_space<vmem>>
        %dma_start3A_195 = arith.constant 0 : i32
        %dma_start3A_196 = arith.constant 0 : i32
        %dma_start3A_197 = tpu.memref_slice %arg7[%dma_start3A_195, %dma_start3A_196] : memref<10241x104xf32, #tpu.memory_space<vmem_shared>> -> memref<10241x104xf32, #tpu.memory_space<vmem_shared>>
        tpu.enqueue_indirect_dma source(%arg13 : memref<128x104xf32, #tpu.memory_space<vmem>>) target(%dma_start3A_197 : memref<10241x104xf32, #tpu.memory_space<vmem_shared>>) offsets(%dma_start3A_194 : memref<128xi32, #tpu.memory_space<vmem>>) semaphore(%run_scoped3A_191 : memref<!tpu.dma_semaphore, #tpu.memory_space<semaphore_mem>>) {add = true}
        %dma_wait3A_198 = arith.constant 0 : i32
        %dma_wait3A_199 = tpu.memref_slice %arg8[%add3A_190, %dma_wait3A_198] : memref<40x128xi32, #tpu.memory_space<vmem>> -> memref<1x128xi32, #tpu.memory_space<vmem>>
        %dma_wait3A_200 = tpu.memref_squeeze %dma_wait3A_199 : memref<1x128xi32, #tpu.memory_space<vmem>> -> memref<128xi32, #tpu.memory_space<vmem>>
        %dma_wait3A_201 = arith.constant 0 : i32
        %dma_wait3A_202 = arith.constant 0 : i32
        %dma_wait3A_203 = tpu.memref_slice %arg7[%dma_wait3A_201, %dma_wait3A_202] : memref<10241x104xf32, #tpu.memory_space<vmem_shared>> -> memref<10241x104xf32, #tpu.memory_space<vmem_shared>>
        tpu.wait_indirect_dma semaphore(%run_scoped3A_191 : memref<!tpu.dma_semaphore, #tpu.memory_space<semaphore_mem>>) src(%arg13 : memref<128x104xf32, #tpu.memory_space<vmem>>) dst(%dma_wait3A_203 : memref<10241x104xf32, #tpu.memory_space<vmem_shared>>)
        tpu.yield
      }) : () -> ()
    }
    %scan3A_55 = arith.constant 10 : i32
    %run_scoped3A_56 = arith.constant 2 : i32
    "tpu.region"() ({
      %run_scoped3A_121 = tpu.sem_alloc : memref<!tpu.dma_semaphore, #tpu.memory_space<semaphore_mem>>
      %dma_start3A_122 = arith.constant 0 : i32
      %dma_start3A_123 = arith.constant 0 : i32
      %dma_start3A_124 = tpu.memref_slice %arg3[%arg0, %arg1, %run_scoped3A_56, %dma_start3A_122, %dma_start3A_123] : memref<2x16x4x40x128xi32, #tpu.memory_space<hbm>> -> memref<1x1x1x40x128xi32, #tpu.memory_space<hbm>>
      %dma_start3A_125 = tpu.memref_squeeze %dma_start3A_124 : memref<1x1x1x40x128xi32, #tpu.memory_space<hbm>> -> memref<40x128xi32, #tpu.memory_space<hbm>>
      %dma_start3A_126 = arith.constant 0 : i32
      %dma_start3A_127 = arith.constant 0 : i32
      %dma_start3A_128 = tpu.memref_slice %arg3[%arg0, %arg1, %run_scoped3A_56, %dma_start3A_126, %dma_start3A_127] : memref<2x16x4x40x128xi32, #tpu.memory_space<hbm>> -> memref<1x1x1x40x128xi32, #tpu.memory_space<hbm>>
      %dma_start3A_129 = tpu.memref_squeeze %dma_start3A_128 : memref<1x1x1x40x128xi32, #tpu.memory_space<hbm>> -> memref<40x128xi32, #tpu.memory_space<hbm>>
      tpu.enqueue_dma source(%dma_start3A_129 : memref<40x128xi32, #tpu.memory_space<hbm>>) target(%arg9 : memref<40x128xi32, #tpu.memory_space<vmem>>) target_semaphore(%run_scoped3A_121 : memref<!tpu.dma_semaphore, #tpu.memory_space<semaphore_mem>>)
      %dma_wait3A = arith.constant 0 : i32
      %dma_wait3A_130 = arith.constant 0 : i32
      %dma_wait3A_131 = tpu.memref_slice %arg3[%arg0, %arg1, %run_scoped3A_56, %dma_wait3A, %dma_wait3A_130] : memref<2x16x4x40x128xi32, #tpu.memory_space<hbm>> -> memref<1x1x1x40x128xi32, #tpu.memory_space<hbm>>
      %dma_wait3A_132 = tpu.memref_squeeze %dma_wait3A_131 : memref<1x1x1x40x128xi32, #tpu.memory_space<hbm>> -> memref<40x128xi32, #tpu.memory_space<hbm>>
      %dma_wait3A_133 = arith.constant 0 : i32
      %dma_wait3A_134 = arith.constant 0 : i32
      %dma_wait3A_135 = tpu.memref_slice %arg3[%arg0, %arg1, %run_scoped3A_56, %dma_wait3A_133, %dma_wait3A_134] : memref<2x16x4x40x128xi32, #tpu.memory_space<hbm>> -> memref<1x1x1x40x128xi32, #tpu.memory_space<hbm>>
      %dma_wait3A_136 = tpu.memref_squeeze %dma_wait3A_135 : memref<1x1x1x40x128xi32, #tpu.memory_space<hbm>> -> memref<40x128xi32, #tpu.memory_space<hbm>>
      tpu.wait_dma2 semaphore(%run_scoped3A_121 : memref<!tpu.dma_semaphore, #tpu.memory_space<semaphore_mem>>) src(%dma_wait3A_136 : memref<40x128xi32, #tpu.memory_space<hbm>>) dst(%arg9 : memref<40x128xi32, #tpu.memory_space<vmem>>)
      tpu.yield
    }) : () -> ()
    %run_scoped3A_57 = arith.constant 2 : i32
    "tpu.region"() ({
      %run_scoped3A_121 = tpu.sem_alloc : memref<!tpu.dma_semaphore, #tpu.memory_space<semaphore_mem>>
      %dma_start3A_122 = arith.constant 0 : i32
      %dma_start3A_123 = arith.constant 0 : i32
      %dma_start3A_124 = tpu.memref_slice %arg4[%arg1, %run_scoped3A_57, %dma_start3A_122, %dma_start3A_123] : memref<16x4x40x128xi32, #tpu.memory_space<hbm>> -> memref<1x1x40x128xi32, #tpu.memory_space<hbm>>
      %dma_start3A_125 = tpu.memref_squeeze %dma_start3A_124 : memref<1x1x40x128xi32, #tpu.memory_space<hbm>> -> memref<40x128xi32, #tpu.memory_space<hbm>>
      %dma_start3A_126 = arith.constant 0 : i32
      %dma_start3A_127 = arith.constant 0 : i32
      %dma_start3A_128 = tpu.memref_slice %arg4[%arg1, %run_scoped3A_57, %dma_start3A_126, %dma_start3A_127] : memref<16x4x40x128xi32, #tpu.memory_space<hbm>> -> memref<1x1x40x128xi32, #tpu.memory_space<hbm>>
      %dma_start3A_129 = tpu.memref_squeeze %dma_start3A_128 : memref<1x1x40x128xi32, #tpu.memory_space<hbm>> -> memref<40x128xi32, #tpu.memory_space<hbm>>
      tpu.enqueue_dma source(%dma_start3A_129 : memref<40x128xi32, #tpu.memory_space<hbm>>) target(%arg8 : memref<40x128xi32, #tpu.memory_space<vmem>>) target_semaphore(%run_scoped3A_121 : memref<!tpu.dma_semaphore, #tpu.memory_space<semaphore_mem>>)
      %dma_wait3A = arith.constant 0 : i32
      %dma_wait3A_130 = arith.constant 0 : i32
      %dma_wait3A_131 = tpu.memref_slice %arg4[%arg1, %run_scoped3A_57, %dma_wait3A, %dma_wait3A_130] : memref<16x4x40x128xi32, #tpu.memory_space<hbm>> -> memref<1x1x40x128xi32, #tpu.memory_space<hbm>>
      %dma_wait3A_132 = tpu.memref_squeeze %dma_wait3A_131 : memref<1x1x40x128xi32, #tpu.memory_space<hbm>> -> memref<40x128xi32, #tpu.memory_space<hbm>>
      %dma_wait3A_133 = arith.constant 0 : i32
      %dma_wait3A_134 = arith.constant 0 : i32
      %dma_wait3A_135 = tpu.memref_slice %arg4[%arg1, %run_scoped3A_57, %dma_wait3A_133, %dma_wait3A_134] : memref<16x4x40x128xi32, #tpu.memory_space<hbm>> -> memref<1x1x40x128xi32, #tpu.memory_space<hbm>>
      %dma_wait3A_136 = tpu.memref_squeeze %dma_wait3A_135 : memref<1x1x40x128xi32, #tpu.memory_space<hbm>> -> memref<40x128xi32, #tpu.memory_space<hbm>>
      tpu.wait_dma2 semaphore(%run_scoped3A_121 : memref<!tpu.dma_semaphore, #tpu.memory_space<semaphore_mem>>) src(%dma_wait3A_136 : memref<40x128xi32, #tpu.memory_space<hbm>>) dst(%arg8 : memref<40x128xi32, #tpu.memory_space<vmem>>)
      tpu.yield
    }) : () -> ()
    %dma_start3A_58 = arith.constant 0 : i32
    %dma_start3A_59 = arith.constant 0 : i32
    %dma_start3A_60 = tpu.memref_slice %arg9[%dma_start3A_58, %dma_start3A_59] : memref<40x128xi32, #tpu.memory_space<vmem>> -> memref<1x128xi32, #tpu.memory_space<vmem>>
    %dma_start3A_61 = tpu.memref_squeeze %dma_start3A_60 : memref<1x128xi32, #tpu.memory_space<vmem>> -> memref<128xi32, #tpu.memory_space<vmem>>
    %dma_start3A_62 = arith.constant 0 : i32
    %dma_start3A_63 = arith.constant 0 : i32
    %dma_start3A_64 = tpu.memref_slice %arg2[%dma_start3A_62, %dma_start3A_63] : memref<20480x104xf32, #tpu.memory_space<hbm>> -> memref<20480x104xf32, #tpu.memory_space<hbm>>
    tpu.enqueue_indirect_dma source(%dma_start3A_64 : memref<20480x104xf32, #tpu.memory_space<hbm>>) target(%arg10 : memref<128x104xf32, #tpu.memory_space<vmem>>) offsets(%dma_start3A_61 : memref<128xi32, #tpu.memory_space<vmem>>) semaphore(%arg14 : memref<!tpu.dma_semaphore, #tpu.memory_space<semaphore_mem>>)
    %dma_start3A_65 = arith.constant 1 : i32
    %dma_start3A_66 = arith.constant 0 : i32
    %dma_start3A_67 = tpu.memref_slice %arg9[%dma_start3A_65, %dma_start3A_66] : memref<40x128xi32, #tpu.memory_space<vmem>> -> memref<1x128xi32, #tpu.memory_space<vmem>>
    %dma_start3A_68 = tpu.memref_squeeze %dma_start3A_67 : memref<1x128xi32, #tpu.memory_space<vmem>> -> memref<128xi32, #tpu.memory_space<vmem>>
    %dma_start3A_69 = arith.constant 0 : i32
    %dma_start3A_70 = arith.constant 0 : i32
    %dma_start3A_71 = tpu.memref_slice %arg2[%dma_start3A_69, %dma_start3A_70] : memref<20480x104xf32, #tpu.memory_space<hbm>> -> memref<20480x104xf32, #tpu.memory_space<hbm>>
    tpu.enqueue_indirect_dma source(%dma_start3A_71 : memref<20480x104xf32, #tpu.memory_space<hbm>>) target(%arg11 : memref<128x104xf32, #tpu.memory_space<vmem>>) offsets(%dma_start3A_68 : memref<128xi32, #tpu.memory_space<vmem>>) semaphore(%arg15 : memref<!tpu.dma_semaphore, #tpu.memory_space<semaphore_mem>>)
    %dma_start3A_72 = arith.constant 2 : i32
    %dma_start3A_73 = arith.constant 0 : i32
    %dma_start3A_74 = tpu.memref_slice %arg9[%dma_start3A_72, %dma_start3A_73] : memref<40x128xi32, #tpu.memory_space<vmem>> -> memref<1x128xi32, #tpu.memory_space<vmem>>
    %dma_start3A_75 = tpu.memref_squeeze %dma_start3A_74 : memref<1x128xi32, #tpu.memory_space<vmem>> -> memref<128xi32, #tpu.memory_space<vmem>>
    %dma_start3A_76 = arith.constant 0 : i32
    %dma_start3A_77 = arith.constant 0 : i32
    %dma_start3A_78 = tpu.memref_slice %arg2[%dma_start3A_76, %dma_start3A_77] : memref<20480x104xf32, #tpu.memory_space<hbm>> -> memref<20480x104xf32, #tpu.memory_space<hbm>>
    tpu.enqueue_indirect_dma source(%dma_start3A_78 : memref<20480x104xf32, #tpu.memory_space<hbm>>) target(%arg12 : memref<128x104xf32, #tpu.memory_space<vmem>>) offsets(%dma_start3A_75 : memref<128xi32, #tpu.memory_space<vmem>>) semaphore(%arg16 : memref<!tpu.dma_semaphore, #tpu.memory_space<semaphore_mem>>)
    %scan3A_79 = arith.constant 0 : i32
    %scan3A_80 = arith.constant 0 : i32
    %scan3A_81 = arith.constant 10 : i32
    %scan3A_82 = arith.addi %scan3A_80, %scan3A_81 : i32
    %scan3A_83 = arith.constant 1 : i32
    scf.for %scan3A_121 = %scan3A_80 to %scan3A_82 step %scan3A_83  : i32 {
      %mul3A_122 = arith.constant 4 : i32
      %mul3A_123 = arith.muli %mul3A_122, %scan3A_121 : i32
      %add3A = arith.constant 0 : i32
      %add3A_124 = arith.addi %mul3A_123, %add3A : i32
      %add3A_125 = arith.constant 3 : i32
      %add3A_126 = arith.addi %add3A_124, %add3A_125 : i32
      %lt3A = arith.constant 40 : i32
      %lt3A_127 = arith.cmpi slt, %add3A_126, %lt3A : i32
      %convert_element_type3A = arith.extui %lt3A_127 : i1 to i32
      %cond3A = arith.constant 0 : i32
      %cond3A_128 = arith.cmpi ne, %convert_element_type3A, %cond3A : i32
      scf.if %cond3A_128 {
        %dma_start3A_191 = arith.constant 0 : i32
        %dma_start3A_192 = tpu.memref_slice %arg9[%add3A_126, %dma_start3A_191] : memref<40x128xi32, #tpu.memory_space<vmem>> -> memref<1x128xi32, #tpu.memory_space<vmem>>
        %dma_start3A_193 = tpu.memref_squeeze %dma_start3A_192 : memref<1x128xi32, #tpu.memory_space<vmem>> -> memref<128xi32, #tpu.memory_space<vmem>>
        %dma_start3A_194 = arith.constant 0 : i32
        %dma_start3A_195 = arith.constant 0 : i32
        %dma_start3A_196 = tpu.memref_slice %arg2[%dma_start3A_194, %dma_start3A_195] : memref<20480x104xf32, #tpu.memory_space<hbm>> -> memref<20480x104xf32, #tpu.memory_space<hbm>>
        tpu.enqueue_indirect_dma source(%dma_start3A_196 : memref<20480x104xf32, #tpu.memory_space<hbm>>) target(%arg13 : memref<128x104xf32, #tpu.memory_space<vmem>>) offsets(%dma_start3A_193 : memref<128xi32, #tpu.memory_space<vmem>>) semaphore(%arg17 : memref<!tpu.dma_semaphore, #tpu.memory_space<semaphore_mem>>)
      } else {
      }
      %dma_wait3A = arith.constant 0 : i32
      %dma_wait3A_129 = arith.constant 0 : i32
      %dma_wait3A_130 = tpu.memref_slice %arg9[%dma_wait3A, %dma_wait3A_129] : memref<40x128xi32, #tpu.memory_space<vmem>> -> memref<1x128xi32, #tpu.memory_space<vmem>>
      %dma_wait3A_131 = tpu.memref_squeeze %dma_wait3A_130 : memref<1x128xi32, #tpu.memory_space<vmem>> -> memref<128xi32, #tpu.memory_space<vmem>>
      %dma_wait3A_132 = arith.constant 0 : i32
      %dma_wait3A_133 = arith.constant 0 : i32
      %dma_wait3A_134 = tpu.memref_slice %arg2[%dma_wait3A_132, %dma_wait3A_133] : memref<20480x104xf32, #tpu.memory_space<hbm>> -> memref<20480x104xf32, #tpu.memory_space<hbm>>
      tpu.wait_indirect_dma semaphore(%arg14 : memref<!tpu.dma_semaphore, #tpu.memory_space<semaphore_mem>>) src(%dma_wait3A_134 : memref<20480x104xf32, #tpu.memory_space<hbm>>) dst(%arg10 : memref<128x104xf32, #tpu.memory_space<vmem>>)
      %add3A_135 = arith.constant 0 : i32
      %add3A_136 = arith.addi %mul3A_123, %add3A_135 : i32
      "tpu.region"() ({
        %run_scoped3A_191 = tpu.sem_alloc : memref<!tpu.dma_semaphore, #tpu.memory_space<semaphore_mem>>
        %dma_start3A_192 = arith.constant 0 : i32
        %dma_start3A_193 = tpu.memref_slice %arg8[%add3A_136, %dma_start3A_192] : memref<40x128xi32, #tpu.memory_space<vmem>> -> memref<1x128xi32, #tpu.memory_space<vmem>>
        %dma_start3A_194 = tpu.memref_squeeze %dma_start3A_193 : memref<1x128xi32, #tpu.memory_space<vmem>> -> memref<128xi32, #tpu.memory_space<vmem>>
        %dma_start3A_195 = arith.constant 0 : i32
        %dma_start3A_196 = arith.constant 0 : i32
        %dma_start3A_197 = tpu.memref_slice %arg7[%dma_start3A_195, %dma_start3A_196] : memref<10241x104xf32, #tpu.memory_space<vmem_shared>> -> memref<10241x104xf32, #tpu.memory_space<vmem_shared>>
        tpu.enqueue_indirect_dma source(%arg10 : memref<128x104xf32, #tpu.memory_space<vmem>>) target(%dma_start3A_197 : memref<10241x104xf32, #tpu.memory_space<vmem_shared>>) offsets(%dma_start3A_194 : memref<128xi32, #tpu.memory_space<vmem>>) semaphore(%run_scoped3A_191 : memref<!tpu.dma_semaphore, #tpu.memory_space<semaphore_mem>>) {add = true}
        %dma_wait3A_198 = arith.constant 0 : i32
        %dma_wait3A_199 = tpu.memref_slice %arg8[%add3A_136, %dma_wait3A_198] : memref<40x128xi32, #tpu.memory_space<vmem>> -> memref<1x128xi32, #tpu.memory_space<vmem>>
        %dma_wait3A_200 = tpu.memref_squeeze %dma_wait3A_199 : memref<1x128xi32, #tpu.memory_space<vmem>> -> memref<128xi32, #tpu.memory_space<vmem>>
        %dma_wait3A_201 = arith.constant 0 : i32
        %dma_wait3A_202 = arith.constant 0 : i32
        %dma_wait3A_203 = tpu.memref_slice %arg7[%dma_wait3A_201, %dma_wait3A_202] : memref<10241x104xf32, #tpu.memory_space<vmem_shared>> -> memref<10241x104xf32, #tpu.memory_space<vmem_shared>>
        tpu.wait_indirect_dma semaphore(%run_scoped3A_191 : memref<!tpu.dma_semaphore, #tpu.memory_space<semaphore_mem>>) src(%arg10 : memref<128x104xf32, #tpu.memory_space<vmem>>) dst(%dma_wait3A_203 : memref<10241x104xf32, #tpu.memory_space<vmem_shared>>)
        tpu.yield
      }) : () -> ()
      %add3A_137 = arith.constant 1 : i32
      %add3A_138 = arith.addi %mul3A_123, %add3A_137 : i32
      %add3A_139 = arith.constant 3 : i32
      %add3A_140 = arith.addi %add3A_138, %add3A_139 : i32
      %lt3A_141 = arith.constant 40 : i32
      %lt3A_142 = arith.cmpi slt, %add3A_140, %lt3A_141 : i32
      %convert_element_type3A_143 = arith.extui %lt3A_142 : i1 to i32
      %cond3A_144 = arith.constant 0 : i32
      %cond3A_145 = arith.cmpi ne, %convert_element_type3A_143, %cond3A_144 : i32
      scf.if %cond3A_145 {
        %dma_start3A_191 = arith.constant 0 : i32
        %dma_start3A_192 = tpu.memref_slice %arg9[%add3A_140, %dma_start3A_191] : memref<40x128xi32, #tpu.memory_space<vmem>> -> memref<1x128xi32, #tpu.memory_space<vmem>>
        %dma_start3A_193 = tpu.memref_squeeze %dma_start3A_192 : memref<1x128xi32, #tpu.memory_space<vmem>> -> memref<128xi32, #tpu.memory_space<vmem>>
        %dma_start3A_194 = arith.constant 0 : i32
        %dma_start3A_195 = arith.constant 0 : i32
        %dma_start3A_196 = tpu.memref_slice %arg2[%dma_start3A_194, %dma_start3A_195] : memref<20480x104xf32, #tpu.memory_space<hbm>> -> memref<20480x104xf32, #tpu.memory_space<hbm>>
        tpu.enqueue_indirect_dma source(%dma_start3A_196 : memref<20480x104xf32, #tpu.memory_space<hbm>>) target(%arg10 : memref<128x104xf32, #tpu.memory_space<vmem>>) offsets(%dma_start3A_193 : memref<128xi32, #tpu.memory_space<vmem>>) semaphore(%arg14 : memref<!tpu.dma_semaphore, #tpu.memory_space<semaphore_mem>>)
      } else {
      }
      %dma_wait3A_146 = arith.constant 0 : i32
      %dma_wait3A_147 = arith.constant 0 : i32
      %dma_wait3A_148 = tpu.memref_slice %arg9[%dma_wait3A_146, %dma_wait3A_147] : memref<40x128xi32, #tpu.memory_space<vmem>> -> memref<1x128xi32, #tpu.memory_space<vmem>>
      %dma_wait3A_149 = tpu.memref_squeeze %dma_wait3A_148 : memref<1x128xi32, #tpu.memory_space<vmem>> -> memref<128xi32, #tpu.memory_space<vmem>>
      %dma_wait3A_150 = arith.constant 0 : i32
      %dma_wait3A_151 = arith.constant 0 : i32
      %dma_wait3A_152 = tpu.memref_slice %arg2[%dma_wait3A_150, %dma_wait3A_151] : memref<20480x104xf32, #tpu.memory_space<hbm>> -> memref<20480x104xf32, #tpu.memory_space<hbm>>
      tpu.wait_indirect_dma semaphore(%arg15 : memref<!tpu.dma_semaphore, #tpu.memory_space<semaphore_mem>>) src(%dma_wait3A_152 : memref<20480x104xf32, #tpu.memory_space<hbm>>) dst(%arg11 : memref<128x104xf32, #tpu.memory_space<vmem>>)
      %add3A_153 = arith.constant 1 : i32
      %add3A_154 = arith.addi %mul3A_123, %add3A_153 : i32
      "tpu.region"() ({
        %run_scoped3A_191 = tpu.sem_alloc : memref<!tpu.dma_semaphore, #tpu.memory_space<semaphore_mem>>
        %dma_start3A_192 = arith.constant 0 : i32
        %dma_start3A_193 = tpu.memref_slice %arg8[%add3A_154, %dma_start3A_192] : memref<40x128xi32, #tpu.memory_space<vmem>> -> memref<1x128xi32, #tpu.memory_space<vmem>>
        %dma_start3A_194 = tpu.memref_squeeze %dma_start3A_193 : memref<1x128xi32, #tpu.memory_space<vmem>> -> memref<128xi32, #tpu.memory_space<vmem>>
        %dma_start3A_195 = arith.constant 0 : i32
        %dma_start3A_196 = arith.constant 0 : i32
        %dma_start3A_197 = tpu.memref_slice %arg7[%dma_start3A_195, %dma_start3A_196] : memref<10241x104xf32, #tpu.memory_space<vmem_shared>> -> memref<10241x104xf32, #tpu.memory_space<vmem_shared>>
        tpu.enqueue_indirect_dma source(%arg11 : memref<128x104xf32, #tpu.memory_space<vmem>>) target(%dma_start3A_197 : memref<10241x104xf32, #tpu.memory_space<vmem_shared>>) offsets(%dma_start3A_194 : memref<128xi32, #tpu.memory_space<vmem>>) semaphore(%run_scoped3A_191 : memref<!tpu.dma_semaphore, #tpu.memory_space<semaphore_mem>>) {add = true}
        %dma_wait3A_198 = arith.constant 0 : i32
        %dma_wait3A_199 = tpu.memref_slice %arg8[%add3A_154, %dma_wait3A_198] : memref<40x128xi32, #tpu.memory_space<vmem>> -> memref<1x128xi32, #tpu.memory_space<vmem>>
        %dma_wait3A_200 = tpu.memref_squeeze %dma_wait3A_199 : memref<1x128xi32, #tpu.memory_space<vmem>> -> memref<128xi32, #tpu.memory_space<vmem>>
        %dma_wait3A_201 = arith.constant 0 : i32
        %dma_wait3A_202 = arith.constant 0 : i32
        %dma_wait3A_203 = tpu.memref_slice %arg7[%dma_wait3A_201, %dma_wait3A_202] : memref<10241x104xf32, #tpu.memory_space<vmem_shared>> -> memref<10241x104xf32, #tpu.memory_space<vmem_shared>>
        tpu.wait_indirect_dma semaphore(%run_scoped3A_191 : memref<!tpu.dma_semaphore, #tpu.memory_space<semaphore_mem>>) src(%arg11 : memref<128x104xf32, #tpu.memory_space<vmem>>) dst(%dma_wait3A_203 : memref<10241x104xf32, #tpu.memory_space<vmem_shared>>)
        tpu.yield
      }) : () -> ()
      %add3A_155 = arith.constant 2 : i32
      %add3A_156 = arith.addi %mul3A_123, %add3A_155 : i32
      %add3A_157 = arith.constant 3 : i32
      %add3A_158 = arith.addi %add3A_156, %add3A_157 : i32
      %lt3A_159 = arith.constant 40 : i32
      %lt3A_160 = arith.cmpi slt, %add3A_158, %lt3A_159 : i32
      %convert_element_type3A_161 = arith.extui %lt3A_160 : i1 to i32
      %cond3A_162 = arith.constant 0 : i32
      %cond3A_163 = arith.cmpi ne, %convert_element_type3A_161, %cond3A_162 : i32
      scf.if %cond3A_163 {
        %dma_start3A_191 = arith.constant 0 : i32
        %dma_start3A_192 = tpu.memref_slice %arg9[%add3A_158, %dma_start3A_191] : memref<40x128xi32, #tpu.memory_space<vmem>> -> memref<1x128xi32, #tpu.memory_space<vmem>>
        %dma_start3A_193 = tpu.memref_squeeze %dma_start3A_192 : memref<1x128xi32, #tpu.memory_space<vmem>> -> memref<128xi32, #tpu.memory_space<vmem>>
        %dma_start3A_194 = arith.constant 0 : i32
        %dma_start3A_195 = arith.constant 0 : i32
        %dma_start3A_196 = tpu.memref_slice %arg2[%dma_start3A_194, %dma_start3A_195] : memref<20480x104xf32, #tpu.memory_space<hbm>> -> memref<20480x104xf32, #tpu.memory_space<hbm>>
        tpu.enqueue_indirect_dma source(%dma_start3A_196 : memref<20480x104xf32, #tpu.memory_space<hbm>>) target(%arg11 : memref<128x104xf32, #tpu.memory_space<vmem>>) offsets(%dma_start3A_193 : memref<128xi32, #tpu.memory_space<vmem>>) semaphore(%arg15 : memref<!tpu.dma_semaphore, #tpu.memory_space<semaphore_mem>>)
      } else {
      }
      %dma_wait3A_164 = arith.constant 0 : i32
      %dma_wait3A_165 = arith.constant 0 : i32
      %dma_wait3A_166 = tpu.memref_slice %arg9[%dma_wait3A_164, %dma_wait3A_165] : memref<40x128xi32, #tpu.memory_space<vmem>> -> memref<1x128xi32, #tpu.memory_space<vmem>>
      %dma_wait3A_167 = tpu.memref_squeeze %dma_wait3A_166 : memref<1x128xi32, #tpu.memory_space<vmem>> -> memref<128xi32, #tpu.memory_space<vmem>>
      %dma_wait3A_168 = arith.constant 0 : i32
      %dma_wait3A_169 = arith.constant 0 : i32
      %dma_wait3A_170 = tpu.memref_slice %arg2[%dma_wait3A_168, %dma_wait3A_169] : memref<20480x104xf32, #tpu.memory_space<hbm>> -> memref<20480x104xf32, #tpu.memory_space<hbm>>
      tpu.wait_indirect_dma semaphore(%arg16 : memref<!tpu.dma_semaphore, #tpu.memory_space<semaphore_mem>>) src(%dma_wait3A_170 : memref<20480x104xf32, #tpu.memory_space<hbm>>) dst(%arg12 : memref<128x104xf32, #tpu.memory_space<vmem>>)
      %add3A_171 = arith.constant 2 : i32
      %add3A_172 = arith.addi %mul3A_123, %add3A_171 : i32
      "tpu.region"() ({
        %run_scoped3A_191 = tpu.sem_alloc : memref<!tpu.dma_semaphore, #tpu.memory_space<semaphore_mem>>
        %dma_start3A_192 = arith.constant 0 : i32
        %dma_start3A_193 = tpu.memref_slice %arg8[%add3A_172, %dma_start3A_192] : memref<40x128xi32, #tpu.memory_space<vmem>> -> memref<1x128xi32, #tpu.memory_space<vmem>>
        %dma_start3A_194 = tpu.memref_squeeze %dma_start3A_193 : memref<1x128xi32, #tpu.memory_space<vmem>> -> memref<128xi32, #tpu.memory_space<vmem>>
        %dma_start3A_195 = arith.constant 0 : i32
        %dma_start3A_196 = arith.constant 0 : i32
        %dma_start3A_197 = tpu.memref_slice %arg7[%dma_start3A_195, %dma_start3A_196] : memref<10241x104xf32, #tpu.memory_space<vmem_shared>> -> memref<10241x104xf32, #tpu.memory_space<vmem_shared>>
        tpu.enqueue_indirect_dma source(%arg12 : memref<128x104xf32, #tpu.memory_space<vmem>>) target(%dma_start3A_197 : memref<10241x104xf32, #tpu.memory_space<vmem_shared>>) offsets(%dma_start3A_194 : memref<128xi32, #tpu.memory_space<vmem>>) semaphore(%run_scoped3A_191 : memref<!tpu.dma_semaphore, #tpu.memory_space<semaphore_mem>>) {add = true}
        %dma_wait3A_198 = arith.constant 0 : i32
        %dma_wait3A_199 = tpu.memref_slice %arg8[%add3A_172, %dma_wait3A_198] : memref<40x128xi32, #tpu.memory_space<vmem>> -> memref<1x128xi32, #tpu.memory_space<vmem>>
        %dma_wait3A_200 = tpu.memref_squeeze %dma_wait3A_199 : memref<1x128xi32, #tpu.memory_space<vmem>> -> memref<128xi32, #tpu.memory_space<vmem>>
        %dma_wait3A_201 = arith.constant 0 : i32
        %dma_wait3A_202 = arith.constant 0 : i32
        %dma_wait3A_203 = tpu.memref_slice %arg7[%dma_wait3A_201, %dma_wait3A_202] : memref<10241x104xf32, #tpu.memory_space<vmem_shared>> -> memref<10241x104xf32, #tpu.memory_space<vmem_shared>>
        tpu.wait_indirect_dma semaphore(%run_scoped3A_191 : memref<!tpu.dma_semaphore, #tpu.memory_space<semaphore_mem>>) src(%arg12 : memref<128x104xf32, #tpu.memory_space<vmem>>) dst(%dma_wait3A_203 : memref<10241x104xf32, #tpu.memory_space<vmem_shared>>)
        tpu.yield
      }) : () -> ()
      %add3A_173 = arith.constant 3 : i32
      %add3A_174 = arith.addi %mul3A_123, %add3A_173 : i32
      %add3A_175 = arith.constant 3 : i32
      %add3A_176 = arith.addi %add3A_174, %add3A_175 : i32
      %lt3A_177 = arith.constant 40 : i32
      %lt3A_178 = arith.cmpi slt, %add3A_176, %lt3A_177 : i32
      %convert_element_type3A_179 = arith.extui %lt3A_178 : i1 to i32
      %cond3A_180 = arith.constant 0 : i32
      %cond3A_181 = arith.cmpi ne, %convert_element_type3A_179, %cond3A_180 : i32
      scf.if %cond3A_181 {
        %dma_start3A_191 = arith.constant 0 : i32
        %dma_start3A_192 = tpu.memref_slice %arg9[%add3A_176, %dma_start3A_191] : memref<40x128xi32, #tpu.memory_space<vmem>> -> memref<1x128xi32, #tpu.memory_space<vmem>>
        %dma_start3A_193 = tpu.memref_squeeze %dma_start3A_192 : memref<1x128xi32, #tpu.memory_space<vmem>> -> memref<128xi32, #tpu.memory_space<vmem>>
        %dma_start3A_194 = arith.constant 0 : i32
        %dma_start3A_195 = arith.constant 0 : i32
        %dma_start3A_196 = tpu.memref_slice %arg2[%dma_start3A_194, %dma_start3A_195] : memref<20480x104xf32, #tpu.memory_space<hbm>> -> memref<20480x104xf32, #tpu.memory_space<hbm>>
        tpu.enqueue_indirect_dma source(%dma_start3A_196 : memref<20480x104xf32, #tpu.memory_space<hbm>>) target(%arg12 : memref<128x104xf32, #tpu.memory_space<vmem>>) offsets(%dma_start3A_193 : memref<128xi32, #tpu.memory_space<vmem>>) semaphore(%arg16 : memref<!tpu.dma_semaphore, #tpu.memory_space<semaphore_mem>>)
      } else {
      }
      %dma_wait3A_182 = arith.constant 0 : i32
      %dma_wait3A_183 = arith.constant 0 : i32
      %dma_wait3A_184 = tpu.memref_slice %arg9[%dma_wait3A_182, %dma_wait3A_183] : memref<40x128xi32, #tpu.memory_space<vmem>> -> memref<1x128xi32, #tpu.memory_space<vmem>>
      %dma_wait3A_185 = tpu.memref_squeeze %dma_wait3A_184 : memref<1x128xi32, #tpu.memory_space<vmem>> -> memref<128xi32, #tpu.memory_space<vmem>>
      %dma_wait3A_186 = arith.constant 0 : i32
      %dma_wait3A_187 = arith.constant 0 : i32
      %dma_wait3A_188 = tpu.memref_slice %arg2[%dma_wait3A_186, %dma_wait3A_187] : memref<20480x104xf32, #tpu.memory_space<hbm>> -> memref<20480x104xf32, #tpu.memory_space<hbm>>
      tpu.wait_indirect_dma semaphore(%arg17 : memref<!tpu.dma_semaphore, #tpu.memory_space<semaphore_mem>>) src(%dma_wait3A_188 : memref<20480x104xf32, #tpu.memory_space<hbm>>) dst(%arg13 : memref<128x104xf32, #tpu.memory_space<vmem>>)
      %add3A_189 = arith.constant 3 : i32
      %add3A_190 = arith.addi %mul3A_123, %add3A_189 : i32
      "tpu.region"() ({
        %run_scoped3A_191 = tpu.sem_alloc : memref<!tpu.dma_semaphore, #tpu.memory_space<semaphore_mem>>
        %dma_start3A_192 = arith.constant 0 : i32
        %dma_start3A_193 = tpu.memref_slice %arg8[%add3A_190, %dma_start3A_192] : memref<40x128xi32, #tpu.memory_space<vmem>> -> memref<1x128xi32, #tpu.memory_space<vmem>>
        %dma_start3A_194 = tpu.memref_squeeze %dma_start3A_193 : memref<1x128xi32, #tpu.memory_space<vmem>> -> memref<128xi32, #tpu.memory_space<vmem>>
        %dma_start3A_195 = arith.constant 0 : i32
        %dma_start3A_196 = arith.constant 0 : i32
        %dma_start3A_197 = tpu.memref_slice %arg7[%dma_start3A_195, %dma_start3A_196] : memref<10241x104xf32, #tpu.memory_space<vmem_shared>> -> memref<10241x104xf32, #tpu.memory_space<vmem_shared>>
        tpu.enqueue_indirect_dma source(%arg13 : memref<128x104xf32, #tpu.memory_space<vmem>>) target(%dma_start3A_197 : memref<10241x104xf32, #tpu.memory_space<vmem_shared>>) offsets(%dma_start3A_194 : memref<128xi32, #tpu.memory_space<vmem>>) semaphore(%run_scoped3A_191 : memref<!tpu.dma_semaphore, #tpu.memory_space<semaphore_mem>>) {add = true}
        %dma_wait3A_198 = arith.constant 0 : i32
        %dma_wait3A_199 = tpu.memref_slice %arg8[%add3A_190, %dma_wait3A_198] : memref<40x128xi32, #tpu.memory_space<vmem>> -> memref<1x128xi32, #tpu.memory_space<vmem>>
        %dma_wait3A_200 = tpu.memref_squeeze %dma_wait3A_199 : memref<1x128xi32, #tpu.memory_space<vmem>> -> memref<128xi32, #tpu.memory_space<vmem>>
        %dma_wait3A_201 = arith.constant 0 : i32
        %dma_wait3A_202 = arith.constant 0 : i32
        %dma_wait3A_203 = tpu.memref_slice %arg7[%dma_wait3A_201, %dma_wait3A_202] : memref<10241x104xf32, #tpu.memory_space<vmem_shared>> -> memref<10241x104xf32, #tpu.memory_space<vmem_shared>>
        tpu.wait_indirect_dma semaphore(%run_scoped3A_191 : memref<!tpu.dma_semaphore, #tpu.memory_space<semaphore_mem>>) src(%arg13 : memref<128x104xf32, #tpu.memory_space<vmem>>) dst(%dma_wait3A_203 : memref<10241x104xf32, #tpu.memory_space<vmem_shared>>)
        tpu.yield
      }) : () -> ()
    }
    %scan3A_84 = arith.constant 10 : i32
    %run_scoped3A_85 = arith.constant 3 : i32
    "tpu.region"() ({
      %run_scoped3A_121 = tpu.sem_alloc : memref<!tpu.dma_semaphore, #tpu.memory_space<semaphore_mem>>
      %dma_start3A_122 = arith.constant 0 : i32
      %dma_start3A_123 = arith.constant 0 : i32
      %dma_start3A_124 = tpu.memref_slice %arg3[%arg0, %arg1, %run_scoped3A_85, %dma_start3A_122, %dma_start3A_123] : memref<2x16x4x40x128xi32, #tpu.memory_space<hbm>> -> memref<1x1x1x40x128xi32, #tpu.memory_space<hbm>>
      %dma_start3A_125 = tpu.memref_squeeze %dma_start3A_124 : memref<1x1x1x40x128xi32, #tpu.memory_space<hbm>> -> memref<40x128xi32, #tpu.memory_space<hbm>>
      %dma_start3A_126 = arith.constant 0 : i32
      %dma_start3A_127 = arith.constant 0 : i32
      %dma_start3A_128 = tpu.memref_slice %arg3[%arg0, %arg1, %run_scoped3A_85, %dma_start3A_126, %dma_start3A_127] : memref<2x16x4x40x128xi32, #tpu.memory_space<hbm>> -> memref<1x1x1x40x128xi32, #tpu.memory_space<hbm>>
      %dma_start3A_129 = tpu.memref_squeeze %dma_start3A_128 : memref<1x1x1x40x128xi32, #tpu.memory_space<hbm>> -> memref<40x128xi32, #tpu.memory_space<hbm>>
      tpu.enqueue_dma source(%dma_start3A_129 : memref<40x128xi32, #tpu.memory_space<hbm>>) target(%arg9 : memref<40x128xi32, #tpu.memory_space<vmem>>) target_semaphore(%run_scoped3A_121 : memref<!tpu.dma_semaphore, #tpu.memory_space<semaphore_mem>>)
      %dma_wait3A = arith.constant 0 : i32
      %dma_wait3A_130 = arith.constant 0 : i32
      %dma_wait3A_131 = tpu.memref_slice %arg3[%arg0, %arg1, %run_scoped3A_85, %dma_wait3A, %dma_wait3A_130] : memref<2x16x4x40x128xi32, #tpu.memory_space<hbm>> -> memref<1x1x1x40x128xi32, #tpu.memory_space<hbm>>
      %dma_wait3A_132 = tpu.memref_squeeze %dma_wait3A_131 : memref<1x1x1x40x128xi32, #tpu.memory_space<hbm>> -> memref<40x128xi32, #tpu.memory_space<hbm>>
      %dma_wait3A_133 = arith.constant 0 : i32
      %dma_wait3A_134 = arith.constant 0 : i32
      %dma_wait3A_135 = tpu.memref_slice %arg3[%arg0, %arg1, %run_scoped3A_85, %dma_wait3A_133, %dma_wait3A_134] : memref<2x16x4x40x128xi32, #tpu.memory_space<hbm>> -> memref<1x1x1x40x128xi32, #tpu.memory_space<hbm>>
      %dma_wait3A_136 = tpu.memref_squeeze %dma_wait3A_135 : memref<1x1x1x40x128xi32, #tpu.memory_space<hbm>> -> memref<40x128xi32, #tpu.memory_space<hbm>>
      tpu.wait_dma2 semaphore(%run_scoped3A_121 : memref<!tpu.dma_semaphore, #tpu.memory_space<semaphore_mem>>) src(%dma_wait3A_136 : memref<40x128xi32, #tpu.memory_space<hbm>>) dst(%arg9 : memref<40x128xi32, #tpu.memory_space<vmem>>)
      tpu.yield
    }) : () -> ()
    %run_scoped3A_86 = arith.constant 3 : i32
    "tpu.region"() ({
      %run_scoped3A_121 = tpu.sem_alloc : memref<!tpu.dma_semaphore, #tpu.memory_space<semaphore_mem>>
      %dma_start3A_122 = arith.constant 0 : i32
      %dma_start3A_123 = arith.constant 0 : i32
      %dma_start3A_124 = tpu.memref_slice %arg4[%arg1, %run_scoped3A_86, %dma_start3A_122, %dma_start3A_123] : memref<16x4x40x128xi32, #tpu.memory_space<hbm>> -> memref<1x1x40x128xi32, #tpu.memory_space<hbm>>
      %dma_start3A_125 = tpu.memref_squeeze %dma_start3A_124 : memref<1x1x40x128xi32, #tpu.memory_space<hbm>> -> memref<40x128xi32, #tpu.memory_space<hbm>>
      %dma_start3A_126 = arith.constant 0 : i32
      %dma_start3A_127 = arith.constant 0 : i32
      %dma_start3A_128 = tpu.memref_slice %arg4[%arg1, %run_scoped3A_86, %dma_start3A_126, %dma_start3A_127] : memref<16x4x40x128xi32, #tpu.memory_space<hbm>> -> memref<1x1x40x128xi32, #tpu.memory_space<hbm>>
      %dma_start3A_129 = tpu.memref_squeeze %dma_start3A_128 : memref<1x1x40x128xi32, #tpu.memory_space<hbm>> -> memref<40x128xi32, #tpu.memory_space<hbm>>
      tpu.enqueue_dma source(%dma_start3A_129 : memref<40x128xi32, #tpu.memory_space<hbm>>) target(%arg8 : memref<40x128xi32, #tpu.memory_space<vmem>>) target_semaphore(%run_scoped3A_121 : memref<!tpu.dma_semaphore, #tpu.memory_space<semaphore_mem>>)
      %dma_wait3A = arith.constant 0 : i32
      %dma_wait3A_130 = arith.constant 0 : i32
      %dma_wait3A_131 = tpu.memref_slice %arg4[%arg1, %run_scoped3A_86, %dma_wait3A, %dma_wait3A_130] : memref<16x4x40x128xi32, #tpu.memory_space<hbm>> -> memref<1x1x40x128xi32, #tpu.memory_space<hbm>>
      %dma_wait3A_132 = tpu.memref_squeeze %dma_wait3A_131 : memref<1x1x40x128xi32, #tpu.memory_space<hbm>> -> memref<40x128xi32, #tpu.memory_space<hbm>>
      %dma_wait3A_133 = arith.constant 0 : i32
      %dma_wait3A_134 = arith.constant 0 : i32
      %dma_wait3A_135 = tpu.memref_slice %arg4[%arg1, %run_scoped3A_86, %dma_wait3A_133, %dma_wait3A_134] : memref<16x4x40x128xi32, #tpu.memory_space<hbm>> -> memref<1x1x40x128xi32, #tpu.memory_space<hbm>>
      %dma_wait3A_136 = tpu.memref_squeeze %dma_wait3A_135 : memref<1x1x40x128xi32, #tpu.memory_space<hbm>> -> memref<40x128xi32, #tpu.memory_space<hbm>>
      tpu.wait_dma2 semaphore(%run_scoped3A_121 : memref<!tpu.dma_semaphore, #tpu.memory_space<semaphore_mem>>) src(%dma_wait3A_136 : memref<40x128xi32, #tpu.memory_space<hbm>>) dst(%arg8 : memref<40x128xi32, #tpu.memory_space<vmem>>)
      tpu.yield
    }) : () -> ()
    %dma_start3A_87 = arith.constant 0 : i32
    %dma_start3A_88 = arith.constant 0 : i32
    %dma_start3A_89 = tpu.memref_slice %arg9[%dma_start3A_87, %dma_start3A_88] : memref<40x128xi32, #tpu.memory_space<vmem>> -> memref<1x128xi32, #tpu.memory_space<vmem>>
    %dma_start3A_90 = tpu.memref_squeeze %dma_start3A_89 : memref<1x128xi32, #tpu.memory_space<vmem>> -> memref<128xi32, #tpu.memory_space<vmem>>
    %dma_start3A_91 = arith.constant 0 : i32
    %dma_start3A_92 = arith.constant 0 : i32
    %dma_start3A_93 = tpu.memref_slice %arg2[%dma_start3A_91, %dma_start3A_92] : memref<20480x104xf32, #tpu.memory_space<hbm>> -> memref<20480x104xf32, #tpu.memory_space<hbm>>
    tpu.enqueue_indirect_dma source(%dma_start3A_93 : memref<20480x104xf32, #tpu.memory_space<hbm>>) target(%arg10 : memref<128x104xf32, #tpu.memory_space<vmem>>) offsets(%dma_start3A_90 : memref<128xi32, #tpu.memory_space<vmem>>) semaphore(%arg14 : memref<!tpu.dma_semaphore, #tpu.memory_space<semaphore_mem>>)
    %dma_start3A_94 = arith.constant 1 : i32
    %dma_start3A_95 = arith.constant 0 : i32
    %dma_start3A_96 = tpu.memref_slice %arg9[%dma_start3A_94, %dma_start3A_95] : memref<40x128xi32, #tpu.memory_space<vmem>> -> memref<1x128xi32, #tpu.memory_space<vmem>>
    %dma_start3A_97 = tpu.memref_squeeze %dma_start3A_96 : memref<1x128xi32, #tpu.memory_space<vmem>> -> memref<128xi32, #tpu.memory_space<vmem>>
    %dma_start3A_98 = arith.constant 0 : i32
    %dma_start3A_99 = arith.constant 0 : i32
    %dma_start3A_100 = tpu.memref_slice %arg2[%dma_start3A_98, %dma_start3A_99] : memref<20480x104xf32, #tpu.memory_space<hbm>> -> memref<20480x104xf32, #tpu.memory_space<hbm>>
    tpu.enqueue_indirect_dma source(%dma_start3A_100 : memref<20480x104xf32, #tpu.memory_space<hbm>>) target(%arg11 : memref<128x104xf32, #tpu.memory_space<vmem>>) offsets(%dma_start3A_97 : memref<128xi32, #tpu.memory_space<vmem>>) semaphore(%arg15 : memref<!tpu.dma_semaphore, #tpu.memory_space<semaphore_mem>>)
    %dma_start3A_101 = arith.constant 2 : i32
    %dma_start3A_102 = arith.constant 0 : i32
    %dma_start3A_103 = tpu.memref_slice %arg9[%dma_start3A_101, %dma_start3A_102] : memref<40x128xi32, #tpu.memory_space<vmem>> -> memref<1x128xi32, #tpu.memory_space<vmem>>
    %dma_start3A_104 = tpu.memref_squeeze %dma_start3A_103 : memref<1x128xi32, #tpu.memory_space<vmem>> -> memref<128xi32, #tpu.memory_space<vmem>>
    %dma_start3A_105 = arith.constant 0 : i32
    %dma_start3A_106 = arith.constant 0 : i32
    %dma_start3A_107 = tpu.memref_slice %arg2[%dma_start3A_105, %dma_start3A_106] : memref<20480x104xf32, #tpu.memory_space<hbm>> -> memref<20480x104xf32, #tpu.memory_space<hbm>>
    tpu.enqueue_indirect_dma source(%dma_start3A_107 : memref<20480x104xf32, #tpu.memory_space<hbm>>) target(%arg12 : memref<128x104xf32, #tpu.memory_space<vmem>>) offsets(%dma_start3A_104 : memref<128xi32, #tpu.memory_space<vmem>>) semaphore(%arg16 : memref<!tpu.dma_semaphore, #tpu.memory_space<semaphore_mem>>)
    %scan3A_108 = arith.constant 0 : i32
    %scan3A_109 = arith.constant 0 : i32
    %scan3A_110 = arith.constant 10 : i32
    %scan3A_111 = arith.addi %scan3A_109, %scan3A_110 : i32
    %scan3A_112 = arith.constant 1 : i32
    scf.for %scan3A_121 = %scan3A_109 to %scan3A_111 step %scan3A_112  : i32 {
      %mul3A_122 = arith.constant 4 : i32
      %mul3A_123 = arith.muli %mul3A_122, %scan3A_121 : i32
      %add3A = arith.constant 0 : i32
      %add3A_124 = arith.addi %mul3A_123, %add3A : i32
      %add3A_125 = arith.constant 3 : i32
      %add3A_126 = arith.addi %add3A_124, %add3A_125 : i32
      %lt3A = arith.constant 40 : i32
      %lt3A_127 = arith.cmpi slt, %add3A_126, %lt3A : i32
      %convert_element_type3A = arith.extui %lt3A_127 : i1 to i32
      %cond3A = arith.constant 0 : i32
      %cond3A_128 = arith.cmpi ne, %convert_element_type3A, %cond3A : i32
      scf.if %cond3A_128 {
        %dma_start3A_191 = arith.constant 0 : i32
        %dma_start3A_192 = tpu.memref_slice %arg9[%add3A_126, %dma_start3A_191] : memref<40x128xi32, #tpu.memory_space<vmem>> -> memref<1x128xi32, #tpu.memory_space<vmem>>
        %dma_start3A_193 = tpu.memref_squeeze %dma_start3A_192 : memref<1x128xi32, #tpu.memory_space<vmem>> -> memref<128xi32, #tpu.memory_space<vmem>>
        %dma_start3A_194 = arith.constant 0 : i32
        %dma_start3A_195 = arith.constant 0 : i32
        %dma_start3A_196 = tpu.memref_slice %arg2[%dma_start3A_194, %dma_start3A_195] : memref<20480x104xf32, #tpu.memory_space<hbm>> -> memref<20480x104xf32, #tpu.memory_space<hbm>>
        tpu.enqueue_indirect_dma source(%dma_start3A_196 : memref<20480x104xf32, #tpu.memory_space<hbm>>) target(%arg13 : memref<128x104xf32, #tpu.memory_space<vmem>>) offsets(%dma_start3A_193 : memref<128xi32, #tpu.memory_space<vmem>>) semaphore(%arg17 : memref<!tpu.dma_semaphore, #tpu.memory_space<semaphore_mem>>)
      } else {
      }
      %dma_wait3A = arith.constant 0 : i32
      %dma_wait3A_129 = arith.constant 0 : i32
      %dma_wait3A_130 = tpu.memref_slice %arg9[%dma_wait3A, %dma_wait3A_129] : memref<40x128xi32, #tpu.memory_space<vmem>> -> memref<1x128xi32, #tpu.memory_space<vmem>>
      %dma_wait3A_131 = tpu.memref_squeeze %dma_wait3A_130 : memref<1x128xi32, #tpu.memory_space<vmem>> -> memref<128xi32, #tpu.memory_space<vmem>>
      %dma_wait3A_132 = arith.constant 0 : i32
      %dma_wait3A_133 = arith.constant 0 : i32
      %dma_wait3A_134 = tpu.memref_slice %arg2[%dma_wait3A_132, %dma_wait3A_133] : memref<20480x104xf32, #tpu.memory_space<hbm>> -> memref<20480x104xf32, #tpu.memory_space<hbm>>
      tpu.wait_indirect_dma semaphore(%arg14 : memref<!tpu.dma_semaphore, #tpu.memory_space<semaphore_mem>>) src(%dma_wait3A_134 : memref<20480x104xf32, #tpu.memory_space<hbm>>) dst(%arg10 : memref<128x104xf32, #tpu.memory_space<vmem>>)
      %add3A_135 = arith.constant 0 : i32
      %add3A_136 = arith.addi %mul3A_123, %add3A_135 : i32
      "tpu.region"() ({
        %run_scoped3A_191 = tpu.sem_alloc : memref<!tpu.dma_semaphore, #tpu.memory_space<semaphore_mem>>
        %dma_start3A_192 = arith.constant 0 : i32
        %dma_start3A_193 = tpu.memref_slice %arg8[%add3A_136, %dma_start3A_192] : memref<40x128xi32, #tpu.memory_space<vmem>> -> memref<1x128xi32, #tpu.memory_space<vmem>>
        %dma_start3A_194 = tpu.memref_squeeze %dma_start3A_193 : memref<1x128xi32, #tpu.memory_space<vmem>> -> memref<128xi32, #tpu.memory_space<vmem>>
        %dma_start3A_195 = arith.constant 0 : i32
        %dma_start3A_196 = arith.constant 0 : i32
        %dma_start3A_197 = tpu.memref_slice %arg7[%dma_start3A_195, %dma_start3A_196] : memref<10241x104xf32, #tpu.memory_space<vmem_shared>> -> memref<10241x104xf32, #tpu.memory_space<vmem_shared>>
        tpu.enqueue_indirect_dma source(%arg10 : memref<128x104xf32, #tpu.memory_space<vmem>>) target(%dma_start3A_197 : memref<10241x104xf32, #tpu.memory_space<vmem_shared>>) offsets(%dma_start3A_194 : memref<128xi32, #tpu.memory_space<vmem>>) semaphore(%run_scoped3A_191 : memref<!tpu.dma_semaphore, #tpu.memory_space<semaphore_mem>>) {add = true}
        %dma_wait3A_198 = arith.constant 0 : i32
        %dma_wait3A_199 = tpu.memref_slice %arg8[%add3A_136, %dma_wait3A_198] : memref<40x128xi32, #tpu.memory_space<vmem>> -> memref<1x128xi32, #tpu.memory_space<vmem>>
        %dma_wait3A_200 = tpu.memref_squeeze %dma_wait3A_199 : memref<1x128xi32, #tpu.memory_space<vmem>> -> memref<128xi32, #tpu.memory_space<vmem>>
        %dma_wait3A_201 = arith.constant 0 : i32
        %dma_wait3A_202 = arith.constant 0 : i32
        %dma_wait3A_203 = tpu.memref_slice %arg7[%dma_wait3A_201, %dma_wait3A_202] : memref<10241x104xf32, #tpu.memory_space<vmem_shared>> -> memref<10241x104xf32, #tpu.memory_space<vmem_shared>>
        tpu.wait_indirect_dma semaphore(%run_scoped3A_191 : memref<!tpu.dma_semaphore, #tpu.memory_space<semaphore_mem>>) src(%arg10 : memref<128x104xf32, #tpu.memory_space<vmem>>) dst(%dma_wait3A_203 : memref<10241x104xf32, #tpu.memory_space<vmem_shared>>)
        tpu.yield
      }) : () -> ()
      %add3A_137 = arith.constant 1 : i32
      %add3A_138 = arith.addi %mul3A_123, %add3A_137 : i32
      %add3A_139 = arith.constant 3 : i32
      %add3A_140 = arith.addi %add3A_138, %add3A_139 : i32
      %lt3A_141 = arith.constant 40 : i32
      %lt3A_142 = arith.cmpi slt, %add3A_140, %lt3A_141 : i32
      %convert_element_type3A_143 = arith.extui %lt3A_142 : i1 to i32
      %cond3A_144 = arith.constant 0 : i32
      %cond3A_145 = arith.cmpi ne, %convert_element_type3A_143, %cond3A_144 : i32
      scf.if %cond3A_145 {
        %dma_start3A_191 = arith.constant 0 : i32
        %dma_start3A_192 = tpu.memref_slice %arg9[%add3A_140, %dma_start3A_191] : memref<40x128xi32, #tpu.memory_space<vmem>> -> memref<1x128xi32, #tpu.memory_space<vmem>>
        %dma_start3A_193 = tpu.memref_squeeze %dma_start3A_192 : memref<1x128xi32, #tpu.memory_space<vmem>> -> memref<128xi32, #tpu.memory_space<vmem>>
        %dma_start3A_194 = arith.constant 0 : i32
        %dma_start3A_195 = arith.constant 0 : i32
        %dma_start3A_196 = tpu.memref_slice %arg2[%dma_start3A_194, %dma_start3A_195] : memref<20480x104xf32, #tpu.memory_space<hbm>> -> memref<20480x104xf32, #tpu.memory_space<hbm>>
        tpu.enqueue_indirect_dma source(%dma_start3A_196 : memref<20480x104xf32, #tpu.memory_space<hbm>>) target(%arg10 : memref<128x104xf32, #tpu.memory_space<vmem>>) offsets(%dma_start3A_193 : memref<128xi32, #tpu.memory_space<vmem>>) semaphore(%arg14 : memref<!tpu.dma_semaphore, #tpu.memory_space<semaphore_mem>>)
      } else {
      }
      %dma_wait3A_146 = arith.constant 0 : i32
      %dma_wait3A_147 = arith.constant 0 : i32
      %dma_wait3A_148 = tpu.memref_slice %arg9[%dma_wait3A_146, %dma_wait3A_147] : memref<40x128xi32, #tpu.memory_space<vmem>> -> memref<1x128xi32, #tpu.memory_space<vmem>>
      %dma_wait3A_149 = tpu.memref_squeeze %dma_wait3A_148 : memref<1x128xi32, #tpu.memory_space<vmem>> -> memref<128xi32, #tpu.memory_space<vmem>>
      %dma_wait3A_150 = arith.constant 0 : i32
      %dma_wait3A_151 = arith.constant 0 : i32
      %dma_wait3A_152 = tpu.memref_slice %arg2[%dma_wait3A_150, %dma_wait3A_151] : memref<20480x104xf32, #tpu.memory_space<hbm>> -> memref<20480x104xf32, #tpu.memory_space<hbm>>
      tpu.wait_indirect_dma semaphore(%arg15 : memref<!tpu.dma_semaphore, #tpu.memory_space<semaphore_mem>>) src(%dma_wait3A_152 : memref<20480x104xf32, #tpu.memory_space<hbm>>) dst(%arg11 : memref<128x104xf32, #tpu.memory_space<vmem>>)
      %add3A_153 = arith.constant 1 : i32
      %add3A_154 = arith.addi %mul3A_123, %add3A_153 : i32
      "tpu.region"() ({
        %run_scoped3A_191 = tpu.sem_alloc : memref<!tpu.dma_semaphore, #tpu.memory_space<semaphore_mem>>
        %dma_start3A_192 = arith.constant 0 : i32
        %dma_start3A_193 = tpu.memref_slice %arg8[%add3A_154, %dma_start3A_192] : memref<40x128xi32, #tpu.memory_space<vmem>> -> memref<1x128xi32, #tpu.memory_space<vmem>>
        %dma_start3A_194 = tpu.memref_squeeze %dma_start3A_193 : memref<1x128xi32, #tpu.memory_space<vmem>> -> memref<128xi32, #tpu.memory_space<vmem>>
        %dma_start3A_195 = arith.constant 0 : i32
        %dma_start3A_196 = arith.constant 0 : i32
        %dma_start3A_197 = tpu.memref_slice %arg7[%dma_start3A_195, %dma_start3A_196] : memref<10241x104xf32, #tpu.memory_space<vmem_shared>> -> memref<10241x104xf32, #tpu.memory_space<vmem_shared>>
        tpu.enqueue_indirect_dma source(%arg11 : memref<128x104xf32, #tpu.memory_space<vmem>>) target(%dma_start3A_197 : memref<10241x104xf32, #tpu.memory_space<vmem_shared>>) offsets(%dma_start3A_194 : memref<128xi32, #tpu.memory_space<vmem>>) semaphore(%run_scoped3A_191 : memref<!tpu.dma_semaphore, #tpu.memory_space<semaphore_mem>>) {add = true}
        %dma_wait3A_198 = arith.constant 0 : i32
        %dma_wait3A_199 = tpu.memref_slice %arg8[%add3A_154, %dma_wait3A_198] : memref<40x128xi32, #tpu.memory_space<vmem>> -> memref<1x128xi32, #tpu.memory_space<vmem>>
        %dma_wait3A_200 = tpu.memref_squeeze %dma_wait3A_199 : memref<1x128xi32, #tpu.memory_space<vmem>> -> memref<128xi32, #tpu.memory_space<vmem>>
        %dma_wait3A_201 = arith.constant 0 : i32
        %dma_wait3A_202 = arith.constant 0 : i32
        %dma_wait3A_203 = tpu.memref_slice %arg7[%dma_wait3A_201, %dma_wait3A_202] : memref<10241x104xf32, #tpu.memory_space<vmem_shared>> -> memref<10241x104xf32, #tpu.memory_space<vmem_shared>>
        tpu.wait_indirect_dma semaphore(%run_scoped3A_191 : memref<!tpu.dma_semaphore, #tpu.memory_space<semaphore_mem>>) src(%arg11 : memref<128x104xf32, #tpu.memory_space<vmem>>) dst(%dma_wait3A_203 : memref<10241x104xf32, #tpu.memory_space<vmem_shared>>)
        tpu.yield
      }) : () -> ()
      %add3A_155 = arith.constant 2 : i32
      %add3A_156 = arith.addi %mul3A_123, %add3A_155 : i32
      %add3A_157 = arith.constant 3 : i32
      %add3A_158 = arith.addi %add3A_156, %add3A_157 : i32
      %lt3A_159 = arith.constant 40 : i32
      %lt3A_160 = arith.cmpi slt, %add3A_158, %lt3A_159 : i32
      %convert_element_type3A_161 = arith.extui %lt3A_160 : i1 to i32
      %cond3A_162 = arith.constant 0 : i32
      %cond3A_163 = arith.cmpi ne, %convert_element_type3A_161, %cond3A_162 : i32
      scf.if %cond3A_163 {
        %dma_start3A_191 = arith.constant 0 : i32
        %dma_start3A_192 = tpu.memref_slice %arg9[%add3A_158, %dma_start3A_191] : memref<40x128xi32, #tpu.memory_space<vmem>> -> memref<1x128xi32, #tpu.memory_space<vmem>>
        %dma_start3A_193 = tpu.memref_squeeze %dma_start3A_192 : memref<1x128xi32, #tpu.memory_space<vmem>> -> memref<128xi32, #tpu.memory_space<vmem>>
        %dma_start3A_194 = arith.constant 0 : i32
        %dma_start3A_195 = arith.constant 0 : i32
        %dma_start3A_196 = tpu.memref_slice %arg2[%dma_start3A_194, %dma_start3A_195] : memref<20480x104xf32, #tpu.memory_space<hbm>> -> memref<20480x104xf32, #tpu.memory_space<hbm>>
        tpu.enqueue_indirect_dma source(%dma_start3A_196 : memref<20480x104xf32, #tpu.memory_space<hbm>>) target(%arg11 : memref<128x104xf32, #tpu.memory_space<vmem>>) offsets(%dma_start3A_193 : memref<128xi32, #tpu.memory_space<vmem>>) semaphore(%arg15 : memref<!tpu.dma_semaphore, #tpu.memory_space<semaphore_mem>>)
      } else {
      }
      %dma_wait3A_164 = arith.constant 0 : i32
      %dma_wait3A_165 = arith.constant 0 : i32
      %dma_wait3A_166 = tpu.memref_slice %arg9[%dma_wait3A_164, %dma_wait3A_165] : memref<40x128xi32, #tpu.memory_space<vmem>> -> memref<1x128xi32, #tpu.memory_space<vmem>>
      %dma_wait3A_167 = tpu.memref_squeeze %dma_wait3A_166 : memref<1x128xi32, #tpu.memory_space<vmem>> -> memref<128xi32, #tpu.memory_space<vmem>>
      %dma_wait3A_168 = arith.constant 0 : i32
      %dma_wait3A_169 = arith.constant 0 : i32
      %dma_wait3A_170 = tpu.memref_slice %arg2[%dma_wait3A_168, %dma_wait3A_169] : memref<20480x104xf32, #tpu.memory_space<hbm>> -> memref<20480x104xf32, #tpu.memory_space<hbm>>
      tpu.wait_indirect_dma semaphore(%arg16 : memref<!tpu.dma_semaphore, #tpu.memory_space<semaphore_mem>>) src(%dma_wait3A_170 : memref<20480x104xf32, #tpu.memory_space<hbm>>) dst(%arg12 : memref<128x104xf32, #tpu.memory_space<vmem>>)
      %add3A_171 = arith.constant 2 : i32
      %add3A_172 = arith.addi %mul3A_123, %add3A_171 : i32
      "tpu.region"() ({
        %run_scoped3A_191 = tpu.sem_alloc : memref<!tpu.dma_semaphore, #tpu.memory_space<semaphore_mem>>
        %dma_start3A_192 = arith.constant 0 : i32
        %dma_start3A_193 = tpu.memref_slice %arg8[%add3A_172, %dma_start3A_192] : memref<40x128xi32, #tpu.memory_space<vmem>> -> memref<1x128xi32, #tpu.memory_space<vmem>>
        %dma_start3A_194 = tpu.memref_squeeze %dma_start3A_193 : memref<1x128xi32, #tpu.memory_space<vmem>> -> memref<128xi32, #tpu.memory_space<vmem>>
        %dma_start3A_195 = arith.constant 0 : i32
        %dma_start3A_196 = arith.constant 0 : i32
        %dma_start3A_197 = tpu.memref_slice %arg7[%dma_start3A_195, %dma_start3A_196] : memref<10241x104xf32, #tpu.memory_space<vmem_shared>> -> memref<10241x104xf32, #tpu.memory_space<vmem_shared>>
        tpu.enqueue_indirect_dma source(%arg12 : memref<128x104xf32, #tpu.memory_space<vmem>>) target(%dma_start3A_197 : memref<10241x104xf32, #tpu.memory_space<vmem_shared>>) offsets(%dma_start3A_194 : memref<128xi32, #tpu.memory_space<vmem>>) semaphore(%run_scoped3A_191 : memref<!tpu.dma_semaphore, #tpu.memory_space<semaphore_mem>>) {add = true}
        %dma_wait3A_198 = arith.constant 0 : i32
        %dma_wait3A_199 = tpu.memref_slice %arg8[%add3A_172, %dma_wait3A_198] : memref<40x128xi32, #tpu.memory_space<vmem>> -> memref<1x128xi32, #tpu.memory_space<vmem>>
        %dma_wait3A_200 = tpu.memref_squeeze %dma_wait3A_199 : memref<1x128xi32, #tpu.memory_space<vmem>> -> memref<128xi32, #tpu.memory_space<vmem>>
        %dma_wait3A_201 = arith.constant 0 : i32
        %dma_wait3A_202 = arith.constant 0 : i32
        %dma_wait3A_203 = tpu.memref_slice %arg7[%dma_wait3A_201, %dma_wait3A_202] : memref<10241x104xf32, #tpu.memory_space<vmem_shared>> -> memref<10241x104xf32, #tpu.memory_space<vmem_shared>>
        tpu.wait_indirect_dma semaphore(%run_scoped3A_191 : memref<!tpu.dma_semaphore, #tpu.memory_space<semaphore_mem>>) src(%arg12 : memref<128x104xf32, #tpu.memory_space<vmem>>) dst(%dma_wait3A_203 : memref<10241x104xf32, #tpu.memory_space<vmem_shared>>)
        tpu.yield
      }) : () -> ()
      %add3A_173 = arith.constant 3 : i32
      %add3A_174 = arith.addi %mul3A_123, %add3A_173 : i32
      %add3A_175 = arith.constant 3 : i32
      %add3A_176 = arith.addi %add3A_174, %add3A_175 : i32
      %lt3A_177 = arith.constant 40 : i32
      %lt3A_178 = arith.cmpi slt, %add3A_176, %lt3A_177 : i32
      %convert_element_type3A_179 = arith.extui %lt3A_178 : i1 to i32
      %cond3A_180 = arith.constant 0 : i32
      %cond3A_181 = arith.cmpi ne, %convert_element_type3A_179, %cond3A_180 : i32
      scf.if %cond3A_181 {
        %dma_start3A_191 = arith.constant 0 : i32
        %dma_start3A_192 = tpu.memref_slice %arg9[%add3A_176, %dma_start3A_191] : memref<40x128xi32, #tpu.memory_space<vmem>> -> memref<1x128xi32, #tpu.memory_space<vmem>>
        %dma_start3A_193 = tpu.memref_squeeze %dma_start3A_192 : memref<1x128xi32, #tpu.memory_space<vmem>> -> memref<128xi32, #tpu.memory_space<vmem>>
        %dma_start3A_194 = arith.constant 0 : i32
        %dma_start3A_195 = arith.constant 0 : i32
        %dma_start3A_196 = tpu.memref_slice %arg2[%dma_start3A_194, %dma_start3A_195] : memref<20480x104xf32, #tpu.memory_space<hbm>> -> memref<20480x104xf32, #tpu.memory_space<hbm>>
        tpu.enqueue_indirect_dma source(%dma_start3A_196 : memref<20480x104xf32, #tpu.memory_space<hbm>>) target(%arg12 : memref<128x104xf32, #tpu.memory_space<vmem>>) offsets(%dma_start3A_193 : memref<128xi32, #tpu.memory_space<vmem>>) semaphore(%arg16 : memref<!tpu.dma_semaphore, #tpu.memory_space<semaphore_mem>>)
      } else {
      }
      %dma_wait3A_182 = arith.constant 0 : i32
      %dma_wait3A_183 = arith.constant 0 : i32
      %dma_wait3A_184 = tpu.memref_slice %arg9[%dma_wait3A_182, %dma_wait3A_183] : memref<40x128xi32, #tpu.memory_space<vmem>> -> memref<1x128xi32, #tpu.memory_space<vmem>>
      %dma_wait3A_185 = tpu.memref_squeeze %dma_wait3A_184 : memref<1x128xi32, #tpu.memory_space<vmem>> -> memref<128xi32, #tpu.memory_space<vmem>>
      %dma_wait3A_186 = arith.constant 0 : i32
      %dma_wait3A_187 = arith.constant 0 : i32
      %dma_wait3A_188 = tpu.memref_slice %arg2[%dma_wait3A_186, %dma_wait3A_187] : memref<20480x104xf32, #tpu.memory_space<hbm>> -> memref<20480x104xf32, #tpu.memory_space<hbm>>
      tpu.wait_indirect_dma semaphore(%arg17 : memref<!tpu.dma_semaphore, #tpu.memory_space<semaphore_mem>>) src(%dma_wait3A_188 : memref<20480x104xf32, #tpu.memory_space<hbm>>) dst(%arg13 : memref<128x104xf32, #tpu.memory_space<vmem>>)
      %add3A_189 = arith.constant 3 : i32
      %add3A_190 = arith.addi %mul3A_123, %add3A_189 : i32
      "tpu.region"() ({
        %run_scoped3A_191 = tpu.sem_alloc : memref<!tpu.dma_semaphore, #tpu.memory_space<semaphore_mem>>
        %dma_start3A_192 = arith.constant 0 : i32
        %dma_start3A_193 = tpu.memref_slice %arg8[%add3A_190, %dma_start3A_192] : memref<40x128xi32, #tpu.memory_space<vmem>> -> memref<1x128xi32, #tpu.memory_space<vmem>>
        %dma_start3A_194 = tpu.memref_squeeze %dma_start3A_193 : memref<1x128xi32, #tpu.memory_space<vmem>> -> memref<128xi32, #tpu.memory_space<vmem>>
        %dma_start3A_195 = arith.constant 0 : i32
        %dma_start3A_196 = arith.constant 0 : i32
        %dma_start3A_197 = tpu.memref_slice %arg7[%dma_start3A_195, %dma_start3A_196] : memref<10241x104xf32, #tpu.memory_space<vmem_shared>> -> memref<10241x104xf32, #tpu.memory_space<vmem_shared>>
        tpu.enqueue_indirect_dma source(%arg13 : memref<128x104xf32, #tpu.memory_space<vmem>>) target(%dma_start3A_197 : memref<10241x104xf32, #tpu.memory_space<vmem_shared>>) offsets(%dma_start3A_194 : memref<128xi32, #tpu.memory_space<vmem>>) semaphore(%run_scoped3A_191 : memref<!tpu.dma_semaphore, #tpu.memory_space<semaphore_mem>>) {add = true}
        %dma_wait3A_198 = arith.constant 0 : i32
        %dma_wait3A_199 = tpu.memref_slice %arg8[%add3A_190, %dma_wait3A_198] : memref<40x128xi32, #tpu.memory_space<vmem>> -> memref<1x128xi32, #tpu.memory_space<vmem>>
        %dma_wait3A_200 = tpu.memref_squeeze %dma_wait3A_199 : memref<1x128xi32, #tpu.memory_space<vmem>> -> memref<128xi32, #tpu.memory_space<vmem>>
        %dma_wait3A_201 = arith.constant 0 : i32
        %dma_wait3A_202 = arith.constant 0 : i32
        %dma_wait3A_203 = tpu.memref_slice %arg7[%dma_wait3A_201, %dma_wait3A_202] : memref<10241x104xf32, #tpu.memory_space<vmem_shared>> -> memref<10241x104xf32, #tpu.memory_space<vmem_shared>>
        tpu.wait_indirect_dma semaphore(%run_scoped3A_191 : memref<!tpu.dma_semaphore, #tpu.memory_space<semaphore_mem>>) src(%arg13 : memref<128x104xf32, #tpu.memory_space<vmem>>) dst(%dma_wait3A_203 : memref<10241x104xf32, #tpu.memory_space<vmem_shared>>)
        tpu.yield
      }) : () -> ()
    }
    %scan3A_113 = arith.constant 10 : i32
    %barrier3A_114 = arith.constant 0 : index
    tpu.barrier barrier_id(%barrier3A_114)
    %mul3A_115 = arith.constant 640 : i32
    %mul3A_116 = arith.muli %arg1, %mul3A_115 : i32
    %mul3A_117 = arith.constant 640 : i32
    %mul3A_118 = arith.muli %arg1, %mul3A_117 : i32
    %mul3A_119 = arith.constant 104 : i32
    %mul3A_120 = arith.muli %arg0, %mul3A_119 : i32
    "tpu.region"() ({
      %run_scoped3A_121 = tpu.sem_alloc : memref<!tpu.dma_semaphore, #tpu.memory_space<semaphore_mem>>
      %dma_start3A_122 = tpu.memref_slice %arg6[%mul3A_118, %mul3A_120] : memref<10240x208xf32, #tpu.memory_space<hbm>> -> memref<640x104xf32, #tpu.memory_space<hbm>>
      %dma_start3A_123 = arith.constant 0 : i32
      %dma_start3A_124 = tpu.memref_slice %arg7[%mul3A_116, %dma_start3A_123] : memref<10241x104xf32, #tpu.memory_space<vmem_shared>> -> memref<640x104xf32, #tpu.memory_space<vmem_shared>>
      tpu.enqueue_dma source(%dma_start3A_124 : memref<640x104xf32, #tpu.memory_space<vmem_shared>>) target(%dma_start3A_122 : memref<640x104xf32, #tpu.memory_space<hbm>>) target_semaphore(%run_scoped3A_121 : memref<!tpu.dma_semaphore, #tpu.memory_space<semaphore_mem>>)
      %dma_wait3A = tpu.memref_slice %arg6[%mul3A_118, %mul3A_120] : memref<10240x208xf32, #tpu.memory_space<hbm>> -> memref<640x104xf32, #tpu.memory_space<hbm>>
      %dma_wait3A_125 = arith.constant 0 : i32
      %dma_wait3A_126 = tpu.memref_slice %arg7[%mul3A_116, %dma_wait3A_125] : memref<10241x104xf32, #tpu.memory_space<vmem_shared>> -> memref<640x104xf32, #tpu.memory_space<vmem_shared>>
      tpu.wait_dma2 semaphore(%run_scoped3A_121 : memref<!tpu.dma_semaphore, #tpu.memory_space<semaphore_mem>>) src(%dma_wait3A_126 : memref<640x104xf32, #tpu.memory_space<vmem_shared>>) dst(%dma_wait3A : memref<640x104xf32, #tpu.memory_space<hbm>>)
      tpu.yield
    }) : () -> ()
    return
  }
}

#map = affine_map<(d0, d1) -> (0, 0)>
#map1 = affine_map<(d0, d1) -> (0, 0, 0, 0, 0)>
#map2 = affine_map<(d0, d1) -> (0, 0, 0, 0)>
module attributes {stable_mosaic.version = 14 : i64} {
  func.func @_segment_sum_sc(%arg0: i32, %arg1: i32, %arg2: memref<20480x104xf32, #tpu.memory_space<hbm>>, %arg3: memref<2x16x4x40x128xi32, #tpu.memory_space<hbm>>, %arg4: memref<16x4x40x128xi32, #tpu.memory_space<hbm>>, %arg5: memref<640x104xf32, #tpu.memory_space<hbm>>, %arg6: memref<10240x208xf32, #tpu.memory_space<hbm>>, %arg7: memref<10241x104xf32, #tpu.memory_space<vmem_shared>>, %arg8: memref<40x128xi32, #tpu.memory_space<vmem>>, %arg9: memref<40x128xi32, #tpu.memory_space<vmem>>, %arg10: memref<128x104xf32, #tpu.memory_space<vmem>>, %arg11: memref<128x104xf32, #tpu.memory_space<vmem>>, %arg12: memref<128x104xf32, #tpu.memory_space<vmem>>, %arg13: memref<128x104xf32, #tpu.memory_space<vmem>>, %arg14: memref<!tpu.dma_semaphore, #tpu.memory_space<semaphore_mem>>, %arg15: memref<!tpu.dma_semaphore, #tpu.memory_space<semaphore_mem>>, %arg16: memref<!tpu.dma_semaphore, #tpu.memory_space<semaphore_mem>>, %arg17: memref<!tpu.dma_semaphore, #tpu.memory_space<semaphore_mem>>) attributes {dimension_semantics = [#tpu.dimension_semantics<core_parallel>, #tpu.dimension_semantics<subcore_parallel>], iteration_bounds = array<i64: 2, 16>, scalar_prefetch = 0 : i64, scratch_operands = 11 : i64, tpu.core_type = #tpu.core_type<sc_vector_subcore>, window_params = [{transform_indices = #map}, {transform_indices = #map1}, {transform_indices = #map2}, {transform_indices = #map}, {transform_indices = #map}]} {
    %mul3A = arith.constant 640 : i32
    %mul3A_0 = arith.muli %arg1, %mul3A : i32
    "tpu.region"() ({
      %run_scoped3A_121 = tpu.sem_alloc : memref<!tpu.dma_semaphore, #tpu.memory_space<semaphore_mem>>
      %dma_start3A_122 = arith.constant 0 : i32
      %dma_start3A_123 = tpu.memref_slice %arg7[%mul3A_0, %dma_start3A_122] : memref<10241x104xf32, #tpu.memory_space<vmem_shared>> -> memref<640x104xf32, #tpu.memory_space<vmem_shared>>
      tpu.enqueue_dma source(%arg5 : memref<640x104xf32, #tpu.memory_space<hbm>>) target(%dma_start3A_123 : memref<640x104xf32, #tpu.memory_space<vmem_shared>>) target_semaphore(%run_scoped3A_121 : memref<!tpu.dma_semaphore, #tpu.memory_space<semaphore_mem>>)
      %dma_wait3A = arith.constant 0 : i32
      %dma_wait3A_124 = tpu.memref_slice %arg7[%mul3A_0, %dma_wait3A] : memref<10241x104xf32, #tpu.memory_space<vmem_shared>> -> memref<640x104xf32, #tpu.memory_space<vmem_shared>>
      tpu.wait_dma2 semaphore(%run_scoped3A_121 : memref<!tpu.dma_semaphore, #tpu.memory_space<semaphore_mem>>) src(%arg5 : memref<640x104xf32, #tpu.memory_space<hbm>>) dst(%dma_wait3A_124 : memref<640x104xf32, #tpu.memory_space<vmem_shared>>)
      tpu.yield
    }) : () -> ()
    %barrier3A = arith.constant 0 : index
    tpu.barrier barrier_id(%barrier3A)
    %run_scoped3A = arith.constant 0 : i32
    "tpu.region"() ({
      %run_scoped3A_121 = tpu.sem_alloc : memref<!tpu.dma_semaphore, #tpu.memory_space<semaphore_mem>>
      %dma_start3A_122 = arith.constant 0 : i32
      %dma_start3A_123 = arith.constant 0 : i32
      %dma_start3A_124 = tpu.memref_slice %arg3[%arg0, %arg1, %run_scoped3A, %dma_start3A_122, %dma_start3A_123] : memref<2x16x4x40x128xi32, #tpu.memory_space<hbm>> -> memref<1x1x1x40x128xi32, #tpu.memory_space<hbm>>
      %dma_start3A_125 = tpu.memref_squeeze %dma_start3A_124 : memref<1x1x1x40x128xi32, #tpu.memory_space<hbm>> -> memref<40x128xi32, #tpu.memory_space<hbm>>
      %dma_start3A_126 = arith.constant 0 : i32
      %dma_start3A_127 = arith.constant 0 : i32
      %dma_start3A_128 = tpu.memref_slice %arg3[%arg0, %arg1, %run_scoped3A, %dma_start3A_126, %dma_start3A_127] : memref<2x16x4x40x128xi32, #tpu.memory_space<hbm>> -> memref<1x1x1x40x128xi32, #tpu.memory_space<hbm>>
      %dma_start3A_129 = tpu.memref_squeeze %dma_start3A_128 : memref<1x1x1x40x128xi32, #tpu.memory_space<hbm>> -> memref<40x128xi32, #tpu.memory_space<hbm>>
      tpu.enqueue_dma source(%dma_start3A_129 : memref<40x128xi32, #tpu.memory_space<hbm>>) target(%arg9 : memref<40x128xi32, #tpu.memory_space<vmem>>) target_semaphore(%run_scoped3A_121 : memref<!tpu.dma_semaphore, #tpu.memory_space<semaphore_mem>>)
      %dma_wait3A = arith.constant 0 : i32
      %dma_wait3A_130 = arith.constant 0 : i32
      %dma_wait3A_131 = tpu.memref_slice %arg3[%arg0, %arg1, %run_scoped3A, %dma_wait3A, %dma_wait3A_130] : memref<2x16x4x40x128xi32, #tpu.memory_space<hbm>> -> memref<1x1x1x40x128xi32, #tpu.memory_space<hbm>>
      %dma_wait3A_132 = tpu.memref_squeeze %dma_wait3A_131 : memref<1x1x1x40x128xi32, #tpu.memory_space<hbm>> -> memref<40x128xi32, #tpu.memory_space<hbm>>
      %dma_wait3A_133 = arith.constant 0 : i32
      %dma_wait3A_134 = arith.constant 0 : i32
      %dma_wait3A_135 = tpu.memref_slice %arg3[%arg0, %arg1, %run_scoped3A, %dma_wait3A_133, %dma_wait3A_134] : memref<2x16x4x40x128xi32, #tpu.memory_space<hbm>> -> memref<1x1x1x40x128xi32, #tpu.memory_space<hbm>>
      %dma_wait3A_136 = tpu.memref_squeeze %dma_wait3A_135 : memref<1x1x1x40x128xi32, #tpu.memory_space<hbm>> -> memref<40x128xi32, #tpu.memory_space<hbm>>
      tpu.wait_dma2 semaphore(%run_scoped3A_121 : memref<!tpu.dma_semaphore, #tpu.memory_space<semaphore_mem>>) src(%dma_wait3A_136 : memref<40x128xi32, #tpu.memory_space<hbm>>) dst(%arg9 : memref<40x128xi32, #tpu.memory_space<vmem>>)
      tpu.yield
    }) : () -> ()
    %run_scoped3A_1 = arith.constant 0 : i32
    "tpu.region"() ({
      %run_scoped3A_121 = tpu.sem_alloc : memref<!tpu.dma_semaphore, #tpu.memory_space<semaphore_mem>>
      %dma_start3A_122 = arith.constant 0 : i32
      %dma_start3A_123 = arith.constant 0 : i32
      %dma_start3A_124 = tpu.memref_slice %arg4[%arg1, %run_scoped3A_1, %dma_start3A_122, %dma_start3A_123] : memref<16x4x40x128xi32, #tpu.memory_space<hbm>> -> memref<1x1x40x128xi32, #tpu.memory_space<hbm>>
      %dma_start3A_125 = tpu.memref_squeeze %dma_start3A_124 : memref<1x1x40x128xi32, #tpu.memory_space<hbm>> -> memref<40x128xi32, #tpu.memory_space<hbm>>
      %dma_start3A_126 = arith.constant 0 : i32
      %dma_start3A_127 = arith.constant 0 : i32
      %dma_start3A_128 = tpu.memref_slice %arg4[%arg1, %run_scoped3A_1, %dma_start3A_126, %dma_start3A_127] : memref<16x4x40x128xi32, #tpu.memory_space<hbm>> -> memref<1x1x40x128xi32, #tpu.memory_space<hbm>>
      %dma_start3A_129 = tpu.memref_squeeze %dma_start3A_128 : memref<1x1x40x128xi32, #tpu.memory_space<hbm>> -> memref<40x128xi32, #tpu.memory_space<hbm>>
      tpu.enqueue_dma source(%dma_start3A_129 : memref<40x128xi32, #tpu.memory_space<hbm>>) target(%arg8 : memref<40x128xi32, #tpu.memory_space<vmem>>) target_semaphore(%run_scoped3A_121 : memref<!tpu.dma_semaphore, #tpu.memory_space<semaphore_mem>>)
      %dma_wait3A = arith.constant 0 : i32
      %dma_wait3A_130 = arith.constant 0 : i32
      %dma_wait3A_131 = tpu.memref_slice %arg4[%arg1, %run_scoped3A_1, %dma_wait3A, %dma_wait3A_130] : memref<16x4x40x128xi32, #tpu.memory_space<hbm>> -> memref<1x1x40x128xi32, #tpu.memory_space<hbm>>
      %dma_wait3A_132 = tpu.memref_squeeze %dma_wait3A_131 : memref<1x1x40x128xi32, #tpu.memory_space<hbm>> -> memref<40x128xi32, #tpu.memory_space<hbm>>
      %dma_wait3A_133 = arith.constant 0 : i32
      %dma_wait3A_134 = arith.constant 0 : i32
      %dma_wait3A_135 = tpu.memref_slice %arg4[%arg1, %run_scoped3A_1, %dma_wait3A_133, %dma_wait3A_134] : memref<16x4x40x128xi32, #tpu.memory_space<hbm>> -> memref<1x1x40x128xi32, #tpu.memory_space<hbm>>
      %dma_wait3A_136 = tpu.memref_squeeze %dma_wait3A_135 : memref<1x1x40x128xi32, #tpu.memory_space<hbm>> -> memref<40x128xi32, #tpu.memory_space<hbm>>
      tpu.wait_dma2 semaphore(%run_scoped3A_121 : memref<!tpu.dma_semaphore, #tpu.memory_space<semaphore_mem>>) src(%dma_wait3A_136 : memref<40x128xi32, #tpu.memory_space<hbm>>) dst(%arg8 : memref<40x128xi32, #tpu.memory_space<vmem>>)
      tpu.yield
    }) : () -> ()
    %dma_start3A = arith.constant 0 : i32
    %dma_start3A_2 = arith.constant 0 : i32
    %dma_start3A_3 = tpu.memref_slice %arg9[%dma_start3A, %dma_start3A_2] : memref<40x128xi32, #tpu.memory_space<vmem>> -> memref<1x128xi32, #tpu.memory_space<vmem>>
    %dma_start3A_4 = tpu.memref_squeeze %dma_start3A_3 : memref<1x128xi32, #tpu.memory_space<vmem>> -> memref<128xi32, #tpu.memory_space<vmem>>
    %dma_start3A_5 = arith.constant 0 : i32
    %dma_start3A_6 = arith.constant 0 : i32
    %dma_start3A_7 = tpu.memref_slice %arg2[%dma_start3A_5, %dma_start3A_6] : memref<20480x104xf32, #tpu.memory_space<hbm>> -> memref<20480x104xf32, #tpu.memory_space<hbm>>
    tpu.enqueue_indirect_dma source(%dma_start3A_7 : memref<20480x104xf32, #tpu.memory_space<hbm>>) target(%arg10 : memref<128x104xf32, #tpu.memory_space<vmem>>) offsets(%dma_start3A_4 : memref<128xi32, #tpu.memory_space<vmem>>) semaphore(%arg14 : memref<!tpu.dma_semaphore, #tpu.memory_space<semaphore_mem>>)
    %dma_start3A_8 = arith.constant 1 : i32
    %dma_start3A_9 = arith.constant 0 : i32
    %dma_start3A_10 = tpu.memref_slice %arg9[%dma_start3A_8, %dma_start3A_9] : memref<40x128xi32, #tpu.memory_space<vmem>> -> memref<1x128xi32, #tpu.memory_space<vmem>>
    %dma_start3A_11 = tpu.memref_squeeze %dma_start3A_10 : memref<1x128xi32, #tpu.memory_space<vmem>> -> memref<128xi32, #tpu.memory_space<vmem>>
    %dma_start3A_12 = arith.constant 0 : i32
    %dma_start3A_13 = arith.constant 0 : i32
    %dma_start3A_14 = tpu.memref_slice %arg2[%dma_start3A_12, %dma_start3A_13] : memref<20480x104xf32, #tpu.memory_space<hbm>> -> memref<20480x104xf32, #tpu.memory_space<hbm>>
    tpu.enqueue_indirect_dma source(%dma_start3A_14 : memref<20480x104xf32, #tpu.memory_space<hbm>>) target(%arg11 : memref<128x104xf32, #tpu.memory_space<vmem>>) offsets(%dma_start3A_11 : memref<128xi32, #tpu.memory_space<vmem>>) semaphore(%arg15 : memref<!tpu.dma_semaphore, #tpu.memory_space<semaphore_mem>>)
    %dma_start3A_15 = arith.constant 2 : i32
    %dma_start3A_16 = arith.constant 0 : i32
    %dma_start3A_17 = tpu.memref_slice %arg9[%dma_start3A_15, %dma_start3A_16] : memref<40x128xi32, #tpu.memory_space<vmem>> -> memref<1x128xi32, #tpu.memory_space<vmem>>
    %dma_start3A_18 = tpu.memref_squeeze %dma_start3A_17 : memref<1x128xi32, #tpu.memory_space<vmem>> -> memref<128xi32, #tpu.memory_space<vmem>>
    %dma_start3A_19 = arith.constant 0 : i32
    %dma_start3A_20 = arith.constant 0 : i32
    %dma_start3A_21 = tpu.memref_slice %arg2[%dma_start3A_19, %dma_start3A_20] : memref<20480x104xf32, #tpu.memory_space<hbm>> -> memref<20480x104xf32, #tpu.memory_space<hbm>>
    tpu.enqueue_indirect_dma source(%dma_start3A_21 : memref<20480x104xf32, #tpu.memory_space<hbm>>) target(%arg12 : memref<128x104xf32, #tpu.memory_space<vmem>>) offsets(%dma_start3A_18 : memref<128xi32, #tpu.memory_space<vmem>>) semaphore(%arg16 : memref<!tpu.dma_semaphore, #tpu.memory_space<semaphore_mem>>)
    %scan3A = arith.constant 0 : i32
    %scan3A_22 = arith.constant 0 : i32
    %scan3A_23 = arith.constant 10 : i32
    %scan3A_24 = arith.addi %scan3A_22, %scan3A_23 : i32
    %scan3A_25 = arith.constant 1 : i32
    scf.for %scan3A_121 = %scan3A_22 to %scan3A_24 step %scan3A_25  : i32 {
      %mul3A_122 = arith.constant 4 : i32
      %mul3A_123 = arith.muli %mul3A_122, %scan3A_121 : i32
      %add3A = arith.constant 0 : i32
      %add3A_124 = arith.addi %mul3A_123, %add3A : i32
      %add3A_125 = arith.constant 3 : i32
      %add3A_126 = arith.addi %add3A_124, %add3A_125 : i32
      %lt3A = arith.constant 40 : i32
      %lt3A_127 = arith.cmpi slt, %add3A_126, %lt3A : i32
      %convert_element_type3A = arith.extui %lt3A_127 : i1 to i32
      %cond3A = arith.constant 0 : i32
      %cond3A_128 = arith.cmpi ne, %convert_element_type3A, %cond3A : i32
      scf.if %cond3A_128 {
        %dma_start3A_191 = arith.constant 0 : i32
        %dma_start3A_192 = tpu.memref_slice %arg9[%add3A_126, %dma_start3A_191] : memref<40x128xi32, #tpu.memory_space<vmem>> -> memref<1x128xi32, #tpu.memory_space<vmem>>
        %dma_start3A_193 = tpu.memref_squeeze %dma_start3A_192 : memref<1x128xi32, #tpu.memory_space<vmem>> -> memref<128xi32, #tpu.memory_space<vmem>>
        %dma_start3A_194 = arith.constant 0 : i32
        %dma_start3A_195 = arith.constant 0 : i32
        %dma_start3A_196 = tpu.memref_slice %arg2[%dma_start3A_194, %dma_start3A_195] : memref<20480x104xf32, #tpu.memory_space<hbm>> -> memref<20480x104xf32, #tpu.memory_space<hbm>>
        tpu.enqueue_indirect_dma source(%dma_start3A_196 : memref<20480x104xf32, #tpu.memory_space<hbm>>) target(%arg13 : memref<128x104xf32, #tpu.memory_space<vmem>>) offsets(%dma_start3A_193 : memref<128xi32, #tpu.memory_space<vmem>>) semaphore(%arg17 : memref<!tpu.dma_semaphore, #tpu.memory_space<semaphore_mem>>)
      } else {
      }
      %dma_wait3A = arith.constant 0 : i32
      %dma_wait3A_129 = arith.constant 0 : i32
      %dma_wait3A_130 = tpu.memref_slice %arg9[%dma_wait3A, %dma_wait3A_129] : memref<40x128xi32, #tpu.memory_space<vmem>> -> memref<1x128xi32, #tpu.memory_space<vmem>>
      %dma_wait3A_131 = tpu.memref_squeeze %dma_wait3A_130 : memref<1x128xi32, #tpu.memory_space<vmem>> -> memref<128xi32, #tpu.memory_space<vmem>>
      %dma_wait3A_132 = arith.constant 0 : i32
      %dma_wait3A_133 = arith.constant 0 : i32
      %dma_wait3A_134 = tpu.memref_slice %arg2[%dma_wait3A_132, %dma_wait3A_133] : memref<20480x104xf32, #tpu.memory_space<hbm>> -> memref<20480x104xf32, #tpu.memory_space<hbm>>
      tpu.wait_indirect_dma semaphore(%arg14 : memref<!tpu.dma_semaphore, #tpu.memory_space<semaphore_mem>>) src(%dma_wait3A_134 : memref<20480x104xf32, #tpu.memory_space<hbm>>) dst(%arg10 : memref<128x104xf32, #tpu.memory_space<vmem>>)
      %add3A_135 = arith.constant 0 : i32
      %add3A_136 = arith.addi %mul3A_123, %add3A_135 : i32
      "tpu.region"() ({
        %run_scoped3A_191 = tpu.sem_alloc : memref<!tpu.dma_semaphore, #tpu.memory_space<semaphore_mem>>
        %dma_start3A_192 = arith.constant 0 : i32
        %dma_start3A_193 = tpu.memref_slice %arg8[%add3A_136, %dma_start3A_192] : memref<40x128xi32, #tpu.memory_space<vmem>> -> memref<1x128xi32, #tpu.memory_space<vmem>>
        %dma_start3A_194 = tpu.memref_squeeze %dma_start3A_193 : memref<1x128xi32, #tpu.memory_space<vmem>> -> memref<128xi32, #tpu.memory_space<vmem>>
        %dma_start3A_195 = arith.constant 0 : i32
        %dma_start3A_196 = arith.constant 0 : i32
        %dma_start3A_197 = tpu.memref_slice %arg7[%dma_start3A_195, %dma_start3A_196] : memref<10241x104xf32, #tpu.memory_space<vmem_shared>> -> memref<10241x104xf32, #tpu.memory_space<vmem_shared>>
        tpu.enqueue_indirect_dma source(%arg10 : memref<128x104xf32, #tpu.memory_space<vmem>>) target(%dma_start3A_197 : memref<10241x104xf32, #tpu.memory_space<vmem_shared>>) offsets(%dma_start3A_194 : memref<128xi32, #tpu.memory_space<vmem>>) semaphore(%run_scoped3A_191 : memref<!tpu.dma_semaphore, #tpu.memory_space<semaphore_mem>>) {add = true}
        %dma_wait3A_198 = arith.constant 0 : i32
        %dma_wait3A_199 = tpu.memref_slice %arg8[%add3A_136, %dma_wait3A_198] : memref<40x128xi32, #tpu.memory_space<vmem>> -> memref<1x128xi32, #tpu.memory_space<vmem>>
        %dma_wait3A_200 = tpu.memref_squeeze %dma_wait3A_199 : memref<1x128xi32, #tpu.memory_space<vmem>> -> memref<128xi32, #tpu.memory_space<vmem>>
        %dma_wait3A_201 = arith.constant 0 : i32
        %dma_wait3A_202 = arith.constant 0 : i32
        %dma_wait3A_203 = tpu.memref_slice %arg7[%dma_wait3A_201, %dma_wait3A_202] : memref<10241x104xf32, #tpu.memory_space<vmem_shared>> -> memref<10241x104xf32, #tpu.memory_space<vmem_shared>>
        tpu.wait_indirect_dma semaphore(%run_scoped3A_191 : memref<!tpu.dma_semaphore, #tpu.memory_space<semaphore_mem>>) src(%arg10 : memref<128x104xf32, #tpu.memory_space<vmem>>) dst(%dma_wait3A_203 : memref<10241x104xf32, #tpu.memory_space<vmem_shared>>)
        tpu.yield
      }) : () -> ()
      %add3A_137 = arith.constant 1 : i32
      %add3A_138 = arith.addi %mul3A_123, %add3A_137 : i32
      %add3A_139 = arith.constant 3 : i32
      %add3A_140 = arith.addi %add3A_138, %add3A_139 : i32
      %lt3A_141 = arith.constant 40 : i32
      %lt3A_142 = arith.cmpi slt, %add3A_140, %lt3A_141 : i32
      %convert_element_type3A_143 = arith.extui %lt3A_142 : i1 to i32
      %cond3A_144 = arith.constant 0 : i32
      %cond3A_145 = arith.cmpi ne, %convert_element_type3A_143, %cond3A_144 : i32
      scf.if %cond3A_145 {
        %dma_start3A_191 = arith.constant 0 : i32
        %dma_start3A_192 = tpu.memref_slice %arg9[%add3A_140, %dma_start3A_191] : memref<40x128xi32, #tpu.memory_space<vmem>> -> memref<1x128xi32, #tpu.memory_space<vmem>>
        %dma_start3A_193 = tpu.memref_squeeze %dma_start3A_192 : memref<1x128xi32, #tpu.memory_space<vmem>> -> memref<128xi32, #tpu.memory_space<vmem>>
        %dma_start3A_194 = arith.constant 0 : i32
        %dma_start3A_195 = arith.constant 0 : i32
        %dma_start3A_196 = tpu.memref_slice %arg2[%dma_start3A_194, %dma_start3A_195] : memref<20480x104xf32, #tpu.memory_space<hbm>> -> memref<20480x104xf32, #tpu.memory_space<hbm>>
        tpu.enqueue_indirect_dma source(%dma_start3A_196 : memref<20480x104xf32, #tpu.memory_space<hbm>>) target(%arg10 : memref<128x104xf32, #tpu.memory_space<vmem>>) offsets(%dma_start3A_193 : memref<128xi32, #tpu.memory_space<vmem>>) semaphore(%arg14 : memref<!tpu.dma_semaphore, #tpu.memory_space<semaphore_mem>>)
      } else {
      }
      %dma_wait3A_146 = arith.constant 0 : i32
      %dma_wait3A_147 = arith.constant 0 : i32
      %dma_wait3A_148 = tpu.memref_slice %arg9[%dma_wait3A_146, %dma_wait3A_147] : memref<40x128xi32, #tpu.memory_space<vmem>> -> memref<1x128xi32, #tpu.memory_space<vmem>>
      %dma_wait3A_149 = tpu.memref_squeeze %dma_wait3A_148 : memref<1x128xi32, #tpu.memory_space<vmem>> -> memref<128xi32, #tpu.memory_space<vmem>>
      %dma_wait3A_150 = arith.constant 0 : i32
      %dma_wait3A_151 = arith.constant 0 : i32
      %dma_wait3A_152 = tpu.memref_slice %arg2[%dma_wait3A_150, %dma_wait3A_151] : memref<20480x104xf32, #tpu.memory_space<hbm>> -> memref<20480x104xf32, #tpu.memory_space<hbm>>
      tpu.wait_indirect_dma semaphore(%arg15 : memref<!tpu.dma_semaphore, #tpu.memory_space<semaphore_mem>>) src(%dma_wait3A_152 : memref<20480x104xf32, #tpu.memory_space<hbm>>) dst(%arg11 : memref<128x104xf32, #tpu.memory_space<vmem>>)
      %add3A_153 = arith.constant 1 : i32
      %add3A_154 = arith.addi %mul3A_123, %add3A_153 : i32
      "tpu.region"() ({
        %run_scoped3A_191 = tpu.sem_alloc : memref<!tpu.dma_semaphore, #tpu.memory_space<semaphore_mem>>
        %dma_start3A_192 = arith.constant 0 : i32
        %dma_start3A_193 = tpu.memref_slice %arg8[%add3A_154, %dma_start3A_192] : memref<40x128xi32, #tpu.memory_space<vmem>> -> memref<1x128xi32, #tpu.memory_space<vmem>>
        %dma_start3A_194 = tpu.memref_squeeze %dma_start3A_193 : memref<1x128xi32, #tpu.memory_space<vmem>> -> memref<128xi32, #tpu.memory_space<vmem>>
        %dma_start3A_195 = arith.constant 0 : i32
        %dma_start3A_196 = arith.constant 0 : i32
        %dma_start3A_197 = tpu.memref_slice %arg7[%dma_start3A_195, %dma_start3A_196] : memref<10241x104xf32, #tpu.memory_space<vmem_shared>> -> memref<10241x104xf32, #tpu.memory_space<vmem_shared>>
        tpu.enqueue_indirect_dma source(%arg11 : memref<128x104xf32, #tpu.memory_space<vmem>>) target(%dma_start3A_197 : memref<10241x104xf32, #tpu.memory_space<vmem_shared>>) offsets(%dma_start3A_194 : memref<128xi32, #tpu.memory_space<vmem>>) semaphore(%run_scoped3A_191 : memref<!tpu.dma_semaphore, #tpu.memory_space<semaphore_mem>>) {add = true}
        %dma_wait3A_198 = arith.constant 0 : i32
        %dma_wait3A_199 = tpu.memref_slice %arg8[%add3A_154, %dma_wait3A_198] : memref<40x128xi32, #tpu.memory_space<vmem>> -> memref<1x128xi32, #tpu.memory_space<vmem>>
        %dma_wait3A_200 = tpu.memref_squeeze %dma_wait3A_199 : memref<1x128xi32, #tpu.memory_space<vmem>> -> memref<128xi32, #tpu.memory_space<vmem>>
        %dma_wait3A_201 = arith.constant 0 : i32
        %dma_wait3A_202 = arith.constant 0 : i32
        %dma_wait3A_203 = tpu.memref_slice %arg7[%dma_wait3A_201, %dma_wait3A_202] : memref<10241x104xf32, #tpu.memory_space<vmem_shared>> -> memref<10241x104xf32, #tpu.memory_space<vmem_shared>>
        tpu.wait_indirect_dma semaphore(%run_scoped3A_191 : memref<!tpu.dma_semaphore, #tpu.memory_space<semaphore_mem>>) src(%arg11 : memref<128x104xf32, #tpu.memory_space<vmem>>) dst(%dma_wait3A_203 : memref<10241x104xf32, #tpu.memory_space<vmem_shared>>)
        tpu.yield
      }) : () -> ()
      %add3A_155 = arith.constant 2 : i32
      %add3A_156 = arith.addi %mul3A_123, %add3A_155 : i32
      %add3A_157 = arith.constant 3 : i32
      %add3A_158 = arith.addi %add3A_156, %add3A_157 : i32
      %lt3A_159 = arith.constant 40 : i32
      %lt3A_160 = arith.cmpi slt, %add3A_158, %lt3A_159 : i32
      %convert_element_type3A_161 = arith.extui %lt3A_160 : i1 to i32
      %cond3A_162 = arith.constant 0 : i32
      %cond3A_163 = arith.cmpi ne, %convert_element_type3A_161, %cond3A_162 : i32
      scf.if %cond3A_163 {
        %dma_start3A_191 = arith.constant 0 : i32
        %dma_start3A_192 = tpu.memref_slice %arg9[%add3A_158, %dma_start3A_191] : memref<40x128xi32, #tpu.memory_space<vmem>> -> memref<1x128xi32, #tpu.memory_space<vmem>>
        %dma_start3A_193 = tpu.memref_squeeze %dma_start3A_192 : memref<1x128xi32, #tpu.memory_space<vmem>> -> memref<128xi32, #tpu.memory_space<vmem>>
        %dma_start3A_194 = arith.constant 0 : i32
        %dma_start3A_195 = arith.constant 0 : i32
        %dma_start3A_196 = tpu.memref_slice %arg2[%dma_start3A_194, %dma_start3A_195] : memref<20480x104xf32, #tpu.memory_space<hbm>> -> memref<20480x104xf32, #tpu.memory_space<hbm>>
        tpu.enqueue_indirect_dma source(%dma_start3A_196 : memref<20480x104xf32, #tpu.memory_space<hbm>>) target(%arg11 : memref<128x104xf32, #tpu.memory_space<vmem>>) offsets(%dma_start3A_193 : memref<128xi32, #tpu.memory_space<vmem>>) semaphore(%arg15 : memref<!tpu.dma_semaphore, #tpu.memory_space<semaphore_mem>>)
      } else {
      }
      %dma_wait3A_164 = arith.constant 0 : i32
      %dma_wait3A_165 = arith.constant 0 : i32
      %dma_wait3A_166 = tpu.memref_slice %arg9[%dma_wait3A_164, %dma_wait3A_165] : memref<40x128xi32, #tpu.memory_space<vmem>> -> memref<1x128xi32, #tpu.memory_space<vmem>>
      %dma_wait3A_167 = tpu.memref_squeeze %dma_wait3A_166 : memref<1x128xi32, #tpu.memory_space<vmem>> -> memref<128xi32, #tpu.memory_space<vmem>>
      %dma_wait3A_168 = arith.constant 0 : i32
      %dma_wait3A_169 = arith.constant 0 : i32
      %dma_wait3A_170 = tpu.memref_slice %arg2[%dma_wait3A_168, %dma_wait3A_169] : memref<20480x104xf32, #tpu.memory_space<hbm>> -> memref<20480x104xf32, #tpu.memory_space<hbm>>
      tpu.wait_indirect_dma semaphore(%arg16 : memref<!tpu.dma_semaphore, #tpu.memory_space<semaphore_mem>>) src(%dma_wait3A_170 : memref<20480x104xf32, #tpu.memory_space<hbm>>) dst(%arg12 : memref<128x104xf32, #tpu.memory_space<vmem>>)
      %add3A_171 = arith.constant 2 : i32
      %add3A_172 = arith.addi %mul3A_123, %add3A_171 : i32
      "tpu.region"() ({
        %run_scoped3A_191 = tpu.sem_alloc : memref<!tpu.dma_semaphore, #tpu.memory_space<semaphore_mem>>
        %dma_start3A_192 = arith.constant 0 : i32
        %dma_start3A_193 = tpu.memref_slice %arg8[%add3A_172, %dma_start3A_192] : memref<40x128xi32, #tpu.memory_space<vmem>> -> memref<1x128xi32, #tpu.memory_space<vmem>>
        %dma_start3A_194 = tpu.memref_squeeze %dma_start3A_193 : memref<1x128xi32, #tpu.memory_space<vmem>> -> memref<128xi32, #tpu.memory_space<vmem>>
        %dma_start3A_195 = arith.constant 0 : i32
        %dma_start3A_196 = arith.constant 0 : i32
        %dma_start3A_197 = tpu.memref_slice %arg7[%dma_start3A_195, %dma_start3A_196] : memref<10241x104xf32, #tpu.memory_space<vmem_shared>> -> memref<10241x104xf32, #tpu.memory_space<vmem_shared>>
        tpu.enqueue_indirect_dma source(%arg12 : memref<128x104xf32, #tpu.memory_space<vmem>>) target(%dma_start3A_197 : memref<10241x104xf32, #tpu.memory_space<vmem_shared>>) offsets(%dma_start3A_194 : memref<128xi32, #tpu.memory_space<vmem>>) semaphore(%run_scoped3A_191 : memref<!tpu.dma_semaphore, #tpu.memory_space<semaphore_mem>>) {add = true}
        %dma_wait3A_198 = arith.constant 0 : i32
        %dma_wait3A_199 = tpu.memref_slice %arg8[%add3A_172, %dma_wait3A_198] : memref<40x128xi32, #tpu.memory_space<vmem>> -> memref<1x128xi32, #tpu.memory_space<vmem>>
        %dma_wait3A_200 = tpu.memref_squeeze %dma_wait3A_199 : memref<1x128xi32, #tpu.memory_space<vmem>> -> memref<128xi32, #tpu.memory_space<vmem>>
        %dma_wait3A_201 = arith.constant 0 : i32
        %dma_wait3A_202 = arith.constant 0 : i32
        %dma_wait3A_203 = tpu.memref_slice %arg7[%dma_wait3A_201, %dma_wait3A_202] : memref<10241x104xf32, #tpu.memory_space<vmem_shared>> -> memref<10241x104xf32, #tpu.memory_space<vmem_shared>>
        tpu.wait_indirect_dma semaphore(%run_scoped3A_191 : memref<!tpu.dma_semaphore, #tpu.memory_space<semaphore_mem>>) src(%arg12 : memref<128x104xf32, #tpu.memory_space<vmem>>) dst(%dma_wait3A_203 : memref<10241x104xf32, #tpu.memory_space<vmem_shared>>)
        tpu.yield
      }) : () -> ()
      %add3A_173 = arith.constant 3 : i32
      %add3A_174 = arith.addi %mul3A_123, %add3A_173 : i32
      %add3A_175 = arith.constant 3 : i32
      %add3A_176 = arith.addi %add3A_174, %add3A_175 : i32
      %lt3A_177 = arith.constant 40 : i32
      %lt3A_178 = arith.cmpi slt, %add3A_176, %lt3A_177 : i32
      %convert_element_type3A_179 = arith.extui %lt3A_178 : i1 to i32
      %cond3A_180 = arith.constant 0 : i32
      %cond3A_181 = arith.cmpi ne, %convert_element_type3A_179, %cond3A_180 : i32
      scf.if %cond3A_181 {
        %dma_start3A_191 = arith.constant 0 : i32
        %dma_start3A_192 = tpu.memref_slice %arg9[%add3A_176, %dma_start3A_191] : memref<40x128xi32, #tpu.memory_space<vmem>> -> memref<1x128xi32, #tpu.memory_space<vmem>>
        %dma_start3A_193 = tpu.memref_squeeze %dma_start3A_192 : memref<1x128xi32, #tpu.memory_space<vmem>> -> memref<128xi32, #tpu.memory_space<vmem>>
        %dma_start3A_194 = arith.constant 0 : i32
        %dma_start3A_195 = arith.constant 0 : i32
        %dma_start3A_196 = tpu.memref_slice %arg2[%dma_start3A_194, %dma_start3A_195] : memref<20480x104xf32, #tpu.memory_space<hbm>> -> memref<20480x104xf32, #tpu.memory_space<hbm>>
        tpu.enqueue_indirect_dma source(%dma_start3A_196 : memref<20480x104xf32, #tpu.memory_space<hbm>>) target(%arg12 : memref<128x104xf32, #tpu.memory_space<vmem>>) offsets(%dma_start3A_193 : memref<128xi32, #tpu.memory_space<vmem>>) semaphore(%arg16 : memref<!tpu.dma_semaphore, #tpu.memory_space<semaphore_mem>>)
      } else {
      }
      %dma_wait3A_182 = arith.constant 0 : i32
      %dma_wait3A_183 = arith.constant 0 : i32
      %dma_wait3A_184 = tpu.memref_slice %arg9[%dma_wait3A_182, %dma_wait3A_183] : memref<40x128xi32, #tpu.memory_space<vmem>> -> memref<1x128xi32, #tpu.memory_space<vmem>>
      %dma_wait3A_185 = tpu.memref_squeeze %dma_wait3A_184 : memref<1x128xi32, #tpu.memory_space<vmem>> -> memref<128xi32, #tpu.memory_space<vmem>>
      %dma_wait3A_186 = arith.constant 0 : i32
      %dma_wait3A_187 = arith.constant 0 : i32
      %dma_wait3A_188 = tpu.memref_slice %arg2[%dma_wait3A_186, %dma_wait3A_187] : memref<20480x104xf32, #tpu.memory_space<hbm>> -> memref<20480x104xf32, #tpu.memory_space<hbm>>
      tpu.wait_indirect_dma semaphore(%arg17 : memref<!tpu.dma_semaphore, #tpu.memory_space<semaphore_mem>>) src(%dma_wait3A_188 : memref<20480x104xf32, #tpu.memory_space<hbm>>) dst(%arg13 : memref<128x104xf32, #tpu.memory_space<vmem>>)
      %add3A_189 = arith.constant 3 : i32
      %add3A_190 = arith.addi %mul3A_123, %add3A_189 : i32
      "tpu.region"() ({
        %run_scoped3A_191 = tpu.sem_alloc : memref<!tpu.dma_semaphore, #tpu.memory_space<semaphore_mem>>
        %dma_start3A_192 = arith.constant 0 : i32
        %dma_start3A_193 = tpu.memref_slice %arg8[%add3A_190, %dma_start3A_192] : memref<40x128xi32, #tpu.memory_space<vmem>> -> memref<1x128xi32, #tpu.memory_space<vmem>>
        %dma_start3A_194 = tpu.memref_squeeze %dma_start3A_193 : memref<1x128xi32, #tpu.memory_space<vmem>> -> memref<128xi32, #tpu.memory_space<vmem>>
        %dma_start3A_195 = arith.constant 0 : i32
        %dma_start3A_196 = arith.constant 0 : i32
        %dma_start3A_197 = tpu.memref_slice %arg7[%dma_start3A_195, %dma_start3A_196] : memref<10241x104xf32, #tpu.memory_space<vmem_shared>> -> memref<10241x104xf32, #tpu.memory_space<vmem_shared>>
        tpu.enqueue_indirect_dma source(%arg13 : memref<128x104xf32, #tpu.memory_space<vmem>>) target(%dma_start3A_197 : memref<10241x104xf32, #tpu.memory_space<vmem_shared>>) offsets(%dma_start3A_194 : memref<128xi32, #tpu.memory_space<vmem>>) semaphore(%run_scoped3A_191 : memref<!tpu.dma_semaphore, #tpu.memory_space<semaphore_mem>>) {add = true}
        %dma_wait3A_198 = arith.constant 0 : i32
        %dma_wait3A_199 = tpu.memref_slice %arg8[%add3A_190, %dma_wait3A_198] : memref<40x128xi32, #tpu.memory_space<vmem>> -> memref<1x128xi32, #tpu.memory_space<vmem>>
        %dma_wait3A_200 = tpu.memref_squeeze %dma_wait3A_199 : memref<1x128xi32, #tpu.memory_space<vmem>> -> memref<128xi32, #tpu.memory_space<vmem>>
        %dma_wait3A_201 = arith.constant 0 : i32
        %dma_wait3A_202 = arith.constant 0 : i32
        %dma_wait3A_203 = tpu.memref_slice %arg7[%dma_wait3A_201, %dma_wait3A_202] : memref<10241x104xf32, #tpu.memory_space<vmem_shared>> -> memref<10241x104xf32, #tpu.memory_space<vmem_shared>>
        tpu.wait_indirect_dma semaphore(%run_scoped3A_191 : memref<!tpu.dma_semaphore, #tpu.memory_space<semaphore_mem>>) src(%arg13 : memref<128x104xf32, #tpu.memory_space<vmem>>) dst(%dma_wait3A_203 : memref<10241x104xf32, #tpu.memory_space<vmem_shared>>)
        tpu.yield
      }) : () -> ()
    }
    %scan3A_26 = arith.constant 10 : i32
    %run_scoped3A_27 = arith.constant 1 : i32
    "tpu.region"() ({
      %run_scoped3A_121 = tpu.sem_alloc : memref<!tpu.dma_semaphore, #tpu.memory_space<semaphore_mem>>
      %dma_start3A_122 = arith.constant 0 : i32
      %dma_start3A_123 = arith.constant 0 : i32
      %dma_start3A_124 = tpu.memref_slice %arg3[%arg0, %arg1, %run_scoped3A_27, %dma_start3A_122, %dma_start3A_123] : memref<2x16x4x40x128xi32, #tpu.memory_space<hbm>> -> memref<1x1x1x40x128xi32, #tpu.memory_space<hbm>>
      %dma_start3A_125 = tpu.memref_squeeze %dma_start3A_124 : memref<1x1x1x40x128xi32, #tpu.memory_space<hbm>> -> memref<40x128xi32, #tpu.memory_space<hbm>>
      %dma_start3A_126 = arith.constant 0 : i32
      %dma_start3A_127 = arith.constant 0 : i32
      %dma_start3A_128 = tpu.memref_slice %arg3[%arg0, %arg1, %run_scoped3A_27, %dma_start3A_126, %dma_start3A_127] : memref<2x16x4x40x128xi32, #tpu.memory_space<hbm>> -> memref<1x1x1x40x128xi32, #tpu.memory_space<hbm>>
      %dma_start3A_129 = tpu.memref_squeeze %dma_start3A_128 : memref<1x1x1x40x128xi32, #tpu.memory_space<hbm>> -> memref<40x128xi32, #tpu.memory_space<hbm>>
      tpu.enqueue_dma source(%dma_start3A_129 : memref<40x128xi32, #tpu.memory_space<hbm>>) target(%arg9 : memref<40x128xi32, #tpu.memory_space<vmem>>) target_semaphore(%run_scoped3A_121 : memref<!tpu.dma_semaphore, #tpu.memory_space<semaphore_mem>>)
      %dma_wait3A = arith.constant 0 : i32
      %dma_wait3A_130 = arith.constant 0 : i32
      %dma_wait3A_131 = tpu.memref_slice %arg3[%arg0, %arg1, %run_scoped3A_27, %dma_wait3A, %dma_wait3A_130] : memref<2x16x4x40x128xi32, #tpu.memory_space<hbm>> -> memref<1x1x1x40x128xi32, #tpu.memory_space<hbm>>
      %dma_wait3A_132 = tpu.memref_squeeze %dma_wait3A_131 : memref<1x1x1x40x128xi32, #tpu.memory_space<hbm>> -> memref<40x128xi32, #tpu.memory_space<hbm>>
      %dma_wait3A_133 = arith.constant 0 : i32
      %dma_wait3A_134 = arith.constant 0 : i32
      %dma_wait3A_135 = tpu.memref_slice %arg3[%arg0, %arg1, %run_scoped3A_27, %dma_wait3A_133, %dma_wait3A_134] : memref<2x16x4x40x128xi32, #tpu.memory_space<hbm>> -> memref<1x1x1x40x128xi32, #tpu.memory_space<hbm>>
      %dma_wait3A_136 = tpu.memref_squeeze %dma_wait3A_135 : memref<1x1x1x40x128xi32, #tpu.memory_space<hbm>> -> memref<40x128xi32, #tpu.memory_space<hbm>>
      tpu.wait_dma2 semaphore(%run_scoped3A_121 : memref<!tpu.dma_semaphore, #tpu.memory_space<semaphore_mem>>) src(%dma_wait3A_136 : memref<40x128xi32, #tpu.memory_space<hbm>>) dst(%arg9 : memref<40x128xi32, #tpu.memory_space<vmem>>)
      tpu.yield
    }) : () -> ()
    %run_scoped3A_28 = arith.constant 1 : i32
    "tpu.region"() ({
      %run_scoped3A_121 = tpu.sem_alloc : memref<!tpu.dma_semaphore, #tpu.memory_space<semaphore_mem>>
      %dma_start3A_122 = arith.constant 0 : i32
      %dma_start3A_123 = arith.constant 0 : i32
      %dma_start3A_124 = tpu.memref_slice %arg4[%arg1, %run_scoped3A_28, %dma_start3A_122, %dma_start3A_123] : memref<16x4x40x128xi32, #tpu.memory_space<hbm>> -> memref<1x1x40x128xi32, #tpu.memory_space<hbm>>
      %dma_start3A_125 = tpu.memref_squeeze %dma_start3A_124 : memref<1x1x40x128xi32, #tpu.memory_space<hbm>> -> memref<40x128xi32, #tpu.memory_space<hbm>>
      %dma_start3A_126 = arith.constant 0 : i32
      %dma_start3A_127 = arith.constant 0 : i32
      %dma_start3A_128 = tpu.memref_slice %arg4[%arg1, %run_scoped3A_28, %dma_start3A_126, %dma_start3A_127] : memref<16x4x40x128xi32, #tpu.memory_space<hbm>> -> memref<1x1x40x128xi32, #tpu.memory_space<hbm>>
      %dma_start3A_129 = tpu.memref_squeeze %dma_start3A_128 : memref<1x1x40x128xi32, #tpu.memory_space<hbm>> -> memref<40x128xi32, #tpu.memory_space<hbm>>
      tpu.enqueue_dma source(%dma_start3A_129 : memref<40x128xi32, #tpu.memory_space<hbm>>) target(%arg8 : memref<40x128xi32, #tpu.memory_space<vmem>>) target_semaphore(%run_scoped3A_121 : memref<!tpu.dma_semaphore, #tpu.memory_space<semaphore_mem>>)
      %dma_wait3A = arith.constant 0 : i32
      %dma_wait3A_130 = arith.constant 0 : i32
      %dma_wait3A_131 = tpu.memref_slice %arg4[%arg1, %run_scoped3A_28, %dma_wait3A, %dma_wait3A_130] : memref<16x4x40x128xi32, #tpu.memory_space<hbm>> -> memref<1x1x40x128xi32, #tpu.memory_space<hbm>>
      %dma_wait3A_132 = tpu.memref_squeeze %dma_wait3A_131 : memref<1x1x40x128xi32, #tpu.memory_space<hbm>> -> memref<40x128xi32, #tpu.memory_space<hbm>>
      %dma_wait3A_133 = arith.constant 0 : i32
      %dma_wait3A_134 = arith.constant 0 : i32
      %dma_wait3A_135 = tpu.memref_slice %arg4[%arg1, %run_scoped3A_28, %dma_wait3A_133, %dma_wait3A_134] : memref<16x4x40x128xi32, #tpu.memory_space<hbm>> -> memref<1x1x40x128xi32, #tpu.memory_space<hbm>>
      %dma_wait3A_136 = tpu.memref_squeeze %dma_wait3A_135 : memref<1x1x40x128xi32, #tpu.memory_space<hbm>> -> memref<40x128xi32, #tpu.memory_space<hbm>>
      tpu.wait_dma2 semaphore(%run_scoped3A_121 : memref<!tpu.dma_semaphore, #tpu.memory_space<semaphore_mem>>) src(%dma_wait3A_136 : memref<40x128xi32, #tpu.memory_space<hbm>>) dst(%arg8 : memref<40x128xi32, #tpu.memory_space<vmem>>)
      tpu.yield
    }) : () -> ()
    %dma_start3A_29 = arith.constant 0 : i32
    %dma_start3A_30 = arith.constant 0 : i32
    %dma_start3A_31 = tpu.memref_slice %arg9[%dma_start3A_29, %dma_start3A_30] : memref<40x128xi32, #tpu.memory_space<vmem>> -> memref<1x128xi32, #tpu.memory_space<vmem>>
    %dma_start3A_32 = tpu.memref_squeeze %dma_start3A_31 : memref<1x128xi32, #tpu.memory_space<vmem>> -> memref<128xi32, #tpu.memory_space<vmem>>
    %dma_start3A_33 = arith.constant 0 : i32
    %dma_start3A_34 = arith.constant 0 : i32
    %dma_start3A_35 = tpu.memref_slice %arg2[%dma_start3A_33, %dma_start3A_34] : memref<20480x104xf32, #tpu.memory_space<hbm>> -> memref<20480x104xf32, #tpu.memory_space<hbm>>
    tpu.enqueue_indirect_dma source(%dma_start3A_35 : memref<20480x104xf32, #tpu.memory_space<hbm>>) target(%arg10 : memref<128x104xf32, #tpu.memory_space<vmem>>) offsets(%dma_start3A_32 : memref<128xi32, #tpu.memory_space<vmem>>) semaphore(%arg14 : memref<!tpu.dma_semaphore, #tpu.memory_space<semaphore_mem>>)
    %dma_start3A_36 = arith.constant 1 : i32
    %dma_start3A_37 = arith.constant 0 : i32
    %dma_start3A_38 = tpu.memref_slice %arg9[%dma_start3A_36, %dma_start3A_37] : memref<40x128xi32, #tpu.memory_space<vmem>> -> memref<1x128xi32, #tpu.memory_space<vmem>>
    %dma_start3A_39 = tpu.memref_squeeze %dma_start3A_38 : memref<1x128xi32, #tpu.memory_space<vmem>> -> memref<128xi32, #tpu.memory_space<vmem>>
    %dma_start3A_40 = arith.constant 0 : i32
    %dma_start3A_41 = arith.constant 0 : i32
    %dma_start3A_42 = tpu.memref_slice %arg2[%dma_start3A_40, %dma_start3A_41] : memref<20480x104xf32, #tpu.memory_space<hbm>> -> memref<20480x104xf32, #tpu.memory_space<hbm>>
    tpu.enqueue_indirect_dma source(%dma_start3A_42 : memref<20480x104xf32, #tpu.memory_space<hbm>>) target(%arg11 : memref<128x104xf32, #tpu.memory_space<vmem>>) offsets(%dma_start3A_39 : memref<128xi32, #tpu.memory_space<vmem>>) semaphore(%arg15 : memref<!tpu.dma_semaphore, #tpu.memory_space<semaphore_mem>>)
    %dma_start3A_43 = arith.constant 2 : i32
    %dma_start3A_44 = arith.constant 0 : i32
    %dma_start3A_45 = tpu.memref_slice %arg9[%dma_start3A_43, %dma_start3A_44] : memref<40x128xi32, #tpu.memory_space<vmem>> -> memref<1x128xi32, #tpu.memory_space<vmem>>
    %dma_start3A_46 = tpu.memref_squeeze %dma_start3A_45 : memref<1x128xi32, #tpu.memory_space<vmem>> -> memref<128xi32, #tpu.memory_space<vmem>>
    %dma_start3A_47 = arith.constant 0 : i32
    %dma_start3A_48 = arith.constant 0 : i32
    %dma_start3A_49 = tpu.memref_slice %arg2[%dma_start3A_47, %dma_start3A_48] : memref<20480x104xf32, #tpu.memory_space<hbm>> -> memref<20480x104xf32, #tpu.memory_space<hbm>>
    tpu.enqueue_indirect_dma source(%dma_start3A_49 : memref<20480x104xf32, #tpu.memory_space<hbm>>) target(%arg12 : memref<128x104xf32, #tpu.memory_space<vmem>>) offsets(%dma_start3A_46 : memref<128xi32, #tpu.memory_space<vmem>>) semaphore(%arg16 : memref<!tpu.dma_semaphore, #tpu.memory_space<semaphore_mem>>)
    %scan3A_50 = arith.constant 0 : i32
    %scan3A_51 = arith.constant 0 : i32
    %scan3A_52 = arith.constant 10 : i32
    %scan3A_53 = arith.addi %scan3A_51, %scan3A_52 : i32
    %scan3A_54 = arith.constant 1 : i32
    scf.for %scan3A_121 = %scan3A_51 to %scan3A_53 step %scan3A_54  : i32 {
      %mul3A_122 = arith.constant 4 : i32
      %mul3A_123 = arith.muli %mul3A_122, %scan3A_121 : i32
      %add3A = arith.constant 0 : i32
      %add3A_124 = arith.addi %mul3A_123, %add3A : i32
      %add3A_125 = arith.constant 3 : i32
      %add3A_126 = arith.addi %add3A_124, %add3A_125 : i32
      %lt3A = arith.constant 40 : i32
      %lt3A_127 = arith.cmpi slt, %add3A_126, %lt3A : i32
      %convert_element_type3A = arith.extui %lt3A_127 : i1 to i32
      %cond3A = arith.constant 0 : i32
      %cond3A_128 = arith.cmpi ne, %convert_element_type3A, %cond3A : i32
      scf.if %cond3A_128 {
        %dma_start3A_191 = arith.constant 0 : i32
        %dma_start3A_192 = tpu.memref_slice %arg9[%add3A_126, %dma_start3A_191] : memref<40x128xi32, #tpu.memory_space<vmem>> -> memref<1x128xi32, #tpu.memory_space<vmem>>
        %dma_start3A_193 = tpu.memref_squeeze %dma_start3A_192 : memref<1x128xi32, #tpu.memory_space<vmem>> -> memref<128xi32, #tpu.memory_space<vmem>>
        %dma_start3A_194 = arith.constant 0 : i32
        %dma_start3A_195 = arith.constant 0 : i32
        %dma_start3A_196 = tpu.memref_slice %arg2[%dma_start3A_194, %dma_start3A_195] : memref<20480x104xf32, #tpu.memory_space<hbm>> -> memref<20480x104xf32, #tpu.memory_space<hbm>>
        tpu.enqueue_indirect_dma source(%dma_start3A_196 : memref<20480x104xf32, #tpu.memory_space<hbm>>) target(%arg13 : memref<128x104xf32, #tpu.memory_space<vmem>>) offsets(%dma_start3A_193 : memref<128xi32, #tpu.memory_space<vmem>>) semaphore(%arg17 : memref<!tpu.dma_semaphore, #tpu.memory_space<semaphore_mem>>)
      } else {
      }
      %dma_wait3A = arith.constant 0 : i32
      %dma_wait3A_129 = arith.constant 0 : i32
      %dma_wait3A_130 = tpu.memref_slice %arg9[%dma_wait3A, %dma_wait3A_129] : memref<40x128xi32, #tpu.memory_space<vmem>> -> memref<1x128xi32, #tpu.memory_space<vmem>>
      %dma_wait3A_131 = tpu.memref_squeeze %dma_wait3A_130 : memref<1x128xi32, #tpu.memory_space<vmem>> -> memref<128xi32, #tpu.memory_space<vmem>>
      %dma_wait3A_132 = arith.constant 0 : i32
      %dma_wait3A_133 = arith.constant 0 : i32
      %dma_wait3A_134 = tpu.memref_slice %arg2[%dma_wait3A_132, %dma_wait3A_133] : memref<20480x104xf32, #tpu.memory_space<hbm>> -> memref<20480x104xf32, #tpu.memory_space<hbm>>
      tpu.wait_indirect_dma semaphore(%arg14 : memref<!tpu.dma_semaphore, #tpu.memory_space<semaphore_mem>>) src(%dma_wait3A_134 : memref<20480x104xf32, #tpu.memory_space<hbm>>) dst(%arg10 : memref<128x104xf32, #tpu.memory_space<vmem>>)
      %add3A_135 = arith.constant 0 : i32
      %add3A_136 = arith.addi %mul3A_123, %add3A_135 : i32
      "tpu.region"() ({
        %run_scoped3A_191 = tpu.sem_alloc : memref<!tpu.dma_semaphore, #tpu.memory_space<semaphore_mem>>
        %dma_start3A_192 = arith.constant 0 : i32
        %dma_start3A_193 = tpu.memref_slice %arg8[%add3A_136, %dma_start3A_192] : memref<40x128xi32, #tpu.memory_space<vmem>> -> memref<1x128xi32, #tpu.memory_space<vmem>>
        %dma_start3A_194 = tpu.memref_squeeze %dma_start3A_193 : memref<1x128xi32, #tpu.memory_space<vmem>> -> memref<128xi32, #tpu.memory_space<vmem>>
        %dma_start3A_195 = arith.constant 0 : i32
        %dma_start3A_196 = arith.constant 0 : i32
        %dma_start3A_197 = tpu.memref_slice %arg7[%dma_start3A_195, %dma_start3A_196] : memref<10241x104xf32, #tpu.memory_space<vmem_shared>> -> memref<10241x104xf32, #tpu.memory_space<vmem_shared>>
        tpu.enqueue_indirect_dma source(%arg10 : memref<128x104xf32, #tpu.memory_space<vmem>>) target(%dma_start3A_197 : memref<10241x104xf32, #tpu.memory_space<vmem_shared>>) offsets(%dma_start3A_194 : memref<128xi32, #tpu.memory_space<vmem>>) semaphore(%run_scoped3A_191 : memref<!tpu.dma_semaphore, #tpu.memory_space<semaphore_mem>>) {add = true}
        %dma_wait3A_198 = arith.constant 0 : i32
        %dma_wait3A_199 = tpu.memref_slice %arg8[%add3A_136, %dma_wait3A_198] : memref<40x128xi32, #tpu.memory_space<vmem>> -> memref<1x128xi32, #tpu.memory_space<vmem>>
        %dma_wait3A_200 = tpu.memref_squeeze %dma_wait3A_199 : memref<1x128xi32, #tpu.memory_space<vmem>> -> memref<128xi32, #tpu.memory_space<vmem>>
        %dma_wait3A_201 = arith.constant 0 : i32
        %dma_wait3A_202 = arith.constant 0 : i32
        %dma_wait3A_203 = tpu.memref_slice %arg7[%dma_wait3A_201, %dma_wait3A_202] : memref<10241x104xf32, #tpu.memory_space<vmem_shared>> -> memref<10241x104xf32, #tpu.memory_space<vmem_shared>>
        tpu.wait_indirect_dma semaphore(%run_scoped3A_191 : memref<!tpu.dma_semaphore, #tpu.memory_space<semaphore_mem>>) src(%arg10 : memref<128x104xf32, #tpu.memory_space<vmem>>) dst(%dma_wait3A_203 : memref<10241x104xf32, #tpu.memory_space<vmem_shared>>)
        tpu.yield
      }) : () -> ()
      %add3A_137 = arith.constant 1 : i32
      %add3A_138 = arith.addi %mul3A_123, %add3A_137 : i32
      %add3A_139 = arith.constant 3 : i32
      %add3A_140 = arith.addi %add3A_138, %add3A_139 : i32
      %lt3A_141 = arith.constant 40 : i32
      %lt3A_142 = arith.cmpi slt, %add3A_140, %lt3A_141 : i32
      %convert_element_type3A_143 = arith.extui %lt3A_142 : i1 to i32
      %cond3A_144 = arith.constant 0 : i32
      %cond3A_145 = arith.cmpi ne, %convert_element_type3A_143, %cond3A_144 : i32
      scf.if %cond3A_145 {
        %dma_start3A_191 = arith.constant 0 : i32
        %dma_start3A_192 = tpu.memref_slice %arg9[%add3A_140, %dma_start3A_191] : memref<40x128xi32, #tpu.memory_space<vmem>> -> memref<1x128xi32, #tpu.memory_space<vmem>>
        %dma_start3A_193 = tpu.memref_squeeze %dma_start3A_192 : memref<1x128xi32, #tpu.memory_space<vmem>> -> memref<128xi32, #tpu.memory_space<vmem>>
        %dma_start3A_194 = arith.constant 0 : i32
        %dma_start3A_195 = arith.constant 0 : i32
        %dma_start3A_196 = tpu.memref_slice %arg2[%dma_start3A_194, %dma_start3A_195] : memref<20480x104xf32, #tpu.memory_space<hbm>> -> memref<20480x104xf32, #tpu.memory_space<hbm>>
        tpu.enqueue_indirect_dma source(%dma_start3A_196 : memref<20480x104xf32, #tpu.memory_space<hbm>>) target(%arg10 : memref<128x104xf32, #tpu.memory_space<vmem>>) offsets(%dma_start3A_193 : memref<128xi32, #tpu.memory_space<vmem>>) semaphore(%arg14 : memref<!tpu.dma_semaphore, #tpu.memory_space<semaphore_mem>>)
      } else {
      }
      %dma_wait3A_146 = arith.constant 0 : i32
      %dma_wait3A_147 = arith.constant 0 : i32
      %dma_wait3A_148 = tpu.memref_slice %arg9[%dma_wait3A_146, %dma_wait3A_147] : memref<40x128xi32, #tpu.memory_space<vmem>> -> memref<1x128xi32, #tpu.memory_space<vmem>>
      %dma_wait3A_149 = tpu.memref_squeeze %dma_wait3A_148 : memref<1x128xi32, #tpu.memory_space<vmem>> -> memref<128xi32, #tpu.memory_space<vmem>>
      %dma_wait3A_150 = arith.constant 0 : i32
      %dma_wait3A_151 = arith.constant 0 : i32
      %dma_wait3A_152 = tpu.memref_slice %arg2[%dma_wait3A_150, %dma_wait3A_151] : memref<20480x104xf32, #tpu.memory_space<hbm>> -> memref<20480x104xf32, #tpu.memory_space<hbm>>
      tpu.wait_indirect_dma semaphore(%arg15 : memref<!tpu.dma_semaphore, #tpu.memory_space<semaphore_mem>>) src(%dma_wait3A_152 : memref<20480x104xf32, #tpu.memory_space<hbm>>) dst(%arg11 : memref<128x104xf32, #tpu.memory_space<vmem>>)
      %add3A_153 = arith.constant 1 : i32
      %add3A_154 = arith.addi %mul3A_123, %add3A_153 : i32
      "tpu.region"() ({
        %run_scoped3A_191 = tpu.sem_alloc : memref<!tpu.dma_semaphore, #tpu.memory_space<semaphore_mem>>
        %dma_start3A_192 = arith.constant 0 : i32
        %dma_start3A_193 = tpu.memref_slice %arg8[%add3A_154, %dma_start3A_192] : memref<40x128xi32, #tpu.memory_space<vmem>> -> memref<1x128xi32, #tpu.memory_space<vmem>>
        %dma_start3A_194 = tpu.memref_squeeze %dma_start3A_193 : memref<1x128xi32, #tpu.memory_space<vmem>> -> memref<128xi32, #tpu.memory_space<vmem>>
        %dma_start3A_195 = arith.constant 0 : i32
        %dma_start3A_196 = arith.constant 0 : i32
        %dma_start3A_197 = tpu.memref_slice %arg7[%dma_start3A_195, %dma_start3A_196] : memref<10241x104xf32, #tpu.memory_space<vmem_shared>> -> memref<10241x104xf32, #tpu.memory_space<vmem_shared>>
        tpu.enqueue_indirect_dma source(%arg11 : memref<128x104xf32, #tpu.memory_space<vmem>>) target(%dma_start3A_197 : memref<10241x104xf32, #tpu.memory_space<vmem_shared>>) offsets(%dma_start3A_194 : memref<128xi32, #tpu.memory_space<vmem>>) semaphore(%run_scoped3A_191 : memref<!tpu.dma_semaphore, #tpu.memory_space<semaphore_mem>>) {add = true}
        %dma_wait3A_198 = arith.constant 0 : i32
        %dma_wait3A_199 = tpu.memref_slice %arg8[%add3A_154, %dma_wait3A_198] : memref<40x128xi32, #tpu.memory_space<vmem>> -> memref<1x128xi32, #tpu.memory_space<vmem>>
        %dma_wait3A_200 = tpu.memref_squeeze %dma_wait3A_199 : memref<1x128xi32, #tpu.memory_space<vmem>> -> memref<128xi32, #tpu.memory_space<vmem>>
        %dma_wait3A_201 = arith.constant 0 : i32
        %dma_wait3A_202 = arith.constant 0 : i32
        %dma_wait3A_203 = tpu.memref_slice %arg7[%dma_wait3A_201, %dma_wait3A_202] : memref<10241x104xf32, #tpu.memory_space<vmem_shared>> -> memref<10241x104xf32, #tpu.memory_space<vmem_shared>>
        tpu.wait_indirect_dma semaphore(%run_scoped3A_191 : memref<!tpu.dma_semaphore, #tpu.memory_space<semaphore_mem>>) src(%arg11 : memref<128x104xf32, #tpu.memory_space<vmem>>) dst(%dma_wait3A_203 : memref<10241x104xf32, #tpu.memory_space<vmem_shared>>)
        tpu.yield
      }) : () -> ()
      %add3A_155 = arith.constant 2 : i32
      %add3A_156 = arith.addi %mul3A_123, %add3A_155 : i32
      %add3A_157 = arith.constant 3 : i32
      %add3A_158 = arith.addi %add3A_156, %add3A_157 : i32
      %lt3A_159 = arith.constant 40 : i32
      %lt3A_160 = arith.cmpi slt, %add3A_158, %lt3A_159 : i32
      %convert_element_type3A_161 = arith.extui %lt3A_160 : i1 to i32
      %cond3A_162 = arith.constant 0 : i32
      %cond3A_163 = arith.cmpi ne, %convert_element_type3A_161, %cond3A_162 : i32
      scf.if %cond3A_163 {
        %dma_start3A_191 = arith.constant 0 : i32
        %dma_start3A_192 = tpu.memref_slice %arg9[%add3A_158, %dma_start3A_191] : memref<40x128xi32, #tpu.memory_space<vmem>> -> memref<1x128xi32, #tpu.memory_space<vmem>>
        %dma_start3A_193 = tpu.memref_squeeze %dma_start3A_192 : memref<1x128xi32, #tpu.memory_space<vmem>> -> memref<128xi32, #tpu.memory_space<vmem>>
        %dma_start3A_194 = arith.constant 0 : i32
        %dma_start3A_195 = arith.constant 0 : i32
        %dma_start3A_196 = tpu.memref_slice %arg2[%dma_start3A_194, %dma_start3A_195] : memref<20480x104xf32, #tpu.memory_space<hbm>> -> memref<20480x104xf32, #tpu.memory_space<hbm>>
        tpu.enqueue_indirect_dma source(%dma_start3A_196 : memref<20480x104xf32, #tpu.memory_space<hbm>>) target(%arg11 : memref<128x104xf32, #tpu.memory_space<vmem>>) offsets(%dma_start3A_193 : memref<128xi32, #tpu.memory_space<vmem>>) semaphore(%arg15 : memref<!tpu.dma_semaphore, #tpu.memory_space<semaphore_mem>>)
      } else {
      }
      %dma_wait3A_164 = arith.constant 0 : i32
      %dma_wait3A_165 = arith.constant 0 : i32
      %dma_wait3A_166 = tpu.memref_slice %arg9[%dma_wait3A_164, %dma_wait3A_165] : memref<40x128xi32, #tpu.memory_space<vmem>> -> memref<1x128xi32, #tpu.memory_space<vmem>>
      %dma_wait3A_167 = tpu.memref_squeeze %dma_wait3A_166 : memref<1x128xi32, #tpu.memory_space<vmem>> -> memref<128xi32, #tpu.memory_space<vmem>>
      %dma_wait3A_168 = arith.constant 0 : i32
      %dma_wait3A_169 = arith.constant 0 : i32
      %dma_wait3A_170 = tpu.memref_slice %arg2[%dma_wait3A_168, %dma_wait3A_169] : memref<20480x104xf32, #tpu.memory_space<hbm>> -> memref<20480x104xf32, #tpu.memory_space<hbm>>
      tpu.wait_indirect_dma semaphore(%arg16 : memref<!tpu.dma_semaphore, #tpu.memory_space<semaphore_mem>>) src(%dma_wait3A_170 : memref<20480x104xf32, #tpu.memory_space<hbm>>) dst(%arg12 : memref<128x104xf32, #tpu.memory_space<vmem>>)
      %add3A_171 = arith.constant 2 : i32
      %add3A_172 = arith.addi %mul3A_123, %add3A_171 : i32
      "tpu.region"() ({
        %run_scoped3A_191 = tpu.sem_alloc : memref<!tpu.dma_semaphore, #tpu.memory_space<semaphore_mem>>
        %dma_start3A_192 = arith.constant 0 : i32
        %dma_start3A_193 = tpu.memref_slice %arg8[%add3A_172, %dma_start3A_192] : memref<40x128xi32, #tpu.memory_space<vmem>> -> memref<1x128xi32, #tpu.memory_space<vmem>>
        %dma_start3A_194 = tpu.memref_squeeze %dma_start3A_193 : memref<1x128xi32, #tpu.memory_space<vmem>> -> memref<128xi32, #tpu.memory_space<vmem>>
        %dma_start3A_195 = arith.constant 0 : i32
        %dma_start3A_196 = arith.constant 0 : i32
        %dma_start3A_197 = tpu.memref_slice %arg7[%dma_start3A_195, %dma_start3A_196] : memref<10241x104xf32, #tpu.memory_space<vmem_shared>> -> memref<10241x104xf32, #tpu.memory_space<vmem_shared>>
        tpu.enqueue_indirect_dma source(%arg12 : memref<128x104xf32, #tpu.memory_space<vmem>>) target(%dma_start3A_197 : memref<10241x104xf32, #tpu.memory_space<vmem_shared>>) offsets(%dma_start3A_194 : memref<128xi32, #tpu.memory_space<vmem>>) semaphore(%run_scoped3A_191 : memref<!tpu.dma_semaphore, #tpu.memory_space<semaphore_mem>>) {add = true}
        %dma_wait3A_198 = arith.constant 0 : i32
        %dma_wait3A_199 = tpu.memref_slice %arg8[%add3A_172, %dma_wait3A_198] : memref<40x128xi32, #tpu.memory_space<vmem>> -> memref<1x128xi32, #tpu.memory_space<vmem>>
        %dma_wait3A_200 = tpu.memref_squeeze %dma_wait3A_199 : memref<1x128xi32, #tpu.memory_space<vmem>> -> memref<128xi32, #tpu.memory_space<vmem>>
        %dma_wait3A_201 = arith.constant 0 : i32
        %dma_wait3A_202 = arith.constant 0 : i32
        %dma_wait3A_203 = tpu.memref_slice %arg7[%dma_wait3A_201, %dma_wait3A_202] : memref<10241x104xf32, #tpu.memory_space<vmem_shared>> -> memref<10241x104xf32, #tpu.memory_space<vmem_shared>>
        tpu.wait_indirect_dma semaphore(%run_scoped3A_191 : memref<!tpu.dma_semaphore, #tpu.memory_space<semaphore_mem>>) src(%arg12 : memref<128x104xf32, #tpu.memory_space<vmem>>) dst(%dma_wait3A_203 : memref<10241x104xf32, #tpu.memory_space<vmem_shared>>)
        tpu.yield
      }) : () -> ()
      %add3A_173 = arith.constant 3 : i32
      %add3A_174 = arith.addi %mul3A_123, %add3A_173 : i32
      %add3A_175 = arith.constant 3 : i32
      %add3A_176 = arith.addi %add3A_174, %add3A_175 : i32
      %lt3A_177 = arith.constant 40 : i32
      %lt3A_178 = arith.cmpi slt, %add3A_176, %lt3A_177 : i32
      %convert_element_type3A_179 = arith.extui %lt3A_178 : i1 to i32
      %cond3A_180 = arith.constant 0 : i32
      %cond3A_181 = arith.cmpi ne, %convert_element_type3A_179, %cond3A_180 : i32
      scf.if %cond3A_181 {
        %dma_start3A_191 = arith.constant 0 : i32
        %dma_start3A_192 = tpu.memref_slice %arg9[%add3A_176, %dma_start3A_191] : memref<40x128xi32, #tpu.memory_space<vmem>> -> memref<1x128xi32, #tpu.memory_space<vmem>>
        %dma_start3A_193 = tpu.memref_squeeze %dma_start3A_192 : memref<1x128xi32, #tpu.memory_space<vmem>> -> memref<128xi32, #tpu.memory_space<vmem>>
        %dma_start3A_194 = arith.constant 0 : i32
        %dma_start3A_195 = arith.constant 0 : i32
        %dma_start3A_196 = tpu.memref_slice %arg2[%dma_start3A_194, %dma_start3A_195] : memref<20480x104xf32, #tpu.memory_space<hbm>> -> memref<20480x104xf32, #tpu.memory_space<hbm>>
        tpu.enqueue_indirect_dma source(%dma_start3A_196 : memref<20480x104xf32, #tpu.memory_space<hbm>>) target(%arg12 : memref<128x104xf32, #tpu.memory_space<vmem>>) offsets(%dma_start3A_193 : memref<128xi32, #tpu.memory_space<vmem>>) semaphore(%arg16 : memref<!tpu.dma_semaphore, #tpu.memory_space<semaphore_mem>>)
      } else {
      }
      %dma_wait3A_182 = arith.constant 0 : i32
      %dma_wait3A_183 = arith.constant 0 : i32
      %dma_wait3A_184 = tpu.memref_slice %arg9[%dma_wait3A_182, %dma_wait3A_183] : memref<40x128xi32, #tpu.memory_space<vmem>> -> memref<1x128xi32, #tpu.memory_space<vmem>>
      %dma_wait3A_185 = tpu.memref_squeeze %dma_wait3A_184 : memref<1x128xi32, #tpu.memory_space<vmem>> -> memref<128xi32, #tpu.memory_space<vmem>>
      %dma_wait3A_186 = arith.constant 0 : i32
      %dma_wait3A_187 = arith.constant 0 : i32
      %dma_wait3A_188 = tpu.memref_slice %arg2[%dma_wait3A_186, %dma_wait3A_187] : memref<20480x104xf32, #tpu.memory_space<hbm>> -> memref<20480x104xf32, #tpu.memory_space<hbm>>
      tpu.wait_indirect_dma semaphore(%arg17 : memref<!tpu.dma_semaphore, #tpu.memory_space<semaphore_mem>>) src(%dma_wait3A_188 : memref<20480x104xf32, #tpu.memory_space<hbm>>) dst(%arg13 : memref<128x104xf32, #tpu.memory_space<vmem>>)
      %add3A_189 = arith.constant 3 : i32
      %add3A_190 = arith.addi %mul3A_123, %add3A_189 : i32
      "tpu.region"() ({
        %run_scoped3A_191 = tpu.sem_alloc : memref<!tpu.dma_semaphore, #tpu.memory_space<semaphore_mem>>
        %dma_start3A_192 = arith.constant 0 : i32
        %dma_start3A_193 = tpu.memref_slice %arg8[%add3A_190, %dma_start3A_192] : memref<40x128xi32, #tpu.memory_space<vmem>> -> memref<1x128xi32, #tpu.memory_space<vmem>>
        %dma_start3A_194 = tpu.memref_squeeze %dma_start3A_193 : memref<1x128xi32, #tpu.memory_space<vmem>> -> memref<128xi32, #tpu.memory_space<vmem>>
        %dma_start3A_195 = arith.constant 0 : i32
        %dma_start3A_196 = arith.constant 0 : i32
        %dma_start3A_197 = tpu.memref_slice %arg7[%dma_start3A_195, %dma_start3A_196] : memref<10241x104xf32, #tpu.memory_space<vmem_shared>> -> memref<10241x104xf32, #tpu.memory_space<vmem_shared>>
        tpu.enqueue_indirect_dma source(%arg13 : memref<128x104xf32, #tpu.memory_space<vmem>>) target(%dma_start3A_197 : memref<10241x104xf32, #tpu.memory_space<vmem_shared>>) offsets(%dma_start3A_194 : memref<128xi32, #tpu.memory_space<vmem>>) semaphore(%run_scoped3A_191 : memref<!tpu.dma_semaphore, #tpu.memory_space<semaphore_mem>>) {add = true}
        %dma_wait3A_198 = arith.constant 0 : i32
        %dma_wait3A_199 = tpu.memref_slice %arg8[%add3A_190, %dma_wait3A_198] : memref<40x128xi32, #tpu.memory_space<vmem>> -> memref<1x128xi32, #tpu.memory_space<vmem>>
        %dma_wait3A_200 = tpu.memref_squeeze %dma_wait3A_199 : memref<1x128xi32, #tpu.memory_space<vmem>> -> memref<128xi32, #tpu.memory_space<vmem>>
        %dma_wait3A_201 = arith.constant 0 : i32
        %dma_wait3A_202 = arith.constant 0 : i32
        %dma_wait3A_203 = tpu.memref_slice %arg7[%dma_wait3A_201, %dma_wait3A_202] : memref<10241x104xf32, #tpu.memory_space<vmem_shared>> -> memref<10241x104xf32, #tpu.memory_space<vmem_shared>>
        tpu.wait_indirect_dma semaphore(%run_scoped3A_191 : memref<!tpu.dma_semaphore, #tpu.memory_space<semaphore_mem>>) src(%arg13 : memref<128x104xf32, #tpu.memory_space<vmem>>) dst(%dma_wait3A_203 : memref<10241x104xf32, #tpu.memory_space<vmem_shared>>)
        tpu.yield
      }) : () -> ()
    }
    %scan3A_55 = arith.constant 10 : i32
    %run_scoped3A_56 = arith.constant 2 : i32
    "tpu.region"() ({
      %run_scoped3A_121 = tpu.sem_alloc : memref<!tpu.dma_semaphore, #tpu.memory_space<semaphore_mem>>
      %dma_start3A_122 = arith.constant 0 : i32
      %dma_start3A_123 = arith.constant 0 : i32
      %dma_start3A_124 = tpu.memref_slice %arg3[%arg0, %arg1, %run_scoped3A_56, %dma_start3A_122, %dma_start3A_123] : memref<2x16x4x40x128xi32, #tpu.memory_space<hbm>> -> memref<1x1x1x40x128xi32, #tpu.memory_space<hbm>>
      %dma_start3A_125 = tpu.memref_squeeze %dma_start3A_124 : memref<1x1x1x40x128xi32, #tpu.memory_space<hbm>> -> memref<40x128xi32, #tpu.memory_space<hbm>>
      %dma_start3A_126 = arith.constant 0 : i32
      %dma_start3A_127 = arith.constant 0 : i32
      %dma_start3A_128 = tpu.memref_slice %arg3[%arg0, %arg1, %run_scoped3A_56, %dma_start3A_126, %dma_start3A_127] : memref<2x16x4x40x128xi32, #tpu.memory_space<hbm>> -> memref<1x1x1x40x128xi32, #tpu.memory_space<hbm>>
      %dma_start3A_129 = tpu.memref_squeeze %dma_start3A_128 : memref<1x1x1x40x128xi32, #tpu.memory_space<hbm>> -> memref<40x128xi32, #tpu.memory_space<hbm>>
      tpu.enqueue_dma source(%dma_start3A_129 : memref<40x128xi32, #tpu.memory_space<hbm>>) target(%arg9 : memref<40x128xi32, #tpu.memory_space<vmem>>) target_semaphore(%run_scoped3A_121 : memref<!tpu.dma_semaphore, #tpu.memory_space<semaphore_mem>>)
      %dma_wait3A = arith.constant 0 : i32
      %dma_wait3A_130 = arith.constant 0 : i32
      %dma_wait3A_131 = tpu.memref_slice %arg3[%arg0, %arg1, %run_scoped3A_56, %dma_wait3A, %dma_wait3A_130] : memref<2x16x4x40x128xi32, #tpu.memory_space<hbm>> -> memref<1x1x1x40x128xi32, #tpu.memory_space<hbm>>
      %dma_wait3A_132 = tpu.memref_squeeze %dma_wait3A_131 : memref<1x1x1x40x128xi32, #tpu.memory_space<hbm>> -> memref<40x128xi32, #tpu.memory_space<hbm>>
      %dma_wait3A_133 = arith.constant 0 : i32
      %dma_wait3A_134 = arith.constant 0 : i32
      %dma_wait3A_135 = tpu.memref_slice %arg3[%arg0, %arg1, %run_scoped3A_56, %dma_wait3A_133, %dma_wait3A_134] : memref<2x16x4x40x128xi32, #tpu.memory_space<hbm>> -> memref<1x1x1x40x128xi32, #tpu.memory_space<hbm>>
      %dma_wait3A_136 = tpu.memref_squeeze %dma_wait3A_135 : memref<1x1x1x40x128xi32, #tpu.memory_space<hbm>> -> memref<40x128xi32, #tpu.memory_space<hbm>>
      tpu.wait_dma2 semaphore(%run_scoped3A_121 : memref<!tpu.dma_semaphore, #tpu.memory_space<semaphore_mem>>) src(%dma_wait3A_136 : memref<40x128xi32, #tpu.memory_space<hbm>>) dst(%arg9 : memref<40x128xi32, #tpu.memory_space<vmem>>)
      tpu.yield
    }) : () -> ()
    %run_scoped3A_57 = arith.constant 2 : i32
    "tpu.region"() ({
      %run_scoped3A_121 = tpu.sem_alloc : memref<!tpu.dma_semaphore, #tpu.memory_space<semaphore_mem>>
      %dma_start3A_122 = arith.constant 0 : i32
      %dma_start3A_123 = arith.constant 0 : i32
      %dma_start3A_124 = tpu.memref_slice %arg4[%arg1, %run_scoped3A_57, %dma_start3A_122, %dma_start3A_123] : memref<16x4x40x128xi32, #tpu.memory_space<hbm>> -> memref<1x1x40x128xi32, #tpu.memory_space<hbm>>
      %dma_start3A_125 = tpu.memref_squeeze %dma_start3A_124 : memref<1x1x40x128xi32, #tpu.memory_space<hbm>> -> memref<40x128xi32, #tpu.memory_space<hbm>>
      %dma_start3A_126 = arith.constant 0 : i32
      %dma_start3A_127 = arith.constant 0 : i32
      %dma_start3A_128 = tpu.memref_slice %arg4[%arg1, %run_scoped3A_57, %dma_start3A_126, %dma_start3A_127] : memref<16x4x40x128xi32, #tpu.memory_space<hbm>> -> memref<1x1x40x128xi32, #tpu.memory_space<hbm>>
      %dma_start3A_129 = tpu.memref_squeeze %dma_start3A_128 : memref<1x1x40x128xi32, #tpu.memory_space<hbm>> -> memref<40x128xi32, #tpu.memory_space<hbm>>
      tpu.enqueue_dma source(%dma_start3A_129 : memref<40x128xi32, #tpu.memory_space<hbm>>) target(%arg8 : memref<40x128xi32, #tpu.memory_space<vmem>>) target_semaphore(%run_scoped3A_121 : memref<!tpu.dma_semaphore, #tpu.memory_space<semaphore_mem>>)
      %dma_wait3A = arith.constant 0 : i32
      %dma_wait3A_130 = arith.constant 0 : i32
      %dma_wait3A_131 = tpu.memref_slice %arg4[%arg1, %run_scoped3A_57, %dma_wait3A, %dma_wait3A_130] : memref<16x4x40x128xi32, #tpu.memory_space<hbm>> -> memref<1x1x40x128xi32, #tpu.memory_space<hbm>>
      %dma_wait3A_132 = tpu.memref_squeeze %dma_wait3A_131 : memref<1x1x40x128xi32, #tpu.memory_space<hbm>> -> memref<40x128xi32, #tpu.memory_space<hbm>>
      %dma_wait3A_133 = arith.constant 0 : i32
      %dma_wait3A_134 = arith.constant 0 : i32
      %dma_wait3A_135 = tpu.memref_slice %arg4[%arg1, %run_scoped3A_57, %dma_wait3A_133, %dma_wait3A_134] : memref<16x4x40x128xi32, #tpu.memory_space<hbm>> -> memref<1x1x40x128xi32, #tpu.memory_space<hbm>>
      %dma_wait3A_136 = tpu.memref_squeeze %dma_wait3A_135 : memref<1x1x40x128xi32, #tpu.memory_space<hbm>> -> memref<40x128xi32, #tpu.memory_space<hbm>>
      tpu.wait_dma2 semaphore(%run_scoped3A_121 : memref<!tpu.dma_semaphore, #tpu.memory_space<semaphore_mem>>) src(%dma_wait3A_136 : memref<40x128xi32, #tpu.memory_space<hbm>>) dst(%arg8 : memref<40x128xi32, #tpu.memory_space<vmem>>)
      tpu.yield
    }) : () -> ()
    %dma_start3A_58 = arith.constant 0 : i32
    %dma_start3A_59 = arith.constant 0 : i32
    %dma_start3A_60 = tpu.memref_slice %arg9[%dma_start3A_58, %dma_start3A_59] : memref<40x128xi32, #tpu.memory_space<vmem>> -> memref<1x128xi32, #tpu.memory_space<vmem>>
    %dma_start3A_61 = tpu.memref_squeeze %dma_start3A_60 : memref<1x128xi32, #tpu.memory_space<vmem>> -> memref<128xi32, #tpu.memory_space<vmem>>
    %dma_start3A_62 = arith.constant 0 : i32
    %dma_start3A_63 = arith.constant 0 : i32
    %dma_start3A_64 = tpu.memref_slice %arg2[%dma_start3A_62, %dma_start3A_63] : memref<20480x104xf32, #tpu.memory_space<hbm>> -> memref<20480x104xf32, #tpu.memory_space<hbm>>
    tpu.enqueue_indirect_dma source(%dma_start3A_64 : memref<20480x104xf32, #tpu.memory_space<hbm>>) target(%arg10 : memref<128x104xf32, #tpu.memory_space<vmem>>) offsets(%dma_start3A_61 : memref<128xi32, #tpu.memory_space<vmem>>) semaphore(%arg14 : memref<!tpu.dma_semaphore, #tpu.memory_space<semaphore_mem>>)
    %dma_start3A_65 = arith.constant 1 : i32
    %dma_start3A_66 = arith.constant 0 : i32
    %dma_start3A_67 = tpu.memref_slice %arg9[%dma_start3A_65, %dma_start3A_66] : memref<40x128xi32, #tpu.memory_space<vmem>> -> memref<1x128xi32, #tpu.memory_space<vmem>>
    %dma_start3A_68 = tpu.memref_squeeze %dma_start3A_67 : memref<1x128xi32, #tpu.memory_space<vmem>> -> memref<128xi32, #tpu.memory_space<vmem>>
    %dma_start3A_69 = arith.constant 0 : i32
    %dma_start3A_70 = arith.constant 0 : i32
    %dma_start3A_71 = tpu.memref_slice %arg2[%dma_start3A_69, %dma_start3A_70] : memref<20480x104xf32, #tpu.memory_space<hbm>> -> memref<20480x104xf32, #tpu.memory_space<hbm>>
    tpu.enqueue_indirect_dma source(%dma_start3A_71 : memref<20480x104xf32, #tpu.memory_space<hbm>>) target(%arg11 : memref<128x104xf32, #tpu.memory_space<vmem>>) offsets(%dma_start3A_68 : memref<128xi32, #tpu.memory_space<vmem>>) semaphore(%arg15 : memref<!tpu.dma_semaphore, #tpu.memory_space<semaphore_mem>>)
    %dma_start3A_72 = arith.constant 2 : i32
    %dma_start3A_73 = arith.constant 0 : i32
    %dma_start3A_74 = tpu.memref_slice %arg9[%dma_start3A_72, %dma_start3A_73] : memref<40x128xi32, #tpu.memory_space<vmem>> -> memref<1x128xi32, #tpu.memory_space<vmem>>
    %dma_start3A_75 = tpu.memref_squeeze %dma_start3A_74 : memref<1x128xi32, #tpu.memory_space<vmem>> -> memref<128xi32, #tpu.memory_space<vmem>>
    %dma_start3A_76 = arith.constant 0 : i32
    %dma_start3A_77 = arith.constant 0 : i32
    %dma_start3A_78 = tpu.memref_slice %arg2[%dma_start3A_76, %dma_start3A_77] : memref<20480x104xf32, #tpu.memory_space<hbm>> -> memref<20480x104xf32, #tpu.memory_space<hbm>>
    tpu.enqueue_indirect_dma source(%dma_start3A_78 : memref<20480x104xf32, #tpu.memory_space<hbm>>) target(%arg12 : memref<128x104xf32, #tpu.memory_space<vmem>>) offsets(%dma_start3A_75 : memref<128xi32, #tpu.memory_space<vmem>>) semaphore(%arg16 : memref<!tpu.dma_semaphore, #tpu.memory_space<semaphore_mem>>)
    %scan3A_79 = arith.constant 0 : i32
    %scan3A_80 = arith.constant 0 : i32
    %scan3A_81 = arith.constant 10 : i32
    %scan3A_82 = arith.addi %scan3A_80, %scan3A_81 : i32
    %scan3A_83 = arith.constant 1 : i32
    scf.for %scan3A_121 = %scan3A_80 to %scan3A_82 step %scan3A_83  : i32 {
      %mul3A_122 = arith.constant 4 : i32
      %mul3A_123 = arith.muli %mul3A_122, %scan3A_121 : i32
      %add3A = arith.constant 0 : i32
      %add3A_124 = arith.addi %mul3A_123, %add3A : i32
      %add3A_125 = arith.constant 3 : i32
      %add3A_126 = arith.addi %add3A_124, %add3A_125 : i32
      %lt3A = arith.constant 40 : i32
      %lt3A_127 = arith.cmpi slt, %add3A_126, %lt3A : i32
      %convert_element_type3A = arith.extui %lt3A_127 : i1 to i32
      %cond3A = arith.constant 0 : i32
      %cond3A_128 = arith.cmpi ne, %convert_element_type3A, %cond3A : i32
      scf.if %cond3A_128 {
        %dma_start3A_191 = arith.constant 0 : i32
        %dma_start3A_192 = tpu.memref_slice %arg9[%add3A_126, %dma_start3A_191] : memref<40x128xi32, #tpu.memory_space<vmem>> -> memref<1x128xi32, #tpu.memory_space<vmem>>
        %dma_start3A_193 = tpu.memref_squeeze %dma_start3A_192 : memref<1x128xi32, #tpu.memory_space<vmem>> -> memref<128xi32, #tpu.memory_space<vmem>>
        %dma_start3A_194 = arith.constant 0 : i32
        %dma_start3A_195 = arith.constant 0 : i32
        %dma_start3A_196 = tpu.memref_slice %arg2[%dma_start3A_194, %dma_start3A_195] : memref<20480x104xf32, #tpu.memory_space<hbm>> -> memref<20480x104xf32, #tpu.memory_space<hbm>>
        tpu.enqueue_indirect_dma source(%dma_start3A_196 : memref<20480x104xf32, #tpu.memory_space<hbm>>) target(%arg13 : memref<128x104xf32, #tpu.memory_space<vmem>>) offsets(%dma_start3A_193 : memref<128xi32, #tpu.memory_space<vmem>>) semaphore(%arg17 : memref<!tpu.dma_semaphore, #tpu.memory_space<semaphore_mem>>)
      } else {
      }
      %dma_wait3A = arith.constant 0 : i32
      %dma_wait3A_129 = arith.constant 0 : i32
      %dma_wait3A_130 = tpu.memref_slice %arg9[%dma_wait3A, %dma_wait3A_129] : memref<40x128xi32, #tpu.memory_space<vmem>> -> memref<1x128xi32, #tpu.memory_space<vmem>>
      %dma_wait3A_131 = tpu.memref_squeeze %dma_wait3A_130 : memref<1x128xi32, #tpu.memory_space<vmem>> -> memref<128xi32, #tpu.memory_space<vmem>>
      %dma_wait3A_132 = arith.constant 0 : i32
      %dma_wait3A_133 = arith.constant 0 : i32
      %dma_wait3A_134 = tpu.memref_slice %arg2[%dma_wait3A_132, %dma_wait3A_133] : memref<20480x104xf32, #tpu.memory_space<hbm>> -> memref<20480x104xf32, #tpu.memory_space<hbm>>
      tpu.wait_indirect_dma semaphore(%arg14 : memref<!tpu.dma_semaphore, #tpu.memory_space<semaphore_mem>>) src(%dma_wait3A_134 : memref<20480x104xf32, #tpu.memory_space<hbm>>) dst(%arg10 : memref<128x104xf32, #tpu.memory_space<vmem>>)
      %add3A_135 = arith.constant 0 : i32
      %add3A_136 = arith.addi %mul3A_123, %add3A_135 : i32
      "tpu.region"() ({
        %run_scoped3A_191 = tpu.sem_alloc : memref<!tpu.dma_semaphore, #tpu.memory_space<semaphore_mem>>
        %dma_start3A_192 = arith.constant 0 : i32
        %dma_start3A_193 = tpu.memref_slice %arg8[%add3A_136, %dma_start3A_192] : memref<40x128xi32, #tpu.memory_space<vmem>> -> memref<1x128xi32, #tpu.memory_space<vmem>>
        %dma_start3A_194 = tpu.memref_squeeze %dma_start3A_193 : memref<1x128xi32, #tpu.memory_space<vmem>> -> memref<128xi32, #tpu.memory_space<vmem>>
        %dma_start3A_195 = arith.constant 0 : i32
        %dma_start3A_196 = arith.constant 0 : i32
        %dma_start3A_197 = tpu.memref_slice %arg7[%dma_start3A_195, %dma_start3A_196] : memref<10241x104xf32, #tpu.memory_space<vmem_shared>> -> memref<10241x104xf32, #tpu.memory_space<vmem_shared>>
        tpu.enqueue_indirect_dma source(%arg10 : memref<128x104xf32, #tpu.memory_space<vmem>>) target(%dma_start3A_197 : memref<10241x104xf32, #tpu.memory_space<vmem_shared>>) offsets(%dma_start3A_194 : memref<128xi32, #tpu.memory_space<vmem>>) semaphore(%run_scoped3A_191 : memref<!tpu.dma_semaphore, #tpu.memory_space<semaphore_mem>>) {add = true}
        %dma_wait3A_198 = arith.constant 0 : i32
        %dma_wait3A_199 = tpu.memref_slice %arg8[%add3A_136, %dma_wait3A_198] : memref<40x128xi32, #tpu.memory_space<vmem>> -> memref<1x128xi32, #tpu.memory_space<vmem>>
        %dma_wait3A_200 = tpu.memref_squeeze %dma_wait3A_199 : memref<1x128xi32, #tpu.memory_space<vmem>> -> memref<128xi32, #tpu.memory_space<vmem>>
        %dma_wait3A_201 = arith.constant 0 : i32
        %dma_wait3A_202 = arith.constant 0 : i32
        %dma_wait3A_203 = tpu.memref_slice %arg7[%dma_wait3A_201, %dma_wait3A_202] : memref<10241x104xf32, #tpu.memory_space<vmem_shared>> -> memref<10241x104xf32, #tpu.memory_space<vmem_shared>>
        tpu.wait_indirect_dma semaphore(%run_scoped3A_191 : memref<!tpu.dma_semaphore, #tpu.memory_space<semaphore_mem>>) src(%arg10 : memref<128x104xf32, #tpu.memory_space<vmem>>) dst(%dma_wait3A_203 : memref<10241x104xf32, #tpu.memory_space<vmem_shared>>)
        tpu.yield
      }) : () -> ()
      %add3A_137 = arith.constant 1 : i32
      %add3A_138 = arith.addi %mul3A_123, %add3A_137 : i32
      %add3A_139 = arith.constant 3 : i32
      %add3A_140 = arith.addi %add3A_138, %add3A_139 : i32
      %lt3A_141 = arith.constant 40 : i32
      %lt3A_142 = arith.cmpi slt, %add3A_140, %lt3A_141 : i32
      %convert_element_type3A_143 = arith.extui %lt3A_142 : i1 to i32
      %cond3A_144 = arith.constant 0 : i32
      %cond3A_145 = arith.cmpi ne, %convert_element_type3A_143, %cond3A_144 : i32
      scf.if %cond3A_145 {
        %dma_start3A_191 = arith.constant 0 : i32
        %dma_start3A_192 = tpu.memref_slice %arg9[%add3A_140, %dma_start3A_191] : memref<40x128xi32, #tpu.memory_space<vmem>> -> memref<1x128xi32, #tpu.memory_space<vmem>>
        %dma_start3A_193 = tpu.memref_squeeze %dma_start3A_192 : memref<1x128xi32, #tpu.memory_space<vmem>> -> memref<128xi32, #tpu.memory_space<vmem>>
        %dma_start3A_194 = arith.constant 0 : i32
        %dma_start3A_195 = arith.constant 0 : i32
        %dma_start3A_196 = tpu.memref_slice %arg2[%dma_start3A_194, %dma_start3A_195] : memref<20480x104xf32, #tpu.memory_space<hbm>> -> memref<20480x104xf32, #tpu.memory_space<hbm>>
        tpu.enqueue_indirect_dma source(%dma_start3A_196 : memref<20480x104xf32, #tpu.memory_space<hbm>>) target(%arg10 : memref<128x104xf32, #tpu.memory_space<vmem>>) offsets(%dma_start3A_193 : memref<128xi32, #tpu.memory_space<vmem>>) semaphore(%arg14 : memref<!tpu.dma_semaphore, #tpu.memory_space<semaphore_mem>>)
      } else {
      }
      %dma_wait3A_146 = arith.constant 0 : i32
      %dma_wait3A_147 = arith.constant 0 : i32
      %dma_wait3A_148 = tpu.memref_slice %arg9[%dma_wait3A_146, %dma_wait3A_147] : memref<40x128xi32, #tpu.memory_space<vmem>> -> memref<1x128xi32, #tpu.memory_space<vmem>>
      %dma_wait3A_149 = tpu.memref_squeeze %dma_wait3A_148 : memref<1x128xi32, #tpu.memory_space<vmem>> -> memref<128xi32, #tpu.memory_space<vmem>>
      %dma_wait3A_150 = arith.constant 0 : i32
      %dma_wait3A_151 = arith.constant 0 : i32
      %dma_wait3A_152 = tpu.memref_slice %arg2[%dma_wait3A_150, %dma_wait3A_151] : memref<20480x104xf32, #tpu.memory_space<hbm>> -> memref<20480x104xf32, #tpu.memory_space<hbm>>
      tpu.wait_indirect_dma semaphore(%arg15 : memref<!tpu.dma_semaphore, #tpu.memory_space<semaphore_mem>>) src(%dma_wait3A_152 : memref<20480x104xf32, #tpu.memory_space<hbm>>) dst(%arg11 : memref<128x104xf32, #tpu.memory_space<vmem>>)
      %add3A_153 = arith.constant 1 : i32
      %add3A_154 = arith.addi %mul3A_123, %add3A_153 : i32
      "tpu.region"() ({
        %run_scoped3A_191 = tpu.sem_alloc : memref<!tpu.dma_semaphore, #tpu.memory_space<semaphore_mem>>
        %dma_start3A_192 = arith.constant 0 : i32
        %dma_start3A_193 = tpu.memref_slice %arg8[%add3A_154, %dma_start3A_192] : memref<40x128xi32, #tpu.memory_space<vmem>> -> memref<1x128xi32, #tpu.memory_space<vmem>>
        %dma_start3A_194 = tpu.memref_squeeze %dma_start3A_193 : memref<1x128xi32, #tpu.memory_space<vmem>> -> memref<128xi32, #tpu.memory_space<vmem>>
        %dma_start3A_195 = arith.constant 0 : i32
        %dma_start3A_196 = arith.constant 0 : i32
        %dma_start3A_197 = tpu.memref_slice %arg7[%dma_start3A_195, %dma_start3A_196] : memref<10241x104xf32, #tpu.memory_space<vmem_shared>> -> memref<10241x104xf32, #tpu.memory_space<vmem_shared>>
        tpu.enqueue_indirect_dma source(%arg11 : memref<128x104xf32, #tpu.memory_space<vmem>>) target(%dma_start3A_197 : memref<10241x104xf32, #tpu.memory_space<vmem_shared>>) offsets(%dma_start3A_194 : memref<128xi32, #tpu.memory_space<vmem>>) semaphore(%run_scoped3A_191 : memref<!tpu.dma_semaphore, #tpu.memory_space<semaphore_mem>>) {add = true}
        %dma_wait3A_198 = arith.constant 0 : i32
        %dma_wait3A_199 = tpu.memref_slice %arg8[%add3A_154, %dma_wait3A_198] : memref<40x128xi32, #tpu.memory_space<vmem>> -> memref<1x128xi32, #tpu.memory_space<vmem>>
        %dma_wait3A_200 = tpu.memref_squeeze %dma_wait3A_199 : memref<1x128xi32, #tpu.memory_space<vmem>> -> memref<128xi32, #tpu.memory_space<vmem>>
        %dma_wait3A_201 = arith.constant 0 : i32
        %dma_wait3A_202 = arith.constant 0 : i32
        %dma_wait3A_203 = tpu.memref_slice %arg7[%dma_wait3A_201, %dma_wait3A_202] : memref<10241x104xf32, #tpu.memory_space<vmem_shared>> -> memref<10241x104xf32, #tpu.memory_space<vmem_shared>>
        tpu.wait_indirect_dma semaphore(%run_scoped3A_191 : memref<!tpu.dma_semaphore, #tpu.memory_space<semaphore_mem>>) src(%arg11 : memref<128x104xf32, #tpu.memory_space<vmem>>) dst(%dma_wait3A_203 : memref<10241x104xf32, #tpu.memory_space<vmem_shared>>)
        tpu.yield
      }) : () -> ()
      %add3A_155 = arith.constant 2 : i32
      %add3A_156 = arith.addi %mul3A_123, %add3A_155 : i32
      %add3A_157 = arith.constant 3 : i32
      %add3A_158 = arith.addi %add3A_156, %add3A_157 : i32
      %lt3A_159 = arith.constant 40 : i32
      %lt3A_160 = arith.cmpi slt, %add3A_158, %lt3A_159 : i32
      %convert_element_type3A_161 = arith.extui %lt3A_160 : i1 to i32
      %cond3A_162 = arith.constant 0 : i32
      %cond3A_163 = arith.cmpi ne, %convert_element_type3A_161, %cond3A_162 : i32
      scf.if %cond3A_163 {
        %dma_start3A_191 = arith.constant 0 : i32
        %dma_start3A_192 = tpu.memref_slice %arg9[%add3A_158, %dma_start3A_191] : memref<40x128xi32, #tpu.memory_space<vmem>> -> memref<1x128xi32, #tpu.memory_space<vmem>>
        %dma_start3A_193 = tpu.memref_squeeze %dma_start3A_192 : memref<1x128xi32, #tpu.memory_space<vmem>> -> memref<128xi32, #tpu.memory_space<vmem>>
        %dma_start3A_194 = arith.constant 0 : i32
        %dma_start3A_195 = arith.constant 0 : i32
        %dma_start3A_196 = tpu.memref_slice %arg2[%dma_start3A_194, %dma_start3A_195] : memref<20480x104xf32, #tpu.memory_space<hbm>> -> memref<20480x104xf32, #tpu.memory_space<hbm>>
        tpu.enqueue_indirect_dma source(%dma_start3A_196 : memref<20480x104xf32, #tpu.memory_space<hbm>>) target(%arg11 : memref<128x104xf32, #tpu.memory_space<vmem>>) offsets(%dma_start3A_193 : memref<128xi32, #tpu.memory_space<vmem>>) semaphore(%arg15 : memref<!tpu.dma_semaphore, #tpu.memory_space<semaphore_mem>>)
      } else {
      }
      %dma_wait3A_164 = arith.constant 0 : i32
      %dma_wait3A_165 = arith.constant 0 : i32
      %dma_wait3A_166 = tpu.memref_slice %arg9[%dma_wait3A_164, %dma_wait3A_165] : memref<40x128xi32, #tpu.memory_space<vmem>> -> memref<1x128xi32, #tpu.memory_space<vmem>>
      %dma_wait3A_167 = tpu.memref_squeeze %dma_wait3A_166 : memref<1x128xi32, #tpu.memory_space<vmem>> -> memref<128xi32, #tpu.memory_space<vmem>>
      %dma_wait3A_168 = arith.constant 0 : i32
      %dma_wait3A_169 = arith.constant 0 : i32
      %dma_wait3A_170 = tpu.memref_slice %arg2[%dma_wait3A_168, %dma_wait3A_169] : memref<20480x104xf32, #tpu.memory_space<hbm>> -> memref<20480x104xf32, #tpu.memory_space<hbm>>
      tpu.wait_indirect_dma semaphore(%arg16 : memref<!tpu.dma_semaphore, #tpu.memory_space<semaphore_mem>>) src(%dma_wait3A_170 : memref<20480x104xf32, #tpu.memory_space<hbm>>) dst(%arg12 : memref<128x104xf32, #tpu.memory_space<vmem>>)
      %add3A_171 = arith.constant 2 : i32
      %add3A_172 = arith.addi %mul3A_123, %add3A_171 : i32
      "tpu.region"() ({
        %run_scoped3A_191 = tpu.sem_alloc : memref<!tpu.dma_semaphore, #tpu.memory_space<semaphore_mem>>
        %dma_start3A_192 = arith.constant 0 : i32
        %dma_start3A_193 = tpu.memref_slice %arg8[%add3A_172, %dma_start3A_192] : memref<40x128xi32, #tpu.memory_space<vmem>> -> memref<1x128xi32, #tpu.memory_space<vmem>>
        %dma_start3A_194 = tpu.memref_squeeze %dma_start3A_193 : memref<1x128xi32, #tpu.memory_space<vmem>> -> memref<128xi32, #tpu.memory_space<vmem>>
        %dma_start3A_195 = arith.constant 0 : i32
        %dma_start3A_196 = arith.constant 0 : i32
        %dma_start3A_197 = tpu.memref_slice %arg7[%dma_start3A_195, %dma_start3A_196] : memref<10241x104xf32, #tpu.memory_space<vmem_shared>> -> memref<10241x104xf32, #tpu.memory_space<vmem_shared>>
        tpu.enqueue_indirect_dma source(%arg12 : memref<128x104xf32, #tpu.memory_space<vmem>>) target(%dma_start3A_197 : memref<10241x104xf32, #tpu.memory_space<vmem_shared>>) offsets(%dma_start3A_194 : memref<128xi32, #tpu.memory_space<vmem>>) semaphore(%run_scoped3A_191 : memref<!tpu.dma_semaphore, #tpu.memory_space<semaphore_mem>>) {add = true}
        %dma_wait3A_198 = arith.constant 0 : i32
        %dma_wait3A_199 = tpu.memref_slice %arg8[%add3A_172, %dma_wait3A_198] : memref<40x128xi32, #tpu.memory_space<vmem>> -> memref<1x128xi32, #tpu.memory_space<vmem>>
        %dma_wait3A_200 = tpu.memref_squeeze %dma_wait3A_199 : memref<1x128xi32, #tpu.memory_space<vmem>> -> memref<128xi32, #tpu.memory_space<vmem>>
        %dma_wait3A_201 = arith.constant 0 : i32
        %dma_wait3A_202 = arith.constant 0 : i32
        %dma_wait3A_203 = tpu.memref_slice %arg7[%dma_wait3A_201, %dma_wait3A_202] : memref<10241x104xf32, #tpu.memory_space<vmem_shared>> -> memref<10241x104xf32, #tpu.memory_space<vmem_shared>>
        tpu.wait_indirect_dma semaphore(%run_scoped3A_191 : memref<!tpu.dma_semaphore, #tpu.memory_space<semaphore_mem>>) src(%arg12 : memref<128x104xf32, #tpu.memory_space<vmem>>) dst(%dma_wait3A_203 : memref<10241x104xf32, #tpu.memory_space<vmem_shared>>)
        tpu.yield
      }) : () -> ()
      %add3A_173 = arith.constant 3 : i32
      %add3A_174 = arith.addi %mul3A_123, %add3A_173 : i32
      %add3A_175 = arith.constant 3 : i32
      %add3A_176 = arith.addi %add3A_174, %add3A_175 : i32
      %lt3A_177 = arith.constant 40 : i32
      %lt3A_178 = arith.cmpi slt, %add3A_176, %lt3A_177 : i32
      %convert_element_type3A_179 = arith.extui %lt3A_178 : i1 to i32
      %cond3A_180 = arith.constant 0 : i32
      %cond3A_181 = arith.cmpi ne, %convert_element_type3A_179, %cond3A_180 : i32
      scf.if %cond3A_181 {
        %dma_start3A_191 = arith.constant 0 : i32
        %dma_start3A_192 = tpu.memref_slice %arg9[%add3A_176, %dma_start3A_191] : memref<40x128xi32, #tpu.memory_space<vmem>> -> memref<1x128xi32, #tpu.memory_space<vmem>>
        %dma_start3A_193 = tpu.memref_squeeze %dma_start3A_192 : memref<1x128xi32, #tpu.memory_space<vmem>> -> memref<128xi32, #tpu.memory_space<vmem>>
        %dma_start3A_194 = arith.constant 0 : i32
        %dma_start3A_195 = arith.constant 0 : i32
        %dma_start3A_196 = tpu.memref_slice %arg2[%dma_start3A_194, %dma_start3A_195] : memref<20480x104xf32, #tpu.memory_space<hbm>> -> memref<20480x104xf32, #tpu.memory_space<hbm>>
        tpu.enqueue_indirect_dma source(%dma_start3A_196 : memref<20480x104xf32, #tpu.memory_space<hbm>>) target(%arg12 : memref<128x104xf32, #tpu.memory_space<vmem>>) offsets(%dma_start3A_193 : memref<128xi32, #tpu.memory_space<vmem>>) semaphore(%arg16 : memref<!tpu.dma_semaphore, #tpu.memory_space<semaphore_mem>>)
      } else {
      }
      %dma_wait3A_182 = arith.constant 0 : i32
      %dma_wait3A_183 = arith.constant 0 : i32
      %dma_wait3A_184 = tpu.memref_slice %arg9[%dma_wait3A_182, %dma_wait3A_183] : memref<40x128xi32, #tpu.memory_space<vmem>> -> memref<1x128xi32, #tpu.memory_space<vmem>>
      %dma_wait3A_185 = tpu.memref_squeeze %dma_wait3A_184 : memref<1x128xi32, #tpu.memory_space<vmem>> -> memref<128xi32, #tpu.memory_space<vmem>>
      %dma_wait3A_186 = arith.constant 0 : i32
      %dma_wait3A_187 = arith.constant 0 : i32
      %dma_wait3A_188 = tpu.memref_slice %arg2[%dma_wait3A_186, %dma_wait3A_187] : memref<20480x104xf32, #tpu.memory_space<hbm>> -> memref<20480x104xf32, #tpu.memory_space<hbm>>
      tpu.wait_indirect_dma semaphore(%arg17 : memref<!tpu.dma_semaphore, #tpu.memory_space<semaphore_mem>>) src(%dma_wait3A_188 : memref<20480x104xf32, #tpu.memory_space<hbm>>) dst(%arg13 : memref<128x104xf32, #tpu.memory_space<vmem>>)
      %add3A_189 = arith.constant 3 : i32
      %add3A_190 = arith.addi %mul3A_123, %add3A_189 : i32
      "tpu.region"() ({
        %run_scoped3A_191 = tpu.sem_alloc : memref<!tpu.dma_semaphore, #tpu.memory_space<semaphore_mem>>
        %dma_start3A_192 = arith.constant 0 : i32
        %dma_start3A_193 = tpu.memref_slice %arg8[%add3A_190, %dma_start3A_192] : memref<40x128xi32, #tpu.memory_space<vmem>> -> memref<1x128xi32, #tpu.memory_space<vmem>>
        %dma_start3A_194 = tpu.memref_squeeze %dma_start3A_193 : memref<1x128xi32, #tpu.memory_space<vmem>> -> memref<128xi32, #tpu.memory_space<vmem>>
        %dma_start3A_195 = arith.constant 0 : i32
        %dma_start3A_196 = arith.constant 0 : i32
        %dma_start3A_197 = tpu.memref_slice %arg7[%dma_start3A_195, %dma_start3A_196] : memref<10241x104xf32, #tpu.memory_space<vmem_shared>> -> memref<10241x104xf32, #tpu.memory_space<vmem_shared>>
        tpu.enqueue_indirect_dma source(%arg13 : memref<128x104xf32, #tpu.memory_space<vmem>>) target(%dma_start3A_197 : memref<10241x104xf32, #tpu.memory_space<vmem_shared>>) offsets(%dma_start3A_194 : memref<128xi32, #tpu.memory_space<vmem>>) semaphore(%run_scoped3A_191 : memref<!tpu.dma_semaphore, #tpu.memory_space<semaphore_mem>>) {add = true}
        %dma_wait3A_198 = arith.constant 0 : i32
        %dma_wait3A_199 = tpu.memref_slice %arg8[%add3A_190, %dma_wait3A_198] : memref<40x128xi32, #tpu.memory_space<vmem>> -> memref<1x128xi32, #tpu.memory_space<vmem>>
        %dma_wait3A_200 = tpu.memref_squeeze %dma_wait3A_199 : memref<1x128xi32, #tpu.memory_space<vmem>> -> memref<128xi32, #tpu.memory_space<vmem>>
        %dma_wait3A_201 = arith.constant 0 : i32
        %dma_wait3A_202 = arith.constant 0 : i32
        %dma_wait3A_203 = tpu.memref_slice %arg7[%dma_wait3A_201, %dma_wait3A_202] : memref<10241x104xf32, #tpu.memory_space<vmem_shared>> -> memref<10241x104xf32, #tpu.memory_space<vmem_shared>>
        tpu.wait_indirect_dma semaphore(%run_scoped3A_191 : memref<!tpu.dma_semaphore, #tpu.memory_space<semaphore_mem>>) src(%arg13 : memref<128x104xf32, #tpu.memory_space<vmem>>) dst(%dma_wait3A_203 : memref<10241x104xf32, #tpu.memory_space<vmem_shared>>)
        tpu.yield
      }) : () -> ()
    }
    %scan3A_84 = arith.constant 10 : i32
    %run_scoped3A_85 = arith.constant 3 : i32
    "tpu.region"() ({
      %run_scoped3A_121 = tpu.sem_alloc : memref<!tpu.dma_semaphore, #tpu.memory_space<semaphore_mem>>
      %dma_start3A_122 = arith.constant 0 : i32
      %dma_start3A_123 = arith.constant 0 : i32
      %dma_start3A_124 = tpu.memref_slice %arg3[%arg0, %arg1, %run_scoped3A_85, %dma_start3A_122, %dma_start3A_123] : memref<2x16x4x40x128xi32, #tpu.memory_space<hbm>> -> memref<1x1x1x40x128xi32, #tpu.memory_space<hbm>>
      %dma_start3A_125 = tpu.memref_squeeze %dma_start3A_124 : memref<1x1x1x40x128xi32, #tpu.memory_space<hbm>> -> memref<40x128xi32, #tpu.memory_space<hbm>>
      %dma_start3A_126 = arith.constant 0 : i32
      %dma_start3A_127 = arith.constant 0 : i32
      %dma_start3A_128 = tpu.memref_slice %arg3[%arg0, %arg1, %run_scoped3A_85, %dma_start3A_126, %dma_start3A_127] : memref<2x16x4x40x128xi32, #tpu.memory_space<hbm>> -> memref<1x1x1x40x128xi32, #tpu.memory_space<hbm>>
      %dma_start3A_129 = tpu.memref_squeeze %dma_start3A_128 : memref<1x1x1x40x128xi32, #tpu.memory_space<hbm>> -> memref<40x128xi32, #tpu.memory_space<hbm>>
      tpu.enqueue_dma source(%dma_start3A_129 : memref<40x128xi32, #tpu.memory_space<hbm>>) target(%arg9 : memref<40x128xi32, #tpu.memory_space<vmem>>) target_semaphore(%run_scoped3A_121 : memref<!tpu.dma_semaphore, #tpu.memory_space<semaphore_mem>>)
      %dma_wait3A = arith.constant 0 : i32
      %dma_wait3A_130 = arith.constant 0 : i32
      %dma_wait3A_131 = tpu.memref_slice %arg3[%arg0, %arg1, %run_scoped3A_85, %dma_wait3A, %dma_wait3A_130] : memref<2x16x4x40x128xi32, #tpu.memory_space<hbm>> -> memref<1x1x1x40x128xi32, #tpu.memory_space<hbm>>
      %dma_wait3A_132 = tpu.memref_squeeze %dma_wait3A_131 : memref<1x1x1x40x128xi32, #tpu.memory_space<hbm>> -> memref<40x128xi32, #tpu.memory_space<hbm>>
      %dma_wait3A_133 = arith.constant 0 : i32
      %dma_wait3A_134 = arith.constant 0 : i32
      %dma_wait3A_135 = tpu.memref_slice %arg3[%arg0, %arg1, %run_scoped3A_85, %dma_wait3A_133, %dma_wait3A_134] : memref<2x16x4x40x128xi32, #tpu.memory_space<hbm>> -> memref<1x1x1x40x128xi32, #tpu.memory_space<hbm>>
      %dma_wait3A_136 = tpu.memref_squeeze %dma_wait3A_135 : memref<1x1x1x40x128xi32, #tpu.memory_space<hbm>> -> memref<40x128xi32, #tpu.memory_space<hbm>>
      tpu.wait_dma2 semaphore(%run_scoped3A_121 : memref<!tpu.dma_semaphore, #tpu.memory_space<semaphore_mem>>) src(%dma_wait3A_136 : memref<40x128xi32, #tpu.memory_space<hbm>>) dst(%arg9 : memref<40x128xi32, #tpu.memory_space<vmem>>)
      tpu.yield
    }) : () -> ()
    %run_scoped3A_86 = arith.constant 3 : i32
    "tpu.region"() ({
      %run_scoped3A_121 = tpu.sem_alloc : memref<!tpu.dma_semaphore, #tpu.memory_space<semaphore_mem>>
      %dma_start3A_122 = arith.constant 0 : i32
      %dma_start3A_123 = arith.constant 0 : i32
      %dma_start3A_124 = tpu.memref_slice %arg4[%arg1, %run_scoped3A_86, %dma_start3A_122, %dma_start3A_123] : memref<16x4x40x128xi32, #tpu.memory_space<hbm>> -> memref<1x1x40x128xi32, #tpu.memory_space<hbm>>
      %dma_start3A_125 = tpu.memref_squeeze %dma_start3A_124 : memref<1x1x40x128xi32, #tpu.memory_space<hbm>> -> memref<40x128xi32, #tpu.memory_space<hbm>>
      %dma_start3A_126 = arith.constant 0 : i32
      %dma_start3A_127 = arith.constant 0 : i32
      %dma_start3A_128 = tpu.memref_slice %arg4[%arg1, %run_scoped3A_86, %dma_start3A_126, %dma_start3A_127] : memref<16x4x40x128xi32, #tpu.memory_space<hbm>> -> memref<1x1x40x128xi32, #tpu.memory_space<hbm>>
      %dma_start3A_129 = tpu.memref_squeeze %dma_start3A_128 : memref<1x1x40x128xi32, #tpu.memory_space<hbm>> -> memref<40x128xi32, #tpu.memory_space<hbm>>
      tpu.enqueue_dma source(%dma_start3A_129 : memref<40x128xi32, #tpu.memory_space<hbm>>) target(%arg8 : memref<40x128xi32, #tpu.memory_space<vmem>>) target_semaphore(%run_scoped3A_121 : memref<!tpu.dma_semaphore, #tpu.memory_space<semaphore_mem>>)
      %dma_wait3A = arith.constant 0 : i32
      %dma_wait3A_130 = arith.constant 0 : i32
      %dma_wait3A_131 = tpu.memref_slice %arg4[%arg1, %run_scoped3A_86, %dma_wait3A, %dma_wait3A_130] : memref<16x4x40x128xi32, #tpu.memory_space<hbm>> -> memref<1x1x40x128xi32, #tpu.memory_space<hbm>>
      %dma_wait3A_132 = tpu.memref_squeeze %dma_wait3A_131 : memref<1x1x40x128xi32, #tpu.memory_space<hbm>> -> memref<40x128xi32, #tpu.memory_space<hbm>>
      %dma_wait3A_133 = arith.constant 0 : i32
      %dma_wait3A_134 = arith.constant 0 : i32
      %dma_wait3A_135 = tpu.memref_slice %arg4[%arg1, %run_scoped3A_86, %dma_wait3A_133, %dma_wait3A_134] : memref<16x4x40x128xi32, #tpu.memory_space<hbm>> -> memref<1x1x40x128xi32, #tpu.memory_space<hbm>>
      %dma_wait3A_136 = tpu.memref_squeeze %dma_wait3A_135 : memref<1x1x40x128xi32, #tpu.memory_space<hbm>> -> memref<40x128xi32, #tpu.memory_space<hbm>>
      tpu.wait_dma2 semaphore(%run_scoped3A_121 : memref<!tpu.dma_semaphore, #tpu.memory_space<semaphore_mem>>) src(%dma_wait3A_136 : memref<40x128xi32, #tpu.memory_space<hbm>>) dst(%arg8 : memref<40x128xi32, #tpu.memory_space<vmem>>)
      tpu.yield
    }) : () -> ()
    %dma_start3A_87 = arith.constant 0 : i32
    %dma_start3A_88 = arith.constant 0 : i32
    %dma_start3A_89 = tpu.memref_slice %arg9[%dma_start3A_87, %dma_start3A_88] : memref<40x128xi32, #tpu.memory_space<vmem>> -> memref<1x128xi32, #tpu.memory_space<vmem>>
    %dma_start3A_90 = tpu.memref_squeeze %dma_start3A_89 : memref<1x128xi32, #tpu.memory_space<vmem>> -> memref<128xi32, #tpu.memory_space<vmem>>
    %dma_start3A_91 = arith.constant 0 : i32
    %dma_start3A_92 = arith.constant 0 : i32
    %dma_start3A_93 = tpu.memref_slice %arg2[%dma_start3A_91, %dma_start3A_92] : memref<20480x104xf32, #tpu.memory_space<hbm>> -> memref<20480x104xf32, #tpu.memory_space<hbm>>
    tpu.enqueue_indirect_dma source(%dma_start3A_93 : memref<20480x104xf32, #tpu.memory_space<hbm>>) target(%arg10 : memref<128x104xf32, #tpu.memory_space<vmem>>) offsets(%dma_start3A_90 : memref<128xi32, #tpu.memory_space<vmem>>) semaphore(%arg14 : memref<!tpu.dma_semaphore, #tpu.memory_space<semaphore_mem>>)
    %dma_start3A_94 = arith.constant 1 : i32
    %dma_start3A_95 = arith.constant 0 : i32
    %dma_start3A_96 = tpu.memref_slice %arg9[%dma_start3A_94, %dma_start3A_95] : memref<40x128xi32, #tpu.memory_space<vmem>> -> memref<1x128xi32, #tpu.memory_space<vmem>>
    %dma_start3A_97 = tpu.memref_squeeze %dma_start3A_96 : memref<1x128xi32, #tpu.memory_space<vmem>> -> memref<128xi32, #tpu.memory_space<vmem>>
    %dma_start3A_98 = arith.constant 0 : i32
    %dma_start3A_99 = arith.constant 0 : i32
    %dma_start3A_100 = tpu.memref_slice %arg2[%dma_start3A_98, %dma_start3A_99] : memref<20480x104xf32, #tpu.memory_space<hbm>> -> memref<20480x104xf32, #tpu.memory_space<hbm>>
    tpu.enqueue_indirect_dma source(%dma_start3A_100 : memref<20480x104xf32, #tpu.memory_space<hbm>>) target(%arg11 : memref<128x104xf32, #tpu.memory_space<vmem>>) offsets(%dma_start3A_97 : memref<128xi32, #tpu.memory_space<vmem>>) semaphore(%arg15 : memref<!tpu.dma_semaphore, #tpu.memory_space<semaphore_mem>>)
    %dma_start3A_101 = arith.constant 2 : i32
    %dma_start3A_102 = arith.constant 0 : i32
    %dma_start3A_103 = tpu.memref_slice %arg9[%dma_start3A_101, %dma_start3A_102] : memref<40x128xi32, #tpu.memory_space<vmem>> -> memref<1x128xi32, #tpu.memory_space<vmem>>
    %dma_start3A_104 = tpu.memref_squeeze %dma_start3A_103 : memref<1x128xi32, #tpu.memory_space<vmem>> -> memref<128xi32, #tpu.memory_space<vmem>>
    %dma_start3A_105 = arith.constant 0 : i32
    %dma_start3A_106 = arith.constant 0 : i32
    %dma_start3A_107 = tpu.memref_slice %arg2[%dma_start3A_105, %dma_start3A_106] : memref<20480x104xf32, #tpu.memory_space<hbm>> -> memref<20480x104xf32, #tpu.memory_space<hbm>>
    tpu.enqueue_indirect_dma source(%dma_start3A_107 : memref<20480x104xf32, #tpu.memory_space<hbm>>) target(%arg12 : memref<128x104xf32, #tpu.memory_space<vmem>>) offsets(%dma_start3A_104 : memref<128xi32, #tpu.memory_space<vmem>>) semaphore(%arg16 : memref<!tpu.dma_semaphore, #tpu.memory_space<semaphore_mem>>)
    %scan3A_108 = arith.constant 0 : i32
    %scan3A_109 = arith.constant 0 : i32
    %scan3A_110 = arith.constant 10 : i32
    %scan3A_111 = arith.addi %scan3A_109, %scan3A_110 : i32
    %scan3A_112 = arith.constant 1 : i32
    scf.for %scan3A_121 = %scan3A_109 to %scan3A_111 step %scan3A_112  : i32 {
      %mul3A_122 = arith.constant 4 : i32
      %mul3A_123 = arith.muli %mul3A_122, %scan3A_121 : i32
      %add3A = arith.constant 0 : i32
      %add3A_124 = arith.addi %mul3A_123, %add3A : i32
      %add3A_125 = arith.constant 3 : i32
      %add3A_126 = arith.addi %add3A_124, %add3A_125 : i32
      %lt3A = arith.constant 40 : i32
      %lt3A_127 = arith.cmpi slt, %add3A_126, %lt3A : i32
      %convert_element_type3A = arith.extui %lt3A_127 : i1 to i32
      %cond3A = arith.constant 0 : i32
      %cond3A_128 = arith.cmpi ne, %convert_element_type3A, %cond3A : i32
      scf.if %cond3A_128 {
        %dma_start3A_191 = arith.constant 0 : i32
        %dma_start3A_192 = tpu.memref_slice %arg9[%add3A_126, %dma_start3A_191] : memref<40x128xi32, #tpu.memory_space<vmem>> -> memref<1x128xi32, #tpu.memory_space<vmem>>
        %dma_start3A_193 = tpu.memref_squeeze %dma_start3A_192 : memref<1x128xi32, #tpu.memory_space<vmem>> -> memref<128xi32, #tpu.memory_space<vmem>>
        %dma_start3A_194 = arith.constant 0 : i32
        %dma_start3A_195 = arith.constant 0 : i32
        %dma_start3A_196 = tpu.memref_slice %arg2[%dma_start3A_194, %dma_start3A_195] : memref<20480x104xf32, #tpu.memory_space<hbm>> -> memref<20480x104xf32, #tpu.memory_space<hbm>>
        tpu.enqueue_indirect_dma source(%dma_start3A_196 : memref<20480x104xf32, #tpu.memory_space<hbm>>) target(%arg13 : memref<128x104xf32, #tpu.memory_space<vmem>>) offsets(%dma_start3A_193 : memref<128xi32, #tpu.memory_space<vmem>>) semaphore(%arg17 : memref<!tpu.dma_semaphore, #tpu.memory_space<semaphore_mem>>)
      } else {
      }
      %dma_wait3A = arith.constant 0 : i32
      %dma_wait3A_129 = arith.constant 0 : i32
      %dma_wait3A_130 = tpu.memref_slice %arg9[%dma_wait3A, %dma_wait3A_129] : memref<40x128xi32, #tpu.memory_space<vmem>> -> memref<1x128xi32, #tpu.memory_space<vmem>>
      %dma_wait3A_131 = tpu.memref_squeeze %dma_wait3A_130 : memref<1x128xi32, #tpu.memory_space<vmem>> -> memref<128xi32, #tpu.memory_space<vmem>>
      %dma_wait3A_132 = arith.constant 0 : i32
      %dma_wait3A_133 = arith.constant 0 : i32
      %dma_wait3A_134 = tpu.memref_slice %arg2[%dma_wait3A_132, %dma_wait3A_133] : memref<20480x104xf32, #tpu.memory_space<hbm>> -> memref<20480x104xf32, #tpu.memory_space<hbm>>
      tpu.wait_indirect_dma semaphore(%arg14 : memref<!tpu.dma_semaphore, #tpu.memory_space<semaphore_mem>>) src(%dma_wait3A_134 : memref<20480x104xf32, #tpu.memory_space<hbm>>) dst(%arg10 : memref<128x104xf32, #tpu.memory_space<vmem>>)
      %add3A_135 = arith.constant 0 : i32
      %add3A_136 = arith.addi %mul3A_123, %add3A_135 : i32
      "tpu.region"() ({
        %run_scoped3A_191 = tpu.sem_alloc : memref<!tpu.dma_semaphore, #tpu.memory_space<semaphore_mem>>
        %dma_start3A_192 = arith.constant 0 : i32
        %dma_start3A_193 = tpu.memref_slice %arg8[%add3A_136, %dma_start3A_192] : memref<40x128xi32, #tpu.memory_space<vmem>> -> memref<1x128xi32, #tpu.memory_space<vmem>>
        %dma_start3A_194 = tpu.memref_squeeze %dma_start3A_193 : memref<1x128xi32, #tpu.memory_space<vmem>> -> memref<128xi32, #tpu.memory_space<vmem>>
        %dma_start3A_195 = arith.constant 0 : i32
        %dma_start3A_196 = arith.constant 0 : i32
        %dma_start3A_197 = tpu.memref_slice %arg7[%dma_start3A_195, %dma_start3A_196] : memref<10241x104xf32, #tpu.memory_space<vmem_shared>> -> memref<10241x104xf32, #tpu.memory_space<vmem_shared>>
        tpu.enqueue_indirect_dma source(%arg10 : memref<128x104xf32, #tpu.memory_space<vmem>>) target(%dma_start3A_197 : memref<10241x104xf32, #tpu.memory_space<vmem_shared>>) offsets(%dma_start3A_194 : memref<128xi32, #tpu.memory_space<vmem>>) semaphore(%run_scoped3A_191 : memref<!tpu.dma_semaphore, #tpu.memory_space<semaphore_mem>>) {add = true}
        %dma_wait3A_198 = arith.constant 0 : i32
        %dma_wait3A_199 = tpu.memref_slice %arg8[%add3A_136, %dma_wait3A_198] : memref<40x128xi32, #tpu.memory_space<vmem>> -> memref<1x128xi32, #tpu.memory_space<vmem>>
        %dma_wait3A_200 = tpu.memref_squeeze %dma_wait3A_199 : memref<1x128xi32, #tpu.memory_space<vmem>> -> memref<128xi32, #tpu.memory_space<vmem>>
        %dma_wait3A_201 = arith.constant 0 : i32
        %dma_wait3A_202 = arith.constant 0 : i32
        %dma_wait3A_203 = tpu.memref_slice %arg7[%dma_wait3A_201, %dma_wait3A_202] : memref<10241x104xf32, #tpu.memory_space<vmem_shared>> -> memref<10241x104xf32, #tpu.memory_space<vmem_shared>>
        tpu.wait_indirect_dma semaphore(%run_scoped3A_191 : memref<!tpu.dma_semaphore, #tpu.memory_space<semaphore_mem>>) src(%arg10 : memref<128x104xf32, #tpu.memory_space<vmem>>) dst(%dma_wait3A_203 : memref<10241x104xf32, #tpu.memory_space<vmem_shared>>)
        tpu.yield
      }) : () -> ()
      %add3A_137 = arith.constant 1 : i32
      %add3A_138 = arith.addi %mul3A_123, %add3A_137 : i32
      %add3A_139 = arith.constant 3 : i32
      %add3A_140 = arith.addi %add3A_138, %add3A_139 : i32
      %lt3A_141 = arith.constant 40 : i32
      %lt3A_142 = arith.cmpi slt, %add3A_140, %lt3A_141 : i32
      %convert_element_type3A_143 = arith.extui %lt3A_142 : i1 to i32
      %cond3A_144 = arith.constant 0 : i32
      %cond3A_145 = arith.cmpi ne, %convert_element_type3A_143, %cond3A_144 : i32
      scf.if %cond3A_145 {
        %dma_start3A_191 = arith.constant 0 : i32
        %dma_start3A_192 = tpu.memref_slice %arg9[%add3A_140, %dma_start3A_191] : memref<40x128xi32, #tpu.memory_space<vmem>> -> memref<1x128xi32, #tpu.memory_space<vmem>>
        %dma_start3A_193 = tpu.memref_squeeze %dma_start3A_192 : memref<1x128xi32, #tpu.memory_space<vmem>> -> memref<128xi32, #tpu.memory_space<vmem>>
        %dma_start3A_194 = arith.constant 0 : i32
        %dma_start3A_195 = arith.constant 0 : i32
        %dma_start3A_196 = tpu.memref_slice %arg2[%dma_start3A_194, %dma_start3A_195] : memref<20480x104xf32, #tpu.memory_space<hbm>> -> memref<20480x104xf32, #tpu.memory_space<hbm>>
        tpu.enqueue_indirect_dma source(%dma_start3A_196 : memref<20480x104xf32, #tpu.memory_space<hbm>>) target(%arg10 : memref<128x104xf32, #tpu.memory_space<vmem>>) offsets(%dma_start3A_193 : memref<128xi32, #tpu.memory_space<vmem>>) semaphore(%arg14 : memref<!tpu.dma_semaphore, #tpu.memory_space<semaphore_mem>>)
      } else {
      }
      %dma_wait3A_146 = arith.constant 0 : i32
      %dma_wait3A_147 = arith.constant 0 : i32
      %dma_wait3A_148 = tpu.memref_slice %arg9[%dma_wait3A_146, %dma_wait3A_147] : memref<40x128xi32, #tpu.memory_space<vmem>> -> memref<1x128xi32, #tpu.memory_space<vmem>>
      %dma_wait3A_149 = tpu.memref_squeeze %dma_wait3A_148 : memref<1x128xi32, #tpu.memory_space<vmem>> -> memref<128xi32, #tpu.memory_space<vmem>>
      %dma_wait3A_150 = arith.constant 0 : i32
      %dma_wait3A_151 = arith.constant 0 : i32
      %dma_wait3A_152 = tpu.memref_slice %arg2[%dma_wait3A_150, %dma_wait3A_151] : memref<20480x104xf32, #tpu.memory_space<hbm>> -> memref<20480x104xf32, #tpu.memory_space<hbm>>
      tpu.wait_indirect_dma semaphore(%arg15 : memref<!tpu.dma_semaphore, #tpu.memory_space<semaphore_mem>>) src(%dma_wait3A_152 : memref<20480x104xf32, #tpu.memory_space<hbm>>) dst(%arg11 : memref<128x104xf32, #tpu.memory_space<vmem>>)
      %add3A_153 = arith.constant 1 : i32
      %add3A_154 = arith.addi %mul3A_123, %add3A_153 : i32
      "tpu.region"() ({
        %run_scoped3A_191 = tpu.sem_alloc : memref<!tpu.dma_semaphore, #tpu.memory_space<semaphore_mem>>
        %dma_start3A_192 = arith.constant 0 : i32
        %dma_start3A_193 = tpu.memref_slice %arg8[%add3A_154, %dma_start3A_192] : memref<40x128xi32, #tpu.memory_space<vmem>> -> memref<1x128xi32, #tpu.memory_space<vmem>>
        %dma_start3A_194 = tpu.memref_squeeze %dma_start3A_193 : memref<1x128xi32, #tpu.memory_space<vmem>> -> memref<128xi32, #tpu.memory_space<vmem>>
        %dma_start3A_195 = arith.constant 0 : i32
        %dma_start3A_196 = arith.constant 0 : i32
        %dma_start3A_197 = tpu.memref_slice %arg7[%dma_start3A_195, %dma_start3A_196] : memref<10241x104xf32, #tpu.memory_space<vmem_shared>> -> memref<10241x104xf32, #tpu.memory_space<vmem_shared>>
        tpu.enqueue_indirect_dma source(%arg11 : memref<128x104xf32, #tpu.memory_space<vmem>>) target(%dma_start3A_197 : memref<10241x104xf32, #tpu.memory_space<vmem_shared>>) offsets(%dma_start3A_194 : memref<128xi32, #tpu.memory_space<vmem>>) semaphore(%run_scoped3A_191 : memref<!tpu.dma_semaphore, #tpu.memory_space<semaphore_mem>>) {add = true}
        %dma_wait3A_198 = arith.constant 0 : i32
        %dma_wait3A_199 = tpu.memref_slice %arg8[%add3A_154, %dma_wait3A_198] : memref<40x128xi32, #tpu.memory_space<vmem>> -> memref<1x128xi32, #tpu.memory_space<vmem>>
        %dma_wait3A_200 = tpu.memref_squeeze %dma_wait3A_199 : memref<1x128xi32, #tpu.memory_space<vmem>> -> memref<128xi32, #tpu.memory_space<vmem>>
        %dma_wait3A_201 = arith.constant 0 : i32
        %dma_wait3A_202 = arith.constant 0 : i32
        %dma_wait3A_203 = tpu.memref_slice %arg7[%dma_wait3A_201, %dma_wait3A_202] : memref<10241x104xf32, #tpu.memory_space<vmem_shared>> -> memref<10241x104xf32, #tpu.memory_space<vmem_shared>>
        tpu.wait_indirect_dma semaphore(%run_scoped3A_191 : memref<!tpu.dma_semaphore, #tpu.memory_space<semaphore_mem>>) src(%arg11 : memref<128x104xf32, #tpu.memory_space<vmem>>) dst(%dma_wait3A_203 : memref<10241x104xf32, #tpu.memory_space<vmem_shared>>)
        tpu.yield
      }) : () -> ()
      %add3A_155 = arith.constant 2 : i32
      %add3A_156 = arith.addi %mul3A_123, %add3A_155 : i32
      %add3A_157 = arith.constant 3 : i32
      %add3A_158 = arith.addi %add3A_156, %add3A_157 : i32
      %lt3A_159 = arith.constant 40 : i32
      %lt3A_160 = arith.cmpi slt, %add3A_158, %lt3A_159 : i32
      %convert_element_type3A_161 = arith.extui %lt3A_160 : i1 to i32
      %cond3A_162 = arith.constant 0 : i32
      %cond3A_163 = arith.cmpi ne, %convert_element_type3A_161, %cond3A_162 : i32
      scf.if %cond3A_163 {
        %dma_start3A_191 = arith.constant 0 : i32
        %dma_start3A_192 = tpu.memref_slice %arg9[%add3A_158, %dma_start3A_191] : memref<40x128xi32, #tpu.memory_space<vmem>> -> memref<1x128xi32, #tpu.memory_space<vmem>>
        %dma_start3A_193 = tpu.memref_squeeze %dma_start3A_192 : memref<1x128xi32, #tpu.memory_space<vmem>> -> memref<128xi32, #tpu.memory_space<vmem>>
        %dma_start3A_194 = arith.constant 0 : i32
        %dma_start3A_195 = arith.constant 0 : i32
        %dma_start3A_196 = tpu.memref_slice %arg2[%dma_start3A_194, %dma_start3A_195] : memref<20480x104xf32, #tpu.memory_space<hbm>> -> memref<20480x104xf32, #tpu.memory_space<hbm>>
        tpu.enqueue_indirect_dma source(%dma_start3A_196 : memref<20480x104xf32, #tpu.memory_space<hbm>>) target(%arg11 : memref<128x104xf32, #tpu.memory_space<vmem>>) offsets(%dma_start3A_193 : memref<128xi32, #tpu.memory_space<vmem>>) semaphore(%arg15 : memref<!tpu.dma_semaphore, #tpu.memory_space<semaphore_mem>>)
      } else {
      }
      %dma_wait3A_164 = arith.constant 0 : i32
      %dma_wait3A_165 = arith.constant 0 : i32
      %dma_wait3A_166 = tpu.memref_slice %arg9[%dma_wait3A_164, %dma_wait3A_165] : memref<40x128xi32, #tpu.memory_space<vmem>> -> memref<1x128xi32, #tpu.memory_space<vmem>>
      %dma_wait3A_167 = tpu.memref_squeeze %dma_wait3A_166 : memref<1x128xi32, #tpu.memory_space<vmem>> -> memref<128xi32, #tpu.memory_space<vmem>>
      %dma_wait3A_168 = arith.constant 0 : i32
      %dma_wait3A_169 = arith.constant 0 : i32
      %dma_wait3A_170 = tpu.memref_slice %arg2[%dma_wait3A_168, %dma_wait3A_169] : memref<20480x104xf32, #tpu.memory_space<hbm>> -> memref<20480x104xf32, #tpu.memory_space<hbm>>
      tpu.wait_indirect_dma semaphore(%arg16 : memref<!tpu.dma_semaphore, #tpu.memory_space<semaphore_mem>>) src(%dma_wait3A_170 : memref<20480x104xf32, #tpu.memory_space<hbm>>) dst(%arg12 : memref<128x104xf32, #tpu.memory_space<vmem>>)
      %add3A_171 = arith.constant 2 : i32
      %add3A_172 = arith.addi %mul3A_123, %add3A_171 : i32
      "tpu.region"() ({
        %run_scoped3A_191 = tpu.sem_alloc : memref<!tpu.dma_semaphore, #tpu.memory_space<semaphore_mem>>
        %dma_start3A_192 = arith.constant 0 : i32
        %dma_start3A_193 = tpu.memref_slice %arg8[%add3A_172, %dma_start3A_192] : memref<40x128xi32, #tpu.memory_space<vmem>> -> memref<1x128xi32, #tpu.memory_space<vmem>>
        %dma_start3A_194 = tpu.memref_squeeze %dma_start3A_193 : memref<1x128xi32, #tpu.memory_space<vmem>> -> memref<128xi32, #tpu.memory_space<vmem>>
        %dma_start3A_195 = arith.constant 0 : i32
        %dma_start3A_196 = arith.constant 0 : i32
        %dma_start3A_197 = tpu.memref_slice %arg7[%dma_start3A_195, %dma_start3A_196] : memref<10241x104xf32, #tpu.memory_space<vmem_shared>> -> memref<10241x104xf32, #tpu.memory_space<vmem_shared>>
        tpu.enqueue_indirect_dma source(%arg12 : memref<128x104xf32, #tpu.memory_space<vmem>>) target(%dma_start3A_197 : memref<10241x104xf32, #tpu.memory_space<vmem_shared>>) offsets(%dma_start3A_194 : memref<128xi32, #tpu.memory_space<vmem>>) semaphore(%run_scoped3A_191 : memref<!tpu.dma_semaphore, #tpu.memory_space<semaphore_mem>>) {add = true}
        %dma_wait3A_198 = arith.constant 0 : i32
        %dma_wait3A_199 = tpu.memref_slice %arg8[%add3A_172, %dma_wait3A_198] : memref<40x128xi32, #tpu.memory_space<vmem>> -> memref<1x128xi32, #tpu.memory_space<vmem>>
        %dma_wait3A_200 = tpu.memref_squeeze %dma_wait3A_199 : memref<1x128xi32, #tpu.memory_space<vmem>> -> memref<128xi32, #tpu.memory_space<vmem>>
        %dma_wait3A_201 = arith.constant 0 : i32
        %dma_wait3A_202 = arith.constant 0 : i32
        %dma_wait3A_203 = tpu.memref_slice %arg7[%dma_wait3A_201, %dma_wait3A_202] : memref<10241x104xf32, #tpu.memory_space<vmem_shared>> -> memref<10241x104xf32, #tpu.memory_space<vmem_shared>>
        tpu.wait_indirect_dma semaphore(%run_scoped3A_191 : memref<!tpu.dma_semaphore, #tpu.memory_space<semaphore_mem>>) src(%arg12 : memref<128x104xf32, #tpu.memory_space<vmem>>) dst(%dma_wait3A_203 : memref<10241x104xf32, #tpu.memory_space<vmem_shared>>)
        tpu.yield
      }) : () -> ()
      %add3A_173 = arith.constant 3 : i32
      %add3A_174 = arith.addi %mul3A_123, %add3A_173 : i32
      %add3A_175 = arith.constant 3 : i32
      %add3A_176 = arith.addi %add3A_174, %add3A_175 : i32
      %lt3A_177 = arith.constant 40 : i32
      %lt3A_178 = arith.cmpi slt, %add3A_176, %lt3A_177 : i32
      %convert_element_type3A_179 = arith.extui %lt3A_178 : i1 to i32
      %cond3A_180 = arith.constant 0 : i32
      %cond3A_181 = arith.cmpi ne, %convert_element_type3A_179, %cond3A_180 : i32
      scf.if %cond3A_181 {
        %dma_start3A_191 = arith.constant 0 : i32
        %dma_start3A_192 = tpu.memref_slice %arg9[%add3A_176, %dma_start3A_191] : memref<40x128xi32, #tpu.memory_space<vmem>> -> memref<1x128xi32, #tpu.memory_space<vmem>>
        %dma_start3A_193 = tpu.memref_squeeze %dma_start3A_192 : memref<1x128xi32, #tpu.memory_space<vmem>> -> memref<128xi32, #tpu.memory_space<vmem>>
        %dma_start3A_194 = arith.constant 0 : i32
        %dma_start3A_195 = arith.constant 0 : i32
        %dma_start3A_196 = tpu.memref_slice %arg2[%dma_start3A_194, %dma_start3A_195] : memref<20480x104xf32, #tpu.memory_space<hbm>> -> memref<20480x104xf32, #tpu.memory_space<hbm>>
        tpu.enqueue_indirect_dma source(%dma_start3A_196 : memref<20480x104xf32, #tpu.memory_space<hbm>>) target(%arg12 : memref<128x104xf32, #tpu.memory_space<vmem>>) offsets(%dma_start3A_193 : memref<128xi32, #tpu.memory_space<vmem>>) semaphore(%arg16 : memref<!tpu.dma_semaphore, #tpu.memory_space<semaphore_mem>>)
      } else {
      }
      %dma_wait3A_182 = arith.constant 0 : i32
      %dma_wait3A_183 = arith.constant 0 : i32
      %dma_wait3A_184 = tpu.memref_slice %arg9[%dma_wait3A_182, %dma_wait3A_183] : memref<40x128xi32, #tpu.memory_space<vmem>> -> memref<1x128xi32, #tpu.memory_space<vmem>>
      %dma_wait3A_185 = tpu.memref_squeeze %dma_wait3A_184 : memref<1x128xi32, #tpu.memory_space<vmem>> -> memref<128xi32, #tpu.memory_space<vmem>>
      %dma_wait3A_186 = arith.constant 0 : i32
      %dma_wait3A_187 = arith.constant 0 : i32
      %dma_wait3A_188 = tpu.memref_slice %arg2[%dma_wait3A_186, %dma_wait3A_187] : memref<20480x104xf32, #tpu.memory_space<hbm>> -> memref<20480x104xf32, #tpu.memory_space<hbm>>
      tpu.wait_indirect_dma semaphore(%arg17 : memref<!tpu.dma_semaphore, #tpu.memory_space<semaphore_mem>>) src(%dma_wait3A_188 : memref<20480x104xf32, #tpu.memory_space<hbm>>) dst(%arg13 : memref<128x104xf32, #tpu.memory_space<vmem>>)
      %add3A_189 = arith.constant 3 : i32
      %add3A_190 = arith.addi %mul3A_123, %add3A_189 : i32
      "tpu.region"() ({
        %run_scoped3A_191 = tpu.sem_alloc : memref<!tpu.dma_semaphore, #tpu.memory_space<semaphore_mem>>
        %dma_start3A_192 = arith.constant 0 : i32
        %dma_start3A_193 = tpu.memref_slice %arg8[%add3A_190, %dma_start3A_192] : memref<40x128xi32, #tpu.memory_space<vmem>> -> memref<1x128xi32, #tpu.memory_space<vmem>>
        %dma_start3A_194 = tpu.memref_squeeze %dma_start3A_193 : memref<1x128xi32, #tpu.memory_space<vmem>> -> memref<128xi32, #tpu.memory_space<vmem>>
        %dma_start3A_195 = arith.constant 0 : i32
        %dma_start3A_196 = arith.constant 0 : i32
        %dma_start3A_197 = tpu.memref_slice %arg7[%dma_start3A_195, %dma_start3A_196] : memref<10241x104xf32, #tpu.memory_space<vmem_shared>> -> memref<10241x104xf32, #tpu.memory_space<vmem_shared>>
        tpu.enqueue_indirect_dma source(%arg13 : memref<128x104xf32, #tpu.memory_space<vmem>>) target(%dma_start3A_197 : memref<10241x104xf32, #tpu.memory_space<vmem_shared>>) offsets(%dma_start3A_194 : memref<128xi32, #tpu.memory_space<vmem>>) semaphore(%run_scoped3A_191 : memref<!tpu.dma_semaphore, #tpu.memory_space<semaphore_mem>>) {add = true}
        %dma_wait3A_198 = arith.constant 0 : i32
        %dma_wait3A_199 = tpu.memref_slice %arg8[%add3A_190, %dma_wait3A_198] : memref<40x128xi32, #tpu.memory_space<vmem>> -> memref<1x128xi32, #tpu.memory_space<vmem>>
        %dma_wait3A_200 = tpu.memref_squeeze %dma_wait3A_199 : memref<1x128xi32, #tpu.memory_space<vmem>> -> memref<128xi32, #tpu.memory_space<vmem>>
        %dma_wait3A_201 = arith.constant 0 : i32
        %dma_wait3A_202 = arith.constant 0 : i32
        %dma_wait3A_203 = tpu.memref_slice %arg7[%dma_wait3A_201, %dma_wait3A_202] : memref<10241x104xf32, #tpu.memory_space<vmem_shared>> -> memref<10241x104xf32, #tpu.memory_space<vmem_shared>>
        tpu.wait_indirect_dma semaphore(%run_scoped3A_191 : memref<!tpu.dma_semaphore, #tpu.memory_space<semaphore_mem>>) src(%arg13 : memref<128x104xf32, #tpu.memory_space<vmem>>) dst(%dma_wait3A_203 : memref<10241x104xf32, #tpu.memory_space<vmem_shared>>)
        tpu.yield
      }) : () -> ()
    }
    %scan3A_113 = arith.constant 10 : i32
    %barrier3A_114 = arith.constant 0 : index
    tpu.barrier barrier_id(%barrier3A_114)
    %mul3A_115 = arith.constant 640 : i32
    %mul3A_116 = arith.muli %arg1, %mul3A_115 : i32
    %mul3A_117 = arith.constant 640 : i32
    %mul3A_118 = arith.muli %arg1, %mul3A_117 : i32
    %mul3A_119 = arith.constant 104 : i32
    %mul3A_120 = arith.muli %arg0, %mul3A_119 : i32
    "tpu.region"() ({
      %run_scoped3A_121 = tpu.sem_alloc : memref<!tpu.dma_semaphore, #tpu.memory_space<semaphore_mem>>
      %dma_start3A_122 = tpu.memref_slice %arg6[%mul3A_118, %mul3A_120] : memref<10240x208xf32, #tpu.memory_space<hbm>> -> memref<640x104xf32, #tpu.memory_space<hbm>>
      %dma_start3A_123 = arith.constant 0 : i32
      %dma_start3A_124 = tpu.memref_slice %arg7[%mul3A_116, %dma_start3A_123] : memref<10241x104xf32, #tpu.memory_space<vmem_shared>> -> memref<640x104xf32, #tpu.memory_space<vmem_shared>>
      tpu.enqueue_dma source(%dma_start3A_124 : memref<640x104xf32, #tpu.memory_space<vmem_shared>>) target(%dma_start3A_122 : memref<640x104xf32, #tpu.memory_space<hbm>>) target_semaphore(%run_scoped3A_121 : memref<!tpu.dma_semaphore, #tpu.memory_space<semaphore_mem>>)
      %dma_wait3A = tpu.memref_slice %arg6[%mul3A_118, %mul3A_120] : memref<10240x208xf32, #tpu.memory_space<hbm>> -> memref<640x104xf32, #tpu.memory_space<hbm>>
      %dma_wait3A_125 = arith.constant 0 : i32
      %dma_wait3A_126 = tpu.memref_slice %arg7[%mul3A_116, %dma_wait3A_125] : memref<10241x104xf32, #tpu.memory_space<vmem_shared>> -> memref<640x104xf32, #tpu.memory_space<vmem_shared>>
      tpu.wait_dma2 semaphore(%run_scoped3A_121 : memref<!tpu.dma_semaphore, #tpu.memory_space<semaphore_mem>>) src(%dma_wait3A_126 : memref<640x104xf32, #tpu.memory_space<vmem_shared>>) dst(%dma_wait3A : memref<640x104xf32, #tpu.memory_space<hbm>>)
      tpu.yield
    }) : () -> ()
    return
  }
}

module attributes {stable_mosaic.version = 14 : i64} {
  func.func @_proj_body(%arg0: i32, %arg1: memref<1024x205xf32, #tpu.memory_space<vmem>>, %arg2: memref<205x200xf32, #tpu.memory_space<vmem>>, %arg3: memref<1x200xf32, #tpu.memory_space<vmem>>, %arg4: memref<1024x200xf32, #tpu.memory_space<vmem>>) attributes {dimension_semantics = [#tpu.dimension_semantics<arbitrary>], iteration_bounds = array<i64: 10>, scalar_prefetch = 0 : i64, scratch_operands = 0 : i64, tpu.core_type = #tpu.core_type<tc>, window_params = [{transform_indices = @transform_0, window_bounds = array<i64: 1024, 205>}, {pipeline_mode = #tpu.pipeline_mode<synchronous>, transform_indices = @transform_1, window_bounds = array<i64: 205, 200>}, {pipeline_mode = #tpu.pipeline_mode<synchronous>, transform_indices = @transform_2, window_bounds = array<i64: 1, 200>}, {transform_indices = @transform_3, window_bounds = array<i64: 1024, 200>}]} {
    %get3A = arith.constant 0 : index
    %get3A_0 = arith.constant 0 : index
    %get3A_1 = vector.load %arg1[%get3A, %get3A_0] : memref<1024x205xf32, #tpu.memory_space<vmem>>, vector<1024x205xf32>
    %get3A_2 = arith.constant 0 : index
    %get3A_3 = arith.constant 0 : index
    %get3A_4 = vector.load %arg2[%get3A_2, %get3A_3] : memref<205x200xf32, #tpu.memory_space<vmem>>, vector<205x200xf32>
    %dot_general3A = arith.constant dense<0.000000e+00> : vector<1024x200xf32>
    %dot_general3A_5 = tpu.matmul %get3A_1, %get3A_4, %dot_general3A {dimension_numbers = #tpu.dot_dimension_numbers<[1], [0], [0], [1], [0, 0, 1, 1], [], []>, transpose_lhs_hint = false} : vector<1024x205xf32>, vector<205x200xf32>, vector<1024x200xf32> -> vector<1024x200xf32>
    %get3A_6 = arith.constant 0 : index
    %get3A_7 = arith.constant 0 : index
    %get3A_8 = vector.load %arg3[%get3A_6, %get3A_7] : memref<1x200xf32, #tpu.memory_space<vmem>>, vector<1x200xf32>
    %add3A = vector.broadcast %get3A_8 : vector<1x200xf32> to vector<1024x200xf32>
    %add3A_9 = arith.addf %dot_general3A_5, %add3A : vector<1024x200xf32>
    %max3A = arith.constant 0.000000e+00 : f32
    %max3A_10 = vector.broadcast %max3A : f32 to vector<1024x200xf32>
    %max3A_11 = arith.maximumf %add3A_9, %max3A_10 : vector<1024x200xf32>
    %swap3A = arith.constant 0 : index
    %swap3A_12 = arith.constant 0 : index
    %swap3A_13 = vector.load %arg4[%swap3A, %swap3A_12] : memref<1024x200xf32, #tpu.memory_space<vmem>>, vector<1024x200xf32>
    tpu.vector_store %arg4[%swap3A, %swap3A_12], %max3A_11 {strides = array<i32>} : memref<1024x200xf32, #tpu.memory_space<vmem>>, vector<1024x200xf32>,
    return
  }
  func.func @transform_0(%arg0: i32) -> (i32, i32) {
    %c0_i32 = arith.constant 0 : i32
    %c0_i32_0 = arith.constant 0 : i32
    return %arg0, %c0_i32 : i32, i32
  }
  func.func @transform_1(%arg0: i32) -> (i32, i32) {
    %c0_i32 = arith.constant 0 : i32
    %c0_i32_0 = arith.constant 0 : i32
    %c0_i32_1 = arith.constant 0 : i32
    return %c0_i32, %c0_i32_0 : i32, i32
  }
  func.func @transform_2(%arg0: i32) -> (i32, i32) {
    %c0_i32 = arith.constant 0 : i32
    %c0_i32_0 = arith.constant 0 : i32
    %c0_i32_1 = arith.constant 0 : i32
    return %c0_i32, %c0_i32_0 : i32, i32
  }
  func.func @transform_3(%arg0: i32) -> (i32, i32) {
    %c0_i32 = arith.constant 0 : i32
    %c0_i32_0 = arith.constant 0 : i32
    return %arg0, %c0_i32 : i32, i32
  }
}

module attributes {stable_mosaic.version = 14 : i64} {
  func.func @_mm2_body(%arg0: i32, %arg1: memref<1024x200xf32, #tpu.memory_space<vmem>>, %arg2: memref<200x104xf32, #tpu.memory_space<vmem>>, %arg3: memref<200x104xf32, #tpu.memory_space<vmem>>, %arg4: memref<2x1024x104xf32, #tpu.memory_space<vmem>>) attributes {dimension_semantics = [#tpu.dimension_semantics<arbitrary>], iteration_bounds = array<i64: 10>, scalar_prefetch = 0 : i64, scratch_operands = 0 : i64, tpu.core_type = #tpu.core_type<tc>, window_params = [{transform_indices = @transform_0, window_bounds = array<i64: 1024, 200>}, {pipeline_mode = #tpu.pipeline_mode<synchronous>, transform_indices = @transform_1, window_bounds = array<i64: 200, 104>}, {pipeline_mode = #tpu.pipeline_mode<synchronous>, transform_indices = @transform_2, window_bounds = array<i64: 200, 104>}, {transform_indices = @transform_3, window_bounds = array<i64: 2, 1024, 104>}]} {
    %get3A = arith.constant 0 : index
    %get3A_0 = arith.constant 0 : index
    %get3A_1 = vector.load %arg1[%get3A, %get3A_0] : memref<1024x200xf32, #tpu.memory_space<vmem>>, vector<1024x200xf32>
    %get3A_2 = arith.constant 0 : index
    %get3A_3 = arith.constant 0 : index
    %get3A_4 = vector.load %arg2[%get3A_2, %get3A_3] : memref<200x104xf32, #tpu.memory_space<vmem>>, vector<200x104xf32>
    %dot_general3A = arith.constant dense<0.000000e+00> : vector<1024x104xf32>
    %dot_general3A_5 = tpu.matmul %get3A_1, %get3A_4, %dot_general3A {dimension_numbers = #tpu.dot_dimension_numbers<[1], [0], [0], [1], [0, 0, 1, 1], [], []>, transpose_lhs_hint = false} : vector<1024x200xf32>, vector<200x104xf32>, vector<1024x104xf32> -> vector<1024x104xf32>
    %swap3A = arith.constant 0 : index
    %swap3A_6 = arith.constant 0 : index
    %swap3A_7 = arith.constant 0 : index
    %swap3A_8 = vector.load %arg4[%swap3A, %swap3A_6, %swap3A_7] : memref<2x1024x104xf32, #tpu.memory_space<vmem>>, vector<1x1024x104xf32>
    %swap3A_9 = vector.shape_cast %swap3A_8 : vector<1x1024x104xf32> to vector<1024x104xf32>
    %swap3A_10 = vector.shape_cast %dot_general3A_5 : vector<1024x104xf32> to vector<1x1024x104xf32>
    tpu.vector_store %arg4[%swap3A, %swap3A_6, %swap3A_7], %swap3A_10 {strides = array<i32>} : memref<2x1024x104xf32, #tpu.memory_space<vmem>>, vector<1x1024x104xf32>,
    %get3A_11 = arith.constant 0 : index
    %get3A_12 = arith.constant 0 : index
    %get3A_13 = vector.load %arg3[%get3A_11, %get3A_12] : memref<200x104xf32, #tpu.memory_space<vmem>>, vector<200x104xf32>
    %dot_general3A_14 = arith.constant dense<0.000000e+00> : vector<1024x104xf32>
    %dot_general3A_15 = tpu.matmul %get3A_1, %get3A_13, %dot_general3A_14 {dimension_numbers = #tpu.dot_dimension_numbers<[1], [0], [0], [1], [0, 0, 1, 1], [], []>, transpose_lhs_hint = false} : vector<1024x200xf32>, vector<200x104xf32>, vector<1024x104xf32> -> vector<1024x104xf32>
    %swap3A_16 = arith.constant 1 : index
    %swap3A_17 = arith.constant 0 : index
    %swap3A_18 = arith.constant 0 : index
    %swap3A_19 = vector.load %arg4[%swap3A_16, %swap3A_17, %swap3A_18] : memref<2x1024x104xf32, #tpu.memory_space<vmem>>, vector<1x1024x104xf32>
    %swap3A_20 = vector.shape_cast %swap3A_19 : vector<1x1024x104xf32> to vector<1024x104xf32>
    %swap3A_21 = vector.shape_cast %dot_general3A_15 : vector<1024x104xf32> to vector<1x1024x104xf32>
    tpu.vector_store %arg4[%swap3A_16, %swap3A_17, %swap3A_18], %swap3A_21 {strides = array<i32>} : memref<2x1024x104xf32, #tpu.memory_space<vmem>>, vector<1x1024x104xf32>,
    return
  }
  func.func @transform_0(%arg0: i32) -> (i32, i32) {
    %c0_i32 = arith.constant 0 : i32
    %c0_i32_0 = arith.constant 0 : i32
    return %arg0, %c0_i32 : i32, i32
  }
  func.func @transform_1(%arg0: i32) -> (i32, i32) {
    %c0_i32 = arith.constant 0 : i32
    %c0_i32_0 = arith.constant 0 : i32
    %c0_i32_1 = arith.constant 0 : i32
    return %c0_i32, %c0_i32_0 : i32, i32
  }
  func.func @transform_2(%arg0: i32) -> (i32, i32) {
    %c0_i32 = arith.constant 0 : i32
    %c0_i32_0 = arith.constant 0 : i32
    %c0_i32_1 = arith.constant 0 : i32
    return %c0_i32, %c0_i32_0 : i32, i32
  }
  func.func @transform_3(%arg0: i32) -> (i32, i32, i32) {
    %c0_i32 = arith.constant 0 : i32
    %c0_i32_0 = arith.constant 0 : i32
    %c0_i32_1 = arith.constant 0 : i32
    return %c0_i32, %arg0, %c0_i32_0 : i32, i32, i32
  }
}

module attributes {stable_mosaic.version = 14 : i64} {
  func.func @_gru_body(%arg0: i32, %arg1: memref<1024x208xf32, #tpu.memory_space<vmem>>, %arg2: memref<1024x200xf32, #tpu.memory_space<vmem>>, %arg3: memref<208x200xf32, #tpu.memory_space<vmem>>, %arg4: memref<208x200xf32, #tpu.memory_space<vmem>>, %arg5: memref<208x200xf32, #tpu.memory_space<vmem>>, %arg6: memref<200x200xf32, #tpu.memory_space<vmem>>, %arg7: memref<200x200xf32, #tpu.memory_space<vmem>>, %arg8: memref<200x200xf32, #tpu.memory_space<vmem>>, %arg9: memref<1x200xf32, #tpu.memory_space<vmem>>, %arg10: memref<1x200xf32, #tpu.memory_space<vmem>>, %arg11: memref<1x200xf32, #tpu.memory_space<vmem>>, %arg12: memref<1x200xf32, #tpu.memory_space<vmem>>, %arg13: memref<1x200xf32, #tpu.memory_space<vmem>>, %arg14: memref<1x200xf32, #tpu.memory_space<vmem>>, %arg15: memref<1024x200xf32, #tpu.memory_space<vmem>>) attributes {dimension_semantics = [#tpu.dimension_semantics<arbitrary>], iteration_bounds = array<i64: 10>, scalar_prefetch = 0 : i64, scratch_operands = 0 : i64, tpu.core_type = #tpu.core_type<tc>, window_params = [{transform_indices = @transform_0, window_bounds = array<i64: 1024, 208>}, {transform_indices = @transform_1, window_bounds = array<i64: 1024, 200>}, {pipeline_mode = #tpu.pipeline_mode<synchronous>, transform_indices = @transform_2, window_bounds = array<i64: 208, 200>}, {pipeline_mode = #tpu.pipeline_mode<synchronous>, transform_indices = @transform_3, window_bounds = array<i64: 208, 200>}, {pipeline_mode = #tpu.pipeline_mode<synchronous>, transform_indices = @transform_4, window_bounds = array<i64: 208, 200>}, {pipeline_mode = #tpu.pipeline_mode<synchronous>, transform_indices = @transform_5, window_bounds = array<i64: 200, 200>}, {pipeline_mode = #tpu.pipeline_mode<synchronous>, transform_indices = @transform_6, window_bounds = array<i64: 200, 200>}, {pipeline_mode = #tpu.pipeline_mode<synchronous>, transform_indices = @transform_7, window_bounds = array<i64: 200, 200>}, {pipeline_mode = #tpu.pipeline_mode<synchronous>, transform_indices = @transform_8, window_bounds = array<i64: 1, 200>}, {pipeline_mode = #tpu.pipeline_mode<synchronous>, transform_indices = @transform_9, window_bounds = array<i64: 1, 200>}, {pipeline_mode = #tpu.pipeline_mode<synchronous>, transform_indices = @transform_10, window_bounds = array<i64: 1, 200>}, {pipeline_mode = #tpu.pipeline_mode<synchronous>, transform_indices = @transform_11, window_bounds = array<i64: 1, 200>}, {pipeline_mode = #tpu.pipeline_mode<synchronous>, transform_indices = @transform_12, window_bounds = array<i64: 1, 200>}, {pipeline_mode = #tpu.pipeline_mode<synchronous>, transform_indices = @transform_13, window_bounds = array<i64: 1, 200>}, {transform_indices = @transform_14, window_bounds = array<i64: 1024, 200>}]} {
    %get3A = arith.constant 0 : index
    %get3A_0 = arith.constant 0 : index
    %get3A_1 = vector.load %arg1[%get3A, %get3A_0] : memref<1024x208xf32, #tpu.memory_space<vmem>>, vector<1024x208xf32>
    %get3A_2 = arith.constant 0 : index
    %get3A_3 = arith.constant 0 : index
    %get3A_4 = vector.load %arg2[%get3A_2, %get3A_3] : memref<1024x200xf32, #tpu.memory_space<vmem>>, vector<1024x200xf32>
    %get3A_5 = arith.constant 0 : index
    %get3A_6 = arith.constant 0 : index
    %get3A_7 = vector.load %arg3[%get3A_5, %get3A_6] : memref<208x200xf32, #tpu.memory_space<vmem>>, vector<208x200xf32>
    %dot_general3A = arith.constant dense<0.000000e+00> : vector<1024x200xf32>
    %dot_general3A_8 = tpu.matmul %get3A_1, %get3A_7, %dot_general3A {dimension_numbers = #tpu.dot_dimension_numbers<[1], [0], [0], [1], [0, 0, 1, 1], [], []>, transpose_lhs_hint = false} : vector<1024x208xf32>, vector<208x200xf32>, vector<1024x200xf32> -> vector<1024x200xf32>
    %get3A_9 = arith.constant 0 : index
    %get3A_10 = arith.constant 0 : index
    %get3A_11 = vector.load %arg9[%get3A_9, %get3A_10] : memref<1x200xf32, #tpu.memory_space<vmem>>, vector<1x200xf32>
    %add3A = vector.broadcast %get3A_11 : vector<1x200xf32> to vector<1024x200xf32>
    %add3A_12 = arith.addf %dot_general3A_8, %add3A : vector<1024x200xf32>
    %get3A_13 = arith.constant 0 : index
    %get3A_14 = arith.constant 0 : index
    %get3A_15 = vector.load %arg6[%get3A_13, %get3A_14] : memref<200x200xf32, #tpu.memory_space<vmem>>, vector<200x200xf32>
    %dot_general3A_16 = arith.constant dense<0.000000e+00> : vector<1024x200xf32>
    %dot_general3A_17 = tpu.matmul %get3A_4, %get3A_15, %dot_general3A_16 {dimension_numbers = #tpu.dot_dimension_numbers<[1], [0], [0], [1], [0, 0, 1, 1], [], []>, transpose_lhs_hint = false} : vector<1024x200xf32>, vector<200x200xf32>, vector<1024x200xf32> -> vector<1024x200xf32>
    %add3A_18 = arith.addf %add3A_12, %dot_general3A_17 : vector<1024x200xf32>
    %get3A_19 = arith.constant 0 : index
    %get3A_20 = arith.constant 0 : index
    %get3A_21 = vector.load %arg12[%get3A_19, %get3A_20] : memref<1x200xf32, #tpu.memory_space<vmem>>, vector<1x200xf32>
    %add3A_22 = vector.broadcast %get3A_21 : vector<1x200xf32> to vector<1024x200xf32>
    %add3A_23 = arith.addf %add3A_18, %add3A_22 : vector<1024x200xf32>
    %logistic3A = arith.negf %add3A_23 : vector<1024x200xf32>
    %logistic3A_24 = math.exp %logistic3A : vector<1024x200xf32>
    %logistic3A_25 = arith.constant 1.000000e+00 : f32
    %logistic3A_26 = vector.broadcast %logistic3A_25 : f32 to vector<1024x200xf32>
    %logistic3A_27 = arith.addf %logistic3A_26, %logistic3A_24 : vector<1024x200xf32>
    %logistic3A_28 = arith.divf %logistic3A_26, %logistic3A_27 : vector<1024x200xf32>
    %get3A_29 = arith.constant 0 : index
    %get3A_30 = arith.constant 0 : index
    %get3A_31 = vector.load %arg4[%get3A_29, %get3A_30] : memref<208x200xf32, #tpu.memory_space<vmem>>, vector<208x200xf32>
    %dot_general3A_32 = arith.constant dense<0.000000e+00> : vector<1024x200xf32>
    %dot_general3A_33 = tpu.matmul %get3A_1, %get3A_31, %dot_general3A_32 {dimension_numbers = #tpu.dot_dimension_numbers<[1], [0], [0], [1], [0, 0, 1, 1], [], []>, transpose_lhs_hint = false} : vector<1024x208xf32>, vector<208x200xf32>, vector<1024x200xf32> -> vector<1024x200xf32>
    %get3A_34 = arith.constant 0 : index
    %get3A_35 = arith.constant 0 : index
    %get3A_36 = vector.load %arg10[%get3A_34, %get3A_35] : memref<1x200xf32, #tpu.memory_space<vmem>>, vector<1x200xf32>
    %add3A_37 = vector.broadcast %get3A_36 : vector<1x200xf32> to vector<1024x200xf32>
    %add3A_38 = arith.addf %dot_general3A_33, %add3A_37 : vector<1024x200xf32>
    %get3A_39 = arith.constant 0 : index
    %get3A_40 = arith.constant 0 : index
    %get3A_41 = vector.load %arg7[%get3A_39, %get3A_40] : memref<200x200xf32, #tpu.memory_space<vmem>>, vector<200x200xf32>
    %dot_general3A_42 = arith.constant dense<0.000000e+00> : vector<1024x200xf32>
    %dot_general3A_43 = tpu.matmul %get3A_4, %get3A_41, %dot_general3A_42 {dimension_numbers = #tpu.dot_dimension_numbers<[1], [0], [0], [1], [0, 0, 1, 1], [], []>, transpose_lhs_hint = false} : vector<1024x200xf32>, vector<200x200xf32>, vector<1024x200xf32> -> vector<1024x200xf32>
    %add3A_44 = arith.addf %add3A_38, %dot_general3A_43 : vector<1024x200xf32>
    %get3A_45 = arith.constant 0 : index
    %get3A_46 = arith.constant 0 : index
    %get3A_47 = vector.load %arg13[%get3A_45, %get3A_46] : memref<1x200xf32, #tpu.memory_space<vmem>>, vector<1x200xf32>
    %add3A_48 = vector.broadcast %get3A_47 : vector<1x200xf32> to vector<1024x200xf32>
    %add3A_49 = arith.addf %add3A_44, %add3A_48 : vector<1024x200xf32>
    %logistic3A_50 = arith.negf %add3A_49 : vector<1024x200xf32>
    %logistic3A_51 = math.exp %logistic3A_50 : vector<1024x200xf32>
    %logistic3A_52 = arith.constant 1.000000e+00 : f32
    %logistic3A_53 = vector.broadcast %logistic3A_52 : f32 to vector<1024x200xf32>
    %logistic3A_54 = arith.addf %logistic3A_53, %logistic3A_51 : vector<1024x200xf32>
    %logistic3A_55 = arith.divf %logistic3A_53, %logistic3A_54 : vector<1024x200xf32>
    %get3A_56 = arith.constant 0 : index
    %get3A_57 = arith.constant 0 : index
    %get3A_58 = vector.load %arg5[%get3A_56, %get3A_57] : memref<208x200xf32, #tpu.memory_space<vmem>>, vector<208x200xf32>
    %dot_general3A_59 = arith.constant dense<0.000000e+00> : vector<1024x200xf32>
    %dot_general3A_60 = tpu.matmul %get3A_1, %get3A_58, %dot_general3A_59 {dimension_numbers = #tpu.dot_dimension_numbers<[1], [0], [0], [1], [0, 0, 1, 1], [], []>, transpose_lhs_hint = false} : vector<1024x208xf32>, vector<208x200xf32>, vector<1024x200xf32> -> vector<1024x200xf32>
    %get3A_61 = arith.constant 0 : index
    %get3A_62 = arith.constant 0 : index
    %get3A_63 = vector.load %arg11[%get3A_61, %get3A_62] : memref<1x200xf32, #tpu.memory_space<vmem>>, vector<1x200xf32>
    %add3A_64 = vector.broadcast %get3A_63 : vector<1x200xf32> to vector<1024x200xf32>
    %add3A_65 = arith.addf %dot_general3A_60, %add3A_64 : vector<1024x200xf32>
    %get3A_66 = arith.constant 0 : index
    %get3A_67 = arith.constant 0 : index
    %get3A_68 = vector.load %arg8[%get3A_66, %get3A_67] : memref<200x200xf32, #tpu.memory_space<vmem>>, vector<200x200xf32>
    %dot_general3A_69 = arith.constant dense<0.000000e+00> : vector<1024x200xf32>
    %dot_general3A_70 = tpu.matmul %get3A_4, %get3A_68, %dot_general3A_69 {dimension_numbers = #tpu.dot_dimension_numbers<[1], [0], [0], [1], [0, 0, 1, 1], [], []>, transpose_lhs_hint = false} : vector<1024x200xf32>, vector<200x200xf32>, vector<1024x200xf32> -> vector<1024x200xf32>
    %get3A_71 = arith.constant 0 : index
    %get3A_72 = arith.constant 0 : index
    %get3A_73 = vector.load %arg14[%get3A_71, %get3A_72] : memref<1x200xf32, #tpu.memory_space<vmem>>, vector<1x200xf32>
    %add3A_74 = vector.broadcast %get3A_73 : vector<1x200xf32> to vector<1024x200xf32>
    %add3A_75 = arith.addf %dot_general3A_70, %add3A_74 : vector<1024x200xf32>
    %mul3A = arith.mulf %logistic3A_28, %add3A_75 : vector<1024x200xf32>
    %add3A_76 = arith.addf %add3A_65, %mul3A : vector<1024x200xf32>
    %tanh3A = math.tanh %add3A_76 : vector<1024x200xf32>
    %sub3A = arith.constant 1.000000e+00 : f32
    %sub3A_77 = vector.broadcast %sub3A : f32 to vector<1024x200xf32>
    %sub3A_78 = arith.subf %sub3A_77, %logistic3A_55 : vector<1024x200xf32>
    %mul3A_79 = arith.mulf %sub3A_78, %tanh3A : vector<1024x200xf32>
    %mul3A_80 = arith.mulf %logistic3A_55, %get3A_4 : vector<1024x200xf32>
    %add3A_81 = arith.addf %mul3A_79, %mul3A_80 : vector<1024x200xf32>
    %swap3A = arith.constant 0 : index
    %swap3A_82 = arith.constant 0 : index
    %swap3A_83 = vector.load %arg15[%swap3A, %swap3A_82] : memref<1024x200xf32, #tpu.memory_space<vmem>>, vector<1024x200xf32>
    tpu.vector_store %arg15[%swap3A, %swap3A_82], %add3A_81 {strides = array<i32>} : memref<1024x200xf32, #tpu.memory_space<vmem>>, vector<1024x200xf32>,
    return
  }
  func.func @transform_0(%arg0: i32) -> (i32, i32) {
    %c0_i32 = arith.constant 0 : i32
    %c0_i32_0 = arith.constant 0 : i32
    return %arg0, %c0_i32 : i32, i32
  }
  func.func @transform_1(%arg0: i32) -> (i32, i32) {
    %c0_i32 = arith.constant 0 : i32
    %c0_i32_0 = arith.constant 0 : i32
    return %arg0, %c0_i32 : i32, i32
  }
  func.func @transform_2(%arg0: i32) -> (i32, i32) {
    %c0_i32 = arith.constant 0 : i32
    %c0_i32_0 = arith.constant 0 : i32
    %c0_i32_1 = arith.constant 0 : i32
    return %c0_i32, %c0_i32_0 : i32, i32
  }
  func.func @transform_3(%arg0: i32) -> (i32, i32) {
    %c0_i32 = arith.constant 0 : i32
    %c0_i32_0 = arith.constant 0 : i32
    %c0_i32_1 = arith.constant 0 : i32
    return %c0_i32, %c0_i32_0 : i32, i32
  }
  func.func @transform_4(%arg0: i32) -> (i32, i32) {
    %c0_i32 = arith.constant 0 : i32
    %c0_i32_0 = arith.constant 0 : i32
    %c0_i32_1 = arith.constant 0 : i32
    return %c0_i32, %c0_i32_0 : i32, i32
  }
  func.func @transform_5(%arg0: i32) -> (i32, i32) {
    %c0_i32 = arith.constant 0 : i32
    %c0_i32_0 = arith.constant 0 : i32
    %c0_i32_1 = arith.constant 0 : i32
    return %c0_i32, %c0_i32_0 : i32, i32
  }
  func.func @transform_6(%arg0: i32) -> (i32, i32) {
    %c0_i32 = arith.constant 0 : i32
    %c0_i32_0 = arith.constant 0 : i32
    %c0_i32_1 = arith.constant 0 : i32
    return %c0_i32, %c0_i32_0 : i32, i32
  }
  func.func @transform_7(%arg0: i32) -> (i32, i32) {
    %c0_i32 = arith.constant 0 : i32
    %c0_i32_0 = arith.constant 0 : i32
    %c0_i32_1 = arith.constant 0 : i32
    return %c0_i32, %c0_i32_0 : i32, i32
  }
  func.func @transform_8(%arg0: i32) -> (i32, i32) {
    %c0_i32 = arith.constant 0 : i32
    %c0_i32_0 = arith.constant 0 : i32
    %c0_i32_1 = arith.constant 0 : i32
    return %c0_i32, %c0_i32_0 : i32, i32
  }
  func.func @transform_9(%arg0: i32) -> (i32, i32) {
    %c0_i32 = arith.constant 0 : i32
    %c0_i32_0 = arith.constant 0 : i32
    %c0_i32_1 = arith.constant 0 : i32
    return %c0_i32, %c0_i32_0 : i32, i32
  }
  func.func @transform_10(%arg0: i32) -> (i32, i32) {
    %c0_i32 = arith.constant 0 : i32
    %c0_i32_0 = arith.constant 0 : i32
    %c0_i32_1 = arith.constant 0 : i32
    return %c0_i32, %c0_i32_0 : i32, i32
  }
  func.func @transform_11(%arg0: i32) -> (i32, i32) {
    %c0_i32 = arith.constant 0 : i32
    %c0_i32_0 = arith.constant 0 : i32
    %c0_i32_1 = arith.constant 0 : i32
    return %c0_i32, %c0_i32_0 : i32, i32
  }
  func.func @transform_12(%arg0: i32) -> (i32, i32) {
    %c0_i32 = arith.constant 0 : i32
    %c0_i32_0 = arith.constant 0 : i32
    %c0_i32_1 = arith.constant 0 : i32
    return %c0_i32, %c0_i32_0 : i32, i32
  }
  func.func @transform_13(%arg0: i32) -> (i32, i32) {
    %c0_i32 = arith.constant 0 : i32
    %c0_i32_0 = arith.constant 0 : i32
    %c0_i32_1 = arith.constant 0 : i32
    return %c0_i32, %c0_i32_0 : i32, i32
  }
  func.func @transform_14(%arg0: i32) -> (i32, i32) {
    %c0_i32 = arith.constant 0 : i32
    %c0_i32_0 = arith.constant 0 : i32
    return %arg0, %c0_i32 : i32, i32
  }
}

module attributes {stable_mosaic.version = 14 : i64} {
  func.func @_pool_fc_body(%arg0: i32, %arg1: memref<65xi32, #tpu.memory_space<smem>>, %arg2: memref<10240x200xf32, #tpu.memory_space<vmem>>, %arg3: memref<200x2xf32, #tpu.memory_space<vmem>>, %arg4: memref<1x2xf32, #tpu.memory_space<vmem>>, %arg5: memref<64x2xf32, #tpu.memory_space<vmem>>) attributes {dimension_semantics = [#tpu.dimension_semantics<arbitrary>], iteration_bounds = array<i64: 64>, scalar_prefetch = 0 : i64, scratch_operands = 0 : i64, tpu.core_type = #tpu.core_type<tc>, window_params = [{transform_indices = @transform_0, window_bounds = array<i64: 65>}, {pipeline_mode = #tpu.pipeline_mode<synchronous>, transform_indices = @transform_1, window_bounds = array<i64: 10240, 200>}, {pipeline_mode = #tpu.pipeline_mode<synchronous>, transform_indices = @transform_2, window_bounds = array<i64: 200, 2>}, {pipeline_mode = #tpu.pipeline_mode<synchronous>, transform_indices = @transform_3, window_bounds = array<i64: 1, 2>}, {pipeline_mode = #tpu.pipeline_mode<synchronous>, transform_indices = @transform_4, window_bounds = array<i64: 64, 2>}]} {
    %get3A = arith.index_cast %arg0 : i32 to index
    %get3A_0 = memref.load %arg1[%get3A] : memref<65xi32, #tpu.memory_space<smem>>
    %add3A = arith.constant 1 : i32
    %add3A_1 = arith.addi %arg0, %add3A : i32
    %get3A_2 = arith.index_cast %add3A_1 : i32 to index
    %get3A_3 = memref.load %arg1[%get3A_2] : memref<65xi32, #tpu.memory_space<smem>>
    %jit3A = arith.constant 8 : i32
    %div3A = arith.divsi %get3A_0, %jit3A : i32
    %sign3A = arith.constant 0 : i32
    %sign3A_4 = arith.cmpi sgt, %get3A_0, %sign3A : i32
    %sign3A_5 = arith.extui %sign3A_4 : i1 to i32
    %sign3A_6 = arith.constant 0 : i32
    %sign3A_7 = arith.cmpi slt, %get3A_0, %sign3A_6 : i32
    %sign3A_8 = arith.extui %sign3A_7 : i1 to i32
    %sign3A_9 = arith.subi %sign3A_5, %sign3A_8 : i32
    %sign3A_10 = arith.constant 0 : i32
    %sign3A_11 = arith.cmpi sgt, %jit3A, %sign3A_10 : i32
    %sign3A_12 = arith.extui %sign3A_11 : i1 to i32
    %sign3A_13 = arith.constant 0 : i32
    %sign3A_14 = arith.cmpi slt, %jit3A, %sign3A_13 : i32
    %sign3A_15 = arith.extui %sign3A_14 : i1 to i32
    %sign3A_16 = arith.subi %sign3A_12, %sign3A_15 : i32
    %ne3A = arith.cmpi ne, %sign3A_9, %sign3A_16 : i32
    %rem3A = arith.remsi %get3A_0, %jit3A : i32
    %ne3A_17 = arith.constant 0 : i32
    %ne3A_18 = arith.cmpi ne, %rem3A, %ne3A_17 : i32
    %and3A = arith.andi %ne3A, %ne3A_18 : i1
    %sub3A = arith.constant 1 : i32
    %sub3A_19 = arith.subi %div3A, %sub3A : i32
    %select_n3A = arith.select %and3A, %sub3A_19, %div3A : i32
    %add3A_20 = arith.constant 7 : i32
    %add3A_21 = arith.addi %get3A_3, %add3A_20 : i32
    %jit3A_22 = arith.constant 8 : i32
    %div3A_23 = arith.divsi %add3A_21, %jit3A_22 : i32
    %sign3A_24 = arith.constant 0 : i32
    %sign3A_25 = arith.cmpi sgt, %add3A_21, %sign3A_24 : i32
    %sign3A_26 = arith.extui %sign3A_25 : i1 to i32
    %sign3A_27 = arith.constant 0 : i32
    %sign3A_28 = arith.cmpi slt, %add3A_21, %sign3A_27 : i32
    %sign3A_29 = arith.extui %sign3A_28 : i1 to i32
    %sign3A_30 = arith.subi %sign3A_26, %sign3A_29 : i32
    %sign3A_31 = arith.constant 0 : i32
    %sign3A_32 = arith.cmpi sgt, %jit3A_22, %sign3A_31 : i32
    %sign3A_33 = arith.extui %sign3A_32 : i1 to i32
    %sign3A_34 = arith.constant 0 : i32
    %sign3A_35 = arith.cmpi slt, %jit3A_22, %sign3A_34 : i32
    %sign3A_36 = arith.extui %sign3A_35 : i1 to i32
    %sign3A_37 = arith.subi %sign3A_33, %sign3A_36 : i32
    %ne3A_38 = arith.cmpi ne, %sign3A_30, %sign3A_37 : i32
    %rem3A_39 = arith.remsi %add3A_21, %jit3A_22 : i32
    %ne3A_40 = arith.constant 0 : i32
    %ne3A_41 = arith.cmpi ne, %rem3A_39, %ne3A_40 : i32
    %and3A_42 = arith.andi %ne3A_38, %ne3A_41 : i1
    %sub3A_43 = arith.constant 1 : i32
    %sub3A_44 = arith.subi %div3A_23, %sub3A_43 : i32
    %select_n3A_45 = arith.select %and3A_42, %sub3A_44, %div3A_23 : i32
    %sub3A_46 = arith.subi %select_n3A_45, %select_n3A : i32
    %broadcast_in_dim3A = arith.constant 0xFF800000 : f32
    %broadcast_in_dim3A_47 = vector.broadcast %broadcast_in_dim3A : f32 to vector<1x200xf32>
    %while3A = arith.constant 0 : i32
    %while3A_48 = arith.subi %sub3A_46, %while3A : i32
    %while3A_49 = arith.addi %while3A, %while3A_48 : i32
    %while3A_50 = arith.constant 1 : i32
    %while3A_51 = arith.divsi %while3A_48, %while3A_50 : i32
    %while3A_52 = arith.muli %while3A_51, %while3A_50 : i32
    %while3A_53 = arith.addi %while3A, %while3A_52 : i32
    %while3A_54 = arith.constant 1 : i32
    %while3A_55 = scf.for %while3A_68 = %while3A to %while3A_53 step %while3A_54 iter_args(%while3A_69 = %broadcast_in_dim3A_47) -> (vector<1x200xf32>)  : i32 {
      %add3A_70 = arith.addi %select_n3A, %while3A_68 : i32
      %mul3A = arith.constant 8 : i32
      %mul3A_71 = arith.muli %add3A_70, %mul3A : i32
      %get3A_72 = arith.index_cast %mul3A_71 : i32 to index
      %get3A_73 = arith.constant 0 : index
      %get3A_74 = vector.load %arg2[%get3A_72, %get3A_73] : memref<10240x200xf32, #tpu.memory_space<vmem>>, vector<8x200xf32>
      %iota3A = tpu.iota {dimensions = array<i32: 0>} : vector<8x1xi32>
      %add3A_75 = vector.broadcast %mul3A_71 : i32 to vector<8x1xi32>
      %add3A_76 = arith.addi %add3A_75, %iota3A : vector<8x1xi32>
      %ge3A = vector.broadcast %get3A_0 : i32 to vector<8x1xi32>
      %ge3A_77 = arith.cmpi sge, %add3A_76, %ge3A : vector<8x1xi32>
      %lt3A = vector.broadcast %get3A_3 : i32 to vector<8x1xi32>
      %lt3A_78 = arith.cmpi slt, %add3A_76, %lt3A : vector<8x1xi32>
      %and3A_79 = arith.andi %ge3A_77, %lt3A_78 : vector<8x1xi1>
      %max3A = arith.constant 0.000000e+00 : f32
      %max3A_80 = vector.broadcast %max3A : f32 to vector<8x200xf32>
      %max3A_81 = arith.maximumf %get3A_74, %max3A_80 : vector<8x200xf32>
      %jit3A_82 = arith.constant 0xFF800000 : f32
      %broadcast_in_dim3A_83 = vector.shape_cast %and3A_79 : vector<8x1xi1> to vector<8x1xi1>
      %broadcast_in_dim3A_84 = vector.broadcast %broadcast_in_dim3A_83 : vector<8x1xi1> to vector<8x200xi1>
      %broadcast_in_dim3A_85 = vector.broadcast %jit3A_82 : f32 to vector<8x200xf32>
      %select_n3A_86 = arith.select %broadcast_in_dim3A_84, %max3A_81, %broadcast_in_dim3A_85 : vector<8x200xi1>, vector<8x200xf32>
      %reduce_max3A = arith.constant dense<0xFF800000> : vector<200xf32>
      %reduce_max3A_87 = vector.multi_reduction <maximumf>, %select_n3A_86, %reduce_max3A [0] : vector<8x200xf32> to vector<200xf32>
      %broadcast_in_dim3A_88 = vector.shape_cast %reduce_max3A_87 : vector<200xf32> to vector<1x200xf32>
      %max3A_89 = arith.maximumf %while3A_69, %broadcast_in_dim3A_88 : vector<1x200xf32>
      scf.yield %max3A_89 : vector<1x200xf32>
    }
    %while3A_56 = arith.constant 1 : i32
    %while3A_57 = scf.for %while3A_68 = %while3A_53 to %while3A_49 step %while3A_56 iter_args(%while3A_69 = %while3A_55) -> (vector<1x200xf32>)  : i32 {
      %add3A_70 = arith.addi %select_n3A, %while3A_68 : i32
      %mul3A = arith.constant 8 : i32
      %mul3A_71 = arith.muli %add3A_70, %mul3A : i32
      %get3A_72 = arith.index_cast %mul3A_71 : i32 to index
      %get3A_73 = arith.constant 0 : index
      %get3A_74 = vector.load %arg2[%get3A_72, %get3A_73] : memref<10240x200xf32, #tpu.memory_space<vmem>>, vector<8x200xf32>
      %iota3A = tpu.iota {dimensions = array<i32: 0>} : vector<8x1xi32>
      %add3A_75 = vector.broadcast %mul3A_71 : i32 to vector<8x1xi32>
      %add3A_76 = arith.addi %add3A_75, %iota3A : vector<8x1xi32>
      %ge3A = vector.broadcast %get3A_0 : i32 to vector<8x1xi32>
      %ge3A_77 = arith.cmpi sge, %add3A_76, %ge3A : vector<8x1xi32>
      %lt3A = vector.broadcast %get3A_3 : i32 to vector<8x1xi32>
      %lt3A_78 = arith.cmpi slt, %add3A_76, %lt3A : vector<8x1xi32>
      %and3A_79 = arith.andi %ge3A_77, %lt3A_78 : vector<8x1xi1>
      %max3A = arith.constant 0.000000e+00 : f32
      %max3A_80 = vector.broadcast %max3A : f32 to vector<8x200xf32>
      %max3A_81 = arith.maximumf %get3A_74, %max3A_80 : vector<8x200xf32>
      %jit3A_82 = arith.constant 0xFF800000 : f32
      %broadcast_in_dim3A_83 = vector.shape_cast %and3A_79 : vector<8x1xi1> to vector<8x1xi1>
      %broadcast_in_dim3A_84 = vector.broadcast %broadcast_in_dim3A_83 : vector<8x1xi1> to vector<8x200xi1>
      %broadcast_in_dim3A_85 = vector.broadcast %jit3A_82 : f32 to vector<8x200xf32>
      %select_n3A_86 = arith.select %broadcast_in_dim3A_84, %max3A_81, %broadcast_in_dim3A_85 : vector<8x200xi1>, vector<8x200xf32>
      %reduce_max3A = arith.constant dense<0xFF800000> : vector<200xf32>
      %reduce_max3A_87 = vector.multi_reduction <maximumf>, %select_n3A_86, %reduce_max3A [0] : vector<8x200xf32> to vector<200xf32>
      %broadcast_in_dim3A_88 = vector.shape_cast %reduce_max3A_87 : vector<200xf32> to vector<1x200xf32>
      %max3A_89 = arith.maximumf %while3A_69, %broadcast_in_dim3A_88 : vector<1x200xf32>
      scf.yield %max3A_89 : vector<1x200xf32>
    }
    %get3A_58 = arith.constant 0 : index
    %get3A_59 = arith.constant 0 : index
    %get3A_60 = vector.load %arg3[%get3A_58, %get3A_59] : memref<200x2xf32, #tpu.memory_space<vmem>>, vector<200x2xf32>
    %dot_general3A = arith.constant dense<0.000000e+00> : vector<1x2xf32>
    %dot_general3A_61 = tpu.matmul %while3A_57, %get3A_60, %dot_general3A {dimension_numbers = #tpu.dot_dimension_numbers<[1], [0], [0], [1], [0, 0, 1, 1], [], []>, transpose_lhs_hint = false} : vector<1x200xf32>, vector<200x2xf32>, vector<1x2xf32> -> vector<1x2xf32>
    %get3A_62 = arith.constant 0 : index
    %get3A_63 = arith.constant 0 : index
    %get3A_64 = vector.load %arg4[%get3A_62, %get3A_63] : memref<1x2xf32, #tpu.memory_space<vmem>>, vector<1x2xf32>
    %add3A_65 = arith.addf %dot_general3A_61, %get3A_64 : vector<1x2xf32>
    %swap3A = arith.index_cast %arg0 : i32 to index
    %swap3A_66 = arith.constant 0 : index
    %swap3A_67 = vector.load %arg5[%swap3A, %swap3A_66] : memref<64x2xf32, #tpu.memory_space<vmem>>, vector<1x2xf32>
    tpu.vector_store %arg5[%swap3A, %swap3A_66], %add3A_65 {strides = array<i32>} : memref<64x2xf32, #tpu.memory_space<vmem>>, vector<1x2xf32>,
    return
  }
  func.func @transform_0(%arg0: i32) -> i32 {
    %c0_i32 = arith.constant 0 : i32
    %c0_i32_0 = arith.constant 0 : i32
    return %c0_i32 : i32
  }
  func.func @transform_1(%arg0: i32) -> (i32, i32) {
    %c0_i32 = arith.constant 0 : i32
    %c0_i32_0 = arith.constant 0 : i32
    %c0_i32_1 = arith.constant 0 : i32
    return %c0_i32, %c0_i32_0 : i32, i32
  }
  func.func @transform_2(%arg0: i32) -> (i32, i32) {
    %c0_i32 = arith.constant 0 : i32
    %c0_i32_0 = arith.constant 0 : i32
    %c0_i32_1 = arith.constant 0 : i32
    return %c0_i32, %c0_i32_0 : i32, i32
  }
  func.func @transform_3(%arg0: i32) -> (i32, i32) {
    %c0_i32 = arith.constant 0 : i32
    %c0_i32_0 = arith.constant 0 : i32
    %c0_i32_1 = arith.constant 0 : i32
    return %c0_i32, %c0_i32_0 : i32, i32
  }
  func.func @transform_4(%arg0: i32) -> (i32, i32) {
    %c0_i32 = arith.constant 0 : i32
    %c0_i32_0 = arith.constant 0 : i32
    %c0_i32_1 = arith.constant 0 : i32
    return %c0_i32, %c0_i32_0 : i32, i32
  }
}

</mosaic_0001>

<sc_bundles>
// kernel: kernel.10.cloned.1.call-start
scs
__scs_entry_jumppad:
0x0: {  	(pc) =	sbr.rel $0x88, $3  }
0x1: {  	(tag) =	ssettag $0x0;
	lr =	simm.s32 $0x1  }
0x2: {  	[smem:$0x3F95] =	sst lr;
	_ =	strace $0xD0000000  }
0x3: {  	_ = 	snop  }
0x4: {  	_ = 	snop  }
0x5: {  	_ = 	snop  }
0x6: {  	_ = 	snop  }
0x7: {  	_ = 	snop  }
__scs_overlays_trampoline_lowered:
0x8: {  	[smem:$0x3FA4] =	sst s0  }
0x9: {  	[smem:$0x3FA5] =	sst s1  }
0xa: {  	[smem:$0x3FA6] =	sst s2  }
0xb: {  	[smem:$0x3FA7] =	sst s3  }
0xc: {  	[smem:$0x3FA8] =	sst s4  }
0xd: {  	[smem:$0x3FA9] =	sst s5  }
0xe: {  	[smem:$0x3FAA] =	sst s6  }
0xf: {  	[smem:$0x3FAB] =	sst s7  }
0x10: {  	[smem:$0x3FAC] =	sst s8  }
0x11: {  	[smem:$0x3FAD] =	sst s9;
	s0 =	simm.s32 @!p0 $0x0  }
0x12: {  	s1 =	sld [smem:$0x3F93];
	s0 =	simm.s32 @p0 $0x1  }
0x13: {  	[smem:$0x3FAE] =	sst s0;
	s0 =	simm.s32 @!p1 $0x0  }
0x14: {  	s2 =	sld [smem:$0x3F92];
	s0 =	simm.s32 @p1 $0x1  }
0x15: {  	[smem:$0x3FAF] =	sst s0;
	s0 =	simm.s32 @!p2 $0x0  }
0x16: {  	s3 =	sld [smem:$0x3FDB];
	s0 =	simm.s32 @p2 $0x1  }
0x17: {  	s4 =	simm.s32 $0x1BF5;
	[smem:$0x3FB1] =	sst s0  }
0x18: {  	s0 =	sld [smem:$0x3F94];
	_ =	swait.ge [sflag:s4], $0x0  }
0x19: {  	s7 =	sld [smem:$0x3F95]  }
0x1a: {  	s8 =	sadd.s32 $0xFFFFE003, lr  }
0x1b: {  	s9 =	sadd.s32 $0xFFFFFEF7, lr;
	s5 =	simm.s32 $0xFFFFFFFF;
	p2 =	slt.u32 s8, $0xFFFFF086  }
0x1c: {  	p1 =	slt.u32 s9, $0xF7A;
	s5 =	simm.s32 @!p2 $0x0  }
0x1d: {  	s5 =	simm.s32 @p1 $0x1;
	p0 =	seq.s32 s7, s2  }
0x1e: {  	s7 =	smul.u32 @!p0 $0xF7A, s2;
	p2 =	seq.s32 @!p0 s5, $0x0  }
0x1f: {  	s9 =	smul.u32 $0xF7A, s1;
	s8 =	simm.s32 @!p0 $0x1BF5;
	p2 =	por !p2, p0  }
0x20: {  	[sflag:s8] =	ssyncset.s32 @!p0 $0xFFFFF086;
	s6 =	sadd.s32 @!p0 s3, s7;
	s7 =	simm.s32 @!p0 $0x108  }
0x21: {  	s3 =	sadd.s32 s3, s9;
	s6 =	sadd.s32 @!p0 $0x88, s6;
	s7 =	simm.s32 @p2 $0x1082  }
0x22: {  	[simem:s7], [sflag:s8] =	dma.local @!p0 [hbm:s6], $0xF7A  }
0x23: {  	s9 =	sor.u32 $0xD0000000, s2;
	s6 =	simm.s32 $0x108;
	_ =	swait.ge @!p0 [sflag:s8], $0x0  }
0x24: {  	s3 =	sadd.s32 $0x88, s3;
	s6 =	simm.s32 @!p1 $0x1082;
	[sflag:s4] =	ssyncset.s32 $0xFFFFF086  }
0x25: {  	[simem:s6], [sflag:s4] =	dma.local [hbm:s3], $0xF7A  }
0x26: {  	[smem:$0x3F95] =	sst s1;
	(tag) =	ssettag s2;
	_ =	strace s9  }
0x27: {  	s1 =	sld [smem:$0x3FA5]  }
0x28: {  	s2 =	sld [smem:$0x3FA6]  }
0x29: {  	s4 =	sld [smem:$0x3FA8]  }
0x2a: {  	p0 =	seq.s32 s5, $0x0;
	s5 =	sld [smem:$0x3FA9]  }
0x2b: {  	s6 =	sld [smem:$0x3FAA]  }
0x2c: {  	s7 =	sld [smem:$0x3FAB]  }
0x2d: {  	s3 =	simm.s32 $0x108;
	s8 =	sld [smem:$0x3FAC]  }
0x2e: {  	s3 =	simm.s32 @!p0 $0x1082;
	s9 =	sld [smem:$0x3FAD]  }
0x2f: {  	lr =	sadd.s32 s0, s3;
	s0 =	sld [smem:$0x3FA4]  }
0x30: {  	s3 =	sld [smem:$0x3FA7]  }
0x31: {  	[smem:$0x3FB0] =	sst s10  }
0x32: {  	s10 =	sld [smem:$0x3FAE];
	_ =	sdelay $0x3  }
0x33: {  	p0 =	seq.s32 s10, $0x1;
	s10 =	sld [smem:$0x3FB0];
	_ =	sdelay $0x3  }
0x34: {  	[smem:$0x3FB0] =	sst s10  }
0x35: {  	s10 =	sld [smem:$0x3FAF];
	_ =	sdelay $0x3  }
0x36: {  	p1 =	seq.s32 s10, $0x1;
	s10 =	sld [smem:$0x3FB0];
	_ =	sdelay $0x3  }
0x37: {  	[smem:$0x3FB0] =	sst s10  }
0x38: {  	s10 =	sld [smem:$0x3FB1]  }
0x39: {  	_ = 	snop;
	(pc) =	sbr.ind lr, $3  }
0x3a: {  	_ = 	snop  }
0x3b: {  	_ = 	snop  }
0x3c: {  	p2 =	seq.s32 s10, $0x1;
	s10 =	sld [smem:$0x3FB0]  }
0x3d: {  	_ =	shalt  }
0x3e: {  	_ =	shalt  }
0x3f: {  	_ =	shalt  }
0x40: {  	_ =	shalt  }
0x41: {  	_ =	shalt  }
0x42: {  	_ =	shalt  }
0x43: {  	_ =	shalt  }
0x44: {  	_ =	shalt  }
0x45: {  	_ =	shalt  }
0x46: {  	_ =	shalt  }
0x47: {  	_ =	shalt  }
0x48: {  	_ =	shalt  }
0x49: {  	_ =	shalt  }
0x4a: {  	_ =	shalt  }
0x4b: {  	_ =	shalt  }
0x4c: {  	_ =	shalt  }
0x4d: {  	_ =	shalt  }
0x4e: {  	_ =	shalt  }
0x4f: {  	_ =	shalt  }
0x50: {  	_ =	shalt  }
0x51: {  	_ =	shalt  }
0x52: {  	_ =	shalt  }
0x53: {  	_ =	shalt  }
0x54: {  	_ =	shalt  }
0x55: {  	_ =	shalt  }
0x56: {  	_ =	shalt  }
0x57: {  	_ =	shalt  }
0x58: {  	_ =	shalt  }
0x59: {  	_ =	shalt  }
0x5a: {  	_ =	shalt  }
0x5b: {  	_ =	shalt  }
0x5c: {  	_ =	shalt  }
0x5d: {  	_ =	shalt  }
0x5e: {  	_ =	shalt  }
0x5f: {  	_ =	shalt  }
0x60: {  	_ =	shalt  }
0x61: {  	_ =	shalt  }
0x62: {  	_ =	shalt  }
0x63: {  	_ =	shalt  }
0x64: {  	_ =	shalt  }
0x65: {  	_ =	shalt  }
0x66: {  	_ =	shalt  }
0x67: {  	_ =	shalt  }
0x68: {  	_ =	shalt  }
0x69: {  	_ =	shalt  }
0x6a: {  	_ =	shalt  }
0x6b: {  	_ =	shalt  }
0x6c: {  	_ =	shalt  }
0x6d: {  	_ =	shalt  }
0x6e: {  	_ =	shalt  }
0x6f: {  	_ =	shalt  }
0x70: {  	_ =	shalt  }
0x71: {  	_ =	shalt  }
0x72: {  	_ =	shalt  }
0x73: {  	_ =	shalt  }
0x74: {  	_ =	shalt  }
0x75: {  	_ =	shalt  }
0x76: {  	_ =	shalt  }
0x77: {  	_ =	shalt  }
0x78: {  	_ =	shalt  }
0x79: {  	_ =	shalt  }
0x7a: {  	_ =	shalt  }
0x7b: {  	_ =	shalt  }
0x7c: {  	_ =	shalt  }
0x7d: {  	_ =	shalt  }
0x7e: {  	_ =	shalt  }
0x7f: {  	_ =	shalt  }
0x80: {  	_ =	shalt  }
0x81: {  	_ =	shalt  }
0x82: {  	_ =	shalt  }
0x83: {  	_ =	shalt  }
0x84: {  	_ =	shalt  }
0x85: {  	_ =	shalt  }
0x86: {  	_ =	shalt  }
0x87: {  	_ =	shalt  }
.Lfunc_end0:
.L_simem_size_0:
called_computation_lowered:
.L_overlay_start_0:
0x88: {  	s2 =	sld [smem:$0x3FD9]  }
0x89: {  	s3 =	sld [smem:$0x3FFE];
	_ =	sdelay $0x1  }
0x8a: {  	s1 =	srdreg.scid  }
0x8b: {  	s0 =	sand.u32 $0x1, s1  }
0x8c: {  	s16 =	sshll.u32 s0, $0xA;
	s2 =	sadd.s32 s3, s2  }
0x8d: {  	s2 =	sadd.s32 s2, s16  }
0x8e: {  	[smem:$0x3FBC] =	sst s2  }
0x8f: {  	_ = 	snop  }
0x90: {  	(tm) =	ssettm $0x1  }
0x91: {  	s17 =	sld [smem:$0x3FFB];
	_ =	sdelay $0x3  }
0x92: {  	_ =	strace s17  }
0x93: {  	s2 =	sld [smem:$0x3FFC];
	_ =	sdelay $0x3  }
0x94: {  	_ =	strace s2  }
0x95: {  	s2 =	sld [smem:$0x3FFD];
	_ =	sdelay $0x3  }
0x96: {  	_ =	strace s2  }
0x97: {  	_ =	strace $0x8FFFFFFF  }
0x98: {  	s18 =	sld [smem:$0x3FDB];
	_ =	sdelay $0x1  }
0x99: {  	s19 =	simm.s32 $_scs_section_size  }
0x9a: {  	s4 =	simm.s32 $_size__tile_overlayer_lowered;
	s5 =	simm.s32 $_tile_overlayer_lowered  }
0x9b: {  	s22 =	simm.s32 $0x1BFF;
	s21 =	sshll.u32 s5, $0x1;
	s2 =	sadd.s32 s19, s18  }
0x9c: {  	s6 =	simm.s32 $0x0;
	s20 =	sshll.u32 s4, $0x1;
	s4 =	sadd.s32 s21, s2  }
0x9d: {  	[timem:s6], [sflag:s22] =	dma.local [hbm:s4], s20  }
0x9e: {  	_ =	swait.ge [sflag:s22], s20  }
0x9f: {  	s3 =	ssub.s32 $0x0, s20;
	[sflag:s22] =	ssyncset.done $0x0  }
0xa0: {  	[sflag:s22] =	ssyncadd.s32 s3;
	_ =	sdelay $0x1  }
0xa1: {  	s23 =	simm.s32 $0x1B8B  }
0xa2: {  	_ =	swait.ge [sflag:s23], $0x1  }
0xa3: {  	[sflag:s23] =	ssyncset.done $0x0  }
0xa4: {  	s25 =	simm.s32 $0x1B8E;
	s24 =	sld [smem:$0x3FFE];
	[sflag:s23] =	ssyncadd.s32 $0xFFFFFFFF  }
0xa5: {  	s26 =	simm.s32 $execute0_lowered;
	[smem:$0x3FD2] =	sst s25  }
0xa6: {  	s4 =	sshll.u32 s26, $0x1;
	_ =	strace $0x80000046;
	[dreg:$0x1] =	wrdreg $0xFFFFFFFF  }
0xa7: {  	s28 =	simm.s32 $_size_execute0_lowered;
	s2 =	sadd.s32 s2, s4;
	[dreg:$0x0] =	wrdreg $0x0  }
0xa8: {  	s4 =	sshll.u32 s28, $0x1;
	[dreg:$0x2] =	wrdreg s2  }
0xa9: {  	[dreg:$0x3] =	wrdreg s4  }
0xaa: {  	[dreg:$0x4] =	wrdreg $0xC0  }
0xab: {  	_ =	task [dreg:s6], $0x5FFFF  }
0xac: {  	[dreg:$0x1] =	wrdreg $0xFFFFFFFF  }
0xad: {  	[dreg:$0x0] =	wrdreg $0x60  }
0xae: {  	[dreg:$0x2] =	wrdreg s24  }
0xaf: {  	[dreg:$0x3] =	wrdreg $0x0  }
0xb0: {  	[dreg:$0x4] =	wrdreg $0x9  }
0xb1: {  	_ =	task.clear_ibuf [dreg:s6], $0x5FFFF;
	_ =	strace $0x90000046  }
0xb2: {  	s29 =	simm.s32 $0x9;
	_ =	strace $0x80000048  }
0xb3: {  	_ =	swait.ge [sflag:s29], $0x1  }
0xb4: {  	[sflag:s29] =	ssyncadd.s32 $0xFFFFFFFF  }
0xb5: {  	_ =	strace $0x90000048  }
0xb6: {  	_ =	sfence  }
0xb7: {  	s30 =	sld [smem:$0x0];
	_ =	sdelay $0x2  }
0xb8: {  	s31 =	sshll.u32 s1, $0xD;
	s1 =	sshrl.u32 s1, $0x2  }
0xb9: {  	s3 =	sand.u32 $0x4000, s31;
	s1 =	sadd.s32 s1, s30  }
0xba: {  	s0 =	sor.u32 s3, s0;
	s1 =	sshll.u32 s1, $0x11  }
0xbb: {  	s0 =	sor.u32 s1, s0  }
0xbc: {  	s0 =	sadd.s32 $0x8F2B, s0  }
0xbd: {  	[sflag:s0] =	ssyncadd.remote.s32 $0x1  }
0xbe: {  	_ =	sfence.sel $0xFFFF  }
0xbf: {  	[dreg:$0x0] =	wrdreg $0xFFFFFFFF;
	(pc) =	sbr.abs _section_cstart, $3  }
0xc0: {  	[dreg:$0x1] =	wrdreg $0xFFFFFFFF  }
0xc1: {  	_ =	task.clear_ibuf [dreg:s6], $0x2FFFF;
	_ =	strace $0x9FFFFFFF  }
0xc2: {  	(tm) =	ssettm $0x7FFFFFFF  }
0xc3: {  	_ =	shalt  }
tec
execute0_lowered:
.L_overlay_start_1:
0x0: {  	(tag) =	ssettag $0x1  }
0x1: {  	s0 =	srdreg.scid;
	s1 =	rddreg [dreg:$0x0]  }
0x2: {  	s8 =	stileid.u32;
	s2 =	rddreg [dreg:$0x1]  }
0x3: {  	s4 =	simm.s32 $0x0;
	s28 =	simm.s32 $0x1C808;
	s5 =	smul.u32 $0x5000, s8  }
0x4: {  	s29 =	simm.s32 $0x1;
	s30 =	simm.s32 $0x2;
	s6 =	smul.u32 $0x20800, s8  }
0x5: {  	s31 =	simm.s32 $0x3;
	s0 =	sand.u32 $0x1, s0;
	s18 =	smul.u32 $0x41000, s8  }
0x6: {  	[smem:$0x7FF] =	sst s4;
	s4 =	sadd.s32 $0x53600, s1;
	s3 =	smul.u32 $0x50000, s0  }
0x7: {  	s9 =	sadd.s32 $0xB2600, s1;
	s8 =	sshll.u32 s8, $0x6;
	s7 =	smul.u32 $0x68, s0  }
0x8: {  	_ =	strace $0x80000047;
	[dreg:$0x3] =	wrdreg s9;
	s0 =	ssub.s32 $0x2, s0  }
0x9: {  	s9 =	simm.s32 $0x0;
	s19 =	sshrl.u32 s0, $0x1;
	s3 =	sadd.s32 s5, s3  }
0xa: {  	s5 =	sshrl.u32 s5, $0x3;
	s6 =	sor.u32 s7, s6;
	s7 =	sshrl.u32 s18, $0x2  }
0xb: {  	s0 =	ssub.s32 s0, s19;
	s18 =	simm.s32 $0x5;
	s19 =	simm.s32 $0x11808  }
0xc: {  	s3 =	sshrl.u32 s3, $0x3;
	s5 =	sadd.s32 s5, s1;
	s6 =	sshrl.u32 s6, $0x3  }
0xd: {  	s7 =	sadd.s32 s7, s2;
	s16 =	smax.u32 s0, $0x1;
	s0 =	simm.s32 $0x12B88  }
0xe: {  	s3 =	sadd.s32 s3, s1;
	s1 =	sadd.s32 s6, s1;
	s6 =	sor.u32 $0x1C05, s8  }
0xf: {  	s21 =	sadd.s32 $0xA8600, s5;
	s23 =	sadd.s32 $0xA8880, s5;
	s25 =	sadd.s32 $0xA8B00, s5  }
0x10: {  	s26 =	sadd.s32 $0xA8D80, s5;
	s17 =	sshrl.u32 s7, $0x3;
	[dreg:$0x5] =	wrdreg s21  }
0x11: {  	s5 =	simm.s32 $0x11688;
	s7 =	simm.s32 $0x11708;
	[dreg:$0x7] =	wrdreg s23  }
0x12: {  	s8 =	simm.s32 $0x11788;
	s20 =	sadd.s32 $0x94600, s3;
	[dreg:$0x9] =	wrdreg s25  }
0x13: {  	s22 =	sadd.s32 $0x94880, s3;
	s24 =	sadd.s32 $0x94B00, s3;
	[dreg:$0xb] =	wrdreg s26  }
0x14: {  	s3 =	sadd.s32 $0x94D80, s3;
	s15 =	sadd.s32 $0xB4800, s1;
	[dreg:$0x4] =	wrdreg s20  }
0x15: {  	s21 =	simm.s32 $0x80;
	s23 =	simm.s32 $0x11888;
	[dreg:$0x6] =	wrdreg s22  }
0x16: {  	s25 =	simm.s32 $0x11908;
	s26 =	simm.s32 $0x19408;
	[dreg:$0x8] =	wrdreg s24  }
0x17: {  	s1 =	simm.s32 $0x4;
	[dreg:$0xa] =	wrdreg s3;
	s20 =	simm.s32 $0x10408  }
0x18: {  	s22 =	simm.s32 $0x12C08;
	s24 =	simm.s32 $0x16008;
	s3 =	simm.s32 $0x11608  }
.LBB2_1:
0x19: {  	s10 =	rddreg [dreg:$0x3]  }
0x1a: {  	[spmem:s17], [sflag:s6] =	dma.local [hbm:s10], $0x2080  }
0x1b: {  	_ =	swait.ge [sflag:s18], $0x2080  }
0x1c: {  	[sflag:s18] =	ssyncset.done $0x0  }
0x1d: {  	[sflag:s18] =	ssyncadd.s32 $0xFFFFDF80  }
0x1e: {  	[bflag:$0x0] =	sbarrier.arrive $0xFFFF  }
0x1f: {  	s13 =	simm.s32 $0x0;
	s11 =	rddreg [dreg:$0x4]  }
0x20: {  	[tilespmem:s19], [sflag:$0x5] =	stream.linear.gather [hbm4b:s11+s13], $0x1400, $0x38;
	[tilespmem:$0x1FC08] =	vst v63  }
0x21: {  	_ =	swait.ge [sflag:s18], $0x1400  }
0x22: {  	[sflag:s18] =	ssyncset.done $0x0  }
0x23: {  	s14 =	rddreg [dreg:$0x5];
	[sflag:s18] =	ssyncadd.s32 $0xFFFFEC00  }
0x24: {  	[tilespmem:s20], [sflag:$0x5] =	stream.linear.gather [hbm4b:s14+s13], $0x1400, $0x38;
	[tilespmem:$0x1FC08] =	vst v63  }
0x25: {  	_ =	swait.ge [sflag:s18], $0x1400  }
0x26: {  	[sflag:s18] =	ssyncset.done $0x0  }
0x27: {  	[sflag:s18] =	ssyncadd.s32 $0xFFFFEC00  }
0x28: {  	[tilespmem:s22], [sflag:$0x1] =	stream.indirect.gather [hbm4b:s4+s21], $0x68, s19, s21, $0xb8;
	[tilespmem:$0x1FC08] =	vst v63  }
0x29: {  	_ = 	snop  }
0x2a: {  	[tilespmem:s24], [sflag:$0x2] =	stream.indirect.gather [hbm4b:s4+s21], $0x68, s23, s21, $0xb8;
	[tilespmem:$0x1FC08] =	vst v63  }
0x2b: {  	_ = 	snop  }
0x2c: {  	[tilespmem:s26], [sflag:$0x3] =	stream.indirect.gather [hbm4b:s4+s21], $0x68, s25, s21, $0xb8;
	[tilespmem:$0x1FC08] =	vst v63  }
0x2d: {  	s11 =	simm.s32 $0x11988  }
0x2e: {  	[tilespmem:s28], [sflag:$0x4] =	stream.indirect.gather [hbm4b:s4+s21], $0x68, s11, s21, $0xb8;
	[tilespmem:$0x1FC08] =	vst v63  }
0x2f: {  	_ =	swait.ge [sflag:s29], $0x3400  }
0x30: {  	[sflag:s29] =	ssyncset.done $0x0  }
0x31: {  	s12 =	simm.s32 $0x10408;
	[sflag:s29] =	ssyncadd.s32 $0xFFFFCC00  }
0x32: {  	[spmem:s2] =	stream.indirect.scatter.add.f32 [tilespmem:s22], [sflag:$0x5], $0x68, s12, s21, $0xb8;
	[tilespmem:$0x1FC08] =	vst v63  }
0x33: {  	_ =	swait.ge [sflag:s18], $0x3400  }
0x34: {  	[sflag:s18] =	ssyncset.done $0x0  }
0x35: {  	s13 =	simm.s32 $0x11A08;
	[sflag:s18] =	ssyncadd.s32 $0xFFFFCC00  }
0x36: {  	[tilespmem:s22], [sflag:$0x1] =	stream.indirect.gather [hbm4b:s4+s21], $0x68, s13, s21, $0xb8;
	[tilespmem:$0x1FC08] =	vst v63  }
0x37: {  	_ =	swait.ge [sflag:s30], $0x3400  }
0x38: {  	[sflag:s30] =	ssyncset.done $0x0  }
0x39: {  	s14 =	simm.s32 $0x10488;
	[sflag:s30] =	ssyncadd.s32 $0xFFFFCC00  }
0x3a: {  	[spmem:s2] =	stream.indirect.scatter.add.f32 [tilespmem:s24], [sflag:$0x5], $0x68, s14, s21, $0xb8;
	[tilespmem:$0x1FC08] =	vst v63  }
0x3b: {  	_ =	swait.ge [sflag:s18], $0x3400  }
0x3c: {  	[sflag:s18] =	ssyncset.done $0x0  }
0x3d: {  	s11 =	simm.s32 $0x11A88;
	[sflag:s18] =	ssyncadd.s32 $0xFFFFCC00  }
0x3e: {  	[tilespmem:s24], [sflag:$0x2] =	stream.indirect.gather [hbm4b:s4+s21], $0x68, s11, s21, $0xb8;
	[tilespmem:$0x1FC08] =	vst v63  }
0x3f: {  	_ =	swait.ge [sflag:s31], $0x3400  }
0x40: {  	[sflag:s31] =	ssyncset.done $0x0  }
0x41: {  	s12 =	simm.s32 $0x10508;
	[sflag:s31] =	ssyncadd.s32 $0xFFFFCC00  }
0x42: {  	[spmem:s2] =	stream.indirect.scatter.add.f32 [tilespmem:s26], [sflag:$0x5], $0x68, s12, s21, $0xb8;
	[tilespmem:$0x1FC08] =	vst v63  }
0x43: {  	_ =	swait.ge [sflag:s18], $0x3400  }
0x44: {  	[sflag:s18] =	ssyncset.done $0x0  }
0x45: {  	s13 =	simm.s32 $0x11B08;
	[sflag:s18] =	ssyncadd.s32 $0xFFFFCC00  }
0x46: {  	[tilespmem:s26], [sflag:$0x3] =	stream.indirect.gather [hbm4b:s4+s21], $0x68, s13, s21, $0xb8;
	[tilespmem:$0x1FC08] =	vst v63  }
0x47: {  	_ =	swait.ge [sflag:s1], $0x3400  }
0x48: {  	[sflag:s1] =	ssyncset.done $0x0  }
0x49: {  	s14 =	simm.s32 $0x10588;
	[sflag:s1] =	ssyncadd.s32 $0xFFFFCC00  }
0x4a: {  	[spmem:s2] =	stream.indirect.scatter.add.f32 [tilespmem:s28], [sflag:$0x5], $0x68, s14, s21, $0xb8;
	[tilespmem:$0x1FC08] =	vst v63  }
0x4b: {  	_ =	swait.ge [sflag:s18], $0x3400  }
0x4c: {  	s10 =	simm.s32 $0x200;
	s11 =	simm.s32 $0x1000;
	[sflag:s18] =	ssyncset.done $0x0  }
.LBB2_2:
0x4d: {  	s14 =	sadd.s32 $0x11988, s10  }
0x4e: {  	[sflag:s18] =	ssyncadd.s32 $0xFFFFCC00;
	s12 =	smov.u32 s11;
	s13 =	sadd.s32 $0x800, s11  }
0x4f: {  	[tilespmem:s28], [sflag:$0x4] =	stream.indirect.gather [hbm4b:s4+s21], $0x68, s14, s21, $0xb8;
	[tilespmem:$0x1FC08] =	vst v63  }
0x50: {  	p0 =	sne.s32 s11, $0x4000;
	_ =	swait.ge [sflag:s29], $0x3400  }
0x51: {  	[sflag:s29] =	ssyncset.done $0x0  }
0x52: {  	s11 =	sadd.s32 $0x10408, s10;
	[sflag:s29] =	ssyncadd.s32 $0xFFFFCC00  }
0x53: {  	[spmem:s2] =	stream.indirect.scatter.add.f32 [tilespmem:s22], [sflag:$0x5], $0x68, s11, s21, $0xb8;
	[tilespmem:$0x1FC08] =	vst v63  }
0x54: {  	_ =	swait.ge [sflag:s18], $0x3400  }
0x55: {  	[sflag:s18] =	ssyncset.done $0x0  }
0x56: {  	s11 =	sadd.s32 $0x11A08, s10;
	[sflag:s18] =	ssyncadd.s32 $0xFFFFCC00  }
0x57: {  	[tilespmem:s22], [sflag:$0x1] =	stream.indirect.gather [hbm4b:s4+s21], $0x68, s11, s21, $0xb8;
	[tilespmem:$0x1FC08] =	vst v63  }
0x58: {  	_ =	swait.ge [sflag:s30], $0x3400  }
0x59: {  	[sflag:s30] =	ssyncset.done $0x0  }
0x5a: {  	s11 =	sadd.s32 $0x10488, s10;
	[sflag:s30] =	ssyncadd.s32 $0xFFFFCC00  }
0x5b: {  	[spmem:s2] =	stream.indirect.scatter.add.f32 [tilespmem:s24], [sflag:$0x5], $0x68, s11, s21, $0xb8;
	[tilespmem:$0x1FC08] =	vst v63  }
0x5c: {  	_ =	swait.ge [sflag:s18], $0x3400  }
0x5d: {  	[sflag:s18] =	ssyncset.done $0x0  }
0x5e: {  	s11 =	sadd.s32 $0x11A88, s10;
	[sflag:s18] =	ssyncadd.s32 $0xFFFFCC00  }
0x5f: {  	[tilespmem:s24], [sflag:$0x2] =	stream.indirect.gather [hbm4b:s4+s21], $0x68, s11, s21, $0xb8;
	[tilespmem:$0x1FC08] =	vst v63  }
0x60: {  	_ =	swait.ge [sflag:s31], $0x3400  }
0x61: {  	[sflag:s31] =	ssyncset.done $0x0  }
0x62: {  	s11 =	sadd.s32 $0x10508, s10;
	[sflag:s31] =	ssyncadd.s32 $0xFFFFCC00  }
0x63: {  	[spmem:s2] =	stream.indirect.scatter.add.f32 [tilespmem:s26], [sflag:$0x5], $0x68, s11, s21, $0xb8;
	[tilespmem:$0x1FC08] =	vst v63  }
0x64: {  	_ =	swait.ge [sflag:s18], $0x3400  }
0x65: {  	[sflag:s18] =	ssyncset.done $0x0  }
0x66: {  	s11 =	sadd.s32 $0x11B08, s10;
	[sflag:s18] =	ssyncadd.s32 $0xFFFFCC00  }
0x67: {  	[tilespmem:s26], [sflag:$0x3] =	stream.indirect.gather [hbm4b:s4+s21], $0x68, s11, s21, $0xb8;
	[tilespmem:$0x1FC08] =	vst v63  }
0x68: {  	_ =	swait.ge [sflag:s1], $0x3400  }
.Ltmp0:
0x69: {  	[sflag:s1] =	ssyncset.done $0x0;
	(pc) =	sbr.rel @p0 .LBB2_2-.Ltmp0, $4  }
0x6a: {  	s10 =	sadd.s32 $0x10588, s10;
	[sflag:s1] =	ssyncadd.s32 $0xFFFFCC00  }
0x6b: {  	[spmem:s2] =	stream.indirect.scatter.add.f32 [tilespmem:s28], [sflag:$0x5], $0x68, s10, s21, $0xb8;
	[tilespmem:$0x1FC08] =	vst v63  }
0x6c: {  	_ =	swait.ge [sflag:s18], $0x3400  }
0x6d: {  	s11 =	smov.u32 s13;
	s10 =	sshra.s32 s12, $0x2;
	[sflag:s18] =	ssyncset.done $0x0  }
0x6e: {  	s11 =	sadd.s32 $0x11988, s10;
	[sflag:s18] =	ssyncadd.s32 $0xFFFFCC00  }
0x6f: {  	[tilespmem:s28], [sflag:$0x4] =	stream.indirect.gather [hbm4b:s4+s21], $0x68, s11, s21, $0xb8;
	[tilespmem:$0x1FC08] =	vst v63  }
0x70: {  	_ =	swait.ge [sflag:s29], $0x3400  }
0x71: {  	[sflag:s29] =	ssyncset.done $0x0  }
0x72: {  	s12 =	sadd.s32 $0x10408, s10;
	[sflag:s29] =	ssyncadd.s32 $0xFFFFCC00  }
0x73: {  	[spmem:s2] =	stream.indirect.scatter.add.f32 [tilespmem:s22], [sflag:$0x5], $0x68, s12, s21, $0xb8;
	[tilespmem:$0x1FC08] =	vst v63  }
0x74: {  	_ =	swait.ge [sflag:s18], $0x3400  }
0x75: {  	[sflag:s18] =	ssyncset.done $0x0  }
0x76: {  	s13 =	sadd.s32 $0x11A08, s10;
	[sflag:s18] =	ssyncadd.s32 $0xFFFFCC00  }
0x77: {  	[tilespmem:s22], [sflag:$0x1] =	stream.indirect.gather [hbm4b:s4+s21], $0x68, s13, s21, $0xb8;
	[tilespmem:$0x1FC08] =	vst v63  }
0x78: {  	_ =	swait.ge [sflag:s30], $0x3400  }
0x79: {  	[sflag:s30] =	ssyncset.done $0x0  }
0x7a: {  	s14 =	sadd.s32 $0x10488, s10;
	[sflag:s30] =	ssyncadd.s32 $0xFFFFCC00  }
0x7b: {  	[spmem:s2] =	stream.indirect.scatter.add.f32 [tilespmem:s24], [sflag:$0x5], $0x68, s14, s21, $0xb8;
	[tilespmem:$0x1FC08] =	vst v63  }
0x7c: {  	_ =	swait.ge [sflag:s18], $0x3400  }
0x7d: {  	[sflag:s18] =	ssyncset.done $0x0  }
0x7e: {  	s12 =	sadd.s32 $0x11A88, s10;
	[sflag:s18] =	ssyncadd.s32 $0xFFFFCC00  }
0x7f: {  	[tilespmem:s24], [sflag:$0x2] =	stream.indirect.gather [hbm4b:s4+s21], $0x68, s12, s21, $0xb8;
	[tilespmem:$0x1FC08] =	vst v63  }
0x80: {  	_ =	swait.ge [sflag:s31], $0x3400  }
0x81: {  	[sflag:s31] =	ssyncset.done $0x0  }
0x82: {  	s13 =	sadd.s32 $0x10508, s10;
	[sflag:s31] =	ssyncadd.s32 $0xFFFFCC00  }
0x83: {  	[spmem:s2] =	stream.indirect.scatter.add.f32 [tilespmem:s26], [sflag:$0x5], $0x68, s13, s21, $0xb8;
	[tilespmem:$0x1FC08] =	vst v63  }
0x84: {  	_ =	swait.ge [sflag:s18], $0x3400  }
0x85: {  	[sflag:s18] =	ssyncset.done $0x0  }
0x86: {  	s14 =	sadd.s32 $0x11B08, s10;
	[sflag:s18] =	ssyncadd.s32 $0xFFFFCC00  }
0x87: {  	[tilespmem:s26], [sflag:$0x3] =	stream.indirect.gather [hbm4b:s4+s21], $0x68, s14, s21, $0xb8;
	[tilespmem:$0x1FC08] =	vst v63  }
0x88: {  	_ =	swait.ge [sflag:s1], $0x3400  }
0x89: {  	[sflag:s1] =	ssyncset.done $0x0  }
0x8a: {  	s11 =	sadd.s32 $0x10588, s10;
	[sflag:s1] =	ssyncadd.s32 $0xFFFFCC00  }
0x8b: {  	[spmem:s2] =	stream.indirect.scatter.add.f32 [tilespmem:s28], [sflag:$0x5], $0x68, s11, s21, $0xb8;
	[tilespmem:$0x1FC08] =	vst v63  }
0x8c: {  	_ =	swait.ge [sflag:s18], $0x3400  }
0x8d: {  	[sflag:s18] =	ssyncset.done $0x0  }
0x8e: {  	[sflag:s18] =	ssyncadd.s32 $0xFFFFCC00  }
0x8f: {  	[tilespmem:s28], [sflag:$0x4] =	stream.indirect.gather [hbm4b:s4+s21], $0x68, s0, s21, $0xb8;
	[tilespmem:$0x1FC08] =	vst v63  }
0x90: {  	_ =	swait.ge [sflag:s29], $0x3400  }
0x91: {  	[sflag:s29] =	ssyncset.done $0x0  }
0x92: {  	[sflag:s29] =	ssyncadd.s32 $0xFFFFCC00  }
0x93: {  	[spmem:s2] =	stream.indirect.scatter.add.f32 [tilespmem:s22], [sflag:$0x5], $0x68, s3, s21, $0xb8;
	[tilespmem:$0x1FC08] =	vst v63  }
0x94: {  	_ =	swait.ge [sflag:s18], $0x3400  }
0x95: {  	[sflag:s18] =	ssyncset.done $0x0  }
0x96: {  	[sflag:s18] =	ssyncadd.s32 $0xFFFFCC00  }
0x97: {  	_ =	swait.ge [sflag:s30], $0x3400  }
0x98: {  	[sflag:s30] =	ssyncset.done $0x0  }
0x99: {  	[sflag:s30] =	ssyncadd.s32 $0xFFFFCC00  }
0x9a: {  	[spmem:s2] =	stream.indirect.scatter.add.f32 [tilespmem:s24], [sflag:$0x5], $0x68, s5, s21, $0xb8;
	[tilespmem:$0x1FC08] =	vst v63  }
0x9b: {  	_ =	swait.ge [sflag:s18], $0x3400  }
0x9c: {  	[sflag:s18] =	ssyncset.done $0x0  }
0x9d: {  	[sflag:s18] =	ssyncadd.s32 $0xFFFFCC00  }
0x9e: {  	_ =	swait.ge [sflag:s31], $0x3400  }
0x9f: {  	[sflag:s31] =	ssyncset.done $0x0  }
0xa0: {  	[sflag:s31] =	ssyncadd.s32 $0xFFFFCC00  }
0xa1: {  	[spmem:s2] =	stream.indirect.scatter.add.f32 [tilespmem:s26], [sflag:$0x5], $0x68, s7, s21, $0xb8;
	[tilespmem:$0x1FC08] =	vst v63  }
0xa2: {  	_ =	swait.ge [sflag:s18], $0x3400  }
0xa3: {  	[sflag:s18] =	ssyncset.done $0x0  }
0xa4: {  	[sflag:s18] =	ssyncadd.s32 $0xFFFFCC00  }
0xa5: {  	_ =	swait.ge [sflag:s1], $0x3400  }
0xa6: {  	[sflag:s1] =	ssyncset.done $0x0  }
0xa7: {  	[sflag:s1] =	ssyncadd.s32 $0xFFFFCC00  }
0xa8: {  	[spmem:s2] =	stream.indirect.scatter.add.f32 [tilespmem:s28], [sflag:$0x5], $0x68, s8, s21, $0xb8;
	[tilespmem:$0x1FC08] =	vst v63  }
0xa9: {  	_ =	swait.ge [sflag:s18], $0x3400  }
0xaa: {  	[sflag:s18] =	ssyncset.done $0x0  }
0xab: {  	s12 =	simm.s32 $0x0;
	s13 =	rddreg [dreg:$0x6];
	[sflag:s18] =	ssyncadd.s32 $0xFFFFCC00  }
0xac: {  	[tilespmem:s19], [sflag:$0x5] =	stream.linear.gather [hbm4b:s13+s12], $0x1400, $0x38;
	[tilespmem:$0x1FC08] =	vst v63  }
0xad: {  	_ =	swait.ge [sflag:s18], $0x1400  }
0xae: {  	[sflag:s18] =	ssyncset.done $0x0  }
0xaf: {  	s14 =	rddreg [dreg:$0x7];
	[sflag:s18] =	ssyncadd.s32 $0xFFFFEC00  }
0xb0: {  	[tilespmem:s20], [sflag:$0x5] =	stream.linear.gather [hbm4b:s14+s12], $0x1400, $0x38;
	[tilespmem:$0x1FC08] =	vst v63  }
0xb1: {  	_ =	swait.ge [sflag:s18], $0x1400  }
0xb2: {  	[sflag:s18] =	ssyncset.done $0x0  }
0xb3: {  	[sflag:s18] =	ssyncadd.s32 $0xFFFFEC00  }
0xb4: {  	[tilespmem:s22], [sflag:$0x1] =	stream.indirect.gather [hbm4b:s4+s21], $0x68, s19, s21, $0xb8;
	[tilespmem:$0x1FC08] =	vst v63  }
0xb5: {  	_ = 	snop  }
0xb6: {  	[tilespmem:s24], [sflag:$0x2] =	stream.indirect.gather [hbm4b:s4+s21], $0x68, s23, s21, $0xb8;
	[tilespmem:$0x1FC08] =	vst v63  }
0xb7: {  	_ = 	snop  }
0xb8: {  	[tilespmem:s26], [sflag:$0x3] =	stream.indirect.gather [hbm4b:s4+s21], $0x68, s25, s21, $0xb8;
	[tilespmem:$0x1FC08] =	vst v63  }
0xb9: {  	s11 =	simm.s32 $0x11988  }
0xba: {  	[tilespmem:s28], [sflag:$0x4] =	stream.indirect.gather [hbm4b:s4+s21], $0x68, s11, s21, $0xb8;
	[tilespmem:$0x1FC08] =	vst v63  }
0xbb: {  	_ =	swait.ge [sflag:s29], $0x3400  }
0xbc: {  	[sflag:s29] =	ssyncset.done $0x0  }
0xbd: {  	s12 =	simm.s32 $0x10408;
	[sflag:s29] =	ssyncadd.s32 $0xFFFFCC00  }
0xbe: {  	[spmem:s2] =	stream.indirect.scatter.add.f32 [tilespmem:s22], [sflag:$0x5], $0x68, s12, s21, $0xb8;
	[tilespmem:$0x1FC08] =	vst v63  }
0xbf: {  	_ =	swait.ge [sflag:s18], $0x3400  }
0xc0: {  	[sflag:s18] =	ssyncset.done $0x0  }
0xc1: {  	s13 =	simm.s32 $0x11A08;
	[sflag:s18] =	ssyncadd.s32 $0xFFFFCC00  }
0xc2: {  	[tilespmem:s22], [sflag:$0x1] =	stream.indirect.gather [hbm4b:s4+s21], $0x68, s13, s21, $0xb8;
	[tilespmem:$0x1FC08] =	vst v63  }
0xc3: {  	_ =	swait.ge [sflag:s30], $0x3400  }
0xc4: {  	[sflag:s30] =	ssyncset.done $0x0  }
0xc5: {  	s14 =	simm.s32 $0x10488;
	[sflag:s30] =	ssyncadd.s32 $0xFFFFCC00  }
0xc6: {  	[spmem:s2] =	stream.indirect.scatter.add.f32 [tilespmem:s24], [sflag:$0x5], $0x68, s14, s21, $0xb8;
	[tilespmem:$0x1FC08] =	vst v63  }
0xc7: {  	_ =	swait.ge [sflag:s18], $0x3400  }
0xc8: {  	[sflag:s18] =	ssyncset.done $0x0  }
0xc9: {  	s11 =	simm.s32 $0x11A88;
	[sflag:s18] =	ssyncadd.s32 $0xFFFFCC00  }
0xca: {  	[tilespmem:s24], [sflag:$0x2] =	stream.indirect.gather [hbm4b:s4+s21], $0x68, s11, s21, $0xb8;
	[tilespmem:$0x1FC08] =	vst v63  }
0xcb: {  	_ =	swait.ge [sflag:s31], $0x3400  }
0xcc: {  	[sflag:s31] =	ssyncset.done $0x0  }
0xcd: {  	s12 =	simm.s32 $0x10508;
	[sflag:s31] =	ssyncadd.s32 $0xFFFFCC00  }
0xce: {  	[spmem:s2] =	stream.indirect.scatter.add.f32 [tilespmem:s26], [sflag:$0x5], $0x68, s12, s21, $0xb8;
	[tilespmem:$0x1FC08] =	vst v63  }
0xcf: {  	_ =	swait.ge [sflag:s18], $0x3400  }
0xd0: {  	[sflag:s18] =	ssyncset.done $0x0  }
0xd1: {  	s13 =	simm.s32 $0x11B08;
	[sflag:s18] =	ssyncadd.s32 $0xFFFFCC00  }
0xd2: {  	[tilespmem:s26], [sflag:$0x3] =	stream.indirect.gather [hbm4b:s4+s21], $0x68, s13, s21, $0xb8;
	[tilespmem:$0x1FC08] =	vst v63  }
0xd3: {  	_ =	swait.ge [sflag:s1], $0x3400  }
0xd4: {  	[sflag:s1] =	ssyncset.done $0x0  }
0xd5: {  	s14 =	simm.s32 $0x10588;
	[sflag:s1] =	ssyncadd.s32 $0xFFFFCC00  }
0xd6: {  	[spmem:s2] =	stream.indirect.scatter.add.f32 [tilespmem:s28], [sflag:$0x5], $0x68, s14, s21, $0xb8;
	[tilespmem:$0x1FC08] =	vst v63  }
0xd7: {  	_ =	swait.ge [sflag:s18], $0x3400  }
0xd8: {  	s10 =	simm.s32 $0x200;
	s13 =	simm.s32 $0x1000;
	[sflag:s18] =	ssyncset.done $0x0  }
.LBB2_4:
0xd9: {  	s14 =	sadd.s32 $0x11988, s10  }
0xda: {  	[sflag:s18] =	ssyncadd.s32 $0xFFFFCC00;
	s12 =	smov.u32 s13;
	s11 =	sadd.s32 $0x800, s13  }
0xdb: {  	[tilespmem:s28], [sflag:$0x4] =	stream.indirect.gather [hbm4b:s4+s21], $0x68, s14, s21, $0xb8;
	[tilespmem:$0x1FC08] =	vst v63  }
0xdc: {  	p0 =	sne.s32 s13, $0x4000;
	_ =	swait.ge [sflag:s29], $0x3400  }
0xdd: {  	[sflag:s29] =	ssyncset.done $0x0  }
0xde: {  	s13 =	sadd.s32 $0x10408, s10;
	[sflag:s29] =	ssyncadd.s32 $0xFFFFCC00  }
0xdf: {  	[spmem:s2] =	stream.indirect.scatter.add.f32 [tilespmem:s22], [sflag:$0x5], $0x68, s13, s21, $0xb8;
	[tilespmem:$0x1FC08] =	vst v63  }
0xe0: {  	_ =	swait.ge [sflag:s18], $0x3400  }
0xe1: {  	[sflag:s18] =	ssyncset.done $0x0  }
0xe2: {  	s13 =	sadd.s32 $0x11A08, s10;
	[sflag:s18] =	ssyncadd.s32 $0xFFFFCC00  }
0xe3: {  	[tilespmem:s22], [sflag:$0x1] =	stream.indirect.gather [hbm4b:s4+s21], $0x68, s13, s21, $0xb8;
	[tilespmem:$0x1FC08] =	vst v63  }
0xe4: {  	_ =	swait.ge [sflag:s30], $0x3400  }
0xe5: {  	[sflag:s30] =	ssyncset.done $0x0  }
0xe6: {  	s13 =	sadd.s32 $0x10488, s10;
	[sflag:s30] =	ssyncadd.s32 $0xFFFFCC00  }
0xe7: {  	[spmem:s2] =	stream.indirect.scatter.add.f32 [tilespmem:s24], [sflag:$0x5], $0x68, s13, s21, $0xb8;
	[tilespmem:$0x1FC08] =	vst v63  }
0xe8: {  	_ =	swait.ge [sflag:s18], $0x3400  }
0xe9: {  	[sflag:s18] =	ssyncset.done $0x0  }
0xea: {  	s13 =	sadd.s32 $0x11A88, s10;
	[sflag:s18] =	ssyncadd.s32 $0xFFFFCC00  }
0xeb: {  	[tilespmem:s24], [sflag:$0x2] =	stream.indirect.gather [hbm4b:s4+s21], $0x68, s13, s21, $0xb8;
	[tilespmem:$0x1FC08] =	vst v63  }
0xec: {  	_ =	swait.ge [sflag:s31], $0x3400  }
0xed: {  	[sflag:s31] =	ssyncset.done $0x0  }
0xee: {  	s13 =	sadd.s32 $0x10508, s10;
	[sflag:s31] =	ssyncadd.s32 $0xFFFFCC00  }
0xef: {  	[spmem:s2] =	stream.indirect.scatter.add.f32 [tilespmem:s26], [sflag:$0x5], $0x68, s13, s21, $0xb8;
	[tilespmem:$0x1FC08] =	vst v63  }
0xf0: {  	_ =	swait.ge [sflag:s18], $0x3400  }
0xf1: {  	[sflag:s18] =	ssyncset.done $0x0  }
0xf2: {  	s13 =	sadd.s32 $0x11B08, s10;
	[sflag:s18] =	ssyncadd.s32 $0xFFFFCC00  }
0xf3: {  	[tilespmem:s26], [sflag:$0x3] =	stream.indirect.gather [hbm4b:s4+s21], $0x68, s13, s21, $0xb8;
	[tilespmem:$0x1FC08] =	vst v63  }
0xf4: {  	_ =	swait.ge [sflag:s1], $0x3400  }
.Ltmp1:
0xf5: {  	[sflag:s1] =	ssyncset.done $0x0;
	(pc) =	sbr.rel @p0 .LBB2_4-.Ltmp1, $4  }
0xf6: {  	s10 =	sadd.s32 $0x10588, s10;
	[sflag:s1] =	ssyncadd.s32 $0xFFFFCC00  }
0xf7: {  	[spmem:s2] =	stream.indirect.scatter.add.f32 [tilespmem:s28], [sflag:$0x5], $0x68, s10, s21, $0xb8;
	[tilespmem:$0x1FC08] =	vst v63  }
0xf8: {  	_ =	swait.ge [sflag:s18], $0x3400  }
0xf9: {  	s13 =	smov.u32 s11;
	s10 =	sshra.s32 s12, $0x2;
	[sflag:s18] =	ssyncset.done $0x0  }
0xfa: {  	s11 =	sadd.s32 $0x11988, s10;
	[sflag:s18] =	ssyncadd.s32 $0xFFFFCC00  }
0xfb: {  	[tilespmem:s28], [sflag:$0x4] =	stream.indirect.gather [hbm4b:s4+s21], $0x68, s11, s21, $0xb8;
	[tilespmem:$0x1FC08] =	vst v63  }
0xfc: {  	_ =	swait.ge [sflag:s29], $0x3400  }
0xfd: {  	[sflag:s29] =	ssyncset.done $0x0  }
0xfe: {  	s12 =	sadd.s32 $0x10408, s10;
	[sflag:s29] =	ssyncadd.s32 $0xFFFFCC00  }
0xff: {  	[spmem:s2] =	stream.indirect.scatter.add.f32 [tilespmem:s22], [sflag:$0x5], $0x68, s12, s21, $0xb8;
	[tilespmem:$0x1FC08] =	vst v63  }
0x100: {  	_ =	swait.ge [sflag:s18], $0x3400  }
0x101: {  	[sflag:s18] =	ssyncset.done $0x0  }
0x102: {  	s13 =	sadd.s32 $0x11A08, s10;
	[sflag:s18] =	ssyncadd.s32 $0xFFFFCC00  }
0x103: {  	[tilespmem:s22], [sflag:$0x1] =	stream.indirect.gather [hbm4b:s4+s21], $0x68, s13, s21, $0xb8;
	[tilespmem:$0x1FC08] =	vst v63  }
0x104: {  	_ =	swait.ge [sflag:s30], $0x3400  }
0x105: {  	[sflag:s30] =	ssyncset.done $0x0  }
0x106: {  	s14 =	sadd.s32 $0x10488, s10;
	[sflag:s30] =	ssyncadd.s32 $0xFFFFCC00  }
0x107: {  	[spmem:s2] =	stream.indirect.scatter.add.f32 [tilespmem:s24], [sflag:$0x5], $0x68, s14, s21, $0xb8;
	[tilespmem:$0x1FC08] =	vst v63  }
0x108: {  	_ =	swait.ge [sflag:s18], $0x3400  }
0x109: {  	[sflag:s18] =	ssyncset.done $0x0  }
0x10a: {  	s12 =	sadd.s32 $0x11A88, s10;
	[sflag:s18] =	ssyncadd.s32 $0xFFFFCC00  }
0x10b: {  	[tilespmem:s24], [sflag:$0x2] =	stream.indirect.gather [hbm4b:s4+s21], $0x68, s12, s21, $0xb8;
	[tilespmem:$0x1FC08] =	vst v63  }
0x10c: {  	_ =	swait.ge [sflag:s31], $0x3400  }
0x10d: {  	[sflag:s31] =	ssyncset.done $0x0  }
0x10e: {  	s13 =	sadd.s32 $0x10508, s10;
	[sflag:s31] =	ssyncadd.s32 $0xFFFFCC00  }
0x10f: {  	[spmem:s2] =	stream.indirect.scatter.add.f32 [tilespmem:s26], [sflag:$0x5], $0x68, s13, s21, $0xb8;
	[tilespmem:$0x1FC08] =	vst v63  }
0x110: {  	_ =	swait.ge [sflag:s18], $0x3400  }
0x111: {  	[sflag:s18] =	ssyncset.done $0x0  }
0x112: {  	s14 =	sadd.s32 $0x11B08, s10;
	[sflag:s18] =	ssyncadd.s32 $0xFFFFCC00  }
0x113: {  	[tilespmem:s26], [sflag:$0x3] =	stream.indirect.gather [hbm4b:s4+s21], $0x68, s14, s21, $0xb8;
	[tilespmem:$0x1FC08] =	vst v63  }
0x114: {  	_ =	swait.ge [sflag:s1], $0x3400  }
0x115: {  	[sflag:s1] =	ssyncset.done $0x0  }
0x116: {  	s11 =	sadd.s32 $0x10588, s10;
	[sflag:s1] =	ssyncadd.s32 $0xFFFFCC00  }
0x117: {  	[spmem:s2] =	stream.indirect.scatter.add.f32 [tilespmem:s28], [sflag:$0x5], $0x68, s11, s21, $0xb8;
	[tilespmem:$0x1FC08] =	vst v63  }
0x118: {  	_ =	swait.ge [sflag:s18], $0x3400  }
0x119: {  	[sflag:s18] =	ssyncset.done $0x0  }
0x11a: {  	[sflag:s18] =	ssyncadd.s32 $0xFFFFCC00  }
0x11b: {  	[tilespmem:s28], [sflag:$0x4] =	stream.indirect.gather [hbm4b:s4+s21], $0x68, s0, s21, $0xb8;
	[tilespmem:$0x1FC08] =	vst v63  }
0x11c: {  	_ =	swait.ge [sflag:s29], $0x3400  }
0x11d: {  	[sflag:s29] =	ssyncset.done $0x0  }
0x11e: {  	[sflag:s29] =	ssyncadd.s32 $0xFFFFCC00  }
0x11f: {  	[spmem:s2] =	stream.indirect.scatter.add.f32 [tilespmem:s22], [sflag:$0x5], $0x68, s3, s21, $0xb8;
	[tilespmem:$0x1FC08] =	vst v63  }
0x120: {  	_ =	swait.ge [sflag:s18], $0x3400  }
0x121: {  	[sflag:s18] =	ssyncset.done $0x0  }
0x122: {  	[sflag:s18] =	ssyncadd.s32 $0xFFFFCC00  }
0x123: {  	_ =	swait.ge [sflag:s30], $0x3400  }
0x124: {  	[sflag:s30] =	ssyncset.done $0x0  }
0x125: {  	[sflag:s30] =	ssyncadd.s32 $0xFFFFCC00  }
0x126: {  	[spmem:s2] =	stream.indirect.scatter.add.f32 [tilespmem:s24], [sflag:$0x5], $0x68, s5, s21, $0xb8;
	[tilespmem:$0x1FC08] =	vst v63  }
0x127: {  	_ =	swait.ge [sflag:s18], $0x3400  }
0x128: {  	[sflag:s18] =	ssyncset.done $0x0  }
0x129: {  	[sflag:s18] =	ssyncadd.s32 $0xFFFFCC00  }
0x12a: {  	_ =	swait.ge [sflag:s31], $0x3400  }
0x12b: {  	[sflag:s31] =	ssyncset.done $0x0  }
0x12c: {  	[sflag:s31] =	ssyncadd.s32 $0xFFFFCC00  }
0x12d: {  	[spmem:s2] =	stream.indirect.scatter.add.f32 [tilespmem:s26], [sflag:$0x5], $0x68, s7, s21, $0xb8;
	[tilespmem:$0x1FC08] =	vst v63  }
0x12e: {  	_ =	swait.ge [sflag:s18], $0x3400  }
0x12f: {  	[sflag:s18] =	ssyncset.done $0x0  }
0x130: {  	[sflag:s18] =	ssyncadd.s32 $0xFFFFCC00  }
0x131: {  	_ =	swait.ge [sflag:s1], $0x3400  }
0x132: {  	[sflag:s1] =	ssyncset.done $0x0  }
0x133: {  	[sflag:s1] =	ssyncadd.s32 $0xFFFFCC00  }
0x134: {  	[spmem:s2] =	stream.indirect.scatter.add.f32 [tilespmem:s28], [sflag:$0x5], $0x68, s8, s21, $0xb8;
	[tilespmem:$0x1FC08] =	vst v63  }
0x135: {  	_ =	swait.ge [sflag:s18], $0x3400  }
0x136: {  	[sflag:s18] =	ssyncset.done $0x0  }
0x137: {  	s12 =	simm.s32 $0x0;
	s13 =	rddreg [dreg:$0x8];
	[sflag:s18] =	ssyncadd.s32 $0xFFFFCC00  }
0x138: {  	[tilespmem:s19], [sflag:$0x5] =	stream.linear.gather [hbm4b:s13+s12], $0x1400, $0x38;
	[tilespmem:$0x1FC08] =	vst v63  }
0x139: {  	_ =	swait.ge [sflag:s18], $0x1400  }
0x13a: {  	[sflag:s18] =	ssyncset.done $0x0  }
0x13b: {  	s14 =	rddreg [dreg:$0x9];
	[sflag:s18] =	ssyncadd.s32 $0xFFFFEC00  }
0x13c: {  	[tilespmem:s20], [sflag:$0x5] =	stream.linear.gather [hbm4b:s14+s12], $0x1400, $0x38;
	[tilespmem:$0x1FC08] =	vst v63  }
0x13d: {  	_ =	swait.ge [sflag:s18], $0x1400  }
0x13e: {  	[sflag:s18] =	ssyncset.done $0x0  }
0x13f: {  	[sflag:s18] =	ssyncadd.s32 $0xFFFFEC00  }
0x140: {  	[tilespmem:s22], [sflag:$0x1] =	stream.indirect.gather [hbm4b:s4+s21], $0x68, s19, s21, $0xb8;
	[tilespmem:$0x1FC08] =	vst v63  }
0x141: {  	_ = 	snop  }
0x142: {  	[tilespmem:s24], [sflag:$0x2] =	stream.indirect.gather [hbm4b:s4+s21], $0x68, s23, s21, $0xb8;
	[tilespmem:$0x1FC08] =	vst v63  }
0x143: {  	_ = 	snop  }
0x144: {  	[tilespmem:s26], [sflag:$0x3] =	stream.indirect.gather [hbm4b:s4+s21], $0x68, s25, s21, $0xb8;
	[tilespmem:$0x1FC08] =	vst v63  }
0x145: {  	s11 =	simm.s32 $0x11988  }
0x146: {  	[tilespmem:s28], [sflag:$0x4] =	stream.indirect.gather [hbm4b:s4+s21], $0x68, s11, s21, $0xb8;
	[tilespmem:$0x1FC08] =	vst v63  }
0x147: {  	_ =	swait.ge [sflag:s29], $0x3400  }
0x148: {  	[sflag:s29] =	ssyncset.done $0x0  }
0x149: {  	s12 =	simm.s32 $0x10408;
	[sflag:s29] =	ssyncadd.s32 $0xFFFFCC00  }
0x14a: {  	[spmem:s2] =	stream.indirect.scatter.add.f32 [tilespmem:s22], [sflag:$0x5], $0x68, s12, s21, $0xb8;
	[tilespmem:$0x1FC08] =	vst v63  }
0x14b: {  	_ =	swait.ge [sflag:s18], $0x3400  }
0x14c: {  	[sflag:s18] =	ssyncset.done $0x0  }
0x14d: {  	s13 =	simm.s32 $0x11A08;
	[sflag:s18] =	ssyncadd.s32 $0xFFFFCC00  }
0x14e: {  	[tilespmem:s22], [sflag:$0x1] =	stream.indirect.gather [hbm4b:s4+s21], $0x68, s13, s21, $0xb8;
	[tilespmem:$0x1FC08] =	vst v63  }
0x14f: {  	_ =	swait.ge [sflag:s30], $0x3400  }
0x150: {  	[sflag:s30] =	ssyncset.done $0x0  }
0x151: {  	s14 =	simm.s32 $0x10488;
	[sflag:s30] =	ssyncadd.s32 $0xFFFFCC00  }
0x152: {  	[spmem:s2] =	stream.indirect.scatter.add.f32 [tilespmem:s24], [sflag:$0x5], $0x68, s14, s21, $0xb8;
	[tilespmem:$0x1FC08] =	vst v63  }
0x153: {  	_ =	swait.ge [sflag:s18], $0x3400  }
0x154: {  	[sflag:s18] =	ssyncset.done $0x0  }
0x155: {  	s11 =	simm.s32 $0x11A88;
	[sflag:s18] =	ssyncadd.s32 $0xFFFFCC00  }
0x156: {  	[tilespmem:s24], [sflag:$0x2] =	stream.indirect.gather [hbm4b:s4+s21], $0x68, s11, s21, $0xb8;
	[tilespmem:$0x1FC08] =	vst v63  }
0x157: {  	_ =	swait.ge [sflag:s31], $0x3400  }
0x158: {  	[sflag:s31] =	ssyncset.done $0x0  }
0x159: {  	s12 =	simm.s32 $0x10508;
	[sflag:s31] =	ssyncadd.s32 $0xFFFFCC00  }
0x15a: {  	[spmem:s2] =	stream.indirect.scatter.add.f32 [tilespmem:s26], [sflag:$0x5], $0x68, s12, s21, $0xb8;
	[tilespmem:$0x1FC08] =	vst v63  }
0x15b: {  	_ =	swait.ge [sflag:s18], $0x3400  }
0x15c: {  	[sflag:s18] =	ssyncset.done $0x0  }
0x15d: {  	s13 =	simm.s32 $0x11B08;
	[sflag:s18] =	ssyncadd.s32 $0xFFFFCC00  }
0x15e: {  	[tilespmem:s26], [sflag:$0x3] =	stream.indirect.gather [hbm4b:s4+s21], $0x68, s13, s21, $0xb8;
	[tilespmem:$0x1FC08] =	vst v63  }
0x15f: {  	_ =	swait.ge [sflag:s1], $0x3400  }
0x160: {  	[sflag:s1] =	ssyncset.done $0x0  }
0x161: {  	s14 =	simm.s32 $0x10588;
	[sflag:s1] =	ssyncadd.s32 $0xFFFFCC00  }
0x162: {  	[spmem:s2] =	stream.indirect.scatter.add.f32 [tilespmem:s28], [sflag:$0x5], $0x68, s14, s21, $0xb8;
	[tilespmem:$0x1FC08] =	vst v63  }
0x163: {  	_ =	swait.ge [sflag:s18], $0x3400  }
0x164: {  	s10 =	simm.s32 $0x200;
	s13 =	simm.s32 $0x1000;
	[sflag:s18] =	ssyncset.done $0x0  }
.LBB2_6:
0x165: {  	s14 =	sadd.s32 $0x11988, s10  }
0x166: {  	[sflag:s18] =	ssyncadd.s32 $0xFFFFCC00;
	s12 =	smov.u32 s13;
	s11 =	sadd.s32 $0x800, s13  }
0x167: {  	[tilespmem:s28], [sflag:$0x4] =	stream.indirect.gather [hbm4b:s4+s21], $0x68, s14, s21, $0xb8;
	[tilespmem:$0x1FC08] =	vst v63  }
0x168: {  	p0 =	sne.s32 s13, $0x4000;
	_ =	swait.ge [sflag:s29], $0x3400  }
0x169: {  	[sflag:s29] =	ssyncset.done $0x0  }
0x16a: {  	s13 =	sadd.s32 $0x10408, s10;
	[sflag:s29] =	ssyncadd.s32 $0xFFFFCC00  }
0x16b: {  	[spmem:s2] =	stream.indirect.scatter.add.f32 [tilespmem:s22], [sflag:$0x5], $0x68, s13, s21, $0xb8;
	[tilespmem:$0x1FC08] =	vst v63  }
0x16c: {  	_ =	swait.ge [sflag:s18], $0x3400  }
0x16d: {  	[sflag:s18] =	ssyncset.done $0x0  }
0x16e: {  	s13 =	sadd.s32 $0x11A08, s10;
	[sflag:s18] =	ssyncadd.s32 $0xFFFFCC00  }
0x16f: {  	[tilespmem:s22], [sflag:$0x1] =	stream.indirect.gather [hbm4b:s4+s21], $0x68, s13, s21, $0xb8;
	[tilespmem:$0x1FC08] =	vst v63  }
0x170: {  	_ =	swait.ge [sflag:s30], $0x3400  }
0x171: {  	[sflag:s30] =	ssyncset.done $0x0  }
0x172: {  	s13 =	sadd.s32 $0x10488, s10;
	[sflag:s30] =	ssyncadd.s32 $0xFFFFCC00  }
0x173: {  	[spmem:s2] =	stream.indirect.scatter.add.f32 [tilespmem:s24], [sflag:$0x5], $0x68, s13, s21, $0xb8;
	[tilespmem:$0x1FC08] =	vst v63  }
0x174: {  	_ =	swait.ge [sflag:s18], $0x3400  }
0x175: {  	[sflag:s18] =	ssyncset.done $0x0  }
0x176: {  	s13 =	sadd.s32 $0x11A88, s10;
	[sflag:s18] =	ssyncadd.s32 $0xFFFFCC00  }
0x177: {  	[tilespmem:s24], [sflag:$0x2] =	stream.indirect.gather [hbm4b:s4+s21], $0x68, s13, s21, $0xb8;
	[tilespmem:$0x1FC08] =	vst v63  }
0x178: {  	_ =	swait.ge [sflag:s31], $0x3400  }
0x179: {  	[sflag:s31] =	ssyncset.done $0x0  }
0x17a: {  	s13 =	sadd.s32 $0x10508, s10;
	[sflag:s31] =	ssyncadd.s32 $0xFFFFCC00  }
0x17b: {  	[spmem:s2] =	stream.indirect.scatter.add.f32 [tilespmem:s26], [sflag:$0x5], $0x68, s13, s21, $0xb8;
	[tilespmem:$0x1FC08] =	vst v63  }
0x17c: {  	_ =	swait.ge [sflag:s18], $0x3400  }
0x17d: {  	[sflag:s18] =	ssyncset.done $0x0  }
0x17e: {  	s13 =	sadd.s32 $0x11B08, s10;
	[sflag:s18] =	ssyncadd.s32 $0xFFFFCC00  }
0x17f: {  	[tilespmem:s26], [sflag:$0x3] =	stream.indirect.gather [hbm4b:s4+s21], $0x68, s13, s21, $0xb8;
	[tilespmem:$0x1FC08] =	vst v63  }
0x180: {  	_ =	swait.ge [sflag:s1], $0x3400  }
.Ltmp2:
0x181: {  	[sflag:s1] =	ssyncset.done $0x0;
	(pc) =	sbr.rel @p0 .LBB2_6-.Ltmp2, $4  }
0x182: {  	s10 =	sadd.s32 $0x10588, s10;
	[sflag:s1] =	ssyncadd.s32 $0xFFFFCC00  }
0x183: {  	[spmem:s2] =	stream.indirect.scatter.add.f32 [tilespmem:s28], [sflag:$0x5], $0x68, s10, s21, $0xb8;
	[tilespmem:$0x1FC08] =	vst v63  }
0x184: {  	_ =	swait.ge [sflag:s18], $0x3400  }
0x185: {  	s13 =	smov.u32 s11;
	s10 =	sshra.s32 s12, $0x2;
	[sflag:s18] =	ssyncset.done $0x0  }
0x186: {  	s11 =	sadd.s32 $0x11988, s10;
	[sflag:s18] =	ssyncadd.s32 $0xFFFFCC00  }
0x187: {  	[tilespmem:s28], [sflag:$0x4] =	stream.indirect.gather [hbm4b:s4+s21], $0x68, s11, s21, $0xb8;
	[tilespmem:$0x1FC08] =	vst v63  }
0x188: {  	_ =	swait.ge [sflag:s29], $0x3400  }
0x189: {  	[sflag:s29] =	ssyncset.done $0x0  }
0x18a: {  	s12 =	sadd.s32 $0x10408, s10;
	[sflag:s29] =	ssyncadd.s32 $0xFFFFCC00  }
0x18b: {  	[spmem:s2] =	stream.indirect.scatter.add.f32 [tilespmem:s22], [sflag:$0x5], $0x68, s12, s21, $0xb8;
	[tilespmem:$0x1FC08] =	vst v63  }
0x18c: {  	_ =	swait.ge [sflag:s18], $0x3400  }
0x18d: {  	[sflag:s18] =	ssyncset.done $0x0  }
0x18e: {  	s13 =	sadd.s32 $0x11A08, s10;
	[sflag:s18] =	ssyncadd.s32 $0xFFFFCC00  }
0x18f: {  	[tilespmem:s22], [sflag:$0x1] =	stream.indirect.gather [hbm4b:s4+s21], $0x68, s13, s21, $0xb8;
	[tilespmem:$0x1FC08] =	vst v63  }
0x190: {  	_ =	swait.ge [sflag:s30], $0x3400  }
0x191: {  	[sflag:s30] =	ssyncset.done $0x0  }
0x192: {  	s14 =	sadd.s32 $0x10488, s10;
	[sflag:s30] =	ssyncadd.s32 $0xFFFFCC00  }
0x193: {  	[spmem:s2] =	stream.indirect.scatter.add.f32 [tilespmem:s24], [sflag:$0x5], $0x68, s14, s21, $0xb8;
	[tilespmem:$0x1FC08] =	vst v63  }
0x194: {  	_ =	swait.ge [sflag:s18], $0x3400  }
0x195: {  	[sflag:s18] =	ssyncset.done $0x0  }
0x196: {  	s12 =	sadd.s32 $0x11A88, s10;
	[sflag:s18] =	ssyncadd.s32 $0xFFFFCC00  }
0x197: {  	[tilespmem:s24], [sflag:$0x2] =	stream.indirect.gather [hbm4b:s4+s21], $0x68, s12, s21, $0xb8;
	[tilespmem:$0x1FC08] =	vst v63  }
0x198: {  	_ =	swait.ge [sflag:s31], $0x3400  }
0x199: {  	[sflag:s31] =	ssyncset.done $0x0  }
0x19a: {  	s13 =	sadd.s32 $0x10508, s10;
	[sflag:s31] =	ssyncadd.s32 $0xFFFFCC00  }
0x19b: {  	[spmem:s2] =	stream.indirect.scatter.add.f32 [tilespmem:s26], [sflag:$0x5], $0x68, s13, s21, $0xb8;
	[tilespmem:$0x1FC08] =	vst v63  }
0x19c: {  	_ =	swait.ge [sflag:s18], $0x3400  }
0x19d: {  	[sflag:s18] =	ssyncset.done $0x0  }
0x19e: {  	s14 =	sadd.s32 $0x11B08, s10;
	[sflag:s18] =	ssyncadd.s32 $0xFFFFCC00  }
0x19f: {  	[tilespmem:s26], [sflag:$0x3] =	stream.indirect.gather [hbm4b:s4+s21], $0x68, s14, s21, $0xb8;
	[tilespmem:$0x1FC08] =	vst v63  }
0x1a0: {  	_ =	swait.ge [sflag:s1], $0x3400  }
0x1a1: {  	[sflag:s1] =	ssyncset.done $0x0  }
0x1a2: {  	s11 =	sadd.s32 $0x10588, s10;
	[sflag:s1] =	ssyncadd.s32 $0xFFFFCC00  }
0x1a3: {  	[spmem:s2] =	stream.indirect.scatter.add.f32 [tilespmem:s28], [sflag:$0x5], $0x68, s11, s21, $0xb8;
	[tilespmem:$0x1FC08] =	vst v63  }
0x1a4: {  	_ =	swait.ge [sflag:s18], $0x3400  }
0x1a5: {  	[sflag:s18] =	ssyncset.done $0x0  }
0x1a6: {  	[sflag:s18] =	ssyncadd.s32 $0xFFFFCC00  }
0x1a7: {  	[tilespmem:s28], [sflag:$0x4] =	stream.indirect.gather [hbm4b:s4+s21], $0x68, s0, s21, $0xb8;
	[tilespmem:$0x1FC08] =	vst v63  }
0x1a8: {  	_ =	swait.ge [sflag:s29], $0x3400  }
0x1a9: {  	[sflag:s29] =	ssyncset.done $0x0  }
0x1aa: {  	[sflag:s29] =	ssyncadd.s32 $0xFFFFCC00  }
0x1ab: {  	[spmem:s2] =	stream.indirect.scatter.add.f32 [tilespmem:s22], [sflag:$0x5], $0x68, s3, s21, $0xb8;
	[tilespmem:$0x1FC08] =	vst v63  }
0x1ac: {  	_ =	swait.ge [sflag:s18], $0x3400  }
0x1ad: {  	[sflag:s18] =	ssyncset.done $0x0  }
0x1ae: {  	[sflag:s18] =	ssyncadd.s32 $0xFFFFCC00  }
0x1af: {  	_ =	swait.ge [sflag:s30], $0x3400  }
0x1b0: {  	[sflag:s30] =	ssyncset.done $0x0  }
0x1b1: {  	[sflag:s30] =	ssyncadd.s32 $0xFFFFCC00  }
0x1b2: {  	[spmem:s2] =	stream.indirect.scatter.add.f32 [tilespmem:s24], [sflag:$0x5], $0x68, s5, s21, $0xb8;
	[tilespmem:$0x1FC08] =	vst v63  }
0x1b3: {  	_ =	swait.ge [sflag:s18], $0x3400  }
0x1b4: {  	[sflag:s18] =	ssyncset.done $0x0  }
0x1b5: {  	[sflag:s18] =	ssyncadd.s32 $0xFFFFCC00  }
0x1b6: {  	_ =	swait.ge [sflag:s31], $0x3400  }
0x1b7: {  	[sflag:s31] =	ssyncset.done $0x0  }
0x1b8: {  	[sflag:s31] =	ssyncadd.s32 $0xFFFFCC00  }
0x1b9: {  	[spmem:s2] =	stream.indirect.scatter.add.f32 [tilespmem:s26], [sflag:$0x5], $0x68, s7, s21, $0xb8;
	[tilespmem:$0x1FC08] =	vst v63  }
0x1ba: {  	_ =	swait.ge [sflag:s18], $0x3400  }
0x1bb: {  	[sflag:s18] =	ssyncset.done $0x0  }
0x1bc: {  	[sflag:s18] =	ssyncadd.s32 $0xFFFFCC00  }
0x1bd: {  	_ =	swait.ge [sflag:s1], $0x3400  }
0x1be: {  	[sflag:s1] =	ssyncset.done $0x0  }
0x1bf: {  	[sflag:s1] =	ssyncadd.s32 $0xFFFFCC00  }
0x1c0: {  	[spmem:s2] =	stream.indirect.scatter.add.f32 [tilespmem:s28], [sflag:$0x5], $0x68, s8, s21, $0xb8;
	[tilespmem:$0x1FC08] =	vst v63  }
0x1c1: {  	_ =	swait.ge [sflag:s18], $0x3400  }
0x1c2: {  	[sflag:s18] =	ssyncset.done $0x0  }
0x1c3: {  	s12 =	simm.s32 $0x0;
	s13 =	rddreg [dreg:$0xa];
	[sflag:s18] =	ssyncadd.s32 $0xFFFFCC00  }
0x1c4: {  	[tilespmem:s19], [sflag:$0x5] =	stream.linear.gather [hbm4b:s13+s12], $0x1400, $0x38;
	[tilespmem:$0x1FC08] =	vst v63  }
0x1c5: {  	_ =	swait.ge [sflag:s18], $0x1400  }
0x1c6: {  	[sflag:s18] =	ssyncset.done $0x0  }
0x1c7: {  	s14 =	rddreg [dreg:$0xb];
	[sflag:s18] =	ssyncadd.s32 $0xFFFFEC00  }
0x1c8: {  	[tilespmem:s20], [sflag:$0x5] =	stream.linear.gather [hbm4b:s14+s12], $0x1400, $0x38;
	[tilespmem:$0x1FC08] =	vst v63  }
0x1c9: {  	_ =	swait.ge [sflag:s18], $0x1400  }
0x1ca: {  	[sflag:s18] =	ssyncset.done $0x0  }
0x1cb: {  	[sflag:s18] =	ssyncadd.s32 $0xFFFFEC00  }
0x1cc: {  	[tilespmem:s22], [sflag:$0x1] =	stream.indirect.gather [hbm4b:s4+s21], $0x68, s19, s21, $0xb8;
	[tilespmem:$0x1FC08] =	vst v63  }
0x1cd: {  	_ = 	snop  }
0x1ce: {  	[tilespmem:s24], [sflag:$0x2] =	stream.indirect.gather [hbm4b:s4+s21], $0x68, s23, s21, $0xb8;
	[tilespmem:$0x1FC08] =	vst v63  }
0x1cf: {  	_ = 	snop  }
0x1d0: {  	[tilespmem:s26], [sflag:$0x3] =	stream.indirect.gather [hbm4b:s4+s21], $0x68, s25, s21, $0xb8;
	[tilespmem:$0x1FC08] =	vst v63  }
0x1d1: {  	s11 =	simm.s32 $0x11988  }
0x1d2: {  	[tilespmem:s28], [sflag:$0x4] =	stream.indirect.gather [hbm4b:s4+s21], $0x68, s11, s21, $0xb8;
	[tilespmem:$0x1FC08] =	vst v63  }
0x1d3: {  	_ =	swait.ge [sflag:s29], $0x3400  }
0x1d4: {  	[sflag:s29] =	ssyncset.done $0x0  }
0x1d5: {  	s12 =	simm.s32 $0x10408;
	[sflag:s29] =	ssyncadd.s32 $0xFFFFCC00  }
0x1d6: {  	[spmem:s2] =	stream.indirect.scatter.add.f32 [tilespmem:s22], [sflag:$0x5], $0x68, s12, s21, $0xb8;
	[tilespmem:$0x1FC08] =	vst v63  }
0x1d7: {  	_ =	swait.ge [sflag:s18], $0x3400  }
0x1d8: {  	[sflag:s18] =	ssyncset.done $0x0  }
0x1d9: {  	s13 =	simm.s32 $0x11A08;
	[sflag:s18] =	ssyncadd.s32 $0xFFFFCC00  }
0x1da: {  	[tilespmem:s22], [sflag:$0x1] =	stream.indirect.gather [hbm4b:s4+s21], $0x68, s13, s21, $0xb8;
	[tilespmem:$0x1FC08] =	vst v63  }
0x1db: {  	_ =	swait.ge [sflag:s30], $0x3400  }
0x1dc: {  	[sflag:s30] =	ssyncset.done $0x0  }
0x1dd: {  	s14 =	simm.s32 $0x10488;
	[sflag:s30] =	ssyncadd.s32 $0xFFFFCC00  }
0x1de: {  	[spmem:s2] =	stream.indirect.scatter.add.f32 [tilespmem:s24], [sflag:$0x5], $0x68, s14, s21, $0xb8;
	[tilespmem:$0x1FC08] =	vst v63  }
0x1df: {  	_ =	swait.ge [sflag:s18], $0x3400  }
0x1e0: {  	[sflag:s18] =	ssyncset.done $0x0  }
0x1e1: {  	s11 =	simm.s32 $0x11A88;
	[sflag:s18] =	ssyncadd.s32 $0xFFFFCC00  }
0x1e2: {  	[tilespmem:s24], [sflag:$0x2] =	stream.indirect.gather [hbm4b:s4+s21], $0x68, s11, s21, $0xb8;
	[tilespmem:$0x1FC08] =	vst v63  }
0x1e3: {  	_ =	swait.ge [sflag:s31], $0x3400  }
0x1e4: {  	[sflag:s31] =	ssyncset.done $0x0  }
0x1e5: {  	s12 =	simm.s32 $0x10508;
	[sflag:s31] =	ssyncadd.s32 $0xFFFFCC00  }
0x1e6: {  	[spmem:s2] =	stream.indirect.scatter.add.f32 [tilespmem:s26], [sflag:$0x5], $0x68, s12, s21, $0xb8;
	[tilespmem:$0x1FC08] =	vst v63  }
0x1e7: {  	_ =	swait.ge [sflag:s18], $0x3400  }
0x1e8: {  	[sflag:s18] =	ssyncset.done $0x0  }
0x1e9: {  	s13 =	simm.s32 $0x11B08;
	[sflag:s18] =	ssyncadd.s32 $0xFFFFCC00  }
0x1ea: {  	[tilespmem:s26], [sflag:$0x3] =	stream.indirect.gather [hbm4b:s4+s21], $0x68, s13, s21, $0xb8;
	[tilespmem:$0x1FC08] =	vst v63  }
0x1eb: {  	_ =	swait.ge [sflag:s1], $0x3400  }
0x1ec: {  	[sflag:s1] =	ssyncset.done $0x0  }
0x1ed: {  	s14 =	simm.s32 $0x10588;
	[sflag:s1] =	ssyncadd.s32 $0xFFFFCC00  }
0x1ee: {  	[spmem:s2] =	stream.indirect.scatter.add.f32 [tilespmem:s28], [sflag:$0x5], $0x68, s14, s21, $0xb8;
	[tilespmem:$0x1FC08] =	vst v63  }
0x1ef: {  	_ =	swait.ge [sflag:s18], $0x3400  }
0x1f0: {  	s10 =	simm.s32 $0x200;
	s13 =	simm.s32 $0x1000;
	[sflag:s18] =	ssyncset.done $0x0  }
.LBB2_8:
0x1f1: {  	s14 =	sadd.s32 $0x11988, s10  }
0x1f2: {  	[sflag:s18] =	ssyncadd.s32 $0xFFFFCC00;
	s12 =	smov.u32 s13;
	s11 =	sadd.s32 $0x800, s13  }
0x1f3: {  	[tilespmem:s28], [sflag:$0x4] =	stream.indirect.gather [hbm4b:s4+s21], $0x68, s14, s21, $0xb8;
	[tilespmem:$0x1FC08] =	vst v63  }
0x1f4: {  	p0 =	sne.s32 s13, $0x4000;
	_ =	swait.ge [sflag:s29], $0x3400  }
0x1f5: {  	[sflag:s29] =	ssyncset.done $0x0  }
0x1f6: {  	s13 =	sadd.s32 $0x10408, s10;
	[sflag:s29] =	ssyncadd.s32 $0xFFFFCC00  }
0x1f7: {  	[spmem:s2] =	stream.indirect.scatter.add.f32 [tilespmem:s22], [sflag:$0x5], $0x68, s13, s21, $0xb8;
	[tilespmem:$0x1FC08] =	vst v63  }
0x1f8: {  	_ =	swait.ge [sflag:s18], $0x3400  }
0x1f9: {  	[sflag:s18] =	ssyncset.done $0x0  }
0x1fa: {  	s13 =	sadd.s32 $0x11A08, s10;
	[sflag:s18] =	ssyncadd.s32 $0xFFFFCC00  }
0x1fb: {  	[tilespmem:s22], [sflag:$0x1] =	stream.indirect.gather [hbm4b:s4+s21], $0x68, s13, s21, $0xb8;
	[tilespmem:$0x1FC08] =	vst v63  }
0x1fc: {  	_ =	swait.ge [sflag:s30], $0x3400  }
0x1fd: {  	[sflag:s30] =	ssyncset.done $0x0  }
0x1fe: {  	s13 =	sadd.s32 $0x10488, s10;
	[sflag:s30] =	ssyncadd.s32 $0xFFFFCC00  }
0x1ff: {  	[spmem:s2] =	stream.indirect.scatter.add.f32 [tilespmem:s24], [sflag:$0x5], $0x68, s13, s21, $0xb8;
	[tilespmem:$0x1FC08] =	vst v63  }
0x200: {  	_ =	swait.ge [sflag:s18], $0x3400  }
0x201: {  	[sflag:s18] =	ssyncset.done $0x0  }
0x202: {  	s13 =	sadd.s32 $0x11A88, s10;
	[sflag:s18] =	ssyncadd.s32 $0xFFFFCC00  }
0x203: {  	[tilespmem:s24], [sflag:$0x2] =	stream.indirect.gather [hbm4b:s4+s21], $0x68, s13, s21, $0xb8;
	[tilespmem:$0x1FC08] =	vst v63  }
0x204: {  	_ =	swait.ge [sflag:s31], $0x3400  }
0x205: {  	[sflag:s31] =	ssyncset.done $0x0  }
0x206: {  	s13 =	sadd.s32 $0x10508, s10;
	[sflag:s31] =	ssyncadd.s32 $0xFFFFCC00  }
0x207: {  	[spmem:s2] =	stream.indirect.scatter.add.f32 [tilespmem:s26], [sflag:$0x5], $0x68, s13, s21, $0xb8;
	[tilespmem:$0x1FC08] =	vst v63  }
0x208: {  	_ =	swait.ge [sflag:s18], $0x3400  }
0x209: {  	[sflag:s18] =	ssyncset.done $0x0  }
0x20a: {  	s13 =	sadd.s32 $0x11B08, s10;
	[sflag:s18] =	ssyncadd.s32 $0xFFFFCC00  }
0x20b: {  	[tilespmem:s26], [sflag:$0x3] =	stream.indirect.gather [hbm4b:s4+s21], $0x68, s13, s21, $0xb8;
	[tilespmem:$0x1FC08] =	vst v63  }
0x20c: {  	_ =	swait.ge [sflag:s1], $0x3400  }
.Ltmp3:
0x20d: {  	[sflag:s1] =	ssyncset.done $0x0;
	(pc) =	sbr.rel @p0 .LBB2_8-.Ltmp3, $4  }
0x20e: {  	s10 =	sadd.s32 $0x10588, s10;
	[sflag:s1] =	ssyncadd.s32 $0xFFFFCC00  }
0x20f: {  	[spmem:s2] =	stream.indirect.scatter.add.f32 [tilespmem:s28], [sflag:$0x5], $0x68, s10, s21, $0xb8;
	[tilespmem:$0x1FC08] =	vst v63  }
0x210: {  	_ =	swait.ge [sflag:s18], $0x3400  }
0x211: {  	s13 =	smov.u32 s11;
	s10 =	sshra.s32 s12, $0x2;
	[sflag:s18] =	ssyncset.done $0x0  }
0x212: {  	s11 =	sadd.s32 $0x11988, s10;
	[sflag:s18] =	ssyncadd.s32 $0xFFFFCC00  }
0x213: {  	[tilespmem:s28], [sflag:$0x4] =	stream.indirect.gather [hbm4b:s4+s21], $0x68, s11, s21, $0xb8;
	[tilespmem:$0x1FC08] =	vst v63  }
0x214: {  	_ =	swait.ge [sflag:s29], $0x3400  }
0x215: {  	[sflag:s29] =	ssyncset.done $0x0  }
0x216: {  	s12 =	sadd.s32 $0x10408, s10;
	[sflag:s29] =	ssyncadd.s32 $0xFFFFCC00  }
0x217: {  	[spmem:s2] =	stream.indirect.scatter.add.f32 [tilespmem:s22], [sflag:$0x5], $0x68, s12, s21, $0xb8;
	[tilespmem:$0x1FC08] =	vst v63  }
0x218: {  	_ =	swait.ge [sflag:s18], $0x3400  }
0x219: {  	[sflag:s18] =	ssyncset.done $0x0  }
0x21a: {  	s13 =	sadd.s32 $0x11A08, s10;
	[sflag:s18] =	ssyncadd.s32 $0xFFFFCC00  }
0x21b: {  	[tilespmem:s22], [sflag:$0x1] =	stream.indirect.gather [hbm4b:s4+s21], $0x68, s13, s21, $0xb8;
	[tilespmem:$0x1FC08] =	vst v63  }
0x21c: {  	_ =	swait.ge [sflag:s30], $0x3400  }
0x21d: {  	[sflag:s30] =	ssyncset.done $0x0  }
0x21e: {  	s14 =	sadd.s32 $0x10488, s10;
	[sflag:s30] =	ssyncadd.s32 $0xFFFFCC00  }
0x21f: {  	[spmem:s2] =	stream.indirect.scatter.add.f32 [tilespmem:s24], [sflag:$0x5], $0x68, s14, s21, $0xb8;
	[tilespmem:$0x1FC08] =	vst v63  }
0x220: {  	_ =	swait.ge [sflag:s18], $0x3400  }
0x221: {  	[sflag:s18] =	ssyncset.done $0x0  }
0x222: {  	s12 =	sadd.s32 $0x11A88, s10;
	[sflag:s18] =	ssyncadd.s32 $0xFFFFCC00  }
0x223: {  	[tilespmem:s24], [sflag:$0x2] =	stream.indirect.gather [hbm4b:s4+s21], $0x68, s12, s21, $0xb8;
	[tilespmem:$0x1FC08] =	vst v63  }
0x224: {  	_ =	swait.ge [sflag:s31], $0x3400  }
0x225: {  	[sflag:s31] =	ssyncset.done $0x0  }
0x226: {  	s13 =	sadd.s32 $0x10508, s10;
	[sflag:s31] =	ssyncadd.s32 $0xFFFFCC00  }
0x227: {  	[spmem:s2] =	stream.indirect.scatter.add.f32 [tilespmem:s26], [sflag:$0x5], $0x68, s13, s21, $0xb8;
	[tilespmem:$0x1FC08] =	vst v63  }
0x228: {  	_ =	swait.ge [sflag:s18], $0x3400  }
0x229: {  	[sflag:s18] =	ssyncset.done $0x0  }
0x22a: {  	s14 =	sadd.s32 $0x11B08, s10;
	[sflag:s18] =	ssyncadd.s32 $0xFFFFCC00  }
0x22b: {  	[tilespmem:s26], [sflag:$0x3] =	stream.indirect.gather [hbm4b:s4+s21], $0x68, s14, s21, $0xb8;
	[tilespmem:$0x1FC08] =	vst v63  }
0x22c: {  	_ =	swait.ge [sflag:s1], $0x3400  }
0x22d: {  	[sflag:s1] =	ssyncset.done $0x0  }
0x22e: {  	s12 =	sadd.s32 $0x10588, s10;
	[sflag:s1] =	ssyncadd.s32 $0xFFFFCC00  }
0x22f: {  	[spmem:s2] =	stream.indirect.scatter.add.f32 [tilespmem:s28], [sflag:$0x5], $0x68, s12, s21, $0xb8;
	[tilespmem:$0x1FC08] =	vst v63  }
0x230: {  	_ =	swait.ge [sflag:s18], $0x3400  }
0x231: {  	[sflag:s18] =	ssyncset.done $0x0  }
0x232: {  	[sflag:s18] =	ssyncadd.s32 $0xFFFFCC00  }
0x233: {  	[tilespmem:s28], [sflag:$0x4] =	stream.indirect.gather [hbm4b:s4+s21], $0x68, s0, s21, $0xb8;
	[tilespmem:$0x1FC08] =	vst v63  }
0x234: {  	_ =	swait.ge [sflag:s29], $0x3400  }
0x235: {  	[sflag:s29] =	ssyncset.done $0x0  }
0x236: {  	[sflag:s29] =	ssyncadd.s32 $0xFFFFCC00  }
0x237: {  	[spmem:s2] =	stream.indirect.scatter.add.f32 [tilespmem:s22], [sflag:$0x5], $0x68, s3, s21, $0xb8;
	[tilespmem:$0x1FC08] =	vst v63  }
0x238: {  	_ =	swait.ge [sflag:s18], $0x3400  }
0x239: {  	[sflag:s18] =	ssyncset.done $0x0  }
0x23a: {  	[sflag:s18] =	ssyncadd.s32 $0xFFFFCC00  }
0x23b: {  	_ =	swait.ge [sflag:s30], $0x3400  }
0x23c: {  	[sflag:s30] =	ssyncset.done $0x0  }
0x23d: {  	[sflag:s30] =	ssyncadd.s32 $0xFFFFCC00  }
0x23e: {  	[spmem:s2] =	stream.indirect.scatter.add.f32 [tilespmem:s24], [sflag:$0x5], $0x68, s5, s21, $0xb8;
	[tilespmem:$0x1FC08] =	vst v63  }
0x23f: {  	_ =	swait.ge [sflag:s18], $0x3400  }
0x240: {  	[sflag:s18] =	ssyncset.done $0x0  }
0x241: {  	[sflag:s18] =	ssyncadd.s32 $0xFFFFCC00  }
0x242: {  	_ =	swait.ge [sflag:s31], $0x3400  }
0x243: {  	[sflag:s31] =	ssyncset.done $0x0  }
0x244: {  	[sflag:s31] =	ssyncadd.s32 $0xFFFFCC00  }
0x245: {  	[spmem:s2] =	stream.indirect.scatter.add.f32 [tilespmem:s26], [sflag:$0x5], $0x68, s7, s21, $0xb8;
	[tilespmem:$0x1FC08] =	vst v63  }
0x246: {  	_ =	swait.ge [sflag:s18], $0x3400  }
0x247: {  	[sflag:s18] =	ssyncset.done $0x0  }
0x248: {  	[sflag:s18] =	ssyncadd.s32 $0xFFFFCC00  }
0x249: {  	_ =	swait.ge [sflag:s1], $0x3400  }
0x24a: {  	[sflag:s1] =	ssyncset.done $0x0  }
0x24b: {  	[sflag:s1] =	ssyncadd.s32 $0xFFFFCC00  }
0x24c: {  	[spmem:s2] =	stream.indirect.scatter.add.f32 [tilespmem:s28], [sflag:$0x5], $0x68, s8, s21, $0xb8;
	[tilespmem:$0x1FC08] =	vst v63  }
0x24d: {  	_ =	swait.ge [sflag:s18], $0x3400  }
0x24e: {  	s9 =	sadd.s32 $0x1, s9;
	[sflag:s18] =	ssyncset.done $0x0  }
0x24f: {  	p0 =	sne.s32 s9, s16;
	s13 =	simm.s32 $0x1A;
	[sflag:s18] =	ssyncadd.s32 $0xFFFFCC00  }
.Ltmp4:
0x250: {  	s14 =	simm.s32 $0xD;
	[bflag:$0x0] =	sbarrier.arrive $0xFFFF;
	(pc) =	sbr.rel @p0 .LBB2_1-.Ltmp4, $4  }
0x251: {  	[hbm:s15@s13], [sflag:s6] =	dma.strided [spmem:s17@s14], $0x2080, s29, $0xd   }
0x252: {  	_ =	swait.ge [sflag:s18], $0x2080  }
0x253: {  	[sflag:s18] =	ssyncset.done $0x0  }
0x254: {  	[sflag:s18] =	ssyncadd.s32 $0xFFFFDF80  }
0x255: {  	_ =	sfence.sel $0x180000  }
0x256: {  	[bflag:$0x0] =	sbarrier.arrive $0xFFFF  }
0x257: {  	_ =	strace $0x90000047  }
0x258: {  	s0 =	stileid.u32;
	[bflag:$0x2] =	sbarrier.arrive $0xFFFF  }
0x259: {  	p0 =	sne.s32 s0, $0x0;
	s0 =	rddreg [dreg:$0x2]  }
0x25a: {  	s0 =	sadd.s32 @!p0 $0x100000, s0  }
0x25b: {  	[sflag:s0] =	ssyncadd.tile.s32 @!p0 $0x1;
	_ =	shalt  }
.Lfunc_end2:
_tile_overlayer_lowered:
.L_overlay_start_2:
0x25c: {  	(tag) =	ssettag $0x2  }
0x25d: {  	s0 =	rddreg [dreg:$0x0];
	s2 =	stileid.u32  }
0x25e: {  	s1 =	rddreg [dreg:$0x1];
	p0 =	sne.s32 s2, $0x0  }
0x25f: {  	s3 =	rddreg [dreg:$0x2];
	[bflag:$0x3] =	sbarrier.arrive $0xFFFF;
	s2 =	simm.s32 @!p0 $0x1C05  }
0x260: {  	[timem:s3], [sflag:s2] =	dma.local @!p0 [hbm:s0], s1  }
0x261: {  	s0 =	simm.s32 @!p0 $0x5  }
0x262: {  	_ =	swait.ge @!p0 [sflag:s0], s1  }
0x263: {  	s1 =	ssub.s32 @!p0 $0x0, s1;
	[sflag:s0] =	ssyncset.done @!p0 $0x0  }
0x264: {  	[sflag:s0] =	ssyncadd.s32 @!p0 s1  }
0x265: {  	[bflag:$0x3] =	sbarrier.arrive $0xFFFF  }
0x266: {  	_ =	shalt  }

// kernel: kernel.13.cloned.1.call-start
scs
__scs_entry_jumppad:
0x0: {  	(pc) =	sbr.rel $0x88, $3  }
0x1: {  	(tag) =	ssettag $0x0;
	lr =	simm.s32 $0x1  }
0x2: {  	[smem:$0x3F95] =	sst lr;
	_ =	strace $0xD0000000  }
0x3: {  	_ = 	snop  }
0x4: {  	_ = 	snop  }
0x5: {  	_ = 	snop  }
0x6: {  	_ = 	snop  }
0x7: {  	_ = 	snop  }
__scs_overlays_trampoline_lowered:
0x8: {  	[smem:$0x3FA4] =	sst s0  }
0x9: {  	[smem:$0x3FA5] =	sst s1  }
0xa: {  	[smem:$0x3FA6] =	sst s2  }
0xb: {  	[smem:$0x3FA7] =	sst s3  }
0xc: {  	[smem:$0x3FA8] =	sst s4  }
0xd: {  	[smem:$0x3FA9] =	sst s5  }
0xe: {  	[smem:$0x3FAA] =	sst s6  }
0xf: {  	[smem:$0x3FAB] =	sst s7  }
0x10: {  	[smem:$0x3FAC] =	sst s8  }
0x11: {  	[smem:$0x3FAD] =	sst s9;
	s0 =	simm.s32 @!p0 $0x0  }
0x12: {  	s1 =	sld [smem:$0x3F93];
	s0 =	simm.s32 @p0 $0x1  }
0x13: {  	[smem:$0x3FAE] =	sst s0;
	s0 =	simm.s32 @!p1 $0x0  }
0x14: {  	s2 =	sld [smem:$0x3F92];
	s0 =	simm.s32 @p1 $0x1  }
0x15: {  	[smem:$0x3FAF] =	sst s0;
	s0 =	simm.s32 @!p2 $0x0  }
0x16: {  	s3 =	sld [smem:$0x3FDB];
	s0 =	simm.s32 @p2 $0x1  }
0x17: {  	s4 =	simm.s32 $0x1BF5;
	[smem:$0x3FB1] =	sst s0  }
0x18: {  	s0 =	sld [smem:$0x3F94];
	_ =	swait.ge [sflag:s4], $0x0  }
0x19: {  	s7 =	sld [smem:$0x3F95]  }
0x1a: {  	s8 =	sadd.s32 $0xFFFFE003, lr  }
0x1b: {  	s9 =	sadd.s32 $0xFFFFFEF7, lr;
	s5 =	simm.s32 $0xFFFFFFFF;
	p2 =	slt.u32 s8, $0xFFFFF086  }
0x1c: {  	p1 =	slt.u32 s9, $0xF7A;
	s5 =	simm.s32 @!p2 $0x0  }
0x1d: {  	s5 =	simm.s32 @p1 $0x1;
	p0 =	seq.s32 s7, s2  }
0x1e: {  	s7 =	smul.u32 @!p0 $0xF7A, s2;
	p2 =	seq.s32 @!p0 s5, $0x0  }
0x1f: {  	s9 =	smul.u32 $0xF7A, s1;
	s8 =	simm.s32 @!p0 $0x1BF5;
	p2 =	por !p2, p0  }
0x20: {  	[sflag:s8] =	ssyncset.s32 @!p0 $0xFFFFF086;
	s6 =	sadd.s32 @!p0 s3, s7;
	s7 =	simm.s32 @!p0 $0x108  }
0x21: {  	s3 =	sadd.s32 s3, s9;
	s6 =	sadd.s32 @!p0 $0x88, s6;
	s7 =	simm.s32 @p2 $0x1082  }
0x22: {  	[simem:s7], [sflag:s8] =	dma.local @!p0 [hbm:s6], $0xF7A  }
0x23: {  	s9 =	sor.u32 $0xD0000000, s2;
	s6 =	simm.s32 $0x108;
	_ =	swait.ge @!p0 [sflag:s8], $0x0  }
0x24: {  	s3 =	sadd.s32 $0x88, s3;
	s6 =	simm.s32 @!p1 $0x1082;
	[sflag:s4] =	ssyncset.s32 $0xFFFFF086  }
0x25: {  	[simem:s6], [sflag:s4] =	dma.local [hbm:s3], $0xF7A  }
0x26: {  	[smem:$0x3F95] =	sst s1;
	(tag) =	ssettag s2;
	_ =	strace s9  }
0x27: {  	s1 =	sld [smem:$0x3FA5]  }
0x28: {  	s2 =	sld [smem:$0x3FA6]  }
0x29: {  	s4 =	sld [smem:$0x3FA8]  }
0x2a: {  	p0 =	seq.s32 s5, $0x0;
	s5 =	sld [smem:$0x3FA9]  }
0x2b: {  	s6 =	sld [smem:$0x3FAA]  }
0x2c: {  	s7 =	sld [smem:$0x3FAB]  }
0x2d: {  	s3 =	simm.s32 $0x108;
	s8 =	sld [smem:$0x3FAC]  }
0x2e: {  	s3 =	simm.s32 @!p0 $0x1082;
	s9 =	sld [smem:$0x3FAD]  }
0x2f: {  	lr =	sadd.s32 s0, s3;
	s0 =	sld [smem:$0x3FA4]  }
0x30: {  	s3 =	sld [smem:$0x3FA7]  }
0x31: {  	[smem:$0x3FB0] =	sst s10  }
0x32: {  	s10 =	sld [smem:$0x3FAE];
	_ =	sdelay $0x3  }
0x33: {  	p0 =	seq.s32 s10, $0x1;
	s10 =	sld [smem:$0x3FB0];
	_ =	sdelay $0x3  }
0x34: {  	[smem:$0x3FB0] =	sst s10  }
0x35: {  	s10 =	sld [smem:$0x3FAF];
	_ =	sdelay $0x3  }
0x36: {  	p1 =	seq.s32 s10, $0x1;
	s10 =	sld [smem:$0x3FB0];
	_ =	sdelay $0x3  }
0x37: {  	[smem:$0x3FB0] =	sst s10  }
0x38: {  	s10 =	sld [smem:$0x3FB1]  }
0x39: {  	_ = 	snop;
	(pc) =	sbr.ind lr, $3  }
0x3a: {  	_ = 	snop  }
0x3b: {  	_ = 	snop  }
0x3c: {  	p2 =	seq.s32 s10, $0x1;
	s10 =	sld [smem:$0x3FB0]  }
0x3d: {  	_ =	shalt  }
0x3e: {  	_ =	shalt  }
0x3f: {  	_ =	shalt  }
0x40: {  	_ =	shalt  }
0x41: {  	_ =	shalt  }
0x42: {  	_ =	shalt  }
0x43: {  	_ =	shalt  }
0x44: {  	_ =	shalt  }
0x45: {  	_ =	shalt  }
0x46: {  	_ =	shalt  }
0x47: {  	_ =	shalt  }
0x48: {  	_ =	shalt  }
0x49: {  	_ =	shalt  }
0x4a: {  	_ =	shalt  }
0x4b: {  	_ =	shalt  }
0x4c: {  	_ =	shalt  }
0x4d: {  	_ =	shalt  }
0x4e: {  	_ =	shalt  }
0x4f: {  	_ =	shalt  }
0x50: {  	_ =	shalt  }
0x51: {  	_ =	shalt  }
0x52: {  	_ =	shalt  }
0x53: {  	_ =	shalt  }
0x54: {  	_ =	shalt  }
0x55: {  	_ =	shalt  }
0x56: {  	_ =	shalt  }
0x57: {  	_ =	shalt  }
0x58: {  	_ =	shalt  }
0x59: {  	_ =	shalt  }
0x5a: {  	_ =	shalt  }
0x5b: {  	_ =	shalt  }
0x5c: {  	_ =	shalt  }
0x5d: {  	_ =	shalt  }
0x5e: {  	_ =	shalt  }
0x5f: {  	_ =	shalt  }
0x60: {  	_ =	shalt  }
0x61: {  	_ =	shalt  }
0x62: {  	_ =	shalt  }
0x63: {  	_ =	shalt  }
0x64: {  	_ =	shalt  }
0x65: {  	_ =	shalt  }
0x66: {  	_ =	shalt  }
0x67: {  	_ =	shalt  }
0x68: {  	_ =	shalt  }
0x69: {  	_ =	shalt  }
0x6a: {  	_ =	shalt  }
0x6b: {  	_ =	shalt  }
0x6c: {  	_ =	shalt  }
0x6d: {  	_ =	shalt  }
0x6e: {  	_ =	shalt  }
0x6f: {  	_ =	shalt  }
0x70: {  	_ =	shalt  }
0x71: {  	_ =	shalt  }
0x72: {  	_ =	shalt  }
0x73: {  	_ =	shalt  }
0x74: {  	_ =	shalt  }
0x75: {  	_ =	shalt  }
0x76: {  	_ =	shalt  }
0x77: {  	_ =	shalt  }
0x78: {  	_ =	shalt  }
0x79: {  	_ =	shalt  }
0x7a: {  	_ =	shalt  }
0x7b: {  	_ =	shalt  }
0x7c: {  	_ =	shalt  }
0x7d: {  	_ =	shalt  }
0x7e: {  	_ =	shalt  }
0x7f: {  	_ =	shalt  }
0x80: {  	_ =	shalt  }
0x81: {  	_ =	shalt  }
0x82: {  	_ =	shalt  }
0x83: {  	_ =	shalt  }
0x84: {  	_ =	shalt  }
0x85: {  	_ =	shalt  }
0x86: {  	_ =	shalt  }
0x87: {  	_ =	shalt  }
.Lfunc_end0:
.L_simem_size_0:
called_computation.1_lowered:
.L_overlay_start_0:
0x88: {  	s2 =	sld [smem:$0x3FD9]  }
0x89: {  	s3 =	sld [smem:$0x3FFE];
	_ =	sdelay $0x1  }
0x8a: {  	s1 =	srdreg.scid  }
0x8b: {  	s0 =	sand.u32 $0x1, s1  }
0x8c: {  	s16 =	sshll.u32 s0, $0xA;
	s2 =	sadd.s32 s3, s2  }
0x8d: {  	s2 =	sadd.s32 s2, s16  }
0x8e: {  	[smem:$0x3FBC] =	sst s2  }
0x8f: {  	_ = 	snop  }
0x90: {  	(tm) =	ssettm $0x1  }
0x91: {  	s17 =	sld [smem:$0x3FFB];
	_ =	sdelay $0x3  }
0x92: {  	_ =	strace s17  }
0x93: {  	s2 =	sld [smem:$0x3FFC];
	_ =	sdelay $0x3  }
0x94: {  	_ =	strace s2  }
0x95: {  	s2 =	sld [smem:$0x3FFD];
	_ =	sdelay $0x3  }
0x96: {  	_ =	strace s2  }
0x97: {  	_ =	strace $0x8FFFFFFF  }
0x98: {  	s18 =	sld [smem:$0x3FDB];
	_ =	sdelay $0x1  }
0x99: {  	s19 =	simm.s32 $_scs_section_size  }
0x9a: {  	s4 =	simm.s32 $_size__tile_overlayer_lowered;
	s5 =	simm.s32 $_tile_overlayer_lowered  }
0x9b: {  	s22 =	simm.s32 $0x1BFF;
	s21 =	sshll.u32 s5, $0x1;
	s2 =	sadd.s32 s19, s18  }
0x9c: {  	s6 =	simm.s32 $0x0;
	s20 =	sshll.u32 s4, $0x1;
	s4 =	sadd.s32 s21, s2  }
0x9d: {  	[timem:s6], [sflag:s22] =	dma.local [hbm:s4], s20  }
0x9e: {  	_ =	swait.ge [sflag:s22], s20  }
0x9f: {  	s3 =	ssub.s32 $0x0, s20;
	[sflag:s22] =	ssyncset.done $0x0  }
0xa0: {  	[sflag:s22] =	ssyncadd.s32 s3;
	_ =	sdelay $0x1  }
0xa1: {  	s23 =	simm.s32 $0x1B8B  }
0xa2: {  	_ =	swait.ge [sflag:s23], $0x1  }
0xa3: {  	[sflag:s23] =	ssyncset.done $0x0  }
0xa4: {  	s25 =	simm.s32 $0x1B8E;
	s24 =	sld [smem:$0x3FFE];
	[sflag:s23] =	ssyncadd.s32 $0xFFFFFFFF  }
0xa5: {  	s26 =	simm.s32 $execute0_lowered;
	[smem:$0x3FD2] =	sst s25  }
0xa6: {  	s4 =	sshll.u32 s26, $0x1;
	_ =	strace $0x80000049;
	[dreg:$0x1] =	wrdreg $0xFFFFFFFF  }
0xa7: {  	s28 =	simm.s32 $_size_execute0_lowered;
	s2 =	sadd.s32 s2, s4;
	[dreg:$0x0] =	wrdreg $0x0  }
0xa8: {  	s4 =	sshll.u32 s28, $0x1;
	[dreg:$0x2] =	wrdreg s2  }
0xa9: {  	[dreg:$0x3] =	wrdreg s4  }
0xaa: {  	[dreg:$0x4] =	wrdreg $0xC0  }
0xab: {  	_ =	task [dreg:s6], $0x5FFFF  }
0xac: {  	[dreg:$0x1] =	wrdreg $0xFFFFFFFF  }
0xad: {  	[dreg:$0x0] =	wrdreg $0x60  }
0xae: {  	[dreg:$0x2] =	wrdreg s24  }
0xaf: {  	[dreg:$0x3] =	wrdreg $0x0  }
0xb0: {  	[dreg:$0x4] =	wrdreg $0x9  }
0xb1: {  	_ =	task.clear_ibuf [dreg:s6], $0x5FFFF;
	_ =	strace $0x90000049  }
0xb2: {  	s29 =	simm.s32 $0x9;
	_ =	strace $0x8000004B  }
0xb3: {  	_ =	swait.ge [sflag:s29], $0x1  }
0xb4: {  	[sflag:s29] =	ssyncadd.s32 $0xFFFFFFFF  }
0xb5: {  	_ =	strace $0x9000004B  }
0xb6: {  	_ =	sfence  }
0xb7: {  	s30 =	sld [smem:$0x0];
	_ =	sdelay $0x2  }
0xb8: {  	s31 =	sshll.u32 s1, $0xD;
	s1 =	sshrl.u32 s1, $0x2  }
0xb9: {  	s3 =	sand.u32 $0x4000, s31;
	s1 =	sadd.s32 s1, s30  }
0xba: {  	s0 =	sor.u32 s3, s0;
	s1 =	sshll.u32 s1, $0x11  }
0xbb: {  	s0 =	sor.u32 s1, s0  }
0xbc: {  	s0 =	sadd.s32 $0x8F2B, s0  }
0xbd: {  	[sflag:s0] =	ssyncadd.remote.s32 $0x1  }
0xbe: {  	_ =	sfence.sel $0xFFFF  }
0xbf: {  	[dreg:$0x0] =	wrdreg $0xFFFFFFFF;
	(pc) =	sbr.abs _section_cstart, $3  }
0xc0: {  	[dreg:$0x1] =	wrdreg $0xFFFFFFFF  }
0xc1: {  	_ =	task.clear_ibuf [dreg:s6], $0x2FFFF;
	_ =	strace $0x9FFFFFFF  }
0xc2: {  	(tm) =	ssettm $0x7FFFFFFF  }
0xc3: {  	_ =	shalt  }
tec
execute0_lowered:
.L_overlay_start_1:
0x0: {  	(tag) =	ssettag $0x1  }
0x1: {  	s0 =	srdreg.scid;
	s1 =	rddreg [dreg:$0x0]  }
0x2: {  	s8 =	stileid.u32;
	s2 =	rddreg [dreg:$0x1]  }
0x3: {  	s4 =	simm.s32 $0x0;
	s28 =	simm.s32 $0x1C808;
	s5 =	smul.u32 $0x5000, s8  }
0x4: {  	s29 =	simm.s32 $0x1;
	s30 =	simm.s32 $0x2;
	s6 =	smul.u32 $0x20800, s8  }
0x5: {  	s31 =	simm.s32 $0x3;
	s0 =	sand.u32 $0x1, s0;
	s18 =	smul.u32 $0x41000, s8  }
0x6: {  	[smem:$0x7FF] =	sst s4;
	s4 =	sadd.s32 $0x53600, s1;
	s3 =	smul.u32 $0x50000, s0  }
0x7: {  	s9 =	sadd.s32 $0xB2600, s1;
	s8 =	sshll.u32 s8, $0x6;
	s7 =	smul.u32 $0x68, s0  }
0x8: {  	_ =	strace $0x8000004A;
	[dreg:$0x3] =	wrdreg s9;
	s0 =	ssub.s32 $0x2, s0  }
0x9: {  	s9 =	simm.s32 $0x0;
	s19 =	sshrl.u32 s0, $0x1;
	s3 =	sadd.s32 s5, s3  }
0xa: {  	s5 =	sshrl.u32 s5, $0x3;
	s6 =	sor.u32 s7, s6;
	s7 =	sshrl.u32 s18, $0x2  }
0xb: {  	s0 =	ssub.s32 s0, s19;
	s18 =	simm.s32 $0x5;
	s19 =	simm.s32 $0x11808  }
0xc: {  	s3 =	sshrl.u32 s3, $0x3;
	s5 =	sadd.s32 s5, s1;
	s6 =	sshrl.u32 s6, $0x3  }
0xd: {  	s7 =	sadd.s32 s7, s2;
	s16 =	smax.u32 s0, $0x1;
	s0 =	simm.s32 $0x12B88  }
0xe: {  	s3 =	sadd.s32 s3, s1;
	s1 =	sadd.s32 s6, s1;
	s6 =	sor.u32 $0x1C05, s8  }
0xf: {  	s21 =	sadd.s32 $0xA8600, s5;
	s23 =	sadd.s32 $0xA8880, s5;
	s25 =	sadd.s32 $0xA8B00, s5  }
0x10: {  	s26 =	sadd.s32 $0xA8D80, s5;
	s17 =	sshrl.u32 s7, $0x3;
	[dreg:$0x5] =	wrdreg s21  }
0x11: {  	s5 =	simm.s32 $0x11688;
	s7 =	simm.s32 $0x11708;
	[dreg:$0x7] =	wrdreg s23  }
0x12: {  	s8 =	simm.s32 $0x11788;
	s20 =	sadd.s32 $0x94600, s3;
	[dreg:$0x9] =	wrdreg s25  }
0x13: {  	s22 =	sadd.s32 $0x94880, s3;
	s24 =	sadd.s32 $0x94B00, s3;
	[dreg:$0xb] =	wrdreg s26  }
0x14: {  	s3 =	sadd.s32 $0x94D80, s3;
	s15 =	sadd.s32 $0xB4800, s1;
	[dreg:$0x4] =	wrdreg s20  }
0x15: {  	s21 =	simm.s32 $0x80;
	s23 =	simm.s32 $0x11888;
	[dreg:$0x6] =	wrdreg s22  }
0x16: {  	s25 =	simm.s32 $0x11908;
	s26 =	simm.s32 $0x19408;
	[dreg:$0x8] =	wrdreg s24  }
0x17: {  	s1 =	simm.s32 $0x4;
	[dreg:$0xa] =	wrdreg s3;
	s20 =	simm.s32 $0x10408  }
0x18: {  	s22 =	simm.s32 $0x12C08;
	s24 =	simm.s32 $0x16008;
	s3 =	simm.s32 $0x11608  }
.LBB2_1:
0x19: {  	s10 =	rddreg [dreg:$0x3]  }
0x1a: {  	[spmem:s17], [sflag:s6] =	dma.local [hbm:s10], $0x2080  }
0x1b: {  	_ =	swait.ge [sflag:s18], $0x2080  }
0x1c: {  	[sflag:s18] =	ssyncset.done $0x0  }
0x1d: {  	[sflag:s18] =	ssyncadd.s32 $0xFFFFDF80  }
0x1e: {  	[bflag:$0x0] =	sbarrier.arrive $0xFFFF  }
0x1f: {  	s13 =	simm.s32 $0x0;
	s11 =	rddreg [dreg:$0x4]  }
0x20: {  	[tilespmem:s19], [sflag:$0x5] =	stream.linear.gather [hbm4b:s11+s13], $0x1400, $0x38;
	[tilespmem:$0x1FC08] =	vst v63  }
0x21: {  	_ =	swait.ge [sflag:s18], $0x1400  }
0x22: {  	[sflag:s18] =	ssyncset.done $0x0  }
0x23: {  	s14 =	rddreg [dreg:$0x5];
	[sflag:s18] =	ssyncadd.s32 $0xFFFFEC00  }
0x24: {  	[tilespmem:s20], [sflag:$0x5] =	stream.linear.gather [hbm4b:s14+s13], $0x1400, $0x38;
	[tilespmem:$0x1FC08] =	vst v63  }
0x25: {  	_ =	swait.ge [sflag:s18], $0x1400  }
0x26: {  	[sflag:s18] =	ssyncset.done $0x0  }
0x27: {  	[sflag:s18] =	ssyncadd.s32 $0xFFFFEC00  }
0x28: {  	[tilespmem:s22], [sflag:$0x1] =	stream.indirect.gather [hbm4b:s4+s21], $0x68, s19, s21, $0xb8;
	[tilespmem:$0x1FC08] =	vst v63  }
0x29: {  	_ = 	snop  }
0x2a: {  	[tilespmem:s24], [sflag:$0x2] =	stream.indirect.gather [hbm4b:s4+s21], $0x68, s23, s21, $0xb8;
	[tilespmem:$0x1FC08] =	vst v63  }
0x2b: {  	_ = 	snop  }
0x2c: {  	[tilespmem:s26], [sflag:$0x3] =	stream.indirect.gather [hbm4b:s4+s21], $0x68, s25, s21, $0xb8;
	[tilespmem:$0x1FC08] =	vst v63  }
0x2d: {  	s11 =	simm.s32 $0x11988  }
0x2e: {  	[tilespmem:s28], [sflag:$0x4] =	stream.indirect.gather [hbm4b:s4+s21], $0x68, s11, s21, $0xb8;
	[tilespmem:$0x1FC08] =	vst v63  }
0x2f: {  	_ =	swait.ge [sflag:s29], $0x3400  }
0x30: {  	[sflag:s29] =	ssyncset.done $0x0  }
0x31: {  	s12 =	simm.s32 $0x10408;
	[sflag:s29] =	ssyncadd.s32 $0xFFFFCC00  }
0x32: {  	[spmem:s2] =	stream.indirect.scatter.add.f32 [tilespmem:s22], [sflag:$0x5], $0x68, s12, s21, $0xb8;
	[tilespmem:$0x1FC08] =	vst v63  }
0x33: {  	_ =	swait.ge [sflag:s18], $0x3400  }
0x34: {  	[sflag:s18] =	ssyncset.done $0x0  }
0x35: {  	s13 =	simm.s32 $0x11A08;
	[sflag:s18] =	ssyncadd.s32 $0xFFFFCC00  }
0x36: {  	[tilespmem:s22], [sflag:$0x1] =	stream.indirect.gather [hbm4b:s4+s21], $0x68, s13, s21, $0xb8;
	[tilespmem:$0x1FC08] =	vst v63  }
0x37: {  	_ =	swait.ge [sflag:s30], $0x3400  }
0x38: {  	[sflag:s30] =	ssyncset.done $0x0  }
0x39: {  	s14 =	simm.s32 $0x10488;
	[sflag:s30] =	ssyncadd.s32 $0xFFFFCC00  }
0x3a: {  	[spmem:s2] =	stream.indirect.scatter.add.f32 [tilespmem:s24], [sflag:$0x5], $0x68, s14, s21, $0xb8;
	[tilespmem:$0x1FC08] =	vst v63  }
0x3b: {  	_ =	swait.ge [sflag:s18], $0x3400  }
0x3c: {  	[sflag:s18] =	ssyncset.done $0x0  }
0x3d: {  	s11 =	simm.s32 $0x11A88;
	[sflag:s18] =	ssyncadd.s32 $0xFFFFCC00  }
0x3e: {  	[tilespmem:s24], [sflag:$0x2] =	stream.indirect.gather [hbm4b:s4+s21], $0x68, s11, s21, $0xb8;
	[tilespmem:$0x1FC08] =	vst v63  }
0x3f: {  	_ =	swait.ge [sflag:s31], $0x3400  }
0x40: {  	[sflag:s31] =	ssyncset.done $0x0  }
0x41: {  	s12 =	simm.s32 $0x10508;
	[sflag:s31] =	ssyncadd.s32 $0xFFFFCC00  }
0x42: {  	[spmem:s2] =	stream.indirect.scatter.add.f32 [tilespmem:s26], [sflag:$0x5], $0x68, s12, s21, $0xb8;
	[tilespmem:$0x1FC08] =	vst v63  }
0x43: {  	_ =	swait.ge [sflag:s18], $0x3400  }
0x44: {  	[sflag:s18] =	ssyncset.done $0x0  }
0x45: {  	s13 =	simm.s32 $0x11B08;
	[sflag:s18] =	ssyncadd.s32 $0xFFFFCC00  }
0x46: {  	[tilespmem:s26], [sflag:$0x3] =	stream.indirect.gather [hbm4b:s4+s21], $0x68, s13, s21, $0xb8;
	[tilespmem:$0x1FC08] =	vst v63  }
0x47: {  	_ =	swait.ge [sflag:s1], $0x3400  }
0x48: {  	[sflag:s1] =	ssyncset.done $0x0  }
0x49: {  	s14 =	simm.s32 $0x10588;
	[sflag:s1] =	ssyncadd.s32 $0xFFFFCC00  }
0x4a: {  	[spmem:s2] =	stream.indirect.scatter.add.f32 [tilespmem:s28], [sflag:$0x5], $0x68, s14, s21, $0xb8;
	[tilespmem:$0x1FC08] =	vst v63  }
0x4b: {  	_ =	swait.ge [sflag:s18], $0x3400  }
0x4c: {  	s10 =	simm.s32 $0x200;
	s11 =	simm.s32 $0x1000;
	[sflag:s18] =	ssyncset.done $0x0  }
.LBB2_2:
0x4d: {  	s14 =	sadd.s32 $0x11988, s10  }
0x4e: {  	[sflag:s18] =	ssyncadd.s32 $0xFFFFCC00;
	s12 =	smov.u32 s11;
	s13 =	sadd.s32 $0x800, s11  }
0x4f: {  	[tilespmem:s28], [sflag:$0x4] =	stream.indirect.gather [hbm4b:s4+s21], $0x68, s14, s21, $0xb8;
	[tilespmem:$0x1FC08] =	vst v63  }
0x50: {  	p0 =	sne.s32 s11, $0x4000;
	_ =	swait.ge [sflag:s29], $0x3400  }
0x51: {  	[sflag:s29] =	ssyncset.done $0x0  }
0x52: {  	s11 =	sadd.s32 $0x10408, s10;
	[sflag:s29] =	ssyncadd.s32 $0xFFFFCC00  }
0x53: {  	[spmem:s2] =	stream.indirect.scatter.add.f32 [tilespmem:s22], [sflag:$0x5], $0x68, s11, s21, $0xb8;
	[tilespmem:$0x1FC08] =	vst v63  }
0x54: {  	_ =	swait.ge [sflag:s18], $0x3400  }
0x55: {  	[sflag:s18] =	ssyncset.done $0x0  }
0x56: {  	s11 =	sadd.s32 $0x11A08, s10;
	[sflag:s18] =	ssyncadd.s32 $0xFFFFCC00  }
0x57: {  	[tilespmem:s22], [sflag:$0x1] =	stream.indirect.gather [hbm4b:s4+s21], $0x68, s11, s21, $0xb8;
	[tilespmem:$0x1FC08] =	vst v63  }
0x58: {  	_ =	swait.ge [sflag:s30], $0x3400  }
0x59: {  	[sflag:s30] =	ssyncset.done $0x0  }
0x5a: {  	s11 =	sadd.s32 $0x10488, s10;
	[sflag:s30] =	ssyncadd.s32 $0xFFFFCC00  }
0x5b: {  	[spmem:s2] =	stream.indirect.scatter.add.f32 [tilespmem:s24], [sflag:$0x5], $0x68, s11, s21, $0xb8;
	[tilespmem:$0x1FC08] =	vst v63  }
0x5c: {  	_ =	swait.ge [sflag:s18], $0x3400  }
0x5d: {  	[sflag:s18] =	ssyncset.done $0x0  }
0x5e: {  	s11 =	sadd.s32 $0x11A88, s10;
	[sflag:s18] =	ssyncadd.s32 $0xFFFFCC00  }
0x5f: {  	[tilespmem:s24], [sflag:$0x2] =	stream.indirect.gather [hbm4b:s4+s21], $0x68, s11, s21, $0xb8;
	[tilespmem:$0x1FC08] =	vst v63  }
0x60: {  	_ =	swait.ge [sflag:s31], $0x3400  }
0x61: {  	[sflag:s31] =	ssyncset.done $0x0  }
0x62: {  	s11 =	sadd.s32 $0x10508, s10;
	[sflag:s31] =	ssyncadd.s32 $0xFFFFCC00  }
0x63: {  	[spmem:s2] =	stream.indirect.scatter.add.f32 [tilespmem:s26], [sflag:$0x5], $0x68, s11, s21, $0xb8;
	[tilespmem:$0x1FC08] =	vst v63  }
0x64: {  	_ =	swait.ge [sflag:s18], $0x3400  }
0x65: {  	[sflag:s18] =	ssyncset.done $0x0  }
0x66: {  	s11 =	sadd.s32 $0x11B08, s10;
	[sflag:s18] =	ssyncadd.s32 $0xFFFFCC00  }
0x67: {  	[tilespmem:s26], [sflag:$0x3] =	stream.indirect.gather [hbm4b:s4+s21], $0x68, s11, s21, $0xb8;
	[tilespmem:$0x1FC08] =	vst v63  }
0x68: {  	_ =	swait.ge [sflag:s1], $0x3400  }
.Ltmp0:
0x69: {  	[sflag:s1] =	ssyncset.done $0x0;
	(pc) =	sbr.rel @p0 .LBB2_2-.Ltmp0, $4  }
0x6a: {  	s10 =	sadd.s32 $0x10588, s10;
	[sflag:s1] =	ssyncadd.s32 $0xFFFFCC00  }
0x6b: {  	[spmem:s2] =	stream.indirect.scatter.add.f32 [tilespmem:s28], [sflag:$0x5], $0x68, s10, s21, $0xb8;
	[tilespmem:$0x1FC08] =	vst v63  }
0x6c: {  	_ =	swait.ge [sflag:s18], $0x3400  }
0x6d: {  	s11 =	smov.u32 s13;
	s10 =	sshra.s32 s12, $0x2;
	[sflag:s18] =	ssyncset.done $0x0  }
0x6e: {  	s11 =	sadd.s32 $0x11988, s10;
	[sflag:s18] =	ssyncadd.s32 $0xFFFFCC00  }
0x6f: {  	[tilespmem:s28], [sflag:$0x4] =	stream.indirect.gather [hbm4b:s4+s21], $0x68, s11, s21, $0xb8;
	[tilespmem:$0x1FC08] =	vst v63  }
0x70: {  	_ =	swait.ge [sflag:s29], $0x3400  }
0x71: {  	[sflag:s29] =	ssyncset.done $0x0  }
0x72: {  	s12 =	sadd.s32 $0x10408, s10;
	[sflag:s29] =	ssyncadd.s32 $0xFFFFCC00  }
0x73: {  	[spmem:s2] =	stream.indirect.scatter.add.f32 [tilespmem:s22], [sflag:$0x5], $0x68, s12, s21, $0xb8;
	[tilespmem:$0x1FC08] =	vst v63  }
0x74: {  	_ =	swait.ge [sflag:s18], $0x3400  }
0x75: {  	[sflag:s18] =	ssyncset.done $0x0  }
0x76: {  	s13 =	sadd.s32 $0x11A08, s10;
	[sflag:s18] =	ssyncadd.s32 $0xFFFFCC00  }
0x77: {  	[tilespmem:s22], [sflag:$0x1] =	stream.indirect.gather [hbm4b:s4+s21], $0x68, s13, s21, $0xb8;
	[tilespmem:$0x1FC08] =	vst v63  }
0x78: {  	_ =	swait.ge [sflag:s30], $0x3400  }
0x79: {  	[sflag:s30] =	ssyncset.done $0x0  }
0x7a: {  	s14 =	sadd.s32 $0x10488, s10;
	[sflag:s30] =	ssyncadd.s32 $0xFFFFCC00  }
0x7b: {  	[spmem:s2] =	stream.indirect.scatter.add.f32 [tilespmem:s24], [sflag:$0x5], $0x68, s14, s21, $0xb8;
	[tilespmem:$0x1FC08] =	vst v63  }
0x7c: {  	_ =	swait.ge [sflag:s18], $0x3400  }
0x7d: {  	[sflag:s18] =	ssyncset.done $0x0  }
0x7e: {  	s12 =	sadd.s32 $0x11A88, s10;
	[sflag:s18] =	ssyncadd.s32 $0xFFFFCC00  }
0x7f: {  	[tilespmem:s24], [sflag:$0x2] =	stream.indirect.gather [hbm4b:s4+s21], $0x68, s12, s21, $0xb8;
	[tilespmem:$0x1FC08] =	vst v63  }
0x80: {  	_ =	swait.ge [sflag:s31], $0x3400  }
0x81: {  	[sflag:s31] =	ssyncset.done $0x0  }
0x82: {  	s13 =	sadd.s32 $0x10508, s10;
	[sflag:s31] =	ssyncadd.s32 $0xFFFFCC00  }
0x83: {  	[spmem:s2] =	stream.indirect.scatter.add.f32 [tilespmem:s26], [sflag:$0x5], $0x68, s13, s21, $0xb8;
	[tilespmem:$0x1FC08] =	vst v63  }
0x84: {  	_ =	swait.ge [sflag:s18], $0x3400  }
0x85: {  	[sflag:s18] =	ssyncset.done $0x0  }
0x86: {  	s14 =	sadd.s32 $0x11B08, s10;
	[sflag:s18] =	ssyncadd.s32 $0xFFFFCC00  }
0x87: {  	[tilespmem:s26], [sflag:$0x3] =	stream.indirect.gather [hbm4b:s4+s21], $0x68, s14, s21, $0xb8;
	[tilespmem:$0x1FC08] =	vst v63  }
0x88: {  	_ =	swait.ge [sflag:s1], $0x3400  }
0x89: {  	[sflag:s1] =	ssyncset.done $0x0  }
0x8a: {  	s11 =	sadd.s32 $0x10588, s10;
	[sflag:s1] =	ssyncadd.s32 $0xFFFFCC00  }
0x8b: {  	[spmem:s2] =	stream.indirect.scatter.add.f32 [tilespmem:s28], [sflag:$0x5], $0x68, s11, s21, $0xb8;
	[tilespmem:$0x1FC08] =	vst v63  }
0x8c: {  	_ =	swait.ge [sflag:s18], $0x3400  }
0x8d: {  	[sflag:s18] =	ssyncset.done $0x0  }
0x8e: {  	[sflag:s18] =	ssyncadd.s32 $0xFFFFCC00  }
0x8f: {  	[tilespmem:s28], [sflag:$0x4] =	stream.indirect.gather [hbm4b:s4+s21], $0x68, s0, s21, $0xb8;
	[tilespmem:$0x1FC08] =	vst v63  }
0x90: {  	_ =	swait.ge [sflag:s29], $0x3400  }
0x91: {  	[sflag:s29] =	ssyncset.done $0x0  }
0x92: {  	[sflag:s29] =	ssyncadd.s32 $0xFFFFCC00  }
0x93: {  	[spmem:s2] =	stream.indirect.scatter.add.f32 [tilespmem:s22], [sflag:$0x5], $0x68, s3, s21, $0xb8;
	[tilespmem:$0x1FC08] =	vst v63  }
0x94: {  	_ =	swait.ge [sflag:s18], $0x3400  }
0x95: {  	[sflag:s18] =	ssyncset.done $0x0  }
0x96: {  	[sflag:s18] =	ssyncadd.s32 $0xFFFFCC00  }
0x97: {  	_ =	swait.ge [sflag:s30], $0x3400  }
0x98: {  	[sflag:s30] =	ssyncset.done $0x0  }
0x99: {  	[sflag:s30] =	ssyncadd.s32 $0xFFFFCC00  }
0x9a: {  	[spmem:s2] =	stream.indirect.scatter.add.f32 [tilespmem:s24], [sflag:$0x5], $0x68, s5, s21, $0xb8;
	[tilespmem:$0x1FC08] =	vst v63  }
0x9b: {  	_ =	swait.ge [sflag:s18], $0x3400  }
0x9c: {  	[sflag:s18] =	ssyncset.done $0x0  }
0x9d: {  	[sflag:s18] =	ssyncadd.s32 $0xFFFFCC00  }
0x9e: {  	_ =	swait.ge [sflag:s31], $0x3400  }
0x9f: {  	[sflag:s31] =	ssyncset.done $0x0  }
0xa0: {  	[sflag:s31] =	ssyncadd.s32 $0xFFFFCC00  }
0xa1: {  	[spmem:s2] =	stream.indirect.scatter.add.f32 [tilespmem:s26], [sflag:$0x5], $0x68, s7, s21, $0xb8;
	[tilespmem:$0x1FC08] =	vst v63  }
0xa2: {  	_ =	swait.ge [sflag:s18], $0x3400  }
0xa3: {  	[sflag:s18] =	ssyncset.done $0x0  }
0xa4: {  	[sflag:s18] =	ssyncadd.s32 $0xFFFFCC00  }
0xa5: {  	_ =	swait.ge [sflag:s1], $0x3400  }
0xa6: {  	[sflag:s1] =	ssyncset.done $0x0  }
0xa7: {  	[sflag:s1] =	ssyncadd.s32 $0xFFFFCC00  }
0xa8: {  	[spmem:s2] =	stream.indirect.scatter.add.f32 [tilespmem:s28], [sflag:$0x5], $0x68, s8, s21, $0xb8;
	[tilespmem:$0x1FC08] =	vst v63  }
0xa9: {  	_ =	swait.ge [sflag:s18], $0x3400  }
0xaa: {  	[sflag:s18] =	ssyncset.done $0x0  }
0xab: {  	s12 =	simm.s32 $0x0;
	s13 =	rddreg [dreg:$0x6];
	[sflag:s18] =	ssyncadd.s32 $0xFFFFCC00  }
0xac: {  	[tilespmem:s19], [sflag:$0x5] =	stream.linear.gather [hbm4b:s13+s12], $0x1400, $0x38;
	[tilespmem:$0x1FC08] =	vst v63  }
0xad: {  	_ =	swait.ge [sflag:s18], $0x1400  }
0xae: {  	[sflag:s18] =	ssyncset.done $0x0  }
0xaf: {  	s14 =	rddreg [dreg:$0x7];
	[sflag:s18] =	ssyncadd.s32 $0xFFFFEC00  }
0xb0: {  	[tilespmem:s20], [sflag:$0x5] =	stream.linear.gather [hbm4b:s14+s12], $0x1400, $0x38;
	[tilespmem:$0x1FC08] =	vst v63  }
0xb1: {  	_ =	swait.ge [sflag:s18], $0x1400  }
0xb2: {  	[sflag:s18] =	ssyncset.done $0x0  }
0xb3: {  	[sflag:s18] =	ssyncadd.s32 $0xFFFFEC00  }
0xb4: {  	[tilespmem:s22], [sflag:$0x1] =	stream.indirect.gather [hbm4b:s4+s21], $0x68, s19, s21, $0xb8;
	[tilespmem:$0x1FC08] =	vst v63  }
0xb5: {  	_ = 	snop  }
0xb6: {  	[tilespmem:s24], [sflag:$0x2] =	stream.indirect.gather [hbm4b:s4+s21], $0x68, s23, s21, $0xb8;
	[tilespmem:$0x1FC08] =	vst v63  }
0xb7: {  	_ = 	snop  }
0xb8: {  	[tilespmem:s26], [sflag:$0x3] =	stream.indirect.gather [hbm4b:s4+s21], $0x68, s25, s21, $0xb8;
	[tilespmem:$0x1FC08] =	vst v63  }
0xb9: {  	s11 =	simm.s32 $0x11988  }
0xba: {  	[tilespmem:s28], [sflag:$0x4] =	stream.indirect.gather [hbm4b:s4+s21], $0x68, s11, s21, $0xb8;
	[tilespmem:$0x1FC08] =	vst v63  }
0xbb: {  	_ =	swait.ge [sflag:s29], $0x3400  }
0xbc: {  	[sflag:s29] =	ssyncset.done $0x0  }
0xbd: {  	s12 =	simm.s32 $0x10408;
	[sflag:s29] =	ssyncadd.s32 $0xFFFFCC00  }
0xbe: {  	[spmem:s2] =	stream.indirect.scatter.add.f32 [tilespmem:s22], [sflag:$0x5], $0x68, s12, s21, $0xb8;
	[tilespmem:$0x1FC08] =	vst v63  }
0xbf: {  	_ =	swait.ge [sflag:s18], $0x3400  }
0xc0: {  	[sflag:s18] =	ssyncset.done $0x0  }
0xc1: {  	s13 =	simm.s32 $0x11A08;
	[sflag:s18] =	ssyncadd.s32 $0xFFFFCC00  }
0xc2: {  	[tilespmem:s22], [sflag:$0x1] =	stream.indirect.gather [hbm4b:s4+s21], $0x68, s13, s21, $0xb8;
	[tilespmem:$0x1FC08] =	vst v63  }
0xc3: {  	_ =	swait.ge [sflag:s30], $0x3400  }
0xc4: {  	[sflag:s30] =	ssyncset.done $0x0  }
0xc5: {  	s14 =	simm.s32 $0x10488;
	[sflag:s30] =	ssyncadd.s32 $0xFFFFCC00  }
0xc6: {  	[spmem:s2] =	stream.indirect.scatter.add.f32 [tilespmem:s24], [sflag:$0x5], $0x68, s14, s21, $0xb8;
	[tilespmem:$0x1FC08] =	vst v63  }
0xc7: {  	_ =	swait.ge [sflag:s18], $0x3400  }
0xc8: {  	[sflag:s18] =	ssyncset.done $0x0  }
0xc9: {  	s11 =	simm.s32 $0x11A88;
	[sflag:s18] =	ssyncadd.s32 $0xFFFFCC00  }
0xca: {  	[tilespmem:s24], [sflag:$0x2] =	stream.indirect.gather [hbm4b:s4+s21], $0x68, s11, s21, $0xb8;
	[tilespmem:$0x1FC08] =	vst v63  }
0xcb: {  	_ =	swait.ge [sflag:s31], $0x3400  }
0xcc: {  	[sflag:s31] =	ssyncset.done $0x0  }
0xcd: {  	s12 =	simm.s32 $0x10508;
	[sflag:s31] =	ssyncadd.s32 $0xFFFFCC00  }
0xce: {  	[spmem:s2] =	stream.indirect.scatter.add.f32 [tilespmem:s26], [sflag:$0x5], $0x68, s12, s21, $0xb8;
	[tilespmem:$0x1FC08] =	vst v63  }
0xcf: {  	_ =	swait.ge [sflag:s18], $0x3400  }
0xd0: {  	[sflag:s18] =	ssyncset.done $0x0  }
0xd1: {  	s13 =	simm.s32 $0x11B08;
	[sflag:s18] =	ssyncadd.s32 $0xFFFFCC00  }
0xd2: {  	[tilespmem:s26], [sflag:$0x3] =	stream.indirect.gather [hbm4b:s4+s21], $0x68, s13, s21, $0xb8;
	[tilespmem:$0x1FC08] =	vst v63  }
0xd3: {  	_ =	swait.ge [sflag:s1], $0x3400  }
0xd4: {  	[sflag:s1] =	ssyncset.done $0x0  }
0xd5: {  	s14 =	simm.s32 $0x10588;
	[sflag:s1] =	ssyncadd.s32 $0xFFFFCC00  }
0xd6: {  	[spmem:s2] =	stream.indirect.scatter.add.f32 [tilespmem:s28], [sflag:$0x5], $0x68, s14, s21, $0xb8;
	[tilespmem:$0x1FC08] =	vst v63  }
0xd7: {  	_ =	swait.ge [sflag:s18], $0x3400  }
0xd8: {  	s10 =	simm.s32 $0x200;
	s13 =	simm.s32 $0x1000;
	[sflag:s18] =	ssyncset.done $0x0  }
.LBB2_4:
0xd9: {  	s14 =	sadd.s32 $0x11988, s10  }
0xda: {  	[sflag:s18] =	ssyncadd.s32 $0xFFFFCC00;
	s12 =	smov.u32 s13;
	s11 =	sadd.s32 $0x800, s13  }
0xdb: {  	[tilespmem:s28], [sflag:$0x4] =	stream.indirect.gather [hbm4b:s4+s21], $0x68, s14, s21, $0xb8;
	[tilespmem:$0x1FC08] =	vst v63  }
0xdc: {  	p0 =	sne.s32 s13, $0x4000;
	_ =	swait.ge [sflag:s29], $0x3400  }
0xdd: {  	[sflag:s29] =	ssyncset.done $0x0  }
0xde: {  	s13 =	sadd.s32 $0x10408, s10;
	[sflag:s29] =	ssyncadd.s32 $0xFFFFCC00  }
0xdf: {  	[spmem:s2] =	stream.indirect.scatter.add.f32 [tilespmem:s22], [sflag:$0x5], $0x68, s13, s21, $0xb8;
	[tilespmem:$0x1FC08] =	vst v63  }
0xe0: {  	_ =	swait.ge [sflag:s18], $0x3400  }
0xe1: {  	[sflag:s18] =	ssyncset.done $0x0  }
0xe2: {  	s13 =	sadd.s32 $0x11A08, s10;
	[sflag:s18] =	ssyncadd.s32 $0xFFFFCC00  }
0xe3: {  	[tilespmem:s22], [sflag:$0x1] =	stream.indirect.gather [hbm4b:s4+s21], $0x68, s13, s21, $0xb8;
	[tilespmem:$0x1FC08] =	vst v63  }
0xe4: {  	_ =	swait.ge [sflag:s30], $0x3400  }
0xe5: {  	[sflag:s30] =	ssyncset.done $0x0  }
0xe6: {  	s13 =	sadd.s32 $0x10488, s10;
	[sflag:s30] =	ssyncadd.s32 $0xFFFFCC00  }
0xe7: {  	[spmem:s2] =	stream.indirect.scatter.add.f32 [tilespmem:s24], [sflag:$0x5], $0x68, s13, s21, $0xb8;
	[tilespmem:$0x1FC08] =	vst v63  }
0xe8: {  	_ =	swait.ge [sflag:s18], $0x3400  }
0xe9: {  	[sflag:s18] =	ssyncset.done $0x0  }
0xea: {  	s13 =	sadd.s32 $0x11A88, s10;
	[sflag:s18] =	ssyncadd.s32 $0xFFFFCC00  }
0xeb: {  	[tilespmem:s24], [sflag:$0x2] =	stream.indirect.gather [hbm4b:s4+s21], $0x68, s13, s21, $0xb8;
	[tilespmem:$0x1FC08] =	vst v63  }
0xec: {  	_ =	swait.ge [sflag:s31], $0x3400  }
0xed: {  	[sflag:s31] =	ssyncset.done $0x0  }
0xee: {  	s13 =	sadd.s32 $0x10508, s10;
	[sflag:s31] =	ssyncadd.s32 $0xFFFFCC00  }
0xef: {  	[spmem:s2] =	stream.indirect.scatter.add.f32 [tilespmem:s26], [sflag:$0x5], $0x68, s13, s21, $0xb8;
	[tilespmem:$0x1FC08] =	vst v63  }
0xf0: {  	_ =	swait.ge [sflag:s18], $0x3400  }
0xf1: {  	[sflag:s18] =	ssyncset.done $0x0  }
0xf2: {  	s13 =	sadd.s32 $0x11B08, s10;
	[sflag:s18] =	ssyncadd.s32 $0xFFFFCC00  }
0xf3: {  	[tilespmem:s26], [sflag:$0x3] =	stream.indirect.gather [hbm4b:s4+s21], $0x68, s13, s21, $0xb8;
	[tilespmem:$0x1FC08] =	vst v63  }
0xf4: {  	_ =	swait.ge [sflag:s1], $0x3400  }
.Ltmp1:
0xf5: {  	[sflag:s1] =	ssyncset.done $0x0;
	(pc) =	sbr.rel @p0 .LBB2_4-.Ltmp1, $4  }
0xf6: {  	s10 =	sadd.s32 $0x10588, s10;
	[sflag:s1] =	ssyncadd.s32 $0xFFFFCC00  }
0xf7: {  	[spmem:s2] =	stream.indirect.scatter.add.f32 [tilespmem:s28], [sflag:$0x5], $0x68, s10, s21, $0xb8;
	[tilespmem:$0x1FC08] =	vst v63  }
0xf8: {  	_ =	swait.ge [sflag:s18], $0x3400  }
0xf9: {  	s13 =	smov.u32 s11;
	s10 =	sshra.s32 s12, $0x2;
	[sflag:s18] =	ssyncset.done $0x0  }
0xfa: {  	s11 =	sadd.s32 $0x11988, s10;
	[sflag:s18] =	ssyncadd.s32 $0xFFFFCC00  }
0xfb: {  	[tilespmem:s28], [sflag:$0x4] =	stream.indirect.gather [hbm4b:s4+s21], $0x68, s11, s21, $0xb8;
	[tilespmem:$0x1FC08] =	vst v63  }
0xfc: {  	_ =	swait.ge [sflag:s29], $0x3400  }
0xfd: {  	[sflag:s29] =	ssyncset.done $0x0  }
0xfe: {  	s12 =	sadd.s32 $0x10408, s10;
	[sflag:s29] =	ssyncadd.s32 $0xFFFFCC00  }
0xff: {  	[spmem:s2] =	stream.indirect.scatter.add.f32 [tilespmem:s22], [sflag:$0x5], $0x68, s12, s21, $0xb8;
	[tilespmem:$0x1FC08] =	vst v63  }
0x100: {  	_ =	swait.ge [sflag:s18], $0x3400  }
0x101: {  	[sflag:s18] =	ssyncset.done $0x0  }
0x102: {  	s13 =	sadd.s32 $0x11A08, s10;
	[sflag:s18] =	ssyncadd.s32 $0xFFFFCC00  }
0x103: {  	[tilespmem:s22], [sflag:$0x1] =	stream.indirect.gather [hbm4b:s4+s21], $0x68, s13, s21, $0xb8;
	[tilespmem:$0x1FC08] =	vst v63  }
0x104: {  	_ =	swait.ge [sflag:s30], $0x3400  }
0x105: {  	[sflag:s30] =	ssyncset.done $0x0  }
0x106: {  	s14 =	sadd.s32 $0x10488, s10;
	[sflag:s30] =	ssyncadd.s32 $0xFFFFCC00  }
0x107: {  	[spmem:s2] =	stream.indirect.scatter.add.f32 [tilespmem:s24], [sflag:$0x5], $0x68, s14, s21, $0xb8;
	[tilespmem:$0x1FC08] =	vst v63  }
0x108: {  	_ =	swait.ge [sflag:s18], $0x3400  }
0x109: {  	[sflag:s18] =	ssyncset.done $0x0  }
0x10a: {  	s12 =	sadd.s32 $0x11A88, s10;
	[sflag:s18] =	ssyncadd.s32 $0xFFFFCC00  }
0x10b: {  	[tilespmem:s24], [sflag:$0x2] =	stream.indirect.gather [hbm4b:s4+s21], $0x68, s12, s21, $0xb8;
	[tilespmem:$0x1FC08] =	vst v63  }
0x10c: {  	_ =	swait.ge [sflag:s31], $0x3400  }
0x10d: {  	[sflag:s31] =	ssyncset.done $0x0  }
0x10e: {  	s13 =	sadd.s32 $0x10508, s10;
	[sflag:s31] =	ssyncadd.s32 $0xFFFFCC00  }
0x10f: {  	[spmem:s2] =	stream.indirect.scatter.add.f32 [tilespmem:s26], [sflag:$0x5], $0x68, s13, s21, $0xb8;
	[tilespmem:$0x1FC08] =	vst v63  }
0x110: {  	_ =	swait.ge [sflag:s18], $0x3400  }
0x111: {  	[sflag:s18] =	ssyncset.done $0x0  }
0x112: {  	s14 =	sadd.s32 $0x11B08, s10;
	[sflag:s18] =	ssyncadd.s32 $0xFFFFCC00  }
0x113: {  	[tilespmem:s26], [sflag:$0x3] =	stream.indirect.gather [hbm4b:s4+s21], $0x68, s14, s21, $0xb8;
	[tilespmem:$0x1FC08] =	vst v63  }
0x114: {  	_ =	swait.ge [sflag:s1], $0x3400  }
0x115: {  	[sflag:s1] =	ssyncset.done $0x0  }
0x116: {  	s11 =	sadd.s32 $0x10588, s10;
	[sflag:s1] =	ssyncadd.s32 $0xFFFFCC00  }
0x117: {  	[spmem:s2] =	stream.indirect.scatter.add.f32 [tilespmem:s28], [sflag:$0x5], $0x68, s11, s21, $0xb8;
	[tilespmem:$0x1FC08] =	vst v63  }
0x118: {  	_ =	swait.ge [sflag:s18], $0x3400  }
0x119: {  	[sflag:s18] =	ssyncset.done $0x0  }
0x11a: {  	[sflag:s18] =	ssyncadd.s32 $0xFFFFCC00  }
0x11b: {  	[tilespmem:s28], [sflag:$0x4] =	stream.indirect.gather [hbm4b:s4+s21], $0x68, s0, s21, $0xb8;
	[tilespmem:$0x1FC08] =	vst v63  }
0x11c: {  	_ =	swait.ge [sflag:s29], $0x3400  }
0x11d: {  	[sflag:s29] =	ssyncset.done $0x0  }
0x11e: {  	[sflag:s29] =	ssyncadd.s32 $0xFFFFCC00  }
0x11f: {  	[spmem:s2] =	stream.indirect.scatter.add.f32 [tilespmem:s22], [sflag:$0x5], $0x68, s3, s21, $0xb8;
	[tilespmem:$0x1FC08] =	vst v63  }
0x120: {  	_ =	swait.ge [sflag:s18], $0x3400  }
0x121: {  	[sflag:s18] =	ssyncset.done $0x0  }
0x122: {  	[sflag:s18] =	ssyncadd.s32 $0xFFFFCC00  }
0x123: {  	_ =	swait.ge [sflag:s30], $0x3400  }
0x124: {  	[sflag:s30] =	ssyncset.done $0x0  }
0x125: {  	[sflag:s30] =	ssyncadd.s32 $0xFFFFCC00  }
0x126: {  	[spmem:s2] =	stream.indirect.scatter.add.f32 [tilespmem:s24], [sflag:$0x5], $0x68, s5, s21, $0xb8;
	[tilespmem:$0x1FC08] =	vst v63  }
0x127: {  	_ =	swait.ge [sflag:s18], $0x3400  }
0x128: {  	[sflag:s18] =	ssyncset.done $0x0  }
0x129: {  	[sflag:s18] =	ssyncadd.s32 $0xFFFFCC00  }
0x12a: {  	_ =	swait.ge [sflag:s31], $0x3400  }
0x12b: {  	[sflag:s31] =	ssyncset.done $0x0  }
0x12c: {  	[sflag:s31] =	ssyncadd.s32 $0xFFFFCC00  }
0x12d: {  	[spmem:s2] =	stream.indirect.scatter.add.f32 [tilespmem:s26], [sflag:$0x5], $0x68, s7, s21, $0xb8;
	[tilespmem:$0x1FC08] =	vst v63  }
0x12e: {  	_ =	swait.ge [sflag:s18], $0x3400  }
0x12f: {  	[sflag:s18] =	ssyncset.done $0x0  }
0x130: {  	[sflag:s18] =	ssyncadd.s32 $0xFFFFCC00  }
0x131: {  	_ =	swait.ge [sflag:s1], $0x3400  }
0x132: {  	[sflag:s1] =	ssyncset.done $0x0  }
0x133: {  	[sflag:s1] =	ssyncadd.s32 $0xFFFFCC00  }
0x134: {  	[spmem:s2] =	stream.indirect.scatter.add.f32 [tilespmem:s28], [sflag:$0x5], $0x68, s8, s21, $0xb8;
	[tilespmem:$0x1FC08] =	vst v63  }
0x135: {  	_ =	swait.ge [sflag:s18], $0x3400  }
0x136: {  	[sflag:s18] =	ssyncset.done $0x0  }
0x137: {  	s12 =	simm.s32 $0x0;
	s13 =	rddreg [dreg:$0x8];
	[sflag:s18] =	ssyncadd.s32 $0xFFFFCC00  }
0x138: {  	[tilespmem:s19], [sflag:$0x5] =	stream.linear.gather [hbm4b:s13+s12], $0x1400, $0x38;
	[tilespmem:$0x1FC08] =	vst v63  }
0x139: {  	_ =	swait.ge [sflag:s18], $0x1400  }
0x13a: {  	[sflag:s18] =	ssyncset.done $0x0  }
0x13b: {  	s14 =	rddreg [dreg:$0x9];
	[sflag:s18] =	ssyncadd.s32 $0xFFFFEC00  }
0x13c: {  	[tilespmem:s20], [sflag:$0x5] =	stream.linear.gather [hbm4b:s14+s12], $0x1400, $0x38;
	[tilespmem:$0x1FC08] =	vst v63  }
0x13d: {  	_ =	swait.ge [sflag:s18], $0x1400  }
0x13e: {  	[sflag:s18] =	ssyncset.done $0x0  }
0x13f: {  	[sflag:s18] =	ssyncadd.s32 $0xFFFFEC00  }
0x140: {  	[tilespmem:s22], [sflag:$0x1] =	stream.indirect.gather [hbm4b:s4+s21], $0x68, s19, s21, $0xb8;
	[tilespmem:$0x1FC08] =	vst v63  }
0x141: {  	_ = 	snop  }
0x142: {  	[tilespmem:s24], [sflag:$0x2] =	stream.indirect.gather [hbm4b:s4+s21], $0x68, s23, s21, $0xb8;
	[tilespmem:$0x1FC08] =	vst v63  }
0x143: {  	_ = 	snop  }
0x144: {  	[tilespmem:s26], [sflag:$0x3] =	stream.indirect.gather [hbm4b:s4+s21], $0x68, s25, s21, $0xb8;
	[tilespmem:$0x1FC08] =	vst v63  }
0x145: {  	s11 =	simm.s32 $0x11988  }
0x146: {  	[tilespmem:s28], [sflag:$0x4] =	stream.indirect.gather [hbm4b:s4+s21], $0x68, s11, s21, $0xb8;
	[tilespmem:$0x1FC08] =	vst v63  }
0x147: {  	_ =	swait.ge [sflag:s29], $0x3400  }
0x148: {  	[sflag:s29] =	ssyncset.done $0x0  }
0x149: {  	s12 =	simm.s32 $0x10408;
	[sflag:s29] =	ssyncadd.s32 $0xFFFFCC00  }
0x14a: {  	[spmem:s2] =	stream.indirect.scatter.add.f32 [tilespmem:s22], [sflag:$0x5], $0x68, s12, s21, $0xb8;
	[tilespmem:$0x1FC08] =	vst v63  }
0x14b: {  	_ =	swait.ge [sflag:s18], $0x3400  }
0x14c: {  	[sflag:s18] =	ssyncset.done $0x0  }
0x14d: {  	s13 =	simm.s32 $0x11A08;
	[sflag:s18] =	ssyncadd.s32 $0xFFFFCC00  }
0x14e: {  	[tilespmem:s22], [sflag:$0x1] =	stream.indirect.gather [hbm4b:s4+s21], $0x68, s13, s21, $0xb8;
	[tilespmem:$0x1FC08] =	vst v63  }
0x14f: {  	_ =	swait.ge [sflag:s30], $0x3400  }
0x150: {  	[sflag:s30] =	ssyncset.done $0x0  }
0x151: {  	s14 =	simm.s32 $0x10488;
	[sflag:s30] =	ssyncadd.s32 $0xFFFFCC00  }
0x152: {  	[spmem:s2] =	stream.indirect.scatter.add.f32 [tilespmem:s24], [sflag:$0x5], $0x68, s14, s21, $0xb8;
	[tilespmem:$0x1FC08] =	vst v63  }
0x153: {  	_ =	swait.ge [sflag:s18], $0x3400  }
0x154: {  	[sflag:s18] =	ssyncset.done $0x0  }
0x155: {  	s11 =	simm.s32 $0x11A88;
	[sflag:s18] =	ssyncadd.s32 $0xFFFFCC00  }
0x156: {  	[tilespmem:s24], [sflag:$0x2] =	stream.indirect.gather [hbm4b:s4+s21], $0x68, s11, s21, $0xb8;
	[tilespmem:$0x1FC08] =	vst v63  }
0x157: {  	_ =	swait.ge [sflag:s31], $0x3400  }
0x158: {  	[sflag:s31] =	ssyncset.done $0x0  }
0x159: {  	s12 =	simm.s32 $0x10508;
	[sflag:s31] =	ssyncadd.s32 $0xFFFFCC00  }
0x15a: {  	[spmem:s2] =	stream.indirect.scatter.add.f32 [tilespmem:s26], [sflag:$0x5], $0x68, s12, s21, $0xb8;
	[tilespmem:$0x1FC08] =	vst v63  }
0x15b: {  	_ =	swait.ge [sflag:s18], $0x3400  }
0x15c: {  	[sflag:s18] =	ssyncset.done $0x0  }
0x15d: {  	s13 =	simm.s32 $0x11B08;
	[sflag:s18] =	ssyncadd.s32 $0xFFFFCC00  }
0x15e: {  	[tilespmem:s26], [sflag:$0x3] =	stream.indirect.gather [hbm4b:s4+s21], $0x68, s13, s21, $0xb8;
	[tilespmem:$0x1FC08] =	vst v63  }
0x15f: {  	_ =	swait.ge [sflag:s1], $0x3400  }
0x160: {  	[sflag:s1] =	ssyncset.done $0x0  }
0x161: {  	s14 =	simm.s32 $0x10588;
	[sflag:s1] =	ssyncadd.s32 $0xFFFFCC00  }
0x162: {  	[spmem:s2] =	stream.indirect.scatter.add.f32 [tilespmem:s28], [sflag:$0x5], $0x68, s14, s21, $0xb8;
	[tilespmem:$0x1FC08] =	vst v63  }
0x163: {  	_ =	swait.ge [sflag:s18], $0x3400  }
0x164: {  	s10 =	simm.s32 $0x200;
	s13 =	simm.s32 $0x1000;
	[sflag:s18] =	ssyncset.done $0x0  }
.LBB2_6:
0x165: {  	s14 =	sadd.s32 $0x11988, s10  }
0x166: {  	[sflag:s18] =	ssyncadd.s32 $0xFFFFCC00;
	s12 =	smov.u32 s13;
	s11 =	sadd.s32 $0x800, s13  }
0x167: {  	[tilespmem:s28], [sflag:$0x4] =	stream.indirect.gather [hbm4b:s4+s21], $0x68, s14, s21, $0xb8;
	[tilespmem:$0x1FC08] =	vst v63  }
0x168: {  	p0 =	sne.s32 s13, $0x4000;
	_ =	swait.ge [sflag:s29], $0x3400  }
0x169: {  	[sflag:s29] =	ssyncset.done $0x0  }
0x16a: {  	s13 =	sadd.s32 $0x10408, s10;
	[sflag:s29] =	ssyncadd.s32 $0xFFFFCC00  }
0x16b: {  	[spmem:s2] =	stream.indirect.scatter.add.f32 [tilespmem:s22], [sflag:$0x5], $0x68, s13, s21, $0xb8;
	[tilespmem:$0x1FC08] =	vst v63  }
0x16c: {  	_ =	swait.ge [sflag:s18], $0x3400  }
0x16d: {  	[sflag:s18] =	ssyncset.done $0x0  }
0x16e: {  	s13 =	sadd.s32 $0x11A08, s10;
	[sflag:s18] =	ssyncadd.s32 $0xFFFFCC00  }
0x16f: {  	[tilespmem:s22], [sflag:$0x1] =	stream.indirect.gather [hbm4b:s4+s21], $0x68, s13, s21, $0xb8;
	[tilespmem:$0x1FC08] =	vst v63  }
0x170: {  	_ =	swait.ge [sflag:s30], $0x3400  }
0x171: {  	[sflag:s30] =	ssyncset.done $0x0  }
0x172: {  	s13 =	sadd.s32 $0x10488, s10;
	[sflag:s30] =	ssyncadd.s32 $0xFFFFCC00  }
0x173: {  	[spmem:s2] =	stream.indirect.scatter.add.f32 [tilespmem:s24], [sflag:$0x5], $0x68, s13, s21, $0xb8;
	[tilespmem:$0x1FC08] =	vst v63  }
0x174: {  	_ =	swait.ge [sflag:s18], $0x3400  }
0x175: {  	[sflag:s18] =	ssyncset.done $0x0  }
0x176: {  	s13 =	sadd.s32 $0x11A88, s10;
	[sflag:s18] =	ssyncadd.s32 $0xFFFFCC00  }
0x177: {  	[tilespmem:s24], [sflag:$0x2] =	stream.indirect.gather [hbm4b:s4+s21], $0x68, s13, s21, $0xb8;
	[tilespmem:$0x1FC08] =	vst v63  }
0x178: {  	_ =	swait.ge [sflag:s31], $0x3400  }
0x179: {  	[sflag:s31] =	ssyncset.done $0x0  }
0x17a: {  	s13 =	sadd.s32 $0x10508, s10;
	[sflag:s31] =	ssyncadd.s32 $0xFFFFCC00  }
0x17b: {  	[spmem:s2] =	stream.indirect.scatter.add.f32 [tilespmem:s26], [sflag:$0x5], $0x68, s13, s21, $0xb8;
	[tilespmem:$0x1FC08] =	vst v63  }
0x17c: {  	_ =	swait.ge [sflag:s18], $0x3400  }
0x17d: {  	[sflag:s18] =	ssyncset.done $0x0  }
0x17e: {  	s13 =	sadd.s32 $0x11B08, s10;
	[sflag:s18] =	ssyncadd.s32 $0xFFFFCC00  }
0x17f: {  	[tilespmem:s26], [sflag:$0x3] =	stream.indirect.gather [hbm4b:s4+s21], $0x68, s13, s21, $0xb8;
	[tilespmem:$0x1FC08] =	vst v63  }
0x180: {  	_ =	swait.ge [sflag:s1], $0x3400  }
.Ltmp2:
0x181: {  	[sflag:s1] =	ssyncset.done $0x0;
	(pc) =	sbr.rel @p0 .LBB2_6-.Ltmp2, $4  }
0x182: {  	s10 =	sadd.s32 $0x10588, s10;
	[sflag:s1] =	ssyncadd.s32 $0xFFFFCC00  }
0x183: {  	[spmem:s2] =	stream.indirect.scatter.add.f32 [tilespmem:s28], [sflag:$0x5], $0x68, s10, s21, $0xb8;
	[tilespmem:$0x1FC08] =	vst v63  }
0x184: {  	_ =	swait.ge [sflag:s18], $0x3400  }
0x185: {  	s13 =	smov.u32 s11;
	s10 =	sshra.s32 s12, $0x2;
	[sflag:s18] =	ssyncset.done $0x0  }
0x186: {  	s11 =	sadd.s32 $0x11988, s10;
	[sflag:s18] =	ssyncadd.s32 $0xFFFFCC00  }
0x187: {  	[tilespmem:s28], [sflag:$0x4] =	stream.indirect.gather [hbm4b:s4+s21], $0x68, s11, s21, $0xb8;
	[tilespmem:$0x1FC08] =	vst v63  }
0x188: {  	_ =	swait.ge [sflag:s29], $0x3400  }
0x189: {  	[sflag:s29] =	ssyncset.done $0x0  }
0x18a: {  	s12 =	sadd.s32 $0x10408, s10;
	[sflag:s29] =	ssyncadd.s32 $0xFFFFCC00  }
0x18b: {  	[spmem:s2] =	stream.indirect.scatter.add.f32 [tilespmem:s22], [sflag:$0x5], $0x68, s12, s21, $0xb8;
	[tilespmem:$0x1FC08] =	vst v63  }
0x18c: {  	_ =	swait.ge [sflag:s18], $0x3400  }
0x18d: {  	[sflag:s18] =	ssyncset.done $0x0  }
0x18e: {  	s13 =	sadd.s32 $0x11A08, s10;
	[sflag:s18] =	ssyncadd.s32 $0xFFFFCC00  }
0x18f: {  	[tilespmem:s22], [sflag:$0x1] =	stream.indirect.gather [hbm4b:s4+s21], $0x68, s13, s21, $0xb8;
	[tilespmem:$0x1FC08] =	vst v63  }
0x190: {  	_ =	swait.ge [sflag:s30], $0x3400  }
0x191: {  	[sflag:s30] =	ssyncset.done $0x0  }
0x192: {  	s14 =	sadd.s32 $0x10488, s10;
	[sflag:s30] =	ssyncadd.s32 $0xFFFFCC00  }
0x193: {  	[spmem:s2] =	stream.indirect.scatter.add.f32 [tilespmem:s24], [sflag:$0x5], $0x68, s14, s21, $0xb8;
	[tilespmem:$0x1FC08] =	vst v63  }
0x194: {  	_ =	swait.ge [sflag:s18], $0x3400  }
0x195: {  	[sflag:s18] =	ssyncset.done $0x0  }
0x196: {  	s12 =	sadd.s32 $0x11A88, s10;
	[sflag:s18] =	ssyncadd.s32 $0xFFFFCC00  }
0x197: {  	[tilespmem:s24], [sflag:$0x2] =	stream.indirect.gather [hbm4b:s4+s21], $0x68, s12, s21, $0xb8;
	[tilespmem:$0x1FC08] =	vst v63  }
0x198: {  	_ =	swait.ge [sflag:s31], $0x3400  }
0x199: {  	[sflag:s31] =	ssyncset.done $0x0  }
0x19a: {  	s13 =	sadd.s32 $0x10508, s10;
	[sflag:s31] =	ssyncadd.s32 $0xFFFFCC00  }
0x19b: {  	[spmem:s2] =	stream.indirect.scatter.add.f32 [tilespmem:s26], [sflag:$0x5], $0x68, s13, s21, $0xb8;
	[tilespmem:$0x1FC08] =	vst v63  }
0x19c: {  	_ =	swait.ge [sflag:s18], $0x3400  }
0x19d: {  	[sflag:s18] =	ssyncset.done $0x0  }
0x19e: {  	s14 =	sadd.s32 $0x11B08, s10;
	[sflag:s18] =	ssyncadd.s32 $0xFFFFCC00  }
0x19f: {  	[tilespmem:s26], [sflag:$0x3] =	stream.indirect.gather [hbm4b:s4+s21], $0x68, s14, s21, $0xb8;
	[tilespmem:$0x1FC08] =	vst v63  }
0x1a0: {  	_ =	swait.ge [sflag:s1], $0x3400  }
0x1a1: {  	[sflag:s1] =	ssyncset.done $0x0  }
0x1a2: {  	s11 =	sadd.s32 $0x10588, s10;
	[sflag:s1] =	ssyncadd.s32 $0xFFFFCC00  }
0x1a3: {  	[spmem:s2] =	stream.indirect.scatter.add.f32 [tilespmem:s28], [sflag:$0x5], $0x68, s11, s21, $0xb8;
	[tilespmem:$0x1FC08] =	vst v63  }
0x1a4: {  	_ =	swait.ge [sflag:s18], $0x3400  }
0x1a5: {  	[sflag:s18] =	ssyncset.done $0x0  }
0x1a6: {  	[sflag:s18] =	ssyncadd.s32 $0xFFFFCC00  }
0x1a7: {  	[tilespmem:s28], [sflag:$0x4] =	stream.indirect.gather [hbm4b:s4+s21], $0x68, s0, s21, $0xb8;
	[tilespmem:$0x1FC08] =	vst v63  }
0x1a8: {  	_ =	swait.ge [sflag:s29], $0x3400  }
0x1a9: {  	[sflag:s29] =	ssyncset.done $0x0  }
0x1aa: {  	[sflag:s29] =	ssyncadd.s32 $0xFFFFCC00  }
0x1ab: {  	[spmem:s2] =	stream.indirect.scatter.add.f32 [tilespmem:s22], [sflag:$0x5], $0x68, s3, s21, $0xb8;
	[tilespmem:$0x1FC08] =	vst v63  }
0x1ac: {  	_ =	swait.ge [sflag:s18], $0x3400  }
0x1ad: {  	[sflag:s18] =	ssyncset.done $0x0  }
0x1ae: {  	[sflag:s18] =	ssyncadd.s32 $0xFFFFCC00  }
0x1af: {  	_ =	swait.ge [sflag:s30], $0x3400  }
0x1b0: {  	[sflag:s30] =	ssyncset.done $0x0  }
0x1b1: {  	[sflag:s30] =	ssyncadd.s32 $0xFFFFCC00  }
0x1b2: {  	[spmem:s2] =	stream.indirect.scatter.add.f32 [tilespmem:s24], [sflag:$0x5], $0x68, s5, s21, $0xb8;
	[tilespmem:$0x1FC08] =	vst v63  }
0x1b3: {  	_ =	swait.ge [sflag:s18], $0x3400  }
0x1b4: {  	[sflag:s18] =	ssyncset.done $0x0  }
0x1b5: {  	[sflag:s18] =	ssyncadd.s32 $0xFFFFCC00  }
0x1b6: {  	_ =	swait.ge [sflag:s31], $0x3400  }
0x1b7: {  	[sflag:s31] =	ssyncset.done $0x0  }
0x1b8: {  	[sflag:s31] =	ssyncadd.s32 $0xFFFFCC00  }
0x1b9: {  	[spmem:s2] =	stream.indirect.scatter.add.f32 [tilespmem:s26], [sflag:$0x5], $0x68, s7, s21, $0xb8;
	[tilespmem:$0x1FC08] =	vst v63  }
0x1ba: {  	_ =	swait.ge [sflag:s18], $0x3400  }
0x1bb: {  	[sflag:s18] =	ssyncset.done $0x0  }
0x1bc: {  	[sflag:s18] =	ssyncadd.s32 $0xFFFFCC00  }
0x1bd: {  	_ =	swait.ge [sflag:s1], $0x3400  }
0x1be: {  	[sflag:s1] =	ssyncset.done $0x0  }
0x1bf: {  	[sflag:s1] =	ssyncadd.s32 $0xFFFFCC00  }
0x1c0: {  	[spmem:s2] =	stream.indirect.scatter.add.f32 [tilespmem:s28], [sflag:$0x5], $0x68, s8, s21, $0xb8;
	[tilespmem:$0x1FC08] =	vst v63  }
0x1c1: {  	_ =	swait.ge [sflag:s18], $0x3400  }
0x1c2: {  	[sflag:s18] =	ssyncset.done $0x0  }
0x1c3: {  	s12 =	simm.s32 $0x0;
	s13 =	rddreg [dreg:$0xa];
	[sflag:s18] =	ssyncadd.s32 $0xFFFFCC00  }
0x1c4: {  	[tilespmem:s19], [sflag:$0x5] =	stream.linear.gather [hbm4b:s13+s12], $0x1400, $0x38;
	[tilespmem:$0x1FC08] =	vst v63  }
0x1c5: {  	_ =	swait.ge [sflag:s18], $0x1400  }
0x1c6: {  	[sflag:s18] =	ssyncset.done $0x0  }
0x1c7: {  	s14 =	rddreg [dreg:$0xb];
	[sflag:s18] =	ssyncadd.s32 $0xFFFFEC00  }
0x1c8: {  	[tilespmem:s20], [sflag:$0x5] =	stream.linear.gather [hbm4b:s14+s12], $0x1400, $0x38;
	[tilespmem:$0x1FC08] =	vst v63  }
0x1c9: {  	_ =	swait.ge [sflag:s18], $0x1400  }
0x1ca: {  	[sflag:s18] =	ssyncset.done $0x0  }
0x1cb: {  	[sflag:s18] =	ssyncadd.s32 $0xFFFFEC00  }
0x1cc: {  	[tilespmem:s22], [sflag:$0x1] =	stream.indirect.gather [hbm4b:s4+s21], $0x68, s19, s21, $0xb8;
	[tilespmem:$0x1FC08] =	vst v63  }
0x1cd: {  	_ = 	snop  }
0x1ce: {  	[tilespmem:s24], [sflag:$0x2] =	stream.indirect.gather [hbm4b:s4+s21], $0x68, s23, s21, $0xb8;
	[tilespmem:$0x1FC08] =	vst v63  }
0x1cf: {  	_ = 	snop  }
0x1d0: {  	[tilespmem:s26], [sflag:$0x3] =	stream.indirect.gather [hbm4b:s4+s21], $0x68, s25, s21, $0xb8;
	[tilespmem:$0x1FC08] =	vst v63  }
0x1d1: {  	s11 =	simm.s32 $0x11988  }
0x1d2: {  	[tilespmem:s28], [sflag:$0x4] =	stream.indirect.gather [hbm4b:s4+s21], $0x68, s11, s21, $0xb8;
	[tilespmem:$0x1FC08] =	vst v63  }
0x1d3: {  	_ =	swait.ge [sflag:s29], $0x3400  }
0x1d4: {  	[sflag:s29] =	ssyncset.done $0x0  }
0x1d5: {  	s12 =	simm.s32 $0x10408;
	[sflag:s29] =	ssyncadd.s32 $0xFFFFCC00  }
0x1d6: {  	[spmem:s2] =	stream.indirect.scatter.add.f32 [tilespmem:s22], [sflag:$0x5], $0x68, s12, s21, $0xb8;
	[tilespmem:$0x1FC08] =	vst v63  }
0x1d7: {  	_ =	swait.ge [sflag:s18], $0x3400  }
0x1d8: {  	[sflag:s18] =	ssyncset.done $0x0  }
0x1d9: {  	s13 =	simm.s32 $0x11A08;
	[sflag:s18] =	ssyncadd.s32 $0xFFFFCC00  }
0x1da: {  	[tilespmem:s22], [sflag:$0x1] =	stream.indirect.gather [hbm4b:s4+s21], $0x68, s13, s21, $0xb8;
	[tilespmem:$0x1FC08] =	vst v63  }
0x1db: {  	_ =	swait.ge [sflag:s30], $0x3400  }
0x1dc: {  	[sflag:s30] =	ssyncset.done $0x0  }
0x1dd: {  	s14 =	simm.s32 $0x10488;
	[sflag:s30] =	ssyncadd.s32 $0xFFFFCC00  }
0x1de: {  	[spmem:s2] =	stream.indirect.scatter.add.f32 [tilespmem:s24], [sflag:$0x5], $0x68, s14, s21, $0xb8;
	[tilespmem:$0x1FC08] =	vst v63  }
0x1df: {  	_ =	swait.ge [sflag:s18], $0x3400  }
0x1e0: {  	[sflag:s18] =	ssyncset.done $0x0  }
0x1e1: {  	s11 =	simm.s32 $0x11A88;
	[sflag:s18] =	ssyncadd.s32 $0xFFFFCC00  }
0x1e2: {  	[tilespmem:s24], [sflag:$0x2] =	stream.indirect.gather [hbm4b:s4+s21], $0x68, s11, s21, $0xb8;
	[tilespmem:$0x1FC08] =	vst v63  }
0x1e3: {  	_ =	swait.ge [sflag:s31], $0x3400  }
0x1e4: {  	[sflag:s31] =	ssyncset.done $0x0  }
0x1e5: {  	s12 =	simm.s32 $0x10508;
	[sflag:s31] =	ssyncadd.s32 $0xFFFFCC00  }
0x1e6: {  	[spmem:s2] =	stream.indirect.scatter.add.f32 [tilespmem:s26], [sflag:$0x5], $0x68, s12, s21, $0xb8;
	[tilespmem:$0x1FC08] =	vst v63  }
0x1e7: {  	_ =	swait.ge [sflag:s18], $0x3400  }
0x1e8: {  	[sflag:s18] =	ssyncset.done $0x0  }
0x1e9: {  	s13 =	simm.s32 $0x11B08;
	[sflag:s18] =	ssyncadd.s32 $0xFFFFCC00  }
0x1ea: {  	[tilespmem:s26], [sflag:$0x3] =	stream.indirect.gather [hbm4b:s4+s21], $0x68, s13, s21, $0xb8;
	[tilespmem:$0x1FC08] =	vst v63  }
0x1eb: {  	_ =	swait.ge [sflag:s1], $0x3400  }
0x1ec: {  	[sflag:s1] =	ssyncset.done $0x0  }
0x1ed: {  	s14 =	simm.s32 $0x10588;
	[sflag:s1] =	ssyncadd.s32 $0xFFFFCC00  }
0x1ee: {  	[spmem:s2] =	stream.indirect.scatter.add.f32 [tilespmem:s28], [sflag:$0x5], $0x68, s14, s21, $0xb8;
	[tilespmem:$0x1FC08] =	vst v63  }
0x1ef: {  	_ =	swait.ge [sflag:s18], $0x3400  }
0x1f0: {  	s10 =	simm.s32 $0x200;
	s13 =	simm.s32 $0x1000;
	[sflag:s18] =	ssyncset.done $0x0  }
.LBB2_8:
0x1f1: {  	s14 =	sadd.s32 $0x11988, s10  }
0x1f2: {  	[sflag:s18] =	ssyncadd.s32 $0xFFFFCC00;
	s12 =	smov.u32 s13;
	s11 =	sadd.s32 $0x800, s13  }
0x1f3: {  	[tilespmem:s28], [sflag:$0x4] =	stream.indirect.gather [hbm4b:s4+s21], $0x68, s14, s21, $0xb8;
	[tilespmem:$0x1FC08] =	vst v63  }
0x1f4: {  	p0 =	sne.s32 s13, $0x4000;
	_ =	swait.ge [sflag:s29], $0x3400  }
0x1f5: {  	[sflag:s29] =	ssyncset.done $0x0  }
0x1f6: {  	s13 =	sadd.s32 $0x10408, s10;
	[sflag:s29] =	ssyncadd.s32 $0xFFFFCC00  }
0x1f7: {  	[spmem:s2] =	stream.indirect.scatter.add.f32 [tilespmem:s22], [sflag:$0x5], $0x68, s13, s21, $0xb8;
	[tilespmem:$0x1FC08] =	vst v63  }
0x1f8: {  	_ =	swait.ge [sflag:s18], $0x3400  }
0x1f9: {  	[sflag:s18] =	ssyncset.done $0x0  }
0x1fa: {  	s13 =	sadd.s32 $0x11A08, s10;
	[sflag:s18] =	ssyncadd.s32 $0xFFFFCC00  }
0x1fb: {  	[tilespmem:s22], [sflag:$0x1] =	stream.indirect.gather [hbm4b:s4+s21], $0x68, s13, s21, $0xb8;
	[tilespmem:$0x1FC08] =	vst v63  }
0x1fc: {  	_ =	swait.ge [sflag:s30], $0x3400  }
0x1fd: {  	[sflag:s30] =	ssyncset.done $0x0  }
0x1fe: {  	s13 =	sadd.s32 $0x10488, s10;
	[sflag:s30] =	ssyncadd.s32 $0xFFFFCC00  }
0x1ff: {  	[spmem:s2] =	stream.indirect.scatter.add.f32 [tilespmem:s24], [sflag:$0x5], $0x68, s13, s21, $0xb8;
	[tilespmem:$0x1FC08] =	vst v63  }
0x200: {  	_ =	swait.ge [sflag:s18], $0x3400  }
0x201: {  	[sflag:s18] =	ssyncset.done $0x0  }
0x202: {  	s13 =	sadd.s32 $0x11A88, s10;
	[sflag:s18] =	ssyncadd.s32 $0xFFFFCC00  }
0x203: {  	[tilespmem:s24], [sflag:$0x2] =	stream.indirect.gather [hbm4b:s4+s21], $0x68, s13, s21, $0xb8;
	[tilespmem:$0x1FC08] =	vst v63  }
0x204: {  	_ =	swait.ge [sflag:s31], $0x3400  }
0x205: {  	[sflag:s31] =	ssyncset.done $0x0  }
0x206: {  	s13 =	sadd.s32 $0x10508, s10;
	[sflag:s31] =	ssyncadd.s32 $0xFFFFCC00  }
0x207: {  	[spmem:s2] =	stream.indirect.scatter.add.f32 [tilespmem:s26], [sflag:$0x5], $0x68, s13, s21, $0xb8;
	[tilespmem:$0x1FC08] =	vst v63  }
0x208: {  	_ =	swait.ge [sflag:s18], $0x3400  }
0x209: {  	[sflag:s18] =	ssyncset.done $0x0  }
0x20a: {  	s13 =	sadd.s32 $0x11B08, s10;
	[sflag:s18] =	ssyncadd.s32 $0xFFFFCC00  }
0x20b: {  	[tilespmem:s26], [sflag:$0x3] =	stream.indirect.gather [hbm4b:s4+s21], $0x68, s13, s21, $0xb8;
	[tilespmem:$0x1FC08] =	vst v63  }
0x20c: {  	_ =	swait.ge [sflag:s1], $0x3400  }
.Ltmp3:
0x20d: {  	[sflag:s1] =	ssyncset.done $0x0;
	(pc) =	sbr.rel @p0 .LBB2_8-.Ltmp3, $4  }
0x20e: {  	s10 =	sadd.s32 $0x10588, s10;
	[sflag:s1] =	ssyncadd.s32 $0xFFFFCC00  }
0x20f: {  	[spmem:s2] =	stream.indirect.scatter.add.f32 [tilespmem:s28], [sflag:$0x5], $0x68, s10, s21, $0xb8;
	[tilespmem:$0x1FC08] =	vst v63  }
0x210: {  	_ =	swait.ge [sflag:s18], $0x3400  }
0x211: {  	s13 =	smov.u32 s11;
	s10 =	sshra.s32 s12, $0x2;
	[sflag:s18] =	ssyncset.done $0x0  }
0x212: {  	s11 =	sadd.s32 $0x11988, s10;
	[sflag:s18] =	ssyncadd.s32 $0xFFFFCC00  }
0x213: {  	[tilespmem:s28], [sflag:$0x4] =	stream.indirect.gather [hbm4b:s4+s21], $0x68, s11, s21, $0xb8;
	[tilespmem:$0x1FC08] =	vst v63  }
0x214: {  	_ =	swait.ge [sflag:s29], $0x3400  }
0x215: {  	[sflag:s29] =	ssyncset.done $0x0  }
0x216: {  	s12 =	sadd.s32 $0x10408, s10;
	[sflag:s29] =	ssyncadd.s32 $0xFFFFCC00  }
0x217: {  	[spmem:s2] =	stream.indirect.scatter.add.f32 [tilespmem:s22], [sflag:$0x5], $0x68, s12, s21, $0xb8;
	[tilespmem:$0x1FC08] =	vst v63  }
0x218: {  	_ =	swait.ge [sflag:s18], $0x3400  }
0x219: {  	[sflag:s18] =	ssyncset.done $0x0  }
0x21a: {  	s13 =	sadd.s32 $0x11A08, s10;
	[sflag:s18] =	ssyncadd.s32 $0xFFFFCC00  }
0x21b: {  	[tilespmem:s22], [sflag:$0x1] =	stream.indirect.gather [hbm4b:s4+s21], $0x68, s13, s21, $0xb8;
	[tilespmem:$0x1FC08] =	vst v63  }
0x21c: {  	_ =	swait.ge [sflag:s30], $0x3400  }
0x21d: {  	[sflag:s30] =	ssyncset.done $0x0  }
0x21e: {  	s14 =	sadd.s32 $0x10488, s10;
	[sflag:s30] =	ssyncadd.s32 $0xFFFFCC00  }
0x21f: {  	[spmem:s2] =	stream.indirect.scatter.add.f32 [tilespmem:s24], [sflag:$0x5], $0x68, s14, s21, $0xb8;
	[tilespmem:$0x1FC08] =	vst v63  }
0x220: {  	_ =	swait.ge [sflag:s18], $0x3400  }
0x221: {  	[sflag:s18] =	ssyncset.done $0x0  }
0x222: {  	s12 =	sadd.s32 $0x11A88, s10;
	[sflag:s18] =	ssyncadd.s32 $0xFFFFCC00  }
0x223: {  	[tilespmem:s24], [sflag:$0x2] =	stream.indirect.gather [hbm4b:s4+s21], $0x68, s12, s21, $0xb8;
	[tilespmem:$0x1FC08] =	vst v63  }
0x224: {  	_ =	swait.ge [sflag:s31], $0x3400  }
0x225: {  	[sflag:s31] =	ssyncset.done $0x0  }
0x226: {  	s13 =	sadd.s32 $0x10508, s10;
	[sflag:s31] =	ssyncadd.s32 $0xFFFFCC00  }
0x227: {  	[spmem:s2] =	stream.indirect.scatter.add.f32 [tilespmem:s26], [sflag:$0x5], $0x68, s13, s21, $0xb8;
	[tilespmem:$0x1FC08] =	vst v63  }
0x228: {  	_ =	swait.ge [sflag:s18], $0x3400  }
0x229: {  	[sflag:s18] =	ssyncset.done $0x0  }
0x22a: {  	s14 =	sadd.s32 $0x11B08, s10;
	[sflag:s18] =	ssyncadd.s32 $0xFFFFCC00  }
0x22b: {  	[tilespmem:s26], [sflag:$0x3] =	stream.indirect.gather [hbm4b:s4+s21], $0x68, s14, s21, $0xb8;
	[tilespmem:$0x1FC08] =	vst v63  }
0x22c: {  	_ =	swait.ge [sflag:s1], $0x3400  }
0x22d: {  	[sflag:s1] =	ssyncset.done $0x0  }
0x22e: {  	s12 =	sadd.s32 $0x10588, s10;
	[sflag:s1] =	ssyncadd.s32 $0xFFFFCC00  }
0x22f: {  	[spmem:s2] =	stream.indirect.scatter.add.f32 [tilespmem:s28], [sflag:$0x5], $0x68, s12, s21, $0xb8;
	[tilespmem:$0x1FC08] =	vst v63  }
0x230: {  	_ =	swait.ge [sflag:s18], $0x3400  }
0x231: {  	[sflag:s18] =	ssyncset.done $0x0  }
0x232: {  	[sflag:s18] =	ssyncadd.s32 $0xFFFFCC00  }
0x233: {  	[tilespmem:s28], [sflag:$0x4] =	stream.indirect.gather [hbm4b:s4+s21], $0x68, s0, s21, $0xb8;
	[tilespmem:$0x1FC08] =	vst v63  }
0x234: {  	_ =	swait.ge [sflag:s29], $0x3400  }
0x235: {  	[sflag:s29] =	ssyncset.done $0x0  }
0x236: {  	[sflag:s29] =	ssyncadd.s32 $0xFFFFCC00  }
0x237: {  	[spmem:s2] =	stream.indirect.scatter.add.f32 [tilespmem:s22], [sflag:$0x5], $0x68, s3, s21, $0xb8;
	[tilespmem:$0x1FC08] =	vst v63  }
0x238: {  	_ =	swait.ge [sflag:s18], $0x3400  }
0x239: {  	[sflag:s18] =	ssyncset.done $0x0  }
0x23a: {  	[sflag:s18] =	ssyncadd.s32 $0xFFFFCC00  }
0x23b: {  	_ =	swait.ge [sflag:s30], $0x3400  }
0x23c: {  	[sflag:s30] =	ssyncset.done $0x0  }
0x23d: {  	[sflag:s30] =	ssyncadd.s32 $0xFFFFCC00  }
0x23e: {  	[spmem:s2] =	stream.indirect.scatter.add.f32 [tilespmem:s24], [sflag:$0x5], $0x68, s5, s21, $0xb8;
	[tilespmem:$0x1FC08] =	vst v63  }
0x23f: {  	_ =	swait.ge [sflag:s18], $0x3400  }
0x240: {  	[sflag:s18] =	ssyncset.done $0x0  }
0x241: {  	[sflag:s18] =	ssyncadd.s32 $0xFFFFCC00  }
0x242: {  	_ =	swait.ge [sflag:s31], $0x3400  }
0x243: {  	[sflag:s31] =	ssyncset.done $0x0  }
0x244: {  	[sflag:s31] =	ssyncadd.s32 $0xFFFFCC00  }
0x245: {  	[spmem:s2] =	stream.indirect.scatter.add.f32 [tilespmem:s26], [sflag:$0x5], $0x68, s7, s21, $0xb8;
	[tilespmem:$0x1FC08] =	vst v63  }
0x246: {  	_ =	swait.ge [sflag:s18], $0x3400  }
0x247: {  	[sflag:s18] =	ssyncset.done $0x0  }
0x248: {  	[sflag:s18] =	ssyncadd.s32 $0xFFFFCC00  }
0x249: {  	_ =	swait.ge [sflag:s1], $0x3400  }
0x24a: {  	[sflag:s1] =	ssyncset.done $0x0  }
0x24b: {  	[sflag:s1] =	ssyncadd.s32 $0xFFFFCC00  }
0x24c: {  	[spmem:s2] =	stream.indirect.scatter.add.f32 [tilespmem:s28], [sflag:$0x5], $0x68, s8, s21, $0xb8;
	[tilespmem:$0x1FC08] =	vst v63  }
0x24d: {  	_ =	swait.ge [sflag:s18], $0x3400  }
0x24e: {  	s9 =	sadd.s32 $0x1, s9;
	[sflag:s18] =	ssyncset.done $0x0  }
0x24f: {  	p0 =	sne.s32 s9, s16;
	s13 =	simm.s32 $0x1A;
	[sflag:s18] =	ssyncadd.s32 $0xFFFFCC00  }
.Ltmp4:
0x250: {  	s14 =	simm.s32 $0xD;
	[bflag:$0x0] =	sbarrier.arrive $0xFFFF;
	(pc) =	sbr.rel @p0 .LBB2_1-.Ltmp4, $4  }
0x251: {  	[hbm:s15@s13], [sflag:s6] =	dma.strided [spmem:s17@s14], $0x2080, s29, $0xd   }
0x252: {  	_ =	swait.ge [sflag:s18], $0x2080  }
0x253: {  	[sflag:s18] =	ssyncset.done $0x0  }
0x254: {  	[sflag:s18] =	ssyncadd.s32 $0xFFFFDF80  }
0x255: {  	_ =	sfence.sel $0x180000  }
0x256: {  	[bflag:$0x0] =	sbarrier.arrive $0xFFFF  }
0x257: {  	_ =	strace $0x9000004A  }
0x258: {  	s0 =	stileid.u32;
	[bflag:$0x2] =	sbarrier.arrive $0xFFFF  }
0x259: {  	p0 =	sne.s32 s0, $0x0;
	s0 =	rddreg [dreg:$0x2]  }
0x25a: {  	s0 =	sadd.s32 @!p0 $0x100000, s0  }
0x25b: {  	[sflag:s0] =	ssyncadd.tile.s32 @!p0 $0x1;
	_ =	shalt  }
.Lfunc_end2:
_tile_overlayer_lowered:
.L_overlay_start_2:
0x25c: {  	(tag) =	ssettag $0x2  }
0x25d: {  	s0 =	rddreg [dreg:$0x0];
	s2 =	stileid.u32  }
0x25e: {  	s1 =	rddreg [dreg:$0x1];
	p0 =	sne.s32 s2, $0x0  }
0x25f: {  	s3 =	rddreg [dreg:$0x2];
	[bflag:$0x3] =	sbarrier.arrive $0xFFFF;
	s2 =	simm.s32 @!p0 $0x1C05  }
0x260: {  	[timem:s3], [sflag:s2] =	dma.local @!p0 [hbm:s0], s1  }
0x261: {  	s0 =	simm.s32 @!p0 $0x5  }
0x262: {  	_ =	swait.ge @!p0 [sflag:s0], s1  }
0x263: {  	s1 =	ssub.s32 @!p0 $0x0, s1;
	[sflag:s0] =	ssyncset.done @!p0 $0x0  }
0x264: {  	[sflag:s0] =	ssyncadd.s32 @!p0 s1  }
0x265: {  	[bflag:$0x3] =	sbarrier.arrive $0xFFFF  }
0x266: {  	_ =	shalt  }

</sc_bundles>
